<compile_context>
chip_gen: v7x
topology: tpu7x:2x2x1
jax: 0.10.2.dev20260603
libtpu: 0.0.44.dev20260713+nightly
codegen_flags: <defaults>
</compile_context>

<pallas_src>
import jax
import jax.numpy as jnp
from jax import lax
from jax.experimental import pallas as pl
from jax.experimental.pallas import tpu as pltpu
from jax.experimental.pallas import tpu_sc as plsc

N_NODE = 10000
IN_DIM = 128
HALF = IN_DIM // 2
OUT_DIM = 128
ATTN = 5
PROJ = 16
N_EDGE = 320000
NSUB = 16
PER_W = N_EDGE // NSUB
C = 80
NCHUNK = PER_W // C
GROUPS = C // 16
NBUF = 2
REL_ROWS = 10008
ZROWS = 208


def _prologue_body(hid_ref, rela_ref, ws_ref, wr_ref, wqr_ref, bq_ref,
                   ns_ref, rs_ref, rq_ref):
  ns_ref[...] = jnp.dot(hid_ref[...], ws_ref[...],
                        preferred_element_type=jnp.float32)
  rs_ref[...] = jnp.dot(rela_ref[...], wr_ref[...],
                        preferred_element_type=jnp.float32)
  rq_ref[...] = jnp.dot(rela_ref[...], wqr_ref[...],
                        preferred_element_type=jnp.float32) + bq_ref[...]


def _epilogue_body(acc_ref, wh_ref, out_ref):
  w = wh_ref[...]
  out_ref[...] = (
      jnp.dot(acc_ref[0], w[:HALF], preferred_element_type=jnp.float32) +
      jnp.dot(acc_ref[1], w[HALF:], preferred_element_type=jnp.float32))


def _sc_body(idx4_hbm, qrel_hbm, hid_hbm,
             rela_hbm, ns_hbm, rs_hbm, rq_hbm, wb_hbm, z_hbm,
             acc_out,
             qrel_v, idx4_c, qidx_c, obj_s, ns_v, rs_v, qs_v, hs_v, hr_v,
             msg_v, alpha_v, wb_v, zbuf, acc_sh, semI, semG, semS):
  core = lax.axis_index("core")
  sid = lax.axis_index("subcore")

  pltpu.sync_copy(z_hbm, zbuf)
  pltpu.sync_copy(wb_hbm, wb_v)
  pltpu.sync_copy(qrel_hbm, qrel_v)

  for j in range(3):
    pltpu.sync_copy(zbuf, acc_sh.at[pl.ds(sid * (3 * ZROWS) + j * ZROWS,
                                          ZROWS)])
  @pl.when(sid == 0)
  def _zero_tail():
    pltpu.sync_copy(zbuf.at[pl.ds(0, 16)], acc_sh.at[pl.ds(N_NODE - 16, 16)])
  plsc.subcore_barrier()

  iota16 = lax.iota(jnp.int32, 16)
  hoff = jnp.full((16,), core * N_NODE, jnp.int32)
  roff = jnp.full((16,), core * REL_ROWS, jnp.int32)

  def idx_cp(cc, b):
    return pltpu.make_async_copy(idx4_hbm.at[sid * NCHUNK + cc], idx4_c[b],
                                 semI[b])

  def gather_cps(b):
    return [
        pltpu.make_async_copy(hid_hbm.at[idx4_c[b].at[0]], hs_v[b], semG[b]),
        pltpu.make_async_copy(rela_hbm.at[idx4_c[b].at[1]], hr_v[b], semG[b]),
        pltpu.make_async_copy(ns_hbm.at[idx4_c[b].at[0]], ns_v[b], semG[b]),
        pltpu.make_async_copy(rs_hbm.at[idx4_c[b].at[1]], rs_v[b], semG[b]),
        pltpu.make_async_copy(rq_hbm.at[qidx_c[b]], qs_v[b], semG[b]),
    ]

  def scatter_cp(b):
    return pltpu.make_async_copy(msg_v[b], acc_sh.at[obj_s[b].at[0]], semS[b])

  def prefetch(cc, b, prologue=False):
    idx_cp(cc, b).wait()
    for g in range(GROUPS):
      s = pl.ds(g * 16, 16)
      qidx_c[b][s] = plsc.load_gather(qrel_v, [idx4_c[b][3, s]])
      idx4_c[b][0, s] = idx4_c[b][0, s] + hoff
      idx4_c[b][1, s] = idx4_c[b][1, s] + roff
    if not prologue:
      @pl.when(cc >= NBUF)
      def _():
        scatter_cp(b).wait()
    for cp in gather_cps(b):
      cp.start()

  def back(cc, b):
    for cp in gather_cps(b):
      cp.wait()
    for g in range(GROUPS):
      s = pl.ds(g * 16, 16)
      obj_s[b][0, s] = idx4_c[b][2, s]
    @pl.when(cc + NBUF < NCHUNK)
    def _():
      idx_cp(cc + NBUF, b).start()
    for g in range(GROUPS):
      rows = iota16 + (g * 16)
      acc = None
      for d in range(ATTN):
        cold = jnp.full((16,), d, jnp.int32)
        u = (plsc.load_gather(ns_v[b], [rows, cold]) +
             plsc.load_gather(rs_v[b], [rows, cold]) +
             plsc.load_gather(qs_v[b], [rows, cold]))
        u = jnp.maximum(u, 0.0) * wb_v[d]
        acc = u if acc is None else acc + u
      z = acc + wb_v[ATTN]
      alpha_v[b][pl.ds(g * 16, 16)] = 1.0 / (1.0 + jnp.exp(-z))
    @pl.loop(0, C, step=16)
    def _edge(e0):
      for j in range(16):
        e = e0 + j
        av = plsc.load_gather(alpha_v[b], [jnp.full((16,), e, jnp.int32)])
        for k in range(HALF // 16):
          s = pl.ds(k * 16, 16)
          msg_v[b][e, s] = (hs_v[b][e, s] + hr_v[b][e, s]) * av
    scatter_cp(b).start(add=True)

  for b in range(NBUF):
    idx_cp(b, b).start()
  for b in range(NBUF - 1):
    prefetch(b, b, prologue=True)

  @pl.loop(0, NCHUNK, step=NBUF)
  def _step(c0):
    for b in range(NBUF):
      cc = c0 + b
      pf = cc + NBUF - 1
      @pl.when(pf < NCHUNK)
      def _():
        prefetch(pf, (b + NBUF - 1) % NBUF)
      @pl.when(cc < NCHUNK)
      def _():
        back(cc, b)

  for b in range(NBUF):
    scatter_cp(b).wait()

  plsc.subcore_barrier()
  for j in range(3):
    rows = pl.ds(sid * (3 * ZROWS) + j * ZROWS, ZROWS)
    pltpu.sync_copy(acc_sh.at[rows], acc_out.at[core, rows])
  @pl.when(sid == 0)
  def _copy_tail():
    rows = pl.ds(N_NODE - 16, 16)
    pltpu.sync_copy(acc_sh.at[rows], acc_out.at[core, rows])


def _make_sc_kernel():
  mesh = plsc.VectorSubcoreMesh(core_axis_name="core",
                                subcore_axis_name="subcore")
  cp = pltpu.CompilerParams(needs_layout_passes=False,
                            use_tc_tiling_on_sc=False)
  return pl.kernel(
      _sc_body,
      out_type=jax.ShapeDtypeStruct((2, N_NODE, HALF), jnp.float32),
      mesh=mesh,
      compiler_params=cp,
      scratch_types=[
          pltpu.VMEM((N_NODE,), jnp.int32),
          tuple(pltpu.VMEM((4, C), jnp.int32) for _ in range(NBUF)),
          tuple(pltpu.VMEM((C,), jnp.int32) for _ in range(NBUF)),
          tuple(pltpu.VMEM((1, C), jnp.int32) for _ in range(NBUF)),
          tuple(pltpu.VMEM((C, PROJ), jnp.float32) for _ in range(NBUF)),
          tuple(pltpu.VMEM((C, PROJ), jnp.float32) for _ in range(NBUF)),
          tuple(pltpu.VMEM((C, PROJ), jnp.float32) for _ in range(NBUF)),
          tuple(pltpu.VMEM((C, HALF), jnp.float32) for _ in range(NBUF)),
          tuple(pltpu.VMEM((C, HALF), jnp.float32) for _ in range(NBUF)),
          tuple(pltpu.VMEM((C, HALF), jnp.float32) for _ in range(NBUF)),
          tuple(pltpu.VMEM((C,), jnp.float32) for _ in range(NBUF)),
          pltpu.VMEM((ATTN + 1, PROJ), jnp.float32),
          pltpu.VMEM((ZROWS, HALF), jnp.float32),
          pltpu.VMEM_SHARED((N_NODE, HALF), jnp.float32),
          tuple(pltpu.SemaphoreType.DMA for _ in range(NBUF)),
          tuple(pltpu.SemaphoreType.DMA for _ in range(NBUF)),
          tuple(pltpu.SemaphoreType.DMA for _ in range(NBUF)),
      ],
  )


@jax.jit
def _run(q_rel, hidden, edges, rela_embed, Ws_attn, Wr_attn, Wqr_attn_W,
         Wqr_attn_b, w_alpha_W, w_alpha_b, W_h):
  f32 = jnp.float32
  sub = edges[:, 4].astype(jnp.int32)
  rel = edges[:, 2].astype(jnp.int32)
  obj = edges[:, 5].astype(jnp.int32)
  ridx = edges[:, 0].astype(jnp.int32)
  idx4 = jnp.stack([x.reshape(N_EDGE // C, C) for x in (sub, rel, obj, ridx)],
                   axis=1)
  qrel = q_rel.astype(jnp.int32)

  hidden = hidden.astype(f32)
  rela_p = jnp.zeros((REL_ROWS, IN_DIM), f32).at[:rela_embed.shape[0]].set(
      rela_embed.astype(f32))
  hid_cat = jnp.concatenate([hidden[:, :HALF], hidden[:, HALF:]], axis=0)
  rela_cat = jnp.concatenate([rela_p[:, :HALF], rela_p[:, HALF:]], axis=0)
  ws_p = jnp.zeros((IN_DIM, PROJ), f32).at[:, :ATTN].set(Ws_attn)
  wr_p = jnp.zeros((IN_DIM, PROJ), f32).at[:, :ATTN].set(Wr_attn)
  wqr_p = jnp.zeros((IN_DIM, PROJ), f32).at[:, :ATTN].set(Wqr_attn_W)
  bq_p = jnp.zeros((1, PROJ), f32).at[0, :ATTN].set(Wqr_attn_b)
  wb = jnp.concatenate([
      jnp.broadcast_to(w_alpha_W[:, 0:1].astype(f32), (ATTN, PROJ)),
      jnp.full((1, PROJ), w_alpha_b[0], f32),
  ])
  zrows = jnp.zeros((ZROWS, HALF), f32)

  ns16, rs16, rq16 = pl.pallas_call(
      _prologue_body,
      out_shape=[
          jax.ShapeDtypeStruct((N_NODE, PROJ), f32),
          jax.ShapeDtypeStruct((REL_ROWS, PROJ), f32),
          jax.ShapeDtypeStruct((REL_ROWS, PROJ), f32),
      ],
  )(hidden, rela_p, ws_p, wr_p, wqr_p, bq_p)
  ns16_2 = jnp.concatenate([ns16, ns16], axis=0)
  rs16_2 = jnp.concatenate([rs16, rs16], axis=0)

  acc = _make_sc_kernel()(idx4, qrel, hid_cat, rela_cat,
                          ns16_2, rs16_2, rq16, wb, zrows)

  return pl.pallas_call(
      _epilogue_body,
      out_shape=jax.ShapeDtypeStruct((N_NODE, OUT_DIM), f32),
  )(acc, W_h.astype(f32))


def kernel(q_sub, q_rel, hidden, edges, nodes, old_nodes_new_idx, batchsize,
           rela_embed, Ws_attn, Wr_attn, Wqr_attn_W, Wqr_attn_b,
           w_alpha_W, w_alpha_b, W_h):
  del q_sub, nodes, old_nodes_new_idx, batchsize
  return _run(q_rel, hidden, edges, rela_embed, Ws_attn, Wr_attn,
              Wqr_attn_W, Wqr_attn_b, w_alpha_W, w_alpha_b, W_h)

# --- scband reference (transcript-rebuilt; emitter-appended) ---
"""Pipeline reference for scband-gnnlayer-53541062312420 (READ-ONLY COPY).

The authoritative reference and input builder live on the scoring server;
editing this copy changes nothing except your own understanding.
"""

import jax, jax.numpy as jnp
import numpy as np

IN_DIM = 128
OUT_DIM = 128
ATTN_DIM = 5
N_REL = 5000
N_NODE = 10000
N_EDGE = 320000
BATCH = 10000


def setup_inputs(seed: int = 0) -> dict:
    key = jax.random.key(seed)
    ks = jax.random.split(key, 16)
    q_sub = jax.random.randint(ks[0], (BATCH,), 0, N_NODE, dtype=jnp.int64) if jax.config.jax_enable_x64 else jax.random.randint(ks[0], (BATCH,), 0, N_NODE)
    q_rel = jax.random.randint(ks[1], (BATCH,), 0, N_NODE)
    hidden = jax.random.normal(ks[2], (N_NODE, IN_DIM), dtype=jnp.float32)
    edges = jax.random.randint(ks[3], (N_EDGE, 6), 0, N_NODE)
    nodes = jax.random.randint(ks[4], (N_NODE, 2), 0, N_NODE)
    old_nodes_new_idx = jax.random.randint(ks[5], (N_NODE // 2,), 0, N_NODE)
    # learned parameters
    rela_embed = jax.random.normal(ks[6], (2 * N_REL + 1, IN_DIM), dtype=jnp.float32) * 0.02
    Ws_attn = jax.random.normal(ks[7], (IN_DIM, ATTN_DIM), dtype=jnp.float32) * 0.05
    Wr_attn = jax.random.normal(ks[8], (IN_DIM, ATTN_DIM), dtype=jnp.float32) * 0.05
    Wqr_attn_W = jax.random.normal(ks[9], (IN_DIM, ATTN_DIM), dtype=jnp.float32) * 0.05
    Wqr_attn_b = jax.random.normal(ks[10], (ATTN_DIM,), dtype=jnp.float32) * 0.05
    w_alpha_W = jax.random.normal(ks[11], (ATTN_DIM, 1), dtype=jnp.float32) * 0.05
    w_alpha_b = jax.random.normal(ks[12], (1,), dtype=jnp.float32) * 0.05
    W_h = jax.random.normal(ks[13], (IN_DIM, OUT_DIM), dtype=jnp.float32) * 0.05
    return {
        'q_sub': q_sub,
        'q_rel': q_rel,
        'hidden': hidden,
        'edges': edges,
        'nodes': nodes,
        'old_nodes_new_idx': old_nodes_new_idx,
        'batchsize': BATCH,
        'rela_embed': rela_embed,
        'Ws_attn': Ws_attn,
        'Wr_attn': Wr_attn,
        'Wqr_attn_W': Wqr_attn_W,
        'Wqr_attn_b': Wqr_attn_b,
        'w_alpha_W': w_alpha_W,
        'w_alpha_b': w_alpha_b,
        'W_h': W_h,
    }


def reference(q_sub, q_rel, hidden, edges, nodes, old_nodes_new_idx, batchsize,
              rela_embed, Ws_attn, Wr_attn, Wqr_attn_W, Wqr_attn_b,
              w_alpha_W, w_alpha_b, W_h):
    # n_node_topk <= 0 and n_edge_topk <= 0 path; act = identity
    sub = edges[:, 4]
    rel = edges[:, 2]
    obj = edges[:, 5]
    r_idx = edges[:, 0]

    hs = jnp.take(hidden, sub, axis=0)                 # [E, in_dim] gather
    hr = jnp.take(rela_embed, rel, axis=0)             # [E, in_dim] embedding gather
    h_qr = jnp.take(jnp.take(rela_embed, q_rel, axis=0), r_idx, axis=0)  # [E, in_dim]

    n_node = nodes.shape[0]
    message = hs + hr                                   # [E, in_dim]

    hs_proj = hs @ Ws_attn                              # [E, attn_dim]
    hr_proj = hr @ Wr_attn
    hqr_proj = h_qr @ Wqr_attn_W + Wqr_attn_b
    attn_input = hs_proj + hr_proj + hqr_proj

    alpha = jax.nn.sigmoid(jax.nn.relu(attn_input) @ w_alpha_W + w_alpha_b)  # [E, 1]
    message = alpha * message

    message_agg = jax.ops.segment_sum(message, obj, num_segments=n_node)    # scatter-add
    hidden_new = message_agg @ W_h                      # [n_node, out_dim]
    return hidden_new

if __name__ == "__main__":
    import jax
    _d = setup_inputs()
    print(jax.jit(kernel)(*tuple(_d.values())))

</pallas_src>

<mosaic_0001>
#map = affine_map<(d0, d1) -> (0, 0, 0)>
#map1 = affine_map<(d0, d1) -> (0)>
#map2 = affine_map<(d0, d1) -> (0, 0)>
module attributes {stable_mosaic.version = 14 : i64} {
  func.func @_sc_body(%arg0: i32, %arg1: i32, %arg2: memref<4000x4x80xi32, #tpu.memory_space<hbm>>, %arg3: memref<10000xi32, #tpu.memory_space<hbm>>, %arg4: memref<20000x64xf32, #tpu.memory_space<hbm>>, %arg5: memref<20016x64xf32, #tpu.memory_space<hbm>>, %arg6: memref<20000x16xf32, #tpu.memory_space<hbm>>, %arg7: memref<20016x16xf32, #tpu.memory_space<hbm>>, %arg8: memref<10008x16xf32, #tpu.memory_space<hbm>>, %arg9: memref<6x16xf32, #tpu.memory_space<hbm>>, %arg10: memref<208x64xf32, #tpu.memory_space<hbm>>, %arg11: memref<2x10000x64xf32, #tpu.memory_space<hbm>>, %arg12: memref<10000xi32, #tpu.memory_space<vmem>>, %arg13: memref<4x80xi32, #tpu.memory_space<vmem>>, %arg14: memref<4x80xi32, #tpu.memory_space<vmem>>, %arg15: memref<80xi32, #tpu.memory_space<vmem>>, %arg16: memref<80xi32, #tpu.memory_space<vmem>>, %arg17: memref<1x80xi32, #tpu.memory_space<vmem>>, %arg18: memref<1x80xi32, #tpu.memory_space<vmem>>, %arg19: memref<80x16xf32, #tpu.memory_space<vmem>>, %arg20: memref<80x16xf32, #tpu.memory_space<vmem>>, %arg21: memref<80x16xf32, #tpu.memory_space<vmem>>, %arg22: memref<80x16xf32, #tpu.memory_space<vmem>>, %arg23: memref<80x16xf32, #tpu.memory_space<vmem>>, %arg24: memref<80x16xf32, #tpu.memory_space<vmem>>, %arg25: memref<80x64xf32, #tpu.memory_space<vmem>>, %arg26: memref<80x64xf32, #tpu.memory_space<vmem>>, %arg27: memref<80x64xf32, #tpu.memory_space<vmem>>, %arg28: memref<80x64xf32, #tpu.memory_space<vmem>>, %arg29: memref<80x64xf32, #tpu.memory_space<vmem>>, %arg30: memref<80x64xf32, #tpu.memory_space<vmem>>, %arg31: memref<80xf32, #tpu.memory_space<vmem>>, %arg32: memref<80xf32, #tpu.memory_space<vmem>>, %arg33: memref<6x16xf32, #tpu.memory_space<vmem>>, %arg34: memref<208x64xf32, #tpu.memory_space<vmem>>, %arg35: memref<10000x64xf32, #tpu.memory_space<vmem_shared>>, %arg36: memref<!tpu.dma_semaphore, #tpu.memory_space<semaphore_mem>>, %arg37: memref<!tpu.dma_semaphore, #tpu.memory_space<semaphore_mem>>, %arg38: memref<!tpu.dma_semaphore, #tpu.memory_space<semaphore_mem>>, %arg39: memref<!tpu.dma_semaphore, #tpu.memory_space<semaphore_mem>>, %arg40: memref<!tpu.dma_semaphore, #tpu.memory_space<semaphore_mem>>, %arg41: memref<!tpu.dma_semaphore, #tpu.memory_space<semaphore_mem>>) attributes {dimension_semantics = [#tpu.dimension_semantics<core_parallel>, #tpu.dimension_semantics<subcore_parallel>], iteration_bounds = array<i64: 2, 16>, scalar_prefetch = 0 : i64, scratch_operands = 30 : i64, tpu.core_type = #tpu.core_type<sc_vector_subcore>, window_params = [{transform_indices = #map}, {transform_indices = #map1}, {transform_indices = #map2}, {transform_indices = #map2}, {transform_indices = #map2}, {transform_indices = #map2}, {transform_indices = #map2}, {transform_indices = #map2}, {transform_indices = #map2}, {transform_indices = #map}]} {
    "tpu.region"() ({
      %run_scoped3A = tpu.sem_alloc : memref<!tpu.dma_semaphore, #tpu.memory_space<semaphore_mem>>
      tpu.enqueue_dma source(%arg10 : memref<208x64xf32, #tpu.memory_space<hbm>>) target(%arg34 : memref<208x64xf32, #tpu.memory_space<vmem>>) target_semaphore(%run_scoped3A : memref<!tpu.dma_semaphore, #tpu.memory_space<semaphore_mem>>)
      tpu.wait_dma2 semaphore(%run_scoped3A : memref<!tpu.dma_semaphore, #tpu.memory_space<semaphore_mem>>) src(%arg10 : memref<208x64xf32, #tpu.memory_space<hbm>>) dst(%arg34 : memref<208x64xf32, #tpu.memory_space<vmem>>)
      tpu.yield
    }) : () -> ()
    "tpu.region"() ({
      %run_scoped3A = tpu.sem_alloc : memref<!tpu.dma_semaphore, #tpu.memory_space<semaphore_mem>>
      tpu.enqueue_dma source(%arg9 : memref<6x16xf32, #tpu.memory_space<hbm>>) target(%arg33 : memref<6x16xf32, #tpu.memory_space<vmem>>) target_semaphore(%run_scoped3A : memref<!tpu.dma_semaphore, #tpu.memory_space<semaphore_mem>>)
      tpu.wait_dma2 semaphore(%run_scoped3A : memref<!tpu.dma_semaphore, #tpu.memory_space<semaphore_mem>>) src(%arg9 : memref<6x16xf32, #tpu.memory_space<hbm>>) dst(%arg33 : memref<6x16xf32, #tpu.memory_space<vmem>>)
      tpu.yield
    }) : () -> ()
    "tpu.region"() ({
      %run_scoped3A = tpu.sem_alloc : memref<!tpu.dma_semaphore, #tpu.memory_space<semaphore_mem>>
      tpu.enqueue_dma source(%arg3 : memref<10000xi32, #tpu.memory_space<hbm>>) target(%arg12 : memref<10000xi32, #tpu.memory_space<vmem>>) target_semaphore(%run_scoped3A : memref<!tpu.dma_semaphore, #tpu.memory_space<semaphore_mem>>)
      tpu.wait_dma2 semaphore(%run_scoped3A : memref<!tpu.dma_semaphore, #tpu.memory_space<semaphore_mem>>) src(%arg3 : memref<10000xi32, #tpu.memory_space<hbm>>) dst(%arg12 : memref<10000xi32, #tpu.memory_space<vmem>>)
      tpu.yield
    }) : () -> ()
    %mul3A = arith.constant 624 : i32
    %mul3A_0 = arith.muli %arg1, %mul3A : i32
    %add3A = arith.constant 0 : i32
    %add3A_1 = arith.addi %mul3A_0, %add3A : i32
    "tpu.region"() ({
      %run_scoped3A = tpu.sem_alloc : memref<!tpu.dma_semaphore, #tpu.memory_space<semaphore_mem>>
      %dma_start3A_240 = arith.constant 0 : i32
      %dma_start3A_241 = tpu.memref_slice %arg35[%add3A_1, %dma_start3A_240] : memref<10000x64xf32, #tpu.memory_space<vmem_shared>> -> memref<208x64xf32, #tpu.memory_space<vmem_shared>>
      %dma_start3A_242 = arith.constant 0 : i32
      %dma_start3A_243 = tpu.memref_slice %arg35[%add3A_1, %dma_start3A_242] : memref<10000x64xf32, #tpu.memory_space<vmem_shared>> -> memref<208x64xf32, #tpu.memory_space<vmem_shared>>
      tpu.enqueue_dma source(%arg34 : memref<208x64xf32, #tpu.memory_space<vmem>>) target(%dma_start3A_243 : memref<208x64xf32, #tpu.memory_space<vmem_shared>>) target_semaphore(%run_scoped3A : memref<!tpu.dma_semaphore, #tpu.memory_space<semaphore_mem>>)
      %dma_wait3A_244 = arith.constant 0 : i32
      %dma_wait3A_245 = tpu.memref_slice %arg35[%add3A_1, %dma_wait3A_244] : memref<10000x64xf32, #tpu.memory_space<vmem_shared>> -> memref<208x64xf32, #tpu.memory_space<vmem_shared>>
      %dma_wait3A_246 = arith.constant 0 : i32
      %dma_wait3A_247 = tpu.memref_slice %arg35[%add3A_1, %dma_wait3A_246] : memref<10000x64xf32, #tpu.memory_space<vmem_shared>> -> memref<208x64xf32, #tpu.memory_space<vmem_shared>>
      tpu.wait_dma2 semaphore(%run_scoped3A : memref<!tpu.dma_semaphore, #tpu.memory_space<semaphore_mem>>) src(%arg34 : memref<208x64xf32, #tpu.memory_space<vmem>>) dst(%dma_wait3A_247 : memref<208x64xf32, #tpu.memory_space<vmem_shared>>)
      tpu.yield
    }) : () -> ()
    %mul3A_2 = arith.constant 624 : i32
    %mul3A_3 = arith.muli %arg1, %mul3A_2 : i32
    %add3A_4 = arith.constant 208 : i32
    %add3A_5 = arith.addi %mul3A_3, %add3A_4 : i32
    "tpu.region"() ({
      %run_scoped3A = tpu.sem_alloc : memref<!tpu.dma_semaphore, #tpu.memory_space<semaphore_mem>>
      %dma_start3A_240 = arith.constant 0 : i32
      %dma_start3A_241 = tpu.memref_slice %arg35[%add3A_5, %dma_start3A_240] : memref<10000x64xf32, #tpu.memory_space<vmem_shared>> -> memref<208x64xf32, #tpu.memory_space<vmem_shared>>
      %dma_start3A_242 = arith.constant 0 : i32
      %dma_start3A_243 = tpu.memref_slice %arg35[%add3A_5, %dma_start3A_242] : memref<10000x64xf32, #tpu.memory_space<vmem_shared>> -> memref<208x64xf32, #tpu.memory_space<vmem_shared>>
      tpu.enqueue_dma source(%arg34 : memref<208x64xf32, #tpu.memory_space<vmem>>) target(%dma_start3A_243 : memref<208x64xf32, #tpu.memory_space<vmem_shared>>) target_semaphore(%run_scoped3A : memref<!tpu.dma_semaphore, #tpu.memory_space<semaphore_mem>>)
      %dma_wait3A_244 = arith.constant 0 : i32
      %dma_wait3A_245 = tpu.memref_slice %arg35[%add3A_5, %dma_wait3A_244] : memref<10000x64xf32, #tpu.memory_space<vmem_shared>> -> memref<208x64xf32, #tpu.memory_space<vmem_shared>>
      %dma_wait3A_246 = arith.constant 0 : i32
      %dma_wait3A_247 = tpu.memref_slice %arg35[%add3A_5, %dma_wait3A_246] : memref<10000x64xf32, #tpu.memory_space<vmem_shared>> -> memref<208x64xf32, #tpu.memory_space<vmem_shared>>
      tpu.wait_dma2 semaphore(%run_scoped3A : memref<!tpu.dma_semaphore, #tpu.memory_space<semaphore_mem>>) src(%arg34 : memref<208x64xf32, #tpu.memory_space<vmem>>) dst(%dma_wait3A_247 : memref<208x64xf32, #tpu.memory_space<vmem_shared>>)
      tpu.yield
    }) : () -> ()
    %mul3A_6 = arith.constant 624 : i32
    %mul3A_7 = arith.muli %arg1, %mul3A_6 : i32
    %add3A_8 = arith.constant 416 : i32
    %add3A_9 = arith.addi %mul3A_7, %add3A_8 : i32
    "tpu.region"() ({
      %run_scoped3A = tpu.sem_alloc : memref<!tpu.dma_semaphore, #tpu.memory_space<semaphore_mem>>
      %dma_start3A_240 = arith.constant 0 : i32
      %dma_start3A_241 = tpu.memref_slice %arg35[%add3A_9, %dma_start3A_240] : memref<10000x64xf32, #tpu.memory_space<vmem_shared>> -> memref<208x64xf32, #tpu.memory_space<vmem_shared>>
      %dma_start3A_242 = arith.constant 0 : i32
      %dma_start3A_243 = tpu.memref_slice %arg35[%add3A_9, %dma_start3A_242] : memref<10000x64xf32, #tpu.memory_space<vmem_shared>> -> memref<208x64xf32, #tpu.memory_space<vmem_shared>>
      tpu.enqueue_dma source(%arg34 : memref<208x64xf32, #tpu.memory_space<vmem>>) target(%dma_start3A_243 : memref<208x64xf32, #tpu.memory_space<vmem_shared>>) target_semaphore(%run_scoped3A : memref<!tpu.dma_semaphore, #tpu.memory_space<semaphore_mem>>)
      %dma_wait3A_244 = arith.constant 0 : i32
      %dma_wait3A_245 = tpu.memref_slice %arg35[%add3A_9, %dma_wait3A_244] : memref<10000x64xf32, #tpu.memory_space<vmem_shared>> -> memref<208x64xf32, #tpu.memory_space<vmem_shared>>
      %dma_wait3A_246 = arith.constant 0 : i32
      %dma_wait3A_247 = tpu.memref_slice %arg35[%add3A_9, %dma_wait3A_246] : memref<10000x64xf32, #tpu.memory_space<vmem_shared>> -> memref<208x64xf32, #tpu.memory_space<vmem_shared>>
      tpu.wait_dma2 semaphore(%run_scoped3A : memref<!tpu.dma_semaphore, #tpu.memory_space<semaphore_mem>>) src(%arg34 : memref<208x64xf32, #tpu.memory_space<vmem>>) dst(%dma_wait3A_247 : memref<208x64xf32, #tpu.memory_space<vmem_shared>>)
      tpu.yield
    }) : () -> ()
    %eq3A = arith.constant 0 : i32
    %eq3A_10 = arith.cmpi eq, %arg1, %eq3A : i32
    %convert_element_type3A = arith.extui %eq3A_10 : i1 to i32
    %cond3A = arith.constant 0 : i32
    %cond3A_11 = arith.cmpi ne, %convert_element_type3A, %cond3A : i32
    scf.if %cond3A_11 {
      "tpu.region"() ({
        %run_scoped3A = tpu.sem_alloc : memref<!tpu.dma_semaphore, #tpu.memory_space<semaphore_mem>>
        %dma_start3A_240 = arith.constant 0 : i32
        %dma_start3A_241 = arith.constant 0 : i32
        %dma_start3A_242 = tpu.memref_slice %arg34[%dma_start3A_240, %dma_start3A_241] : memref<208x64xf32, #tpu.memory_space<vmem>> -> memref<16x64xf32, #tpu.memory_space<vmem>>
        %dma_start3A_243 = arith.constant 9984 : i32
        %dma_start3A_244 = arith.constant 0 : i32
        %dma_start3A_245 = tpu.memref_slice %arg35[%dma_start3A_243, %dma_start3A_244] : memref<10000x64xf32, #tpu.memory_space<vmem_shared>> -> memref<16x64xf32, #tpu.memory_space<vmem_shared>>
        %dma_start3A_246 = arith.constant 9984 : i32
        %dma_start3A_247 = arith.constant 0 : i32
        %dma_start3A_248 = tpu.memref_slice %arg35[%dma_start3A_246, %dma_start3A_247] : memref<10000x64xf32, #tpu.memory_space<vmem_shared>> -> memref<16x64xf32, #tpu.memory_space<vmem_shared>>
        %dma_start3A_249 = arith.constant 0 : i32
        %dma_start3A_250 = arith.constant 0 : i32
        %dma_start3A_251 = tpu.memref_slice %arg34[%dma_start3A_249, %dma_start3A_250] : memref<208x64xf32, #tpu.memory_space<vmem>> -> memref<16x64xf32, #tpu.memory_space<vmem>>
        tpu.enqueue_dma source(%dma_start3A_251 : memref<16x64xf32, #tpu.memory_space<vmem>>) target(%dma_start3A_248 : memref<16x64xf32, #tpu.memory_space<vmem_shared>>) target_semaphore(%run_scoped3A : memref<!tpu.dma_semaphore, #tpu.memory_space<semaphore_mem>>)
        %dma_wait3A_252 = arith.constant 0 : i32
        %dma_wait3A_253 = arith.constant 0 : i32
        %dma_wait3A_254 = tpu.memref_slice %arg34[%dma_wait3A_252, %dma_wait3A_253] : memref<208x64xf32, #tpu.memory_space<vmem>> -> memref<16x64xf32, #tpu.memory_space<vmem>>
        %dma_wait3A_255 = arith.constant 9984 : i32
        %dma_wait3A_256 = arith.constant 0 : i32
        %dma_wait3A_257 = tpu.memref_slice %arg35[%dma_wait3A_255, %dma_wait3A_256] : memref<10000x64xf32, #tpu.memory_space<vmem_shared>> -> memref<16x64xf32, #tpu.memory_space<vmem_shared>>
        %dma_wait3A_258 = arith.constant 9984 : i32
        %dma_wait3A_259 = arith.constant 0 : i32
        %dma_wait3A_260 = tpu.memref_slice %arg35[%dma_wait3A_258, %dma_wait3A_259] : memref<10000x64xf32, #tpu.memory_space<vmem_shared>> -> memref<16x64xf32, #tpu.memory_space<vmem_shared>>
        %dma_wait3A_261 = arith.constant 0 : i32
        %dma_wait3A_262 = arith.constant 0 : i32
        %dma_wait3A_263 = tpu.memref_slice %arg34[%dma_wait3A_261, %dma_wait3A_262] : memref<208x64xf32, #tpu.memory_space<vmem>> -> memref<16x64xf32, #tpu.memory_space<vmem>>
        tpu.wait_dma2 semaphore(%run_scoped3A : memref<!tpu.dma_semaphore, #tpu.memory_space<semaphore_mem>>) src(%dma_wait3A_263 : memref<16x64xf32, #tpu.memory_space<vmem>>) dst(%dma_wait3A_260 : memref<16x64xf32, #tpu.memory_space<vmem_shared>>)
        tpu.yield
      }) : () -> ()
    } else {
    }
    %barrier3A = arith.constant 0 : index
    tpu.barrier barrier_id(%barrier3A)
    %iota3A = tpu.iota {dimensions = array<i32: 0>} : vector<16xi32>
    %mul3A_12 = arith.constant 10000 : i32
    %mul3A_13 = arith.muli %arg0, %mul3A_12 : i32
    %broadcast_in_dim3A = vector.broadcast %mul3A_13 : i32 to vector<16xi32>
    %mul3A_14 = arith.constant 10008 : i32
    %mul3A_15 = arith.muli %arg0, %mul3A_14 : i32
    %broadcast_in_dim3A_16 = vector.broadcast %mul3A_15 : i32 to vector<16xi32>
    %mul3A_17 = arith.constant 250 : i32
    %mul3A_18 = arith.muli %arg1, %mul3A_17 : i32
    %add3A_19 = arith.constant 0 : i32
    %add3A_20 = arith.addi %mul3A_18, %add3A_19 : i32
    %dma_start3A = arith.constant 0 : i32
    %dma_start3A_21 = arith.constant 0 : i32
    %dma_start3A_22 = tpu.memref_slice %arg2[%add3A_20, %dma_start3A, %dma_start3A_21] : memref<4000x4x80xi32, #tpu.memory_space<hbm>> -> memref<1x4x80xi32, #tpu.memory_space<hbm>>
    %dma_start3A_23 = tpu.memref_squeeze %dma_start3A_22 : memref<1x4x80xi32, #tpu.memory_space<hbm>> -> memref<4x80xi32, #tpu.memory_space<hbm>>
    %dma_start3A_24 = arith.constant 0 : i32
    %dma_start3A_25 = arith.constant 0 : i32
    %dma_start3A_26 = tpu.memref_slice %arg2[%add3A_20, %dma_start3A_24, %dma_start3A_25] : memref<4000x4x80xi32, #tpu.memory_space<hbm>> -> memref<1x4x80xi32, #tpu.memory_space<hbm>>
    %dma_start3A_27 = tpu.memref_squeeze %dma_start3A_26 : memref<1x4x80xi32, #tpu.memory_space<hbm>> -> memref<4x80xi32, #tpu.memory_space<hbm>>
    tpu.enqueue_dma source(%dma_start3A_27 : memref<4x80xi32, #tpu.memory_space<hbm>>) target(%arg13 : memref<4x80xi32, #tpu.memory_space<vmem>>) target_semaphore(%arg36 : memref<!tpu.dma_semaphore, #tpu.memory_space<semaphore_mem>>)
    %mul3A_28 = arith.constant 250 : i32
    %mul3A_29 = arith.muli %arg1, %mul3A_28 : i32
    %add3A_30 = arith.constant 1 : i32
    %add3A_31 = arith.addi %mul3A_29, %add3A_30 : i32
    %dma_start3A_32 = arith.constant 0 : i32
    %dma_start3A_33 = arith.constant 0 : i32
    %dma_start3A_34 = tpu.memref_slice %arg2[%add3A_31, %dma_start3A_32, %dma_start3A_33] : memref<4000x4x80xi32, #tpu.memory_space<hbm>> -> memref<1x4x80xi32, #tpu.memory_space<hbm>>
    %dma_start3A_35 = tpu.memref_squeeze %dma_start3A_34 : memref<1x4x80xi32, #tpu.memory_space<hbm>> -> memref<4x80xi32, #tpu.memory_space<hbm>>
    %dma_start3A_36 = arith.constant 0 : i32
    %dma_start3A_37 = arith.constant 0 : i32
    %dma_start3A_38 = tpu.memref_slice %arg2[%add3A_31, %dma_start3A_36, %dma_start3A_37] : memref<4000x4x80xi32, #tpu.memory_space<hbm>> -> memref<1x4x80xi32, #tpu.memory_space<hbm>>
    %dma_start3A_39 = tpu.memref_squeeze %dma_start3A_38 : memref<1x4x80xi32, #tpu.memory_space<hbm>> -> memref<4x80xi32, #tpu.memory_space<hbm>>
    tpu.enqueue_dma source(%dma_start3A_39 : memref<4x80xi32, #tpu.memory_space<hbm>>) target(%arg14 : memref<4x80xi32, #tpu.memory_space<vmem>>) target_semaphore(%arg37 : memref<!tpu.dma_semaphore, #tpu.memory_space<semaphore_mem>>)
    %mul3A_40 = arith.constant 250 : i32
    %mul3A_41 = arith.muli %arg1, %mul3A_40 : i32
    %add3A_42 = arith.constant 0 : i32
    %add3A_43 = arith.addi %mul3A_41, %add3A_42 : i32
    %dma_wait3A = arith.constant 0 : i32
    %dma_wait3A_44 = arith.constant 0 : i32
    %dma_wait3A_45 = tpu.memref_slice %arg2[%add3A_43, %dma_wait3A, %dma_wait3A_44] : memref<4000x4x80xi32, #tpu.memory_space<hbm>> -> memref<1x4x80xi32, #tpu.memory_space<hbm>>
    %dma_wait3A_46 = tpu.memref_squeeze %dma_wait3A_45 : memref<1x4x80xi32, #tpu.memory_space<hbm>> -> memref<4x80xi32, #tpu.memory_space<hbm>>
    %dma_wait3A_47 = arith.constant 0 : i32
    %dma_wait3A_48 = arith.constant 0 : i32
    %dma_wait3A_49 = tpu.memref_slice %arg2[%add3A_43, %dma_wait3A_47, %dma_wait3A_48] : memref<4000x4x80xi32, #tpu.memory_space<hbm>> -> memref<1x4x80xi32, #tpu.memory_space<hbm>>
    %dma_wait3A_50 = tpu.memref_squeeze %dma_wait3A_49 : memref<1x4x80xi32, #tpu.memory_space<hbm>> -> memref<4x80xi32, #tpu.memory_space<hbm>>
    tpu.wait_dma2 semaphore(%arg36 : memref<!tpu.dma_semaphore, #tpu.memory_space<semaphore_mem>>) src(%dma_wait3A_50 : memref<4x80xi32, #tpu.memory_space<hbm>>) dst(%arg13 : memref<4x80xi32, #tpu.memory_space<vmem>>)
    %get3A = arith.constant 3 : i32
    %get3A_51 = arith.index_cast %get3A : i32 to index
    %get3A_52 = arith.constant 0 : index
    %get3A_53 = tpu.vector_load %arg13[%get3A_51, %get3A_52] {strides = array<i32>} : memref<4x80xi32, #tpu.memory_space<vmem>>, vector<16xi32>,
    %gather3A = tpu.vector_load_idx %arg12[%get3A_53] : memref<10000xi32, #tpu.memory_space<vmem>>[vector<16xi32>], vector<16xi32>,
    %swap3A = arith.constant 0 : index
    %swap3A_54 = tpu.vector_load %arg15[%swap3A] {strides = array<i32>} : memref<80xi32, #tpu.memory_space<vmem>>, vector<16xi32>,
    tpu.vector_store %arg15[%swap3A], %gather3A {strides = array<i32>} : memref<80xi32, #tpu.memory_space<vmem>>, vector<16xi32>,
    %get3A_55 = arith.constant 0 : i32
    %get3A_56 = arith.index_cast %get3A_55 : i32 to index
    %get3A_57 = arith.constant 0 : index
    %get3A_58 = tpu.vector_load %arg13[%get3A_56, %get3A_57] {strides = array<i32>} : memref<4x80xi32, #tpu.memory_space<vmem>>, vector<16xi32>,
    %add3A_59 = arith.addi %get3A_58, %broadcast_in_dim3A : vector<16xi32>
    %swap3A_60 = arith.constant 0 : i32
    %swap3A_61 = arith.index_cast %swap3A_60 : i32 to index
    %swap3A_62 = arith.constant 0 : index
    %swap3A_63 = tpu.vector_load %arg13[%swap3A_61, %swap3A_62] {strides = array<i32>} : memref<4x80xi32, #tpu.memory_space<vmem>>, vector<16xi32>,
    tpu.vector_store %arg13[%swap3A_61, %swap3A_62], %add3A_59 {strides = array<i32>} : memref<4x80xi32, #tpu.memory_space<vmem>>, vector<16xi32>,
    %get3A_64 = arith.constant 1 : i32
    %get3A_65 = arith.index_cast %get3A_64 : i32 to index
    %get3A_66 = arith.constant 0 : index
    %get3A_67 = tpu.vector_load %arg13[%get3A_65, %get3A_66] {strides = array<i32>} : memref<4x80xi32, #tpu.memory_space<vmem>>, vector<16xi32>,
    %add3A_68 = arith.addi %get3A_67, %broadcast_in_dim3A_16 : vector<16xi32>
    %swap3A_69 = arith.constant 1 : i32
    %swap3A_70 = arith.index_cast %swap3A_69 : i32 to index
    %swap3A_71 = arith.constant 0 : index
    %swap3A_72 = tpu.vector_load %arg13[%swap3A_70, %swap3A_71] {strides = array<i32>} : memref<4x80xi32, #tpu.memory_space<vmem>>, vector<16xi32>,
    tpu.vector_store %arg13[%swap3A_70, %swap3A_71], %add3A_68 {strides = array<i32>} : memref<4x80xi32, #tpu.memory_space<vmem>>, vector<16xi32>,
    %get3A_73 = arith.constant 3 : i32
    %get3A_74 = arith.index_cast %get3A_73 : i32 to index
    %get3A_75 = arith.constant 16 : index
    %get3A_76 = tpu.vector_load %arg13[%get3A_74, %get3A_75] {strides = array<i32>} : memref<4x80xi32, #tpu.memory_space<vmem>>, vector<16xi32>,
    %gather3A_77 = tpu.vector_load_idx %arg12[%get3A_76] : memref<10000xi32, #tpu.memory_space<vmem>>[vector<16xi32>], vector<16xi32>,
    %swap3A_78 = arith.constant 16 : index
    %swap3A_79 = tpu.vector_load %arg15[%swap3A_78] {strides = array<i32>} : memref<80xi32, #tpu.memory_space<vmem>>, vector<16xi32>,
    tpu.vector_store %arg15[%swap3A_78], %gather3A_77 {strides = array<i32>} : memref<80xi32, #tpu.memory_space<vmem>>, vector<16xi32>,
    %get3A_80 = arith.constant 0 : i32
    %get3A_81 = arith.index_cast %get3A_80 : i32 to index
    %get3A_82 = arith.constant 16 : index
    %get3A_83 = tpu.vector_load %arg13[%get3A_81, %get3A_82] {strides = array<i32>} : memref<4x80xi32, #tpu.memory_space<vmem>>, vector<16xi32>,
    %add3A_84 = arith.addi %get3A_83, %broadcast_in_dim3A : vector<16xi32>
    %swap3A_85 = arith.constant 0 : i32
    %swap3A_86 = arith.index_cast %swap3A_85 : i32 to index
    %swap3A_87 = arith.constant 16 : index
    %swap3A_88 = tpu.vector_load %arg13[%swap3A_86, %swap3A_87] {strides = array<i32>} : memref<4x80xi32, #tpu.memory_space<vmem>>, vector<16xi32>,
    tpu.vector_store %arg13[%swap3A_86, %swap3A_87], %add3A_84 {strides = array<i32>} : memref<4x80xi32, #tpu.memory_space<vmem>>, vector<16xi32>,
    %get3A_89 = arith.constant 1 : i32
    %get3A_90 = arith.index_cast %get3A_89 : i32 to index
    %get3A_91 = arith.constant 16 : index
    %get3A_92 = tpu.vector_load %arg13[%get3A_90, %get3A_91] {strides = array<i32>} : memref<4x80xi32, #tpu.memory_space<vmem>>, vector<16xi32>,
    %add3A_93 = arith.addi %get3A_92, %broadcast_in_dim3A_16 : vector<16xi32>
    %swap3A_94 = arith.constant 1 : i32
    %swap3A_95 = arith.index_cast %swap3A_94 : i32 to index
    %swap3A_96 = arith.constant 16 : index
    %swap3A_97 = tpu.vector_load %arg13[%swap3A_95, %swap3A_96] {strides = array<i32>} : memref<4x80xi32, #tpu.memory_space<vmem>>, vector<16xi32>,
    tpu.vector_store %arg13[%swap3A_95, %swap3A_96], %add3A_93 {strides = array<i32>} : memref<4x80xi32, #tpu.memory_space<vmem>>, vector<16xi32>,
    %get3A_98 = arith.constant 3 : i32
    %get3A_99 = arith.index_cast %get3A_98 : i32 to index
    %get3A_100 = arith.constant 32 : index
    %get3A_101 = tpu.vector_load %arg13[%get3A_99, %get3A_100] {strides = array<i32>} : memref<4x80xi32, #tpu.memory_space<vmem>>, vector<16xi32>,
    %gather3A_102 = tpu.vector_load_idx %arg12[%get3A_101] : memref<10000xi32, #tpu.memory_space<vmem>>[vector<16xi32>], vector<16xi32>,
    %swap3A_103 = arith.constant 32 : index
    %swap3A_104 = tpu.vector_load %arg15[%swap3A_103] {strides = array<i32>} : memref<80xi32, #tpu.memory_space<vmem>>, vector<16xi32>,
    tpu.vector_store %arg15[%swap3A_103], %gather3A_102 {strides = array<i32>} : memref<80xi32, #tpu.memory_space<vmem>>, vector<16xi32>,
    %get3A_105 = arith.constant 0 : i32
    %get3A_106 = arith.index_cast %get3A_105 : i32 to index
    %get3A_107 = arith.constant 32 : index
    %get3A_108 = tpu.vector_load %arg13[%get3A_106, %get3A_107] {strides = array<i32>} : memref<4x80xi32, #tpu.memory_space<vmem>>, vector<16xi32>,
    %add3A_109 = arith.addi %get3A_108, %broadcast_in_dim3A : vector<16xi32>
    %swap3A_110 = arith.constant 0 : i32
    %swap3A_111 = arith.index_cast %swap3A_110 : i32 to index
    %swap3A_112 = arith.constant 32 : index
    %swap3A_113 = tpu.vector_load %arg13[%swap3A_111, %swap3A_112] {strides = array<i32>} : memref<4x80xi32, #tpu.memory_space<vmem>>, vector<16xi32>,
    tpu.vector_store %arg13[%swap3A_111, %swap3A_112], %add3A_109 {strides = array<i32>} : memref<4x80xi32, #tpu.memory_space<vmem>>, vector<16xi32>,
    %get3A_114 = arith.constant 1 : i32
    %get3A_115 = arith.index_cast %get3A_114 : i32 to index
    %get3A_116 = arith.constant 32 : index
    %get3A_117 = tpu.vector_load %arg13[%get3A_115, %get3A_116] {strides = array<i32>} : memref<4x80xi32, #tpu.memory_space<vmem>>, vector<16xi32>,
    %add3A_118 = arith.addi %get3A_117, %broadcast_in_dim3A_16 : vector<16xi32>
    %swap3A_119 = arith.constant 1 : i32
    %swap3A_120 = arith.index_cast %swap3A_119 : i32 to index
    %swap3A_121 = arith.constant 32 : index
    %swap3A_122 = tpu.vector_load %arg13[%swap3A_120, %swap3A_121] {strides = array<i32>} : memref<4x80xi32, #tpu.memory_space<vmem>>, vector<16xi32>,
    tpu.vector_store %arg13[%swap3A_120, %swap3A_121], %add3A_118 {strides = array<i32>} : memref<4x80xi32, #tpu.memory_space<vmem>>, vector<16xi32>,
    %get3A_123 = arith.constant 3 : i32
    %get3A_124 = arith.index_cast %get3A_123 : i32 to index
    %get3A_125 = arith.constant 48 : index
    %get3A_126 = tpu.vector_load %arg13[%get3A_124, %get3A_125] {strides = array<i32>} : memref<4x80xi32, #tpu.memory_space<vmem>>, vector<16xi32>,
    %gather3A_127 = tpu.vector_load_idx %arg12[%get3A_126] : memref<10000xi32, #tpu.memory_space<vmem>>[vector<16xi32>], vector<16xi32>,
    %swap3A_128 = arith.constant 48 : index
    %swap3A_129 = tpu.vector_load %arg15[%swap3A_128] {strides = array<i32>} : memref<80xi32, #tpu.memory_space<vmem>>, vector<16xi32>,
    tpu.vector_store %arg15[%swap3A_128], %gather3A_127 {strides = array<i32>} : memref<80xi32, #tpu.memory_space<vmem>>, vector<16xi32>,
    %get3A_130 = arith.constant 0 : i32
    %get3A_131 = arith.index_cast %get3A_130 : i32 to index
    %get3A_132 = arith.constant 48 : index
    %get3A_133 = tpu.vector_load %arg13[%get3A_131, %get3A_132] {strides = array<i32>} : memref<4x80xi32, #tpu.memory_space<vmem>>, vector<16xi32>,
    %add3A_134 = arith.addi %get3A_133, %broadcast_in_dim3A : vector<16xi32>
    %swap3A_135 = arith.constant 0 : i32
    %swap3A_136 = arith.index_cast %swap3A_135 : i32 to index
    %swap3A_137 = arith.constant 48 : index
    %swap3A_138 = tpu.vector_load %arg13[%swap3A_136, %swap3A_137] {strides = array<i32>} : memref<4x80xi32, #tpu.memory_space<vmem>>, vector<16xi32>,
    tpu.vector_store %arg13[%swap3A_136, %swap3A_137], %add3A_134 {strides = array<i32>} : memref<4x80xi32, #tpu.memory_space<vmem>>, vector<16xi32>,
    %get3A_139 = arith.constant 1 : i32
    %get3A_140 = arith.index_cast %get3A_139 : i32 to index
    %get3A_141 = arith.constant 48 : index
    %get3A_142 = tpu.vector_load %arg13[%get3A_140, %get3A_141] {strides = array<i32>} : memref<4x80xi32, #tpu.memory_space<vmem>>, vector<16xi32>,
    %add3A_143 = arith.addi %get3A_142, %broadcast_in_dim3A_16 : vector<16xi32>
    %swap3A_144 = arith.constant 1 : i32
    %swap3A_145 = arith.index_cast %swap3A_144 : i32 to index
    %swap3A_146 = arith.constant 48 : index
    %swap3A_147 = tpu.vector_load %arg13[%swap3A_145, %swap3A_146] {strides = array<i32>} : memref<4x80xi32, #tpu.memory_space<vmem>>, vector<16xi32>,
    tpu.vector_store %arg13[%swap3A_145, %swap3A_146], %add3A_143 {strides = array<i32>} : memref<4x80xi32, #tpu.memory_space<vmem>>, vector<16xi32>,
    %get3A_148 = arith.constant 3 : i32
    %get3A_149 = arith.index_cast %get3A_148 : i32 to index
    %get3A_150 = arith.constant 64 : index
    %get3A_151 = tpu.vector_load %arg13[%get3A_149, %get3A_150] {strides = array<i32>} : memref<4x80xi32, #tpu.memory_space<vmem>>, vector<16xi32>,
    %gather3A_152 = tpu.vector_load_idx %arg12[%get3A_151] : memref<10000xi32, #tpu.memory_space<vmem>>[vector<16xi32>], vector<16xi32>,
    %swap3A_153 = arith.constant 64 : index
    %swap3A_154 = tpu.vector_load %arg15[%swap3A_153] {strides = array<i32>} : memref<80xi32, #tpu.memory_space<vmem>>, vector<16xi32>,
    tpu.vector_store %arg15[%swap3A_153], %gather3A_152 {strides = array<i32>} : memref<80xi32, #tpu.memory_space<vmem>>, vector<16xi32>,
    %get3A_155 = arith.constant 0 : i32
    %get3A_156 = arith.index_cast %get3A_155 : i32 to index
    %get3A_157 = arith.constant 64 : index
    %get3A_158 = tpu.vector_load %arg13[%get3A_156, %get3A_157] {strides = array<i32>} : memref<4x80xi32, #tpu.memory_space<vmem>>, vector<16xi32>,
    %add3A_159 = arith.addi %get3A_158, %broadcast_in_dim3A : vector<16xi32>
    %swap3A_160 = arith.constant 0 : i32
    %swap3A_161 = arith.index_cast %swap3A_160 : i32 to index
    %swap3A_162 = arith.constant 64 : index
    %swap3A_163 = tpu.vector_load %arg13[%swap3A_161, %swap3A_162] {strides = array<i32>} : memref<4x80xi32, #tpu.memory_space<vmem>>, vector<16xi32>,
    tpu.vector_store %arg13[%swap3A_161, %swap3A_162], %add3A_159 {strides = array<i32>} : memref<4x80xi32, #tpu.memory_space<vmem>>, vector<16xi32>,
    %get3A_164 = arith.constant 1 : i32
    %get3A_165 = arith.index_cast %get3A_164 : i32 to index
    %get3A_166 = arith.constant 64 : index
    %get3A_167 = tpu.vector_load %arg13[%get3A_165, %get3A_166] {strides = array<i32>} : memref<4x80xi32, #tpu.memory_space<vmem>>, vector<16xi32>,
    %add3A_168 = arith.addi %get3A_167, %broadcast_in_dim3A_16 : vector<16xi32>
    %swap3A_169 = arith.constant 1 : i32
    %swap3A_170 = arith.index_cast %swap3A_169 : i32 to index
    %swap3A_171 = arith.constant 64 : index
    %swap3A_172 = tpu.vector_load %arg13[%swap3A_170, %swap3A_171] {strides = array<i32>} : memref<4x80xi32, #tpu.memory_space<vmem>>, vector<16xi32>,
    tpu.vector_store %arg13[%swap3A_170, %swap3A_171], %add3A_168 {strides = array<i32>} : memref<4x80xi32, #tpu.memory_space<vmem>>, vector<16xi32>,
    %dma_start3A_173 = arith.constant 0 : i32
    %dma_start3A_174 = arith.constant 0 : i32
    %dma_start3A_175 = tpu.memref_slice %arg13[%dma_start3A_173, %dma_start3A_174] : memref<4x80xi32, #tpu.memory_space<vmem>> -> memref<1x80xi32, #tpu.memory_space<vmem>>
    %dma_start3A_176 = tpu.memref_squeeze %dma_start3A_175 : memref<1x80xi32, #tpu.memory_space<vmem>> -> memref<80xi32, #tpu.memory_space<vmem>>
    %dma_start3A_177 = arith.constant 0 : i32
    %dma_start3A_178 = arith.constant 0 : i32
    %dma_start3A_179 = tpu.memref_slice %arg4[%dma_start3A_177, %dma_start3A_178] : memref<20000x64xf32, #tpu.memory_space<hbm>> -> memref<20000x64xf32, #tpu.memory_space<hbm>>
    tpu.enqueue_indirect_dma source(%dma_start3A_179 : memref<20000x64xf32, #tpu.memory_space<hbm>>) target(%arg25 : memref<80x64xf32, #tpu.memory_space<vmem>>) offsets(%dma_start3A_176 : memref<80xi32, #tpu.memory_space<vmem>>) semaphore(%arg38 : memref<!tpu.dma_semaphore, #tpu.memory_space<semaphore_mem>>)
    %dma_start3A_180 = arith.constant 1 : i32
    %dma_start3A_181 = arith.constant 0 : i32
    %dma_start3A_182 = tpu.memref_slice %arg13[%dma_start3A_180, %dma_start3A_181] : memref<4x80xi32, #tpu.memory_space<vmem>> -> memref<1x80xi32, #tpu.memory_space<vmem>>
    %dma_start3A_183 = tpu.memref_squeeze %dma_start3A_182 : memref<1x80xi32, #tpu.memory_space<vmem>> -> memref<80xi32, #tpu.memory_space<vmem>>
    %dma_start3A_184 = arith.constant 0 : i32
    %dma_start3A_185 = arith.constant 0 : i32
    %dma_start3A_186 = tpu.memref_slice %arg5[%dma_start3A_184, %dma_start3A_185] : memref<20016x64xf32, #tpu.memory_space<hbm>> -> memref<20016x64xf32, #tpu.memory_space<hbm>>
    tpu.enqueue_indirect_dma source(%dma_start3A_186 : memref<20016x64xf32, #tpu.memory_space<hbm>>) target(%arg27 : memref<80x64xf32, #tpu.memory_space<vmem>>) offsets(%dma_start3A_183 : memref<80xi32, #tpu.memory_space<vmem>>) semaphore(%arg38 : memref<!tpu.dma_semaphore, #tpu.memory_space<semaphore_mem>>)
    %dma_start3A_187 = arith.constant 0 : i32
    %dma_start3A_188 = arith.constant 0 : i32
    %dma_start3A_189 = tpu.memref_slice %arg13[%dma_start3A_187, %dma_start3A_188] : memref<4x80xi32, #tpu.memory_space<vmem>> -> memref<1x80xi32, #tpu.memory_space<vmem>>
    %dma_start3A_190 = tpu.memref_squeeze %dma_start3A_189 : memref<1x80xi32, #tpu.memory_space<vmem>> -> memref<80xi32, #tpu.memory_space<vmem>>
    %dma_start3A_191 = arith.constant 0 : i32
    %dma_start3A_192 = arith.constant 0 : i32
    %dma_start3A_193 = tpu.memref_slice %arg6[%dma_start3A_191, %dma_start3A_192] : memref<20000x16xf32, #tpu.memory_space<hbm>> -> memref<20000x16xf32, #tpu.memory_space<hbm>>
    tpu.enqueue_indirect_dma source(%dma_start3A_193 : memref<20000x16xf32, #tpu.memory_space<hbm>>) target(%arg19 : memref<80x16xf32, #tpu.memory_space<vmem>>) offsets(%dma_start3A_190 : memref<80xi32, #tpu.memory_space<vmem>>) semaphore(%arg38 : memref<!tpu.dma_semaphore, #tpu.memory_space<semaphore_mem>>)
    %dma_start3A_194 = arith.constant 1 : i32
    %dma_start3A_195 = arith.constant 0 : i32
    %dma_start3A_196 = tpu.memref_slice %arg13[%dma_start3A_194, %dma_start3A_195] : memref<4x80xi32, #tpu.memory_space<vmem>> -> memref<1x80xi32, #tpu.memory_space<vmem>>
    %dma_start3A_197 = tpu.memref_squeeze %dma_start3A_196 : memref<1x80xi32, #tpu.memory_space<vmem>> -> memref<80xi32, #tpu.memory_space<vmem>>
    %dma_start3A_198 = arith.constant 0 : i32
    %dma_start3A_199 = arith.constant 0 : i32
    %dma_start3A_200 = tpu.memref_slice %arg7[%dma_start3A_198, %dma_start3A_199] : memref<20016x16xf32, #tpu.memory_space<hbm>> -> memref<20016x16xf32, #tpu.memory_space<hbm>>
    tpu.enqueue_indirect_dma source(%dma_start3A_200 : memref<20016x16xf32, #tpu.memory_space<hbm>>) target(%arg21 : memref<80x16xf32, #tpu.memory_space<vmem>>) offsets(%dma_start3A_197 : memref<80xi32, #tpu.memory_space<vmem>>) semaphore(%arg38 : memref<!tpu.dma_semaphore, #tpu.memory_space<semaphore_mem>>)
    %dma_start3A_201 = arith.constant 0 : i32
    %dma_start3A_202 = arith.constant 0 : i32
    %dma_start3A_203 = tpu.memref_slice %arg8[%dma_start3A_201, %dma_start3A_202] : memref<10008x16xf32, #tpu.memory_space<hbm>> -> memref<10008x16xf32, #tpu.memory_space<hbm>>
    tpu.enqueue_indirect_dma source(%dma_start3A_203 : memref<10008x16xf32, #tpu.memory_space<hbm>>) target(%arg23 : memref<80x16xf32, #tpu.memory_space<vmem>>) offsets(%arg15 : memref<80xi32, #tpu.memory_space<vmem>>) semaphore(%arg38 : memref<!tpu.dma_semaphore, #tpu.memory_space<semaphore_mem>>)
    %scan3A = arith.constant 0 : i32
    %scan3A_204 = arith.constant 125 : i32
    %scan3A_205 = arith.addi %scan3A, %scan3A_204 : i32
    %scan3A_206 = arith.constant 1 : i32
    scf.for %scan3A_240 = %scan3A to %scan3A_205 step %scan3A_206  : i32 {
      %mul3A_241 = arith.constant 2 : i32
      %mul3A_242 = arith.muli %scan3A_240, %mul3A_241 : i32
      %add3A_243 = arith.constant 0 : i32
      %add3A_244 = arith.addi %add3A_243, %mul3A_242 : i32
      %add3A_245 = arith.constant 0 : i32
      %add3A_246 = arith.addi %add3A_244, %add3A_245 : i32
      %add3A_247 = arith.constant 2 : i32
      %add3A_248 = arith.addi %add3A_246, %add3A_247 : i32
      %sub3A = arith.constant 1 : i32
      %sub3A_249 = arith.subi %add3A_248, %sub3A : i32
      %lt3A = arith.constant 250 : i32
      %lt3A_250 = arith.cmpi slt, %sub3A_249, %lt3A : i32
      %convert_element_type3A_251 = arith.extui %lt3A_250 : i1 to i32
      %cond3A_252 = arith.constant 0 : i32
      %cond3A_253 = arith.cmpi ne, %convert_element_type3A_251, %cond3A_252 : i32
      scf.if %cond3A_253 {
        %mul3A_275 = arith.constant 250 : i32
        %mul3A_276 = arith.muli %arg1, %mul3A_275 : i32
        %add3A_277 = arith.addi %mul3A_276, %sub3A_249 : i32
        %dma_wait3A_278 = arith.constant 0 : i32
        %dma_wait3A_279 = arith.constant 0 : i32
        %dma_wait3A_280 = tpu.memref_slice %arg2[%add3A_277, %dma_wait3A_278, %dma_wait3A_279] : memref<4000x4x80xi32, #tpu.memory_space<hbm>> -> memref<1x4x80xi32, #tpu.memory_space<hbm>>
        %dma_wait3A_281 = tpu.memref_squeeze %dma_wait3A_280 : memref<1x4x80xi32, #tpu.memory_space<hbm>> -> memref<4x80xi32, #tpu.memory_space<hbm>>
        %dma_wait3A_282 = arith.constant 0 : i32
        %dma_wait3A_283 = arith.constant 0 : i32
        %dma_wait3A_284 = tpu.memref_slice %arg2[%add3A_277, %dma_wait3A_282, %dma_wait3A_283] : memref<4000x4x80xi32, #tpu.memory_space<hbm>> -> memref<1x4x80xi32, #tpu.memory_space<hbm>>
        %dma_wait3A_285 = tpu.memref_squeeze %dma_wait3A_284 : memref<1x4x80xi32, #tpu.memory_space<hbm>> -> memref<4x80xi32, #tpu.memory_space<hbm>>
        tpu.wait_dma2 semaphore(%arg37 : memref<!tpu.dma_semaphore, #tpu.memory_space<semaphore_mem>>) src(%dma_wait3A_285 : memref<4x80xi32, #tpu.memory_space<hbm>>) dst(%arg14 : memref<4x80xi32, #tpu.memory_space<vmem>>)
        %get3A_286 = arith.constant 3 : i32
        %get3A_287 = arith.index_cast %get3A_286 : i32 to index
        %get3A_288 = arith.constant 0 : index
        %get3A_289 = tpu.vector_load %arg14[%get3A_287, %get3A_288] {strides = array<i32>} : memref<4x80xi32, #tpu.memory_space<vmem>>, vector<16xi32>,
        %gather3A_290 = tpu.vector_load_idx %arg12[%get3A_289] : memref<10000xi32, #tpu.memory_space<vmem>>[vector<16xi32>], vector<16xi32>,
        %swap3A_291 = arith.constant 0 : index
        %swap3A_292 = tpu.vector_load %arg16[%swap3A_291] {strides = array<i32>} : memref<80xi32, #tpu.memory_space<vmem>>, vector<16xi32>,
        tpu.vector_store %arg16[%swap3A_291], %gather3A_290 {strides = array<i32>} : memref<80xi32, #tpu.memory_space<vmem>>, vector<16xi32>,
        %get3A_293 = arith.constant 0 : i32
        %get3A_294 = arith.index_cast %get3A_293 : i32 to index
        %get3A_295 = arith.constant 0 : index
        %get3A_296 = tpu.vector_load %arg14[%get3A_294, %get3A_295] {strides = array<i32>} : memref<4x80xi32, #tpu.memory_space<vmem>>, vector<16xi32>,
        %add3A_297 = arith.addi %get3A_296, %broadcast_in_dim3A : vector<16xi32>
        %swap3A_298 = arith.constant 0 : i32
        %swap3A_299 = arith.index_cast %swap3A_298 : i32 to index
        %swap3A_300 = arith.constant 0 : index
        %swap3A_301 = tpu.vector_load %arg14[%swap3A_299, %swap3A_300] {strides = array<i32>} : memref<4x80xi32, #tpu.memory_space<vmem>>, vector<16xi32>,
        tpu.vector_store %arg14[%swap3A_299, %swap3A_300], %add3A_297 {strides = array<i32>} : memref<4x80xi32, #tpu.memory_space<vmem>>, vector<16xi32>,
        %get3A_302 = arith.constant 1 : i32
        %get3A_303 = arith.index_cast %get3A_302 : i32 to index
        %get3A_304 = arith.constant 0 : index
        %get3A_305 = tpu.vector_load %arg14[%get3A_303, %get3A_304] {strides = array<i32>} : memref<4x80xi32, #tpu.memory_space<vmem>>, vector<16xi32>,
        %add3A_306 = arith.addi %get3A_305, %broadcast_in_dim3A_16 : vector<16xi32>
        %swap3A_307 = arith.constant 1 : i32
        %swap3A_308 = arith.index_cast %swap3A_307 : i32 to index
        %swap3A_309 = arith.constant 0 : index
        %swap3A_310 = tpu.vector_load %arg14[%swap3A_308, %swap3A_309] {strides = array<i32>} : memref<4x80xi32, #tpu.memory_space<vmem>>, vector<16xi32>,
        tpu.vector_store %arg14[%swap3A_308, %swap3A_309], %add3A_306 {strides = array<i32>} : memref<4x80xi32, #tpu.memory_space<vmem>>, vector<16xi32>,
        %get3A_311 = arith.constant 3 : i32
        %get3A_312 = arith.index_cast %get3A_311 : i32 to index
        %get3A_313 = arith.constant 16 : index
        %get3A_314 = tpu.vector_load %arg14[%get3A_312, %get3A_313] {strides = array<i32>} : memref<4x80xi32, #tpu.memory_space<vmem>>, vector<16xi32>,
        %gather3A_315 = tpu.vector_load_idx %arg12[%get3A_314] : memref<10000xi32, #tpu.memory_space<vmem>>[vector<16xi32>], vector<16xi32>,
        %swap3A_316 = arith.constant 16 : index
        %swap3A_317 = tpu.vector_load %arg16[%swap3A_316] {strides = array<i32>} : memref<80xi32, #tpu.memory_space<vmem>>, vector<16xi32>,
        tpu.vector_store %arg16[%swap3A_316], %gather3A_315 {strides = array<i32>} : memref<80xi32, #tpu.memory_space<vmem>>, vector<16xi32>,
        %get3A_318 = arith.constant 0 : i32
        %get3A_319 = arith.index_cast %get3A_318 : i32 to index
        %get3A_320 = arith.constant 16 : index
        %get3A_321 = tpu.vector_load %arg14[%get3A_319, %get3A_320] {strides = array<i32>} : memref<4x80xi32, #tpu.memory_space<vmem>>, vector<16xi32>,
        %add3A_322 = arith.addi %get3A_321, %broadcast_in_dim3A : vector<16xi32>
        %swap3A_323 = arith.constant 0 : i32
        %swap3A_324 = arith.index_cast %swap3A_323 : i32 to index
        %swap3A_325 = arith.constant 16 : index
        %swap3A_326 = tpu.vector_load %arg14[%swap3A_324, %swap3A_325] {strides = array<i32>} : memref<4x80xi32, #tpu.memory_space<vmem>>, vector<16xi32>,
        tpu.vector_store %arg14[%swap3A_324, %swap3A_325], %add3A_322 {strides = array<i32>} : memref<4x80xi32, #tpu.memory_space<vmem>>, vector<16xi32>,
        %get3A_327 = arith.constant 1 : i32
        %get3A_328 = arith.index_cast %get3A_327 : i32 to index
        %get3A_329 = arith.constant 16 : index
        %get3A_330 = tpu.vector_load %arg14[%get3A_328, %get3A_329] {strides = array<i32>} : memref<4x80xi32, #tpu.memory_space<vmem>>, vector<16xi32>,
        %add3A_331 = arith.addi %get3A_330, %broadcast_in_dim3A_16 : vector<16xi32>
        %swap3A_332 = arith.constant 1 : i32
        %swap3A_333 = arith.index_cast %swap3A_332 : i32 to index
        %swap3A_334 = arith.constant 16 : index
        %swap3A_335 = tpu.vector_load %arg14[%swap3A_333, %swap3A_334] {strides = array<i32>} : memref<4x80xi32, #tpu.memory_space<vmem>>, vector<16xi32>,
        tpu.vector_store %arg14[%swap3A_333, %swap3A_334], %add3A_331 {strides = array<i32>} : memref<4x80xi32, #tpu.memory_space<vmem>>, vector<16xi32>,
        %get3A_336 = arith.constant 3 : i32
        %get3A_337 = arith.index_cast %get3A_336 : i32 to index
        %get3A_338 = arith.constant 32 : index
        %get3A_339 = tpu.vector_load %arg14[%get3A_337, %get3A_338] {strides = array<i32>} : memref<4x80xi32, #tpu.memory_space<vmem>>, vector<16xi32>,
        %gather3A_340 = tpu.vector_load_idx %arg12[%get3A_339] : memref<10000xi32, #tpu.memory_space<vmem>>[vector<16xi32>], vector<16xi32>,
        %swap3A_341 = arith.constant 32 : index
        %swap3A_342 = tpu.vector_load %arg16[%swap3A_341] {strides = array<i32>} : memref<80xi32, #tpu.memory_space<vmem>>, vector<16xi32>,
        tpu.vector_store %arg16[%swap3A_341], %gather3A_340 {strides = array<i32>} : memref<80xi32, #tpu.memory_space<vmem>>, vector<16xi32>,
        %get3A_343 = arith.constant 0 : i32
        %get3A_344 = arith.index_cast %get3A_343 : i32 to index
        %get3A_345 = arith.constant 32 : index
        %get3A_346 = tpu.vector_load %arg14[%get3A_344, %get3A_345] {strides = array<i32>} : memref<4x80xi32, #tpu.memory_space<vmem>>, vector<16xi32>,
        %add3A_347 = arith.addi %get3A_346, %broadcast_in_dim3A : vector<16xi32>
        %swap3A_348 = arith.constant 0 : i32
        %swap3A_349 = arith.index_cast %swap3A_348 : i32 to index
        %swap3A_350 = arith.constant 32 : index
        %swap3A_351 = tpu.vector_load %arg14[%swap3A_349, %swap3A_350] {strides = array<i32>} : memref<4x80xi32, #tpu.memory_space<vmem>>, vector<16xi32>,
        tpu.vector_store %arg14[%swap3A_349, %swap3A_350], %add3A_347 {strides = array<i32>} : memref<4x80xi32, #tpu.memory_space<vmem>>, vector<16xi32>,
        %get3A_352 = arith.constant 1 : i32
        %get3A_353 = arith.index_cast %get3A_352 : i32 to index
        %get3A_354 = arith.constant 32 : index
        %get3A_355 = tpu.vector_load %arg14[%get3A_353, %get3A_354] {strides = array<i32>} : memref<4x80xi32, #tpu.memory_space<vmem>>, vector<16xi32>,
        %add3A_356 = arith.addi %get3A_355, %broadcast_in_dim3A_16 : vector<16xi32>
        %swap3A_357 = arith.constant 1 : i32
        %swap3A_358 = arith.index_cast %swap3A_357 : i32 to index
        %swap3A_359 = arith.constant 32 : index
        %swap3A_360 = tpu.vector_load %arg14[%swap3A_358, %swap3A_359] {strides = array<i32>} : memref<4x80xi32, #tpu.memory_space<vmem>>, vector<16xi32>,
        tpu.vector_store %arg14[%swap3A_358, %swap3A_359], %add3A_356 {strides = array<i32>} : memref<4x80xi32, #tpu.memory_space<vmem>>, vector<16xi32>,
        %get3A_361 = arith.constant 3 : i32
        %get3A_362 = arith.index_cast %get3A_361 : i32 to index
        %get3A_363 = arith.constant 48 : index
        %get3A_364 = tpu.vector_load %arg14[%get3A_362, %get3A_363] {strides = array<i32>} : memref<4x80xi32, #tpu.memory_space<vmem>>, vector<16xi32>,
        %gather3A_365 = tpu.vector_load_idx %arg12[%get3A_364] : memref<10000xi32, #tpu.memory_space<vmem>>[vector<16xi32>], vector<16xi32>,
        %swap3A_366 = arith.constant 48 : index
        %swap3A_367 = tpu.vector_load %arg16[%swap3A_366] {strides = array<i32>} : memref<80xi32, #tpu.memory_space<vmem>>, vector<16xi32>,
        tpu.vector_store %arg16[%swap3A_366], %gather3A_365 {strides = array<i32>} : memref<80xi32, #tpu.memory_space<vmem>>, vector<16xi32>,
        %get3A_368 = arith.constant 0 : i32
        %get3A_369 = arith.index_cast %get3A_368 : i32 to index
        %get3A_370 = arith.constant 48 : index
        %get3A_371 = tpu.vector_load %arg14[%get3A_369, %get3A_370] {strides = array<i32>} : memref<4x80xi32, #tpu.memory_space<vmem>>, vector<16xi32>,
        %add3A_372 = arith.addi %get3A_371, %broadcast_in_dim3A : vector<16xi32>
        %swap3A_373 = arith.constant 0 : i32
        %swap3A_374 = arith.index_cast %swap3A_373 : i32 to index
        %swap3A_375 = arith.constant 48 : index
        %swap3A_376 = tpu.vector_load %arg14[%swap3A_374, %swap3A_375] {strides = array<i32>} : memref<4x80xi32, #tpu.memory_space<vmem>>, vector<16xi32>,
        tpu.vector_store %arg14[%swap3A_374, %swap3A_375], %add3A_372 {strides = array<i32>} : memref<4x80xi32, #tpu.memory_space<vmem>>, vector<16xi32>,
        %get3A_377 = arith.constant 1 : i32
        %get3A_378 = arith.index_cast %get3A_377 : i32 to index
        %get3A_379 = arith.constant 48 : index
        %get3A_380 = tpu.vector_load %arg14[%get3A_378, %get3A_379] {strides = array<i32>} : memref<4x80xi32, #tpu.memory_space<vmem>>, vector<16xi32>,
        %add3A_381 = arith.addi %get3A_380, %broadcast_in_dim3A_16 : vector<16xi32>
        %swap3A_382 = arith.constant 1 : i32
        %swap3A_383 = arith.index_cast %swap3A_382 : i32 to index
        %swap3A_384 = arith.constant 48 : index
        %swap3A_385 = tpu.vector_load %arg14[%swap3A_383, %swap3A_384] {strides = array<i32>} : memref<4x80xi32, #tpu.memory_space<vmem>>, vector<16xi32>,
        tpu.vector_store %arg14[%swap3A_383, %swap3A_384], %add3A_381 {strides = array<i32>} : memref<4x80xi32, #tpu.memory_space<vmem>>, vector<16xi32>,
        %get3A_386 = arith.constant 3 : i32
        %get3A_387 = arith.index_cast %get3A_386 : i32 to index
        %get3A_388 = arith.constant 64 : index
        %get3A_389 = tpu.vector_load %arg14[%get3A_387, %get3A_388] {strides = array<i32>} : memref<4x80xi32, #tpu.memory_space<vmem>>, vector<16xi32>,
        %gather3A_390 = tpu.vector_load_idx %arg12[%get3A_389] : memref<10000xi32, #tpu.memory_space<vmem>>[vector<16xi32>], vector<16xi32>,
        %swap3A_391 = arith.constant 64 : index
        %swap3A_392 = tpu.vector_load %arg16[%swap3A_391] {strides = array<i32>} : memref<80xi32, #tpu.memory_space<vmem>>, vector<16xi32>,
        tpu.vector_store %arg16[%swap3A_391], %gather3A_390 {strides = array<i32>} : memref<80xi32, #tpu.memory_space<vmem>>, vector<16xi32>,
        %get3A_393 = arith.constant 0 : i32
        %get3A_394 = arith.index_cast %get3A_393 : i32 to index
        %get3A_395 = arith.constant 64 : index
        %get3A_396 = tpu.vector_load %arg14[%get3A_394, %get3A_395] {strides = array<i32>} : memref<4x80xi32, #tpu.memory_space<vmem>>, vector<16xi32>,
        %add3A_397 = arith.addi %get3A_396, %broadcast_in_dim3A : vector<16xi32>
        %swap3A_398 = arith.constant 0 : i32
        %swap3A_399 = arith.index_cast %swap3A_398 : i32 to index
        %swap3A_400 = arith.constant 64 : index
        %swap3A_401 = tpu.vector_load %arg14[%swap3A_399, %swap3A_400] {strides = array<i32>} : memref<4x80xi32, #tpu.memory_space<vmem>>, vector<16xi32>,
        tpu.vector_store %arg14[%swap3A_399, %swap3A_400], %add3A_397 {strides = array<i32>} : memref<4x80xi32, #tpu.memory_space<vmem>>, vector<16xi32>,
        %get3A_402 = arith.constant 1 : i32
        %get3A_403 = arith.index_cast %get3A_402 : i32 to index
        %get3A_404 = arith.constant 64 : index
        %get3A_405 = tpu.vector_load %arg14[%get3A_403, %get3A_404] {strides = array<i32>} : memref<4x80xi32, #tpu.memory_space<vmem>>, vector<16xi32>,
        %add3A_406 = arith.addi %get3A_405, %broadcast_in_dim3A_16 : vector<16xi32>
        %swap3A_407 = arith.constant 1 : i32
        %swap3A_408 = arith.index_cast %swap3A_407 : i32 to index
        %swap3A_409 = arith.constant 64 : index
        %swap3A_410 = tpu.vector_load %arg14[%swap3A_408, %swap3A_409] {strides = array<i32>} : memref<4x80xi32, #tpu.memory_space<vmem>>, vector<16xi32>,
        tpu.vector_store %arg14[%swap3A_408, %swap3A_409], %add3A_406 {strides = array<i32>} : memref<4x80xi32, #tpu.memory_space<vmem>>, vector<16xi32>,
        %ge3A = arith.constant 2 : i32
        %ge3A_411 = arith.cmpi sge, %sub3A_249, %ge3A : i32
        %convert_element_type3A_412 = arith.extui %ge3A_411 : i1 to i32
        %cond3A_413 = arith.constant 0 : i32
        %cond3A_414 = arith.cmpi ne, %convert_element_type3A_412, %cond3A_413 : i32
        scf.if %cond3A_414 {
          %dma_wait3A_446 = arith.constant 0 : i32
          %dma_wait3A_447 = arith.constant 0 : i32
          %dma_wait3A_448 = tpu.memref_slice %arg18[%dma_wait3A_446, %dma_wait3A_447] : memref<1x80xi32, #tpu.memory_space<vmem>> -> memref<1x80xi32, #tpu.memory_space<vmem>>
          %dma_wait3A_449 = tpu.memref_squeeze %dma_wait3A_448 : memref<1x80xi32, #tpu.memory_space<vmem>> -> memref<80xi32, #tpu.memory_space<vmem>>
          %dma_wait3A_450 = arith.constant 0 : i32
          %dma_wait3A_451 = arith.constant 0 : i32
          %dma_wait3A_452 = tpu.memref_slice %arg35[%dma_wait3A_450, %dma_wait3A_451] : memref<10000x64xf32, #tpu.memory_space<vmem_shared>> -> memref<10000x64xf32, #tpu.memory_space<vmem_shared>>
          tpu.wait_indirect_dma semaphore(%arg41 : memref<!tpu.dma_semaphore, #tpu.memory_space<semaphore_mem>>) src(%arg30 : memref<80x64xf32, #tpu.memory_space<vmem>>) dst(%dma_wait3A_452 : memref<10000x64xf32, #tpu.memory_space<vmem_shared>>)
        } else {
        }
        %dma_start3A_415 = arith.constant 0 : i32
        %dma_start3A_416 = arith.constant 0 : i32
        %dma_start3A_417 = tpu.memref_slice %arg14[%dma_start3A_415, %dma_start3A_416] : memref<4x80xi32, #tpu.memory_space<vmem>> -> memref<1x80xi32, #tpu.memory_space<vmem>>
        %dma_start3A_418 = tpu.memref_squeeze %dma_start3A_417 : memref<1x80xi32, #tpu.memory_space<vmem>> -> memref<80xi32, #tpu.memory_space<vmem>>
        %dma_start3A_419 = arith.constant 0 : i32
        %dma_start3A_420 = arith.constant 0 : i32
        %dma_start3A_421 = tpu.memref_slice %arg4[%dma_start3A_419, %dma_start3A_420] : memref<20000x64xf32, #tpu.memory_space<hbm>> -> memref<20000x64xf32, #tpu.memory_space<hbm>>
        tpu.enqueue_indirect_dma source(%dma_start3A_421 : memref<20000x64xf32, #tpu.memory_space<hbm>>) target(%arg26 : memref<80x64xf32, #tpu.memory_space<vmem>>) offsets(%dma_start3A_418 : memref<80xi32, #tpu.memory_space<vmem>>) semaphore(%arg39 : memref<!tpu.dma_semaphore, #tpu.memory_space<semaphore_mem>>)
        %dma_start3A_422 = arith.constant 1 : i32
        %dma_start3A_423 = arith.constant 0 : i32
        %dma_start3A_424 = tpu.memref_slice %arg14[%dma_start3A_422, %dma_start3A_423] : memref<4x80xi32, #tpu.memory_space<vmem>> -> memref<1x80xi32, #tpu.memory_space<vmem>>
        %dma_start3A_425 = tpu.memref_squeeze %dma_start3A_424 : memref<1x80xi32, #tpu.memory_space<vmem>> -> memref<80xi32, #tpu.memory_space<vmem>>
        %dma_start3A_426 = arith.constant 0 : i32
        %dma_start3A_427 = arith.constant 0 : i32
        %dma_start3A_428 = tpu.memref_slice %arg5[%dma_start3A_426, %dma_start3A_427] : memref<20016x64xf32, #tpu.memory_space<hbm>> -> memref<20016x64xf32, #tpu.memory_space<hbm>>
        tpu.enqueue_indirect_dma source(%dma_start3A_428 : memref<20016x64xf32, #tpu.memory_space<hbm>>) target(%arg28 : memref<80x64xf32, #tpu.memory_space<vmem>>) offsets(%dma_start3A_425 : memref<80xi32, #tpu.memory_space<vmem>>) semaphore(%arg39 : memref<!tpu.dma_semaphore, #tpu.memory_space<semaphore_mem>>)
        %dma_start3A_429 = arith.constant 0 : i32
        %dma_start3A_430 = arith.constant 0 : i32
        %dma_start3A_431 = tpu.memref_slice %arg14[%dma_start3A_429, %dma_start3A_430] : memref<4x80xi32, #tpu.memory_space<vmem>> -> memref<1x80xi32, #tpu.memory_space<vmem>>
        %dma_start3A_432 = tpu.memref_squeeze %dma_start3A_431 : memref<1x80xi32, #tpu.memory_space<vmem>> -> memref<80xi32, #tpu.memory_space<vmem>>
        %dma_start3A_433 = arith.constant 0 : i32
        %dma_start3A_434 = arith.constant 0 : i32
        %dma_start3A_435 = tpu.memref_slice %arg6[%dma_start3A_433, %dma_start3A_434] : memref<20000x16xf32, #tpu.memory_space<hbm>> -> memref<20000x16xf32, #tpu.memory_space<hbm>>
        tpu.enqueue_indirect_dma source(%dma_start3A_435 : memref<20000x16xf32, #tpu.memory_space<hbm>>) target(%arg20 : memref<80x16xf32, #tpu.memory_space<vmem>>) offsets(%dma_start3A_432 : memref<80xi32, #tpu.memory_space<vmem>>) semaphore(%arg39 : memref<!tpu.dma_semaphore, #tpu.memory_space<semaphore_mem>>)
        %dma_start3A_436 = arith.constant 1 : i32
        %dma_start3A_437 = arith.constant 0 : i32
        %dma_start3A_438 = tpu.memref_slice %arg14[%dma_start3A_436, %dma_start3A_437] : memref<4x80xi32, #tpu.memory_space<vmem>> -> memref<1x80xi32, #tpu.memory_space<vmem>>
        %dma_start3A_439 = tpu.memref_squeeze %dma_start3A_438 : memref<1x80xi32, #tpu.memory_space<vmem>> -> memref<80xi32, #tpu.memory_space<vmem>>
        %dma_start3A_440 = arith.constant 0 : i32
        %dma_start3A_441 = arith.constant 0 : i32
        %dma_start3A_442 = tpu.memref_slice %arg7[%dma_start3A_440, %dma_start3A_441] : memref<20016x16xf32, #tpu.memory_space<hbm>> -> memref<20016x16xf32, #tpu.memory_space<hbm>>
        tpu.enqueue_indirect_dma source(%dma_start3A_442 : memref<20016x16xf32, #tpu.memory_space<hbm>>) target(%arg22 : memref<80x16xf32, #tpu.memory_space<vmem>>) offsets(%dma_start3A_439 : memref<80xi32, #tpu.memory_space<vmem>>) semaphore(%arg39 : memref<!tpu.dma_semaphore, #tpu.memory_space<semaphore_mem>>)
        %dma_start3A_443 = arith.constant 0 : i32
        %dma_start3A_444 = arith.constant 0 : i32
        %dma_start3A_445 = tpu.memref_slice %arg8[%dma_start3A_443, %dma_start3A_444] : memref<10008x16xf32, #tpu.memory_space<hbm>> -> memref<10008x16xf32, #tpu.memory_space<hbm>>
        tpu.enqueue_indirect_dma source(%dma_start3A_445 : memref<10008x16xf32, #tpu.memory_space<hbm>>) target(%arg24 : memref<80x16xf32, #tpu.memory_space<vmem>>) offsets(%arg16 : memref<80xi32, #tpu.memory_space<vmem>>) semaphore(%arg39 : memref<!tpu.dma_semaphore, #tpu.memory_space<semaphore_mem>>)
      } else {
      }
      %lt3A_254 = arith.constant 250 : i32
      %lt3A_255 = arith.cmpi slt, %add3A_246, %lt3A_254 : i32
      %convert_element_type3A_256 = arith.extui %lt3A_255 : i1 to i32
      %cond3A_257 = arith.constant 0 : i32
      %cond3A_258 = arith.cmpi ne, %convert_element_type3A_256, %cond3A_257 : i32
      scf.if %cond3A_258 {
        %dma_wait3A_275 = arith.constant 0 : i32
        %dma_wait3A_276 = arith.constant 0 : i32
        %dma_wait3A_277 = tpu.memref_slice %arg13[%dma_wait3A_275, %dma_wait3A_276] : memref<4x80xi32, #tpu.memory_space<vmem>> -> memref<1x80xi32, #tpu.memory_space<vmem>>
        %dma_wait3A_278 = tpu.memref_squeeze %dma_wait3A_277 : memref<1x80xi32, #tpu.memory_space<vmem>> -> memref<80xi32, #tpu.memory_space<vmem>>
        %dma_wait3A_279 = arith.constant 0 : i32
        %dma_wait3A_280 = arith.constant 0 : i32
        %dma_wait3A_281 = tpu.memref_slice %arg4[%dma_wait3A_279, %dma_wait3A_280] : memref<20000x64xf32, #tpu.memory_space<hbm>> -> memref<20000x64xf32, #tpu.memory_space<hbm>>
        tpu.wait_indirect_dma semaphore(%arg38 : memref<!tpu.dma_semaphore, #tpu.memory_space<semaphore_mem>>) src(%dma_wait3A_281 : memref<20000x64xf32, #tpu.memory_space<hbm>>) dst(%arg25 : memref<80x64xf32, #tpu.memory_space<vmem>>)
        %dma_wait3A_282 = arith.constant 1 : i32
        %dma_wait3A_283 = arith.constant 0 : i32
        %dma_wait3A_284 = tpu.memref_slice %arg13[%dma_wait3A_282, %dma_wait3A_283] : memref<4x80xi32, #tpu.memory_space<vmem>> -> memref<1x80xi32, #tpu.memory_space<vmem>>
        %dma_wait3A_285 = tpu.memref_squeeze %dma_wait3A_284 : memref<1x80xi32, #tpu.memory_space<vmem>> -> memref<80xi32, #tpu.memory_space<vmem>>
        %dma_wait3A_286 = arith.constant 0 : i32
        %dma_wait3A_287 = arith.constant 0 : i32
        %dma_wait3A_288 = tpu.memref_slice %arg5[%dma_wait3A_286, %dma_wait3A_287] : memref<20016x64xf32, #tpu.memory_space<hbm>> -> memref<20016x64xf32, #tpu.memory_space<hbm>>
        tpu.wait_indirect_dma semaphore(%arg38 : memref<!tpu.dma_semaphore, #tpu.memory_space<semaphore_mem>>) src(%dma_wait3A_288 : memref<20016x64xf32, #tpu.memory_space<hbm>>) dst(%arg27 : memref<80x64xf32, #tpu.memory_space<vmem>>)
        %dma_wait3A_289 = arith.constant 0 : i32
        %dma_wait3A_290 = arith.constant 0 : i32
        %dma_wait3A_291 = tpu.memref_slice %arg13[%dma_wait3A_289, %dma_wait3A_290] : memref<4x80xi32, #tpu.memory_space<vmem>> -> memref<1x80xi32, #tpu.memory_space<vmem>>
        %dma_wait3A_292 = tpu.memref_squeeze %dma_wait3A_291 : memref<1x80xi32, #tpu.memory_space<vmem>> -> memref<80xi32, #tpu.memory_space<vmem>>
        %dma_wait3A_293 = arith.constant 0 : i32
        %dma_wait3A_294 = arith.constant 0 : i32
        %dma_wait3A_295 = tpu.memref_slice %arg6[%dma_wait3A_293, %dma_wait3A_294] : memref<20000x16xf32, #tpu.memory_space<hbm>> -> memref<20000x16xf32, #tpu.memory_space<hbm>>
        tpu.wait_indirect_dma semaphore(%arg38 : memref<!tpu.dma_semaphore, #tpu.memory_space<semaphore_mem>>) src(%dma_wait3A_295 : memref<20000x16xf32, #tpu.memory_space<hbm>>) dst(%arg19 : memref<80x16xf32, #tpu.memory_space<vmem>>)
        %dma_wait3A_296 = arith.constant 1 : i32
        %dma_wait3A_297 = arith.constant 0 : i32
        %dma_wait3A_298 = tpu.memref_slice %arg13[%dma_wait3A_296, %dma_wait3A_297] : memref<4x80xi32, #tpu.memory_space<vmem>> -> memref<1x80xi32, #tpu.memory_space<vmem>>
        %dma_wait3A_299 = tpu.memref_squeeze %dma_wait3A_298 : memref<1x80xi32, #tpu.memory_space<vmem>> -> memref<80xi32, #tpu.memory_space<vmem>>
        %dma_wait3A_300 = arith.constant 0 : i32
        %dma_wait3A_301 = arith.constant 0 : i32
        %dma_wait3A_302 = tpu.memref_slice %arg7[%dma_wait3A_300, %dma_wait3A_301] : memref<20016x16xf32, #tpu.memory_space<hbm>> -> memref<20016x16xf32, #tpu.memory_space<hbm>>
        tpu.wait_indirect_dma semaphore(%arg38 : memref<!tpu.dma_semaphore, #tpu.memory_space<semaphore_mem>>) src(%dma_wait3A_302 : memref<20016x16xf32, #tpu.memory_space<hbm>>) dst(%arg21 : memref<80x16xf32, #tpu.memory_space<vmem>>)
        %dma_wait3A_303 = arith.constant 0 : i32
        %dma_wait3A_304 = arith.constant 0 : i32
        %dma_wait3A_305 = tpu.memref_slice %arg8[%dma_wait3A_303, %dma_wait3A_304] : memref<10008x16xf32, #tpu.memory_space<hbm>> -> memref<10008x16xf32, #tpu.memory_space<hbm>>
        tpu.wait_indirect_dma semaphore(%arg38 : memref<!tpu.dma_semaphore, #tpu.memory_space<semaphore_mem>>) src(%dma_wait3A_305 : memref<10008x16xf32, #tpu.memory_space<hbm>>) dst(%arg23 : memref<80x16xf32, #tpu.memory_space<vmem>>)
        %get3A_306 = arith.constant 2 : i32
        %get3A_307 = arith.index_cast %get3A_306 : i32 to index
        %get3A_308 = arith.constant 0 : index
        %get3A_309 = tpu.vector_load %arg13[%get3A_307, %get3A_308] {strides = array<i32>} : memref<4x80xi32, #tpu.memory_space<vmem>>, vector<16xi32>,
        %swap3A_310 = arith.constant 0 : i32
        %swap3A_311 = arith.index_cast %swap3A_310 : i32 to index
        %swap3A_312 = arith.constant 0 : index
        %swap3A_313 = tpu.vector_load %arg17[%swap3A_311, %swap3A_312] {strides = array<i32>} : memref<1x80xi32, #tpu.memory_space<vmem>>, vector<16xi32>,
        tpu.vector_store %arg17[%swap3A_311, %swap3A_312], %get3A_309 {strides = array<i32>} : memref<1x80xi32, #tpu.memory_space<vmem>>, vector<16xi32>,
        %get3A_314 = arith.constant 2 : i32
        %get3A_315 = arith.index_cast %get3A_314 : i32 to index
        %get3A_316 = arith.constant 16 : index
        %get3A_317 = tpu.vector_load %arg13[%get3A_315, %get3A_316] {strides = array<i32>} : memref<4x80xi32, #tpu.memory_space<vmem>>, vector<16xi32>,
        %swap3A_318 = arith.constant 0 : i32
        %swap3A_319 = arith.index_cast %swap3A_318 : i32 to index
        %swap3A_320 = arith.constant 16 : index
        %swap3A_321 = tpu.vector_load %arg17[%swap3A_319, %swap3A_320] {strides = array<i32>} : memref<1x80xi32, #tpu.memory_space<vmem>>, vector<16xi32>,
        tpu.vector_store %arg17[%swap3A_319, %swap3A_320], %get3A_317 {strides = array<i32>} : memref<1x80xi32, #tpu.memory_space<vmem>>, vector<16xi32>,
        %get3A_322 = arith.constant 2 : i32
        %get3A_323 = arith.index_cast %get3A_322 : i32 to index
        %get3A_324 = arith.constant 32 : index
        %get3A_325 = tpu.vector_load %arg13[%get3A_323, %get3A_324] {strides = array<i32>} : memref<4x80xi32, #tpu.memory_space<vmem>>, vector<16xi32>,
        %swap3A_326 = arith.constant 0 : i32
        %swap3A_327 = arith.index_cast %swap3A_326 : i32 to index
        %swap3A_328 = arith.constant 32 : index
        %swap3A_329 = tpu.vector_load %arg17[%swap3A_327, %swap3A_328] {strides = array<i32>} : memref<1x80xi32, #tpu.memory_space<vmem>>, vector<16xi32>,
        tpu.vector_store %arg17[%swap3A_327, %swap3A_328], %get3A_325 {strides = array<i32>} : memref<1x80xi32, #tpu.memory_space<vmem>>, vector<16xi32>,
        %get3A_330 = arith.constant 2 : i32
        %get3A_331 = arith.index_cast %get3A_330 : i32 to index
        %get3A_332 = arith.constant 48 : index
        %get3A_333 = tpu.vector_load %arg13[%get3A_331, %get3A_332] {strides = array<i32>} : memref<4x80xi32, #tpu.memory_space<vmem>>, vector<16xi32>,
        %swap3A_334 = arith.constant 0 : i32
        %swap3A_335 = arith.index_cast %swap3A_334 : i32 to index
        %swap3A_336 = arith.constant 48 : index
        %swap3A_337 = tpu.vector_load %arg17[%swap3A_335, %swap3A_336] {strides = array<i32>} : memref<1x80xi32, #tpu.memory_space<vmem>>, vector<16xi32>,
        tpu.vector_store %arg17[%swap3A_335, %swap3A_336], %get3A_333 {strides = array<i32>} : memref<1x80xi32, #tpu.memory_space<vmem>>, vector<16xi32>,
        %get3A_338 = arith.constant 2 : i32
        %get3A_339 = arith.index_cast %get3A_338 : i32 to index
        %get3A_340 = arith.constant 64 : index
        %get3A_341 = tpu.vector_load %arg13[%get3A_339, %get3A_340] {strides = array<i32>} : memref<4x80xi32, #tpu.memory_space<vmem>>, vector<16xi32>,
        %swap3A_342 = arith.constant 0 : i32
        %swap3A_343 = arith.index_cast %swap3A_342 : i32 to index
        %swap3A_344 = arith.constant 64 : index
        %swap3A_345 = tpu.vector_load %arg17[%swap3A_343, %swap3A_344] {strides = array<i32>} : memref<1x80xi32, #tpu.memory_space<vmem>>, vector<16xi32>,
        tpu.vector_store %arg17[%swap3A_343, %swap3A_344], %get3A_341 {strides = array<i32>} : memref<1x80xi32, #tpu.memory_space<vmem>>, vector<16xi32>,
        %add3A_346 = arith.constant 2 : i32
        %add3A_347 = arith.addi %add3A_246, %add3A_346 : i32
        %lt3A_348 = arith.constant 250 : i32
        %lt3A_349 = arith.cmpi slt, %add3A_347, %lt3A_348 : i32
        %convert_element_type3A_350 = arith.extui %lt3A_349 : i1 to i32
        %cond3A_351 = arith.constant 0 : i32
        %cond3A_352 = arith.cmpi ne, %convert_element_type3A_350, %cond3A_351 : i32
        scf.if %cond3A_352 {
          %add3A_856 = arith.constant 2 : i32
          %add3A_857 = arith.addi %add3A_246, %add3A_856 : i32
          %mul3A_858 = arith.constant 250 : i32
          %mul3A_859 = arith.muli %arg1, %mul3A_858 : i32
          %add3A_860 = arith.addi %mul3A_859, %add3A_857 : i32
          %dma_start3A_861 = arith.constant 0 : i32
          %dma_start3A_862 = arith.constant 0 : i32
          %dma_start3A_863 = tpu.memref_slice %arg2[%add3A_860, %dma_start3A_861, %dma_start3A_862] : memref<4000x4x80xi32, #tpu.memory_space<hbm>> -> memref<1x4x80xi32, #tpu.memory_space<hbm>>
          %dma_start3A_864 = tpu.memref_squeeze %dma_start3A_863 : memref<1x4x80xi32, #tpu.memory_space<hbm>> -> memref<4x80xi32, #tpu.memory_space<hbm>>
          %dma_start3A_865 = arith.constant 0 : i32
          %dma_start3A_866 = arith.constant 0 : i32
          %dma_start3A_867 = tpu.memref_slice %arg2[%add3A_860, %dma_start3A_865, %dma_start3A_866] : memref<4000x4x80xi32, #tpu.memory_space<hbm>> -> memref<1x4x80xi32, #tpu.memory_space<hbm>>
          %dma_start3A_868 = tpu.memref_squeeze %dma_start3A_867 : memref<1x4x80xi32, #tpu.memory_space<hbm>> -> memref<4x80xi32, #tpu.memory_space<hbm>>
          tpu.enqueue_dma source(%dma_start3A_868 : memref<4x80xi32, #tpu.memory_space<hbm>>) target(%arg13 : memref<4x80xi32, #tpu.memory_space<vmem>>) target_semaphore(%arg36 : memref<!tpu.dma_semaphore, #tpu.memory_space<semaphore_mem>>)
        } else {
        }
        %add3A_353 = arith.constant 0 : i32
        %add3A_354 = vector.broadcast %add3A_353 : i32 to vector<16xi32>
        %add3A_355 = arith.addi %iota3A, %add3A_354 : vector<16xi32>
        %broadcast_in_dim3A_356 = arith.constant 0 : i32
        %broadcast_in_dim3A_357 = vector.broadcast %broadcast_in_dim3A_356 : i32 to vector<16xi32>
        %gather3A_358 = tpu.vector_load_idx %arg19[%add3A_355, %broadcast_in_dim3A_357] : memref<80x16xf32, #tpu.memory_space<vmem>>[vector<16xi32>, vector<16xi32>], vector<16xf32>,
        %gather3A_359 = tpu.vector_load_idx %arg21[%add3A_355, %broadcast_in_dim3A_357] : memref<80x16xf32, #tpu.memory_space<vmem>>[vector<16xi32>, vector<16xi32>], vector<16xf32>,
        %add3A_360 = arith.addf %gather3A_358, %gather3A_359 : vector<16xf32>
        %gather3A_361 = tpu.vector_load_idx %arg23[%add3A_355, %broadcast_in_dim3A_357] : memref<80x16xf32, #tpu.memory_space<vmem>>[vector<16xi32>, vector<16xi32>], vector<16xf32>,
        %add3A_362 = arith.addf %add3A_360, %gather3A_361 : vector<16xf32>
        %max3A = arith.constant 0.000000e+00 : f32
        %max3A_363 = vector.broadcast %max3A : f32 to vector<16xf32>
        %max3A_364 = arith.maximumf %add3A_362, %max3A_363 : vector<16xf32>
        %get3A_365 = arith.constant 0 : i32
        %get3A_366 = arith.index_cast %get3A_365 : i32 to index
        %get3A_367 = arith.constant 0 : index
        %get3A_368 = tpu.vector_load %arg33[%get3A_366, %get3A_367] {strides = array<i32>} : memref<6x16xf32, #tpu.memory_space<vmem>>, vector<16xf32>,
        %mul3A_369 = arith.mulf %max3A_364, %get3A_368 : vector<16xf32>
        %broadcast_in_dim3A_370 = arith.constant 1 : i32
        %broadcast_in_dim3A_371 = vector.broadcast %broadcast_in_dim3A_370 : i32 to vector<16xi32>
        %gather3A_372 = tpu.vector_load_idx %arg19[%add3A_355, %broadcast_in_dim3A_371] : memref<80x16xf32, #tpu.memory_space<vmem>>[vector<16xi32>, vector<16xi32>], vector<16xf32>,
        %gather3A_373 = tpu.vector_load_idx %arg21[%add3A_355, %broadcast_in_dim3A_371] : memref<80x16xf32, #tpu.memory_space<vmem>>[vector<16xi32>, vector<16xi32>], vector<16xf32>,
        %add3A_374 = arith.addf %gather3A_372, %gather3A_373 : vector<16xf32>
        %gather3A_375 = tpu.vector_load_idx %arg23[%add3A_355, %broadcast_in_dim3A_371] : memref<80x16xf32, #tpu.memory_space<vmem>>[vector<16xi32>, vector<16xi32>], vector<16xf32>,
        %add3A_376 = arith.addf %add3A_374, %gather3A_375 : vector<16xf32>
        %max3A_377 = arith.constant 0.000000e+00 : f32
        %max3A_378 = vector.broadcast %max3A_377 : f32 to vector<16xf32>
        %max3A_379 = arith.maximumf %add3A_376, %max3A_378 : vector<16xf32>
        %get3A_380 = arith.constant 1 : i32
        %get3A_381 = arith.index_cast %get3A_380 : i32 to index
        %get3A_382 = arith.constant 0 : index
        %get3A_383 = tpu.vector_load %arg33[%get3A_381, %get3A_382] {strides = array<i32>} : memref<6x16xf32, #tpu.memory_space<vmem>>, vector<16xf32>,
        %mul3A_384 = arith.mulf %max3A_379, %get3A_383 : vector<16xf32>
        %add3A_385 = arith.addf %mul3A_369, %mul3A_384 : vector<16xf32>
        %broadcast_in_dim3A_386 = arith.constant 2 : i32
        %broadcast_in_dim3A_387 = vector.broadcast %broadcast_in_dim3A_386 : i32 to vector<16xi32>
        %gather3A_388 = tpu.vector_load_idx %arg19[%add3A_355, %broadcast_in_dim3A_387] : memref<80x16xf32, #tpu.memory_space<vmem>>[vector<16xi32>, vector<16xi32>], vector<16xf32>,
        %gather3A_389 = tpu.vector_load_idx %arg21[%add3A_355, %broadcast_in_dim3A_387] : memref<80x16xf32, #tpu.memory_space<vmem>>[vector<16xi32>, vector<16xi32>], vector<16xf32>,
        %add3A_390 = arith.addf %gather3A_388, %gather3A_389 : vector<16xf32>
        %gather3A_391 = tpu.vector_load_idx %arg23[%add3A_355, %broadcast_in_dim3A_387] : memref<80x16xf32, #tpu.memory_space<vmem>>[vector<16xi32>, vector<16xi32>], vector<16xf32>,
        %add3A_392 = arith.addf %add3A_390, %gather3A_391 : vector<16xf32>
        %max3A_393 = arith.constant 0.000000e+00 : f32
        %max3A_394 = vector.broadcast %max3A_393 : f32 to vector<16xf32>
        %max3A_395 = arith.maximumf %add3A_392, %max3A_394 : vector<16xf32>
        %get3A_396 = arith.constant 2 : i32
        %get3A_397 = arith.index_cast %get3A_396 : i32 to index
        %get3A_398 = arith.constant 0 : index
        %get3A_399 = tpu.vector_load %arg33[%get3A_397, %get3A_398] {strides = array<i32>} : memref<6x16xf32, #tpu.memory_space<vmem>>, vector<16xf32>,
        %mul3A_400 = arith.mulf %max3A_395, %get3A_399 : vector<16xf32>
        %add3A_401 = arith.addf %add3A_385, %mul3A_400 : vector<16xf32>
        %broadcast_in_dim3A_402 = arith.constant 3 : i32
        %broadcast_in_dim3A_403 = vector.broadcast %broadcast_in_dim3A_402 : i32 to vector<16xi32>
        %gather3A_404 = tpu.vector_load_idx %arg19[%add3A_355, %broadcast_in_dim3A_403] : memref<80x16xf32, #tpu.memory_space<vmem>>[vector<16xi32>, vector<16xi32>], vector<16xf32>,
        %gather3A_405 = tpu.vector_load_idx %arg21[%add3A_355, %broadcast_in_dim3A_403] : memref<80x16xf32, #tpu.memory_space<vmem>>[vector<16xi32>, vector<16xi32>], vector<16xf32>,
        %add3A_406 = arith.addf %gather3A_404, %gather3A_405 : vector<16xf32>
        %gather3A_407 = tpu.vector_load_idx %arg23[%add3A_355, %broadcast_in_dim3A_403] : memref<80x16xf32, #tpu.memory_space<vmem>>[vector<16xi32>, vector<16xi32>], vector<16xf32>,
        %add3A_408 = arith.addf %add3A_406, %gather3A_407 : vector<16xf32>
        %max3A_409 = arith.constant 0.000000e+00 : f32
        %max3A_410 = vector.broadcast %max3A_409 : f32 to vector<16xf32>
        %max3A_411 = arith.maximumf %add3A_408, %max3A_410 : vector<16xf32>
        %get3A_412 = arith.constant 3 : i32
        %get3A_413 = arith.index_cast %get3A_412 : i32 to index
        %get3A_414 = arith.constant 0 : index
        %get3A_415 = tpu.vector_load %arg33[%get3A_413, %get3A_414] {strides = array<i32>} : memref<6x16xf32, #tpu.memory_space<vmem>>, vector<16xf32>,
        %mul3A_416 = arith.mulf %max3A_411, %get3A_415 : vector<16xf32>
        %add3A_417 = arith.addf %add3A_401, %mul3A_416 : vector<16xf32>
        %broadcast_in_dim3A_418 = arith.constant 4 : i32
        %broadcast_in_dim3A_419 = vector.broadcast %broadcast_in_dim3A_418 : i32 to vector<16xi32>
        %gather3A_420 = tpu.vector_load_idx %arg19[%add3A_355, %broadcast_in_dim3A_419] : memref<80x16xf32, #tpu.memory_space<vmem>>[vector<16xi32>, vector<16xi32>], vector<16xf32>,
        %gather3A_421 = tpu.vector_load_idx %arg21[%add3A_355, %broadcast_in_dim3A_419] : memref<80x16xf32, #tpu.memory_space<vmem>>[vector<16xi32>, vector<16xi32>], vector<16xf32>,
        %add3A_422 = arith.addf %gather3A_420, %gather3A_421 : vector<16xf32>
        %gather3A_423 = tpu.vector_load_idx %arg23[%add3A_355, %broadcast_in_dim3A_419] : memref<80x16xf32, #tpu.memory_space<vmem>>[vector<16xi32>, vector<16xi32>], vector<16xf32>,
        %add3A_424 = arith.addf %add3A_422, %gather3A_423 : vector<16xf32>
        %max3A_425 = arith.constant 0.000000e+00 : f32
        %max3A_426 = vector.broadcast %max3A_425 : f32 to vector<16xf32>
        %max3A_427 = arith.maximumf %add3A_424, %max3A_426 : vector<16xf32>
        %get3A_428 = arith.constant 4 : i32
        %get3A_429 = arith.index_cast %get3A_428 : i32 to index
        %get3A_430 = arith.constant 0 : index
        %get3A_431 = tpu.vector_load %arg33[%get3A_429, %get3A_430] {strides = array<i32>} : memref<6x16xf32, #tpu.memory_space<vmem>>, vector<16xf32>,
        %mul3A_432 = arith.mulf %max3A_427, %get3A_431 : vector<16xf32>
        %add3A_433 = arith.addf %add3A_417, %mul3A_432 : vector<16xf32>
        %get3A_434 = arith.constant 5 : i32
        %get3A_435 = arith.index_cast %get3A_434 : i32 to index
        %get3A_436 = arith.constant 0 : index
        %get3A_437 = tpu.vector_load %arg33[%get3A_435, %get3A_436] {strides = array<i32>} : memref<6x16xf32, #tpu.memory_space<vmem>>, vector<16xf32>,
        %add3A_438 = arith.addf %add3A_433, %get3A_437 : vector<16xf32>
        %neg3A = arith.constant 0.000000e+00 : f32
        %neg3A_439 = vector.broadcast %neg3A : f32 to vector<16xf32>
        %neg3A_440 = arith.subf %neg3A_439, %add3A_438 : vector<16xf32>
        %exp3A = math.exp %neg3A_440 : vector<16xf32>
        %add3A_441 = arith.constant 1.000000e+00 : f32
        %add3A_442 = vector.broadcast %add3A_441 : f32 to vector<16xf32>
        %add3A_443 = arith.addf %add3A_442, %exp3A : vector<16xf32>
        %div3A = arith.constant 1.000000e+00 : f32
        %div3A_444 = vector.broadcast %div3A : f32 to vector<16xf32>
        %div3A_445 = arith.divf %div3A_444, %add3A_443 : vector<16xf32>
        %swap3A_446 = arith.constant 0 : index
        %swap3A_447 = tpu.vector_load %arg31[%swap3A_446] {strides = array<i32>} : memref<80xf32, #tpu.memory_space<vmem>>, vector<16xf32>,
        tpu.vector_store %arg31[%swap3A_446], %div3A_445 {strides = array<i32>} : memref<80xf32, #tpu.memory_space<vmem>>, vector<16xf32>,
        %add3A_448 = arith.constant 16 : i32
        %add3A_449 = vector.broadcast %add3A_448 : i32 to vector<16xi32>
        %add3A_450 = arith.addi %iota3A, %add3A_449 : vector<16xi32>
        %broadcast_in_dim3A_451 = arith.constant 0 : i32
        %broadcast_in_dim3A_452 = vector.broadcast %broadcast_in_dim3A_451 : i32 to vector<16xi32>
        %gather3A_453 = tpu.vector_load_idx %arg19[%add3A_450, %broadcast_in_dim3A_452] : memref<80x16xf32, #tpu.memory_space<vmem>>[vector<16xi32>, vector<16xi32>], vector<16xf32>,
        %gather3A_454 = tpu.vector_load_idx %arg21[%add3A_450, %broadcast_in_dim3A_452] : memref<80x16xf32, #tpu.memory_space<vmem>>[vector<16xi32>, vector<16xi32>], vector<16xf32>,
        %add3A_455 = arith.addf %gather3A_453, %gather3A_454 : vector<16xf32>
        %gather3A_456 = tpu.vector_load_idx %arg23[%add3A_450, %broadcast_in_dim3A_452] : memref<80x16xf32, #tpu.memory_space<vmem>>[vector<16xi32>, vector<16xi32>], vector<16xf32>,
        %add3A_457 = arith.addf %add3A_455, %gather3A_456 : vector<16xf32>
        %max3A_458 = arith.constant 0.000000e+00 : f32
        %max3A_459 = vector.broadcast %max3A_458 : f32 to vector<16xf32>
        %max3A_460 = arith.maximumf %add3A_457, %max3A_459 : vector<16xf32>
        %get3A_461 = arith.constant 0 : i32
        %get3A_462 = arith.index_cast %get3A_461 : i32 to index
        %get3A_463 = arith.constant 0 : index
        %get3A_464 = tpu.vector_load %arg33[%get3A_462, %get3A_463] {strides = array<i32>} : memref<6x16xf32, #tpu.memory_space<vmem>>, vector<16xf32>,
        %mul3A_465 = arith.mulf %max3A_460, %get3A_464 : vector<16xf32>
        %broadcast_in_dim3A_466 = arith.constant 1 : i32
        %broadcast_in_dim3A_467 = vector.broadcast %broadcast_in_dim3A_466 : i32 to vector<16xi32>
        %gather3A_468 = tpu.vector_load_idx %arg19[%add3A_450, %broadcast_in_dim3A_467] : memref<80x16xf32, #tpu.memory_space<vmem>>[vector<16xi32>, vector<16xi32>], vector<16xf32>,
        %gather3A_469 = tpu.vector_load_idx %arg21[%add3A_450, %broadcast_in_dim3A_467] : memref<80x16xf32, #tpu.memory_space<vmem>>[vector<16xi32>, vector<16xi32>], vector<16xf32>,
        %add3A_470 = arith.addf %gather3A_468, %gather3A_469 : vector<16xf32>
        %gather3A_471 = tpu.vector_load_idx %arg23[%add3A_450, %broadcast_in_dim3A_467] : memref<80x16xf32, #tpu.memory_space<vmem>>[vector<16xi32>, vector<16xi32>], vector<16xf32>,
        %add3A_472 = arith.addf %add3A_470, %gather3A_471 : vector<16xf32>
        %max3A_473 = arith.constant 0.000000e+00 : f32
        %max3A_474 = vector.broadcast %max3A_473 : f32 to vector<16xf32>
        %max3A_475 = arith.maximumf %add3A_472, %max3A_474 : vector<16xf32>
        %get3A_476 = arith.constant 1 : i32
        %get3A_477 = arith.index_cast %get3A_476 : i32 to index
        %get3A_478 = arith.constant 0 : index
        %get3A_479 = tpu.vector_load %arg33[%get3A_477, %get3A_478] {strides = array<i32>} : memref<6x16xf32, #tpu.memory_space<vmem>>, vector<16xf32>,
        %mul3A_480 = arith.mulf %max3A_475, %get3A_479 : vector<16xf32>
        %add3A_481 = arith.addf %mul3A_465, %mul3A_480 : vector<16xf32>
        %broadcast_in_dim3A_482 = arith.constant 2 : i32
        %broadcast_in_dim3A_483 = vector.broadcast %broadcast_in_dim3A_482 : i32 to vector<16xi32>
        %gather3A_484 = tpu.vector_load_idx %arg19[%add3A_450, %broadcast_in_dim3A_483] : memref<80x16xf32, #tpu.memory_space<vmem>>[vector<16xi32>, vector<16xi32>], vector<16xf32>,
        %gather3A_485 = tpu.vector_load_idx %arg21[%add3A_450, %broadcast_in_dim3A_483] : memref<80x16xf32, #tpu.memory_space<vmem>>[vector<16xi32>, vector<16xi32>], vector<16xf32>,
        %add3A_486 = arith.addf %gather3A_484, %gather3A_485 : vector<16xf32>
        %gather3A_487 = tpu.vector_load_idx %arg23[%add3A_450, %broadcast_in_dim3A_483] : memref<80x16xf32, #tpu.memory_space<vmem>>[vector<16xi32>, vector<16xi32>], vector<16xf32>,
        %add3A_488 = arith.addf %add3A_486, %gather3A_487 : vector<16xf32>
        %max3A_489 = arith.constant 0.000000e+00 : f32
        %max3A_490 = vector.broadcast %max3A_489 : f32 to vector<16xf32>
        %max3A_491 = arith.maximumf %add3A_488, %max3A_490 : vector<16xf32>
        %get3A_492 = arith.constant 2 : i32
        %get3A_493 = arith.index_cast %get3A_492 : i32 to index
        %get3A_494 = arith.constant 0 : index
        %get3A_495 = tpu.vector_load %arg33[%get3A_493, %get3A_494] {strides = array<i32>} : memref<6x16xf32, #tpu.memory_space<vmem>>, vector<16xf32>,
        %mul3A_496 = arith.mulf %max3A_491, %get3A_495 : vector<16xf32>
        %add3A_497 = arith.addf %add3A_481, %mul3A_496 : vector<16xf32>
        %broadcast_in_dim3A_498 = arith.constant 3 : i32
        %broadcast_in_dim3A_499 = vector.broadcast %broadcast_in_dim3A_498 : i32 to vector<16xi32>
        %gather3A_500 = tpu.vector_load_idx %arg19[%add3A_450, %broadcast_in_dim3A_499] : memref<80x16xf32, #tpu.memory_space<vmem>>[vector<16xi32>, vector<16xi32>], vector<16xf32>,
        %gather3A_501 = tpu.vector_load_idx %arg21[%add3A_450, %broadcast_in_dim3A_499] : memref<80x16xf32, #tpu.memory_space<vmem>>[vector<16xi32>, vector<16xi32>], vector<16xf32>,
        %add3A_502 = arith.addf %gather3A_500, %gather3A_501 : vector<16xf32>
        %gather3A_503 = tpu.vector_load_idx %arg23[%add3A_450, %broadcast_in_dim3A_499] : memref<80x16xf32, #tpu.memory_space<vmem>>[vector<16xi32>, vector<16xi32>], vector<16xf32>,
        %add3A_504 = arith.addf %add3A_502, %gather3A_503 : vector<16xf32>
        %max3A_505 = arith.constant 0.000000e+00 : f32
        %max3A_506 = vector.broadcast %max3A_505 : f32 to vector<16xf32>
        %max3A_507 = arith.maximumf %add3A_504, %max3A_506 : vector<16xf32>
        %get3A_508 = arith.constant 3 : i32
        %get3A_509 = arith.index_cast %get3A_508 : i32 to index
        %get3A_510 = arith.constant 0 : index
        %get3A_511 = tpu.vector_load %arg33[%get3A_509, %get3A_510] {strides = array<i32>} : memref<6x16xf32, #tpu.memory_space<vmem>>, vector<16xf32>,
        %mul3A_512 = arith.mulf %max3A_507, %get3A_511 : vector<16xf32>
        %add3A_513 = arith.addf %add3A_497, %mul3A_512 : vector<16xf32>
        %broadcast_in_dim3A_514 = arith.constant 4 : i32
        %broadcast_in_dim3A_515 = vector.broadcast %broadcast_in_dim3A_514 : i32 to vector<16xi32>
        %gather3A_516 = tpu.vector_load_idx %arg19[%add3A_450, %broadcast_in_dim3A_515] : memref<80x16xf32, #tpu.memory_space<vmem>>[vector<16xi32>, vector<16xi32>], vector<16xf32>,
        %gather3A_517 = tpu.vector_load_idx %arg21[%add3A_450, %broadcast_in_dim3A_515] : memref<80x16xf32, #tpu.memory_space<vmem>>[vector<16xi32>, vector<16xi32>], vector<16xf32>,
        %add3A_518 = arith.addf %gather3A_516, %gather3A_517 : vector<16xf32>
        %gather3A_519 = tpu.vector_load_idx %arg23[%add3A_450, %broadcast_in_dim3A_515] : memref<80x16xf32, #tpu.memory_space<vmem>>[vector<16xi32>, vector<16xi32>], vector<16xf32>,
        %add3A_520 = arith.addf %add3A_518, %gather3A_519 : vector<16xf32>
        %max3A_521 = arith.constant 0.000000e+00 : f32
        %max3A_522 = vector.broadcast %max3A_521 : f32 to vector<16xf32>
        %max3A_523 = arith.maximumf %add3A_520, %max3A_522 : vector<16xf32>
        %get3A_524 = arith.constant 4 : i32
        %get3A_525 = arith.index_cast %get3A_524 : i32 to index
        %get3A_526 = arith.constant 0 : index
        %get3A_527 = tpu.vector_load %arg33[%get3A_525, %get3A_526] {strides = array<i32>} : memref<6x16xf32, #tpu.memory_space<vmem>>, vector<16xf32>,
        %mul3A_528 = arith.mulf %max3A_523, %get3A_527 : vector<16xf32>
        %add3A_529 = arith.addf %add3A_513, %mul3A_528 : vector<16xf32>
        %get3A_530 = arith.constant 5 : i32
        %get3A_531 = arith.index_cast %get3A_530 : i32 to index
        %get3A_532 = arith.constant 0 : index
        %get3A_533 = tpu.vector_load %arg33[%get3A_531, %get3A_532] {strides = array<i32>} : memref<6x16xf32, #tpu.memory_space<vmem>>, vector<16xf32>,
        %add3A_534 = arith.addf %add3A_529, %get3A_533 : vector<16xf32>
        %neg3A_535 = arith.constant 0.000000e+00 : f32
        %neg3A_536 = vector.broadcast %neg3A_535 : f32 to vector<16xf32>
        %neg3A_537 = arith.subf %neg3A_536, %add3A_534 : vector<16xf32>
        %exp3A_538 = math.exp %neg3A_537 : vector<16xf32>
        %add3A_539 = arith.constant 1.000000e+00 : f32
        %add3A_540 = vector.broadcast %add3A_539 : f32 to vector<16xf32>
        %add3A_541 = arith.addf %add3A_540, %exp3A_538 : vector<16xf32>
        %div3A_542 = arith.constant 1.000000e+00 : f32
        %div3A_543 = vector.broadcast %div3A_542 : f32 to vector<16xf32>
        %div3A_544 = arith.divf %div3A_543, %add3A_541 : vector<16xf32>
        %swap3A_545 = arith.constant 16 : index
        %swap3A_546 = tpu.vector_load %arg31[%swap3A_545] {strides = array<i32>} : memref<80xf32, #tpu.memory_space<vmem>>, vector<16xf32>,
        tpu.vector_store %arg31[%swap3A_545], %div3A_544 {strides = array<i32>} : memref<80xf32, #tpu.memory_space<vmem>>, vector<16xf32>,
        %add3A_547 = arith.constant 32 : i32
        %add3A_548 = vector.broadcast %add3A_547 : i32 to vector<16xi32>
        %add3A_549 = arith.addi %iota3A, %add3A_548 : vector<16xi32>
        %broadcast_in_dim3A_550 = arith.constant 0 : i32
        %broadcast_in_dim3A_551 = vector.broadcast %broadcast_in_dim3A_550 : i32 to vector<16xi32>
        %gather3A_552 = tpu.vector_load_idx %arg19[%add3A_549, %broadcast_in_dim3A_551] : memref<80x16xf32, #tpu.memory_space<vmem>>[vector<16xi32>, vector<16xi32>], vector<16xf32>,
        %gather3A_553 = tpu.vector_load_idx %arg21[%add3A_549, %broadcast_in_dim3A_551] : memref<80x16xf32, #tpu.memory_space<vmem>>[vector<16xi32>, vector<16xi32>], vector<16xf32>,
        %add3A_554 = arith.addf %gather3A_552, %gather3A_553 : vector<16xf32>
        %gather3A_555 = tpu.vector_load_idx %arg23[%add3A_549, %broadcast_in_dim3A_551] : memref<80x16xf32, #tpu.memory_space<vmem>>[vector<16xi32>, vector<16xi32>], vector<16xf32>,
        %add3A_556 = arith.addf %add3A_554, %gather3A_555 : vector<16xf32>
        %max3A_557 = arith.constant 0.000000e+00 : f32
        %max3A_558 = vector.broadcast %max3A_557 : f32 to vector<16xf32>
        %max3A_559 = arith.maximumf %add3A_556, %max3A_558 : vector<16xf32>
        %get3A_560 = arith.constant 0 : i32
        %get3A_561 = arith.index_cast %get3A_560 : i32 to index
        %get3A_562 = arith.constant 0 : index
        %get3A_563 = tpu.vector_load %arg33[%get3A_561, %get3A_562] {strides = array<i32>} : memref<6x16xf32, #tpu.memory_space<vmem>>, vector<16xf32>,
        %mul3A_564 = arith.mulf %max3A_559, %get3A_563 : vector<16xf32>
        %broadcast_in_dim3A_565 = arith.constant 1 : i32
        %broadcast_in_dim3A_566 = vector.broadcast %broadcast_in_dim3A_565 : i32 to vector<16xi32>
        %gather3A_567 = tpu.vector_load_idx %arg19[%add3A_549, %broadcast_in_dim3A_566] : memref<80x16xf32, #tpu.memory_space<vmem>>[vector<16xi32>, vector<16xi32>], vector<16xf32>,
        %gather3A_568 = tpu.vector_load_idx %arg21[%add3A_549, %broadcast_in_dim3A_566] : memref<80x16xf32, #tpu.memory_space<vmem>>[vector<16xi32>, vector<16xi32>], vector<16xf32>,
        %add3A_569 = arith.addf %gather3A_567, %gather3A_568 : vector<16xf32>
        %gather3A_570 = tpu.vector_load_idx %arg23[%add3A_549, %broadcast_in_dim3A_566] : memref<80x16xf32, #tpu.memory_space<vmem>>[vector<16xi32>, vector<16xi32>], vector<16xf32>,
        %add3A_571 = arith.addf %add3A_569, %gather3A_570 : vector<16xf32>
        %max3A_572 = arith.constant 0.000000e+00 : f32
        %max3A_573 = vector.broadcast %max3A_572 : f32 to vector<16xf32>
        %max3A_574 = arith.maximumf %add3A_571, %max3A_573 : vector<16xf32>
        %get3A_575 = arith.constant 1 : i32
        %get3A_576 = arith.index_cast %get3A_575 : i32 to index
        %get3A_577 = arith.constant 0 : index
        %get3A_578 = tpu.vector_load %arg33[%get3A_576, %get3A_577] {strides = array<i32>} : memref<6x16xf32, #tpu.memory_space<vmem>>, vector<16xf32>,
        %mul3A_579 = arith.mulf %max3A_574, %get3A_578 : vector<16xf32>
        %add3A_580 = arith.addf %mul3A_564, %mul3A_579 : vector<16xf32>
        %broadcast_in_dim3A_581 = arith.constant 2 : i32
        %broadcast_in_dim3A_582 = vector.broadcast %broadcast_in_dim3A_581 : i32 to vector<16xi32>
        %gather3A_583 = tpu.vector_load_idx %arg19[%add3A_549, %broadcast_in_dim3A_582] : memref<80x16xf32, #tpu.memory_space<vmem>>[vector<16xi32>, vector<16xi32>], vector<16xf32>,
        %gather3A_584 = tpu.vector_load_idx %arg21[%add3A_549, %broadcast_in_dim3A_582] : memref<80x16xf32, #tpu.memory_space<vmem>>[vector<16xi32>, vector<16xi32>], vector<16xf32>,
        %add3A_585 = arith.addf %gather3A_583, %gather3A_584 : vector<16xf32>
        %gather3A_586 = tpu.vector_load_idx %arg23[%add3A_549, %broadcast_in_dim3A_582] : memref<80x16xf32, #tpu.memory_space<vmem>>[vector<16xi32>, vector<16xi32>], vector<16xf32>,
        %add3A_587 = arith.addf %add3A_585, %gather3A_586 : vector<16xf32>
        %max3A_588 = arith.constant 0.000000e+00 : f32
        %max3A_589 = vector.broadcast %max3A_588 : f32 to vector<16xf32>
        %max3A_590 = arith.maximumf %add3A_587, %max3A_589 : vector<16xf32>
        %get3A_591 = arith.constant 2 : i32
        %get3A_592 = arith.index_cast %get3A_591 : i32 to index
        %get3A_593 = arith.constant 0 : index
        %get3A_594 = tpu.vector_load %arg33[%get3A_592, %get3A_593] {strides = array<i32>} : memref<6x16xf32, #tpu.memory_space<vmem>>, vector<16xf32>,
        %mul3A_595 = arith.mulf %max3A_590, %get3A_594 : vector<16xf32>
        %add3A_596 = arith.addf %add3A_580, %mul3A_595 : vector<16xf32>
        %broadcast_in_dim3A_597 = arith.constant 3 : i32
        %broadcast_in_dim3A_598 = vector.broadcast %broadcast_in_dim3A_597 : i32 to vector<16xi32>
        %gather3A_599 = tpu.vector_load_idx %arg19[%add3A_549, %broadcast_in_dim3A_598] : memref<80x16xf32, #tpu.memory_space<vmem>>[vector<16xi32>, vector<16xi32>], vector<16xf32>,
        %gather3A_600 = tpu.vector_load_idx %arg21[%add3A_549, %broadcast_in_dim3A_598] : memref<80x16xf32, #tpu.memory_space<vmem>>[vector<16xi32>, vector<16xi32>], vector<16xf32>,
        %add3A_601 = arith.addf %gather3A_599, %gather3A_600 : vector<16xf32>
        %gather3A_602 = tpu.vector_load_idx %arg23[%add3A_549, %broadcast_in_dim3A_598] : memref<80x16xf32, #tpu.memory_space<vmem>>[vector<16xi32>, vector<16xi32>], vector<16xf32>,
        %add3A_603 = arith.addf %add3A_601, %gather3A_602 : vector<16xf32>
        %max3A_604 = arith.constant 0.000000e+00 : f32
        %max3A_605 = vector.broadcast %max3A_604 : f32 to vector<16xf32>
        %max3A_606 = arith.maximumf %add3A_603, %max3A_605 : vector<16xf32>
        %get3A_607 = arith.constant 3 : i32
        %get3A_608 = arith.index_cast %get3A_607 : i32 to index
        %get3A_609 = arith.constant 0 : index
        %get3A_610 = tpu.vector_load %arg33[%get3A_608, %get3A_609] {strides = array<i32>} : memref<6x16xf32, #tpu.memory_space<vmem>>, vector<16xf32>,
        %mul3A_611 = arith.mulf %max3A_606, %get3A_610 : vector<16xf32>
        %add3A_612 = arith.addf %add3A_596, %mul3A_611 : vector<16xf32>
        %broadcast_in_dim3A_613 = arith.constant 4 : i32
        %broadcast_in_dim3A_614 = vector.broadcast %broadcast_in_dim3A_613 : i32 to vector<16xi32>
        %gather3A_615 = tpu.vector_load_idx %arg19[%add3A_549, %broadcast_in_dim3A_614] : memref<80x16xf32, #tpu.memory_space<vmem>>[vector<16xi32>, vector<16xi32>], vector<16xf32>,
        %gather3A_616 = tpu.vector_load_idx %arg21[%add3A_549, %broadcast_in_dim3A_614] : memref<80x16xf32, #tpu.memory_space<vmem>>[vector<16xi32>, vector<16xi32>], vector<16xf32>,
        %add3A_617 = arith.addf %gather3A_615, %gather3A_616 : vector<16xf32>
        %gather3A_618 = tpu.vector_load_idx %arg23[%add3A_549, %broadcast_in_dim3A_614] : memref<80x16xf32, #tpu.memory_space<vmem>>[vector<16xi32>, vector<16xi32>], vector<16xf32>,
        %add3A_619 = arith.addf %add3A_617, %gather3A_618 : vector<16xf32>
        %max3A_620 = arith.constant 0.000000e+00 : f32
        %max3A_621 = vector.broadcast %max3A_620 : f32 to vector<16xf32>
        %max3A_622 = arith.maximumf %add3A_619, %max3A_621 : vector<16xf32>
        %get3A_623 = arith.constant 4 : i32
        %get3A_624 = arith.index_cast %get3A_623 : i32 to index
        %get3A_625 = arith.constant 0 : index
        %get3A_626 = tpu.vector_load %arg33[%get3A_624, %get3A_625] {strides = array<i32>} : memref<6x16xf32, #tpu.memory_space<vmem>>, vector<16xf32>,
        %mul3A_627 = arith.mulf %max3A_622, %get3A_626 : vector<16xf32>
        %add3A_628 = arith.addf %add3A_612, %mul3A_627 : vector<16xf32>
        %get3A_629 = arith.constant 5 : i32
        %get3A_630 = arith.index_cast %get3A_629 : i32 to index
        %get3A_631 = arith.constant 0 : index
        %get3A_632 = tpu.vector_load %arg33[%get3A_630, %get3A_631] {strides = array<i32>} : memref<6x16xf32, #tpu.memory_space<vmem>>, vector<16xf32>,
        %add3A_633 = arith.addf %add3A_628, %get3A_632 : vector<16xf32>
        %neg3A_634 = arith.constant 0.000000e+00 : f32
        %neg3A_635 = vector.broadcast %neg3A_634 : f32 to vector<16xf32>
        %neg3A_636 = arith.subf %neg3A_635, %add3A_633 : vector<16xf32>
        %exp3A_637 = math.exp %neg3A_636 : vector<16xf32>
        %add3A_638 = arith.constant 1.000000e+00 : f32
        %add3A_639 = vector.broadcast %add3A_638 : f32 to vector<16xf32>
        %add3A_640 = arith.addf %add3A_639, %exp3A_637 : vector<16xf32>
        %div3A_641 = arith.constant 1.000000e+00 : f32
        %div3A_642 = vector.broadcast %div3A_641 : f32 to vector<16xf32>
        %div3A_643 = arith.divf %div3A_642, %add3A_640 : vector<16xf32>
        %swap3A_644 = arith.constant 32 : index
        %swap3A_645 = tpu.vector_load %arg31[%swap3A_644] {strides = array<i32>} : memref<80xf32, #tpu.memory_space<vmem>>, vector<16xf32>,
        tpu.vector_store %arg31[%swap3A_644], %div3A_643 {strides = array<i32>} : memref<80xf32, #tpu.memory_space<vmem>>, vector<16xf32>,
        %add3A_646 = arith.constant 48 : i32
        %add3A_647 = vector.broadcast %add3A_646 : i32 to vector<16xi32>
        %add3A_648 = arith.addi %iota3A, %add3A_647 : vector<16xi32>
        %broadcast_in_dim3A_649 = arith.constant 0 : i32
        %broadcast_in_dim3A_650 = vector.broadcast %broadcast_in_dim3A_649 : i32 to vector<16xi32>
        %gather3A_651 = tpu.vector_load_idx %arg19[%add3A_648, %broadcast_in_dim3A_650] : memref<80x16xf32, #tpu.memory_space<vmem>>[vector<16xi32>, vector<16xi32>], vector<16xf32>,
        %gather3A_652 = tpu.vector_load_idx %arg21[%add3A_648, %broadcast_in_dim3A_650] : memref<80x16xf32, #tpu.memory_space<vmem>>[vector<16xi32>, vector<16xi32>], vector<16xf32>,
        %add3A_653 = arith.addf %gather3A_651, %gather3A_652 : vector<16xf32>
        %gather3A_654 = tpu.vector_load_idx %arg23[%add3A_648, %broadcast_in_dim3A_650] : memref<80x16xf32, #tpu.memory_space<vmem>>[vector<16xi32>, vector<16xi32>], vector<16xf32>,
        %add3A_655 = arith.addf %add3A_653, %gather3A_654 : vector<16xf32>
        %max3A_656 = arith.constant 0.000000e+00 : f32
        %max3A_657 = vector.broadcast %max3A_656 : f32 to vector<16xf32>
        %max3A_658 = arith.maximumf %add3A_655, %max3A_657 : vector<16xf32>
        %get3A_659 = arith.constant 0 : i32
        %get3A_660 = arith.index_cast %get3A_659 : i32 to index
        %get3A_661 = arith.constant 0 : index
        %get3A_662 = tpu.vector_load %arg33[%get3A_660, %get3A_661] {strides = array<i32>} : memref<6x16xf32, #tpu.memory_space<vmem>>, vector<16xf32>,
        %mul3A_663 = arith.mulf %max3A_658, %get3A_662 : vector<16xf32>
        %broadcast_in_dim3A_664 = arith.constant 1 : i32
        %broadcast_in_dim3A_665 = vector.broadcast %broadcast_in_dim3A_664 : i32 to vector<16xi32>
        %gather3A_666 = tpu.vector_load_idx %arg19[%add3A_648, %broadcast_in_dim3A_665] : memref<80x16xf32, #tpu.memory_space<vmem>>[vector<16xi32>, vector<16xi32>], vector<16xf32>,
        %gather3A_667 = tpu.vector_load_idx %arg21[%add3A_648, %broadcast_in_dim3A_665] : memref<80x16xf32, #tpu.memory_space<vmem>>[vector<16xi32>, vector<16xi32>], vector<16xf32>,
        %add3A_668 = arith.addf %gather3A_666, %gather3A_667 : vector<16xf32>
        %gather3A_669 = tpu.vector_load_idx %arg23[%add3A_648, %broadcast_in_dim3A_665] : memref<80x16xf32, #tpu.memory_space<vmem>>[vector<16xi32>, vector<16xi32>], vector<16xf32>,
        %add3A_670 = arith.addf %add3A_668, %gather3A_669 : vector<16xf32>
        %max3A_671 = arith.constant 0.000000e+00 : f32
        %max3A_672 = vector.broadcast %max3A_671 : f32 to vector<16xf32>
        %max3A_673 = arith.maximumf %add3A_670, %max3A_672 : vector<16xf32>
        %get3A_674 = arith.constant 1 : i32
        %get3A_675 = arith.index_cast %get3A_674 : i32 to index
        %get3A_676 = arith.constant 0 : index
        %get3A_677 = tpu.vector_load %arg33[%get3A_675, %get3A_676] {strides = array<i32>} : memref<6x16xf32, #tpu.memory_space<vmem>>, vector<16xf32>,
        %mul3A_678 = arith.mulf %max3A_673, %get3A_677 : vector<16xf32>
        %add3A_679 = arith.addf %mul3A_663, %mul3A_678 : vector<16xf32>
        %broadcast_in_dim3A_680 = arith.constant 2 : i32
        %broadcast_in_dim3A_681 = vector.broadcast %broadcast_in_dim3A_680 : i32 to vector<16xi32>
        %gather3A_682 = tpu.vector_load_idx %arg19[%add3A_648, %broadcast_in_dim3A_681] : memref<80x16xf32, #tpu.memory_space<vmem>>[vector<16xi32>, vector<16xi32>], vector<16xf32>,
        %gather3A_683 = tpu.vector_load_idx %arg21[%add3A_648, %broadcast_in_dim3A_681] : memref<80x16xf32, #tpu.memory_space<vmem>>[vector<16xi32>, vector<16xi32>], vector<16xf32>,
        %add3A_684 = arith.addf %gather3A_682, %gather3A_683 : vector<16xf32>
        %gather3A_685 = tpu.vector_load_idx %arg23[%add3A_648, %broadcast_in_dim3A_681] : memref<80x16xf32, #tpu.memory_space<vmem>>[vector<16xi32>, vector<16xi32>], vector<16xf32>,
        %add3A_686 = arith.addf %add3A_684, %gather3A_685 : vector<16xf32>
        %max3A_687 = arith.constant 0.000000e+00 : f32
        %max3A_688 = vector.broadcast %max3A_687 : f32 to vector<16xf32>
        %max3A_689 = arith.maximumf %add3A_686, %max3A_688 : vector<16xf32>
        %get3A_690 = arith.constant 2 : i32
        %get3A_691 = arith.index_cast %get3A_690 : i32 to index
        %get3A_692 = arith.constant 0 : index
        %get3A_693 = tpu.vector_load %arg33[%get3A_691, %get3A_692] {strides = array<i32>} : memref<6x16xf32, #tpu.memory_space<vmem>>, vector<16xf32>,
        %mul3A_694 = arith.mulf %max3A_689, %get3A_693 : vector<16xf32>
        %add3A_695 = arith.addf %add3A_679, %mul3A_694 : vector<16xf32>
        %broadcast_in_dim3A_696 = arith.constant 3 : i32
        %broadcast_in_dim3A_697 = vector.broadcast %broadcast_in_dim3A_696 : i32 to vector<16xi32>
        %gather3A_698 = tpu.vector_load_idx %arg19[%add3A_648, %broadcast_in_dim3A_697] : memref<80x16xf32, #tpu.memory_space<vmem>>[vector<16xi32>, vector<16xi32>], vector<16xf32>,
        %gather3A_699 = tpu.vector_load_idx %arg21[%add3A_648, %broadcast_in_dim3A_697] : memref<80x16xf32, #tpu.memory_space<vmem>>[vector<16xi32>, vector<16xi32>], vector<16xf32>,
        %add3A_700 = arith.addf %gather3A_698, %gather3A_699 : vector<16xf32>
        %gather3A_701 = tpu.vector_load_idx %arg23[%add3A_648, %broadcast_in_dim3A_697] : memref<80x16xf32, #tpu.memory_space<vmem>>[vector<16xi32>, vector<16xi32>], vector<16xf32>,
        %add3A_702 = arith.addf %add3A_700, %gather3A_701 : vector<16xf32>
        %max3A_703 = arith.constant 0.000000e+00 : f32
        %max3A_704 = vector.broadcast %max3A_703 : f32 to vector<16xf32>
        %max3A_705 = arith.maximumf %add3A_702, %max3A_704 : vector<16xf32>
        %get3A_706 = arith.constant 3 : i32
        %get3A_707 = arith.index_cast %get3A_706 : i32 to index
        %get3A_708 = arith.constant 0 : index
        %get3A_709 = tpu.vector_load %arg33[%get3A_707, %get3A_708] {strides = array<i32>} : memref<6x16xf32, #tpu.memory_space<vmem>>, vector<16xf32>,
        %mul3A_710 = arith.mulf %max3A_705, %get3A_709 : vector<16xf32>
        %add3A_711 = arith.addf %add3A_695, %mul3A_710 : vector<16xf32>
        %broadcast_in_dim3A_712 = arith.constant 4 : i32
        %broadcast_in_dim3A_713 = vector.broadcast %broadcast_in_dim3A_712 : i32 to vector<16xi32>
        %gather3A_714 = tpu.vector_load_idx %arg19[%add3A_648, %broadcast_in_dim3A_713] : memref<80x16xf32, #tpu.memory_space<vmem>>[vector<16xi32>, vector<16xi32>], vector<16xf32>,
        %gather3A_715 = tpu.vector_load_idx %arg21[%add3A_648, %broadcast_in_dim3A_713] : memref<80x16xf32, #tpu.memory_space<vmem>>[vector<16xi32>, vector<16xi32>], vector<16xf32>,
        %add3A_716 = arith.addf %gather3A_714, %gather3A_715 : vector<16xf32>
        %gather3A_717 = tpu.vector_load_idx %arg23[%add3A_648, %broadcast_in_dim3A_713] : memref<80x16xf32, #tpu.memory_space<vmem>>[vector<16xi32>, vector<16xi32>], vector<16xf32>,
        %add3A_718 = arith.addf %add3A_716, %gather3A_717 : vector<16xf32>
        %max3A_719 = arith.constant 0.000000e+00 : f32
        %max3A_720 = vector.broadcast %max3A_719 : f32 to vector<16xf32>
        %max3A_721 = arith.maximumf %add3A_718, %max3A_720 : vector<16xf32>
        %get3A_722 = arith.constant 4 : i32
        %get3A_723 = arith.index_cast %get3A_722 : i32 to index
        %get3A_724 = arith.constant 0 : index
        %get3A_725 = tpu.vector_load %arg33[%get3A_723, %get3A_724] {strides = array<i32>} : memref<6x16xf32, #tpu.memory_space<vmem>>, vector<16xf32>,
        %mul3A_726 = arith.mulf %max3A_721, %get3A_725 : vector<16xf32>
        %add3A_727 = arith.addf %add3A_711, %mul3A_726 : vector<16xf32>
        %get3A_728 = arith.constant 5 : i32
        %get3A_729 = arith.index_cast %get3A_728 : i32 to index
        %get3A_730 = arith.constant 0 : index
        %get3A_731 = tpu.vector_load %arg33[%get3A_729, %get3A_730] {strides = array<i32>} : memref<6x16xf32, #tpu.memory_space<vmem>>, vector<16xf32>,
        %add3A_732 = arith.addf %add3A_727, %get3A_731 : vector<16xf32>
        %neg3A_733 = arith.constant 0.000000e+00 : f32
        %neg3A_734 = vector.broadcast %neg3A_733 : f32 to vector<16xf32>
        %neg3A_735 = arith.subf %neg3A_734, %add3A_732 : vector<16xf32>
        %exp3A_736 = math.exp %neg3A_735 : vector<16xf32>
        %add3A_737 = arith.constant 1.000000e+00 : f32
        %add3A_738 = vector.broadcast %add3A_737 : f32 to vector<16xf32>
        %add3A_739 = arith.addf %add3A_738, %exp3A_736 : vector<16xf32>
        %div3A_740 = arith.constant 1.000000e+00 : f32
        %div3A_741 = vector.broadcast %div3A_740 : f32 to vector<16xf32>
        %div3A_742 = arith.divf %div3A_741, %add3A_739 : vector<16xf32>
        %swap3A_743 = arith.constant 48 : index
        %swap3A_744 = tpu.vector_load %arg31[%swap3A_743] {strides = array<i32>} : memref<80xf32, #tpu.memory_space<vmem>>, vector<16xf32>,
        tpu.vector_store %arg31[%swap3A_743], %div3A_742 {strides = array<i32>} : memref<80xf32, #tpu.memory_space<vmem>>, vector<16xf32>,
        %add3A_745 = arith.constant 64 : i32
        %add3A_746 = vector.broadcast %add3A_745 : i32 to vector<16xi32>
        %add3A_747 = arith.addi %iota3A, %add3A_746 : vector<16xi32>
        %broadcast_in_dim3A_748 = arith.constant 0 : i32
        %broadcast_in_dim3A_749 = vector.broadcast %broadcast_in_dim3A_748 : i32 to vector<16xi32>
        %gather3A_750 = tpu.vector_load_idx %arg19[%add3A_747, %broadcast_in_dim3A_749] : memref<80x16xf32, #tpu.memory_space<vmem>>[vector<16xi32>, vector<16xi32>], vector<16xf32>,
        %gather3A_751 = tpu.vector_load_idx %arg21[%add3A_747, %broadcast_in_dim3A_749] : memref<80x16xf32, #tpu.memory_space<vmem>>[vector<16xi32>, vector<16xi32>], vector<16xf32>,
        %add3A_752 = arith.addf %gather3A_750, %gather3A_751 : vector<16xf32>
        %gather3A_753 = tpu.vector_load_idx %arg23[%add3A_747, %broadcast_in_dim3A_749] : memref<80x16xf32, #tpu.memory_space<vmem>>[vector<16xi32>, vector<16xi32>], vector<16xf32>,
        %add3A_754 = arith.addf %add3A_752, %gather3A_753 : vector<16xf32>
        %max3A_755 = arith.constant 0.000000e+00 : f32
        %max3A_756 = vector.broadcast %max3A_755 : f32 to vector<16xf32>
        %max3A_757 = arith.maximumf %add3A_754, %max3A_756 : vector<16xf32>
        %get3A_758 = arith.constant 0 : i32
        %get3A_759 = arith.index_cast %get3A_758 : i32 to index
        %get3A_760 = arith.constant 0 : index
        %get3A_761 = tpu.vector_load %arg33[%get3A_759, %get3A_760] {strides = array<i32>} : memref<6x16xf32, #tpu.memory_space<vmem>>, vector<16xf32>,
        %mul3A_762 = arith.mulf %max3A_757, %get3A_761 : vector<16xf32>
        %broadcast_in_dim3A_763 = arith.constant 1 : i32
        %broadcast_in_dim3A_764 = vector.broadcast %broadcast_in_dim3A_763 : i32 to vector<16xi32>
        %gather3A_765 = tpu.vector_load_idx %arg19[%add3A_747, %broadcast_in_dim3A_764] : memref<80x16xf32, #tpu.memory_space<vmem>>[vector<16xi32>, vector<16xi32>], vector<16xf32>,
        %gather3A_766 = tpu.vector_load_idx %arg21[%add3A_747, %broadcast_in_dim3A_764] : memref<80x16xf32, #tpu.memory_space<vmem>>[vector<16xi32>, vector<16xi32>], vector<16xf32>,
        %add3A_767 = arith.addf %gather3A_765, %gather3A_766 : vector<16xf32>
        %gather3A_768 = tpu.vector_load_idx %arg23[%add3A_747, %broadcast_in_dim3A_764] : memref<80x16xf32, #tpu.memory_space<vmem>>[vector<16xi32>, vector<16xi32>], vector<16xf32>,
        %add3A_769 = arith.addf %add3A_767, %gather3A_768 : vector<16xf32>
        %max3A_770 = arith.constant 0.000000e+00 : f32
        %max3A_771 = vector.broadcast %max3A_770 : f32 to vector<16xf32>
        %max3A_772 = arith.maximumf %add3A_769, %max3A_771 : vector<16xf32>
        %get3A_773 = arith.constant 1 : i32
        %get3A_774 = arith.index_cast %get3A_773 : i32 to index
        %get3A_775 = arith.constant 0 : index
        %get3A_776 = tpu.vector_load %arg33[%get3A_774, %get3A_775] {strides = array<i32>} : memref<6x16xf32, #tpu.memory_space<vmem>>, vector<16xf32>,
        %mul3A_777 = arith.mulf %max3A_772, %get3A_776 : vector<16xf32>
        %add3A_778 = arith.addf %mul3A_762, %mul3A_777 : vector<16xf32>
        %broadcast_in_dim3A_779 = arith.constant 2 : i32
        %broadcast_in_dim3A_780 = vector.broadcast %broadcast_in_dim3A_779 : i32 to vector<16xi32>
        %gather3A_781 = tpu.vector_load_idx %arg19[%add3A_747, %broadcast_in_dim3A_780] : memref<80x16xf32, #tpu.memory_space<vmem>>[vector<16xi32>, vector<16xi32>], vector<16xf32>,
        %gather3A_782 = tpu.vector_load_idx %arg21[%add3A_747, %broadcast_in_dim3A_780] : memref<80x16xf32, #tpu.memory_space<vmem>>[vector<16xi32>, vector<16xi32>], vector<16xf32>,
        %add3A_783 = arith.addf %gather3A_781, %gather3A_782 : vector<16xf32>
        %gather3A_784 = tpu.vector_load_idx %arg23[%add3A_747, %broadcast_in_dim3A_780] : memref<80x16xf32, #tpu.memory_space<vmem>>[vector<16xi32>, vector<16xi32>], vector<16xf32>,
        %add3A_785 = arith.addf %add3A_783, %gather3A_784 : vector<16xf32>
        %max3A_786 = arith.constant 0.000000e+00 : f32
        %max3A_787 = vector.broadcast %max3A_786 : f32 to vector<16xf32>
        %max3A_788 = arith.maximumf %add3A_785, %max3A_787 : vector<16xf32>
        %get3A_789 = arith.constant 2 : i32
        %get3A_790 = arith.index_cast %get3A_789 : i32 to index
        %get3A_791 = arith.constant 0 : index
        %get3A_792 = tpu.vector_load %arg33[%get3A_790, %get3A_791] {strides = array<i32>} : memref<6x16xf32, #tpu.memory_space<vmem>>, vector<16xf32>,
        %mul3A_793 = arith.mulf %max3A_788, %get3A_792 : vector<16xf32>
        %add3A_794 = arith.addf %add3A_778, %mul3A_793 : vector<16xf32>
        %broadcast_in_dim3A_795 = arith.constant 3 : i32
        %broadcast_in_dim3A_796 = vector.broadcast %broadcast_in_dim3A_795 : i32 to vector<16xi32>
        %gather3A_797 = tpu.vector_load_idx %arg19[%add3A_747, %broadcast_in_dim3A_796] : memref<80x16xf32, #tpu.memory_space<vmem>>[vector<16xi32>, vector<16xi32>], vector<16xf32>,
        %gather3A_798 = tpu.vector_load_idx %arg21[%add3A_747, %broadcast_in_dim3A_796] : memref<80x16xf32, #tpu.memory_space<vmem>>[vector<16xi32>, vector<16xi32>], vector<16xf32>,
        %add3A_799 = arith.addf %gather3A_797, %gather3A_798 : vector<16xf32>
        %gather3A_800 = tpu.vector_load_idx %arg23[%add3A_747, %broadcast_in_dim3A_796] : memref<80x16xf32, #tpu.memory_space<vmem>>[vector<16xi32>, vector<16xi32>], vector<16xf32>,
        %add3A_801 = arith.addf %add3A_799, %gather3A_800 : vector<16xf32>
        %max3A_802 = arith.constant 0.000000e+00 : f32
        %max3A_803 = vector.broadcast %max3A_802 : f32 to vector<16xf32>
        %max3A_804 = arith.maximumf %add3A_801, %max3A_803 : vector<16xf32>
        %get3A_805 = arith.constant 3 : i32
        %get3A_806 = arith.index_cast %get3A_805 : i32 to index
        %get3A_807 = arith.constant 0 : index
        %get3A_808 = tpu.vector_load %arg33[%get3A_806, %get3A_807] {strides = array<i32>} : memref<6x16xf32, #tpu.memory_space<vmem>>, vector<16xf32>,
        %mul3A_809 = arith.mulf %max3A_804, %get3A_808 : vector<16xf32>
        %add3A_810 = arith.addf %add3A_794, %mul3A_809 : vector<16xf32>
        %broadcast_in_dim3A_811 = arith.constant 4 : i32
        %broadcast_in_dim3A_812 = vector.broadcast %broadcast_in_dim3A_811 : i32 to vector<16xi32>
        %gather3A_813 = tpu.vector_load_idx %arg19[%add3A_747, %broadcast_in_dim3A_812] : memref<80x16xf32, #tpu.memory_space<vmem>>[vector<16xi32>, vector<16xi32>], vector<16xf32>,
        %gather3A_814 = tpu.vector_load_idx %arg21[%add3A_747, %broadcast_in_dim3A_812] : memref<80x16xf32, #tpu.memory_space<vmem>>[vector<16xi32>, vector<16xi32>], vector<16xf32>,
        %add3A_815 = arith.addf %gather3A_813, %gather3A_814 : vector<16xf32>
        %gather3A_816 = tpu.vector_load_idx %arg23[%add3A_747, %broadcast_in_dim3A_812] : memref<80x16xf32, #tpu.memory_space<vmem>>[vector<16xi32>, vector<16xi32>], vector<16xf32>,
        %add3A_817 = arith.addf %add3A_815, %gather3A_816 : vector<16xf32>
        %max3A_818 = arith.constant 0.000000e+00 : f32
        %max3A_819 = vector.broadcast %max3A_818 : f32 to vector<16xf32>
        %max3A_820 = arith.maximumf %add3A_817, %max3A_819 : vector<16xf32>
        %get3A_821 = arith.constant 4 : i32
        %get3A_822 = arith.index_cast %get3A_821 : i32 to index
        %get3A_823 = arith.constant 0 : index
        %get3A_824 = tpu.vector_load %arg33[%get3A_822, %get3A_823] {strides = array<i32>} : memref<6x16xf32, #tpu.memory_space<vmem>>, vector<16xf32>,
        %mul3A_825 = arith.mulf %max3A_820, %get3A_824 : vector<16xf32>
        %add3A_826 = arith.addf %add3A_810, %mul3A_825 : vector<16xf32>
        %get3A_827 = arith.constant 5 : i32
        %get3A_828 = arith.index_cast %get3A_827 : i32 to index
        %get3A_829 = arith.constant 0 : index
        %get3A_830 = tpu.vector_load %arg33[%get3A_828, %get3A_829] {strides = array<i32>} : memref<6x16xf32, #tpu.memory_space<vmem>>, vector<16xf32>,
        %add3A_831 = arith.addf %add3A_826, %get3A_830 : vector<16xf32>
        %neg3A_832 = arith.constant 0.000000e+00 : f32
        %neg3A_833 = vector.broadcast %neg3A_832 : f32 to vector<16xf32>
        %neg3A_834 = arith.subf %neg3A_833, %add3A_831 : vector<16xf32>
        %exp3A_835 = math.exp %neg3A_834 : vector<16xf32>
        %add3A_836 = arith.constant 1.000000e+00 : f32
        %add3A_837 = vector.broadcast %add3A_836 : f32 to vector<16xf32>
        %add3A_838 = arith.addf %add3A_837, %exp3A_835 : vector<16xf32>
        %div3A_839 = arith.constant 1.000000e+00 : f32
        %div3A_840 = vector.broadcast %div3A_839 : f32 to vector<16xf32>
        %div3A_841 = arith.divf %div3A_840, %add3A_838 : vector<16xf32>
        %swap3A_842 = arith.constant 64 : index
        %swap3A_843 = tpu.vector_load %arg31[%swap3A_842] {strides = array<i32>} : memref<80xf32, #tpu.memory_space<vmem>>, vector<16xf32>,
        tpu.vector_store %arg31[%swap3A_842], %div3A_841 {strides = array<i32>} : memref<80xf32, #tpu.memory_space<vmem>>, vector<16xf32>,
        %scan3A_844 = arith.constant 0 : i32
        %scan3A_845 = arith.constant 5 : i32
        %scan3A_846 = arith.addi %scan3A_844, %scan3A_845 : i32
        %scan3A_847 = arith.constant 1 : i32
        scf.for %scan3A_856 = %scan3A_844 to %scan3A_846 step %scan3A_847  : i32 {
          %mul3A_857 = arith.constant 16 : i32
          %mul3A_858 = arith.muli %scan3A_856, %mul3A_857 : i32
          %add3A_859 = arith.constant 0 : i32
          %add3A_860 = arith.addi %add3A_859, %mul3A_858 : i32
          %add3A_861 = arith.constant 0 : i32
          %add3A_862 = arith.addi %add3A_860, %add3A_861 : i32
          %broadcast_in_dim3A_863 = vector.broadcast %add3A_862 : i32 to vector<16xi32>
          %gather3A_864 = tpu.vector_load_idx %arg31[%broadcast_in_dim3A_863] : memref<80xf32, #tpu.memory_space<vmem>>[vector<16xi32>], vector<16xf32>,
          %get3A_865 = arith.index_cast %add3A_862 : i32 to index
          %get3A_866 = arith.constant 0 : index
          %get3A_867 = tpu.vector_load %arg25[%get3A_865, %get3A_866] {strides = array<i32>} : memref<80x64xf32, #tpu.memory_space<vmem>>, vector<16xf32>,
          %get3A_868 = arith.index_cast %add3A_862 : i32 to index
          %get3A_869 = arith.constant 0 : index
          %get3A_870 = tpu.vector_load %arg27[%get3A_868, %get3A_869] {strides = array<i32>} : memref<80x64xf32, #tpu.memory_space<vmem>>, vector<16xf32>,
          %add3A_871 = arith.addf %get3A_867, %get3A_870 : vector<16xf32>
          %mul3A_872 = arith.mulf %add3A_871, %gather3A_864 : vector<16xf32>
          %swap3A_873 = arith.index_cast %add3A_862 : i32 to index
          %swap3A_874 = arith.constant 0 : index
          %swap3A_875 = tpu.vector_load %arg29[%swap3A_873, %swap3A_874] {strides = array<i32>} : memref<80x64xf32, #tpu.memory_space<vmem>>, vector<16xf32>,
          tpu.vector_store %arg29[%swap3A_873, %swap3A_874], %mul3A_872 {strides = array<i32>} : memref<80x64xf32, #tpu.memory_space<vmem>>, vector<16xf32>,
          %get3A_876 = arith.index_cast %add3A_862 : i32 to index
          %get3A_877 = arith.constant 16 : index
          %get3A_878 = tpu.vector_load %arg25[%get3A_876, %get3A_877] {strides = array<i32>} : memref<80x64xf32, #tpu.memory_space<vmem>>, vector<16xf32>,
          %get3A_879 = arith.index_cast %add3A_862 : i32 to index
          %get3A_880 = arith.constant 16 : index
          %get3A_881 = tpu.vector_load %arg27[%get3A_879, %get3A_880] {strides = array<i32>} : memref<80x64xf32, #tpu.memory_space<vmem>>, vector<16xf32>,
          %add3A_882 = arith.addf %get3A_878, %get3A_881 : vector<16xf32>
          %mul3A_883 = arith.mulf %add3A_882, %gather3A_864 : vector<16xf32>
          %swap3A_884 = arith.index_cast %add3A_862 : i32 to index
          %swap3A_885 = arith.constant 16 : index
          %swap3A_886 = tpu.vector_load %arg29[%swap3A_884, %swap3A_885] {strides = array<i32>} : memref<80x64xf32, #tpu.memory_space<vmem>>, vector<16xf32>,
          tpu.vector_store %arg29[%swap3A_884, %swap3A_885], %mul3A_883 {strides = array<i32>} : memref<80x64xf32, #tpu.memory_space<vmem>>, vector<16xf32>,
          %get3A_887 = arith.index_cast %add3A_862 : i32 to index
          %get3A_888 = arith.constant 32 : index
          %get3A_889 = tpu.vector_load %arg25[%get3A_887, %get3A_888] {strides = array<i32>} : memref<80x64xf32, #tpu.memory_space<vmem>>, vector<16xf32>,
          %get3A_890 = arith.index_cast %add3A_862 : i32 to index
          %get3A_891 = arith.constant 32 : index
          %get3A_892 = tpu.vector_load %arg27[%get3A_890, %get3A_891] {strides = array<i32>} : memref<80x64xf32, #tpu.memory_space<vmem>>, vector<16xf32>,
          %add3A_893 = arith.addf %get3A_889, %get3A_892 : vector<16xf32>
          %mul3A_894 = arith.mulf %add3A_893, %gather3A_864 : vector<16xf32>
          %swap3A_895 = arith.index_cast %add3A_862 : i32 to index
          %swap3A_896 = arith.constant 32 : index
          %swap3A_897 = tpu.vector_load %arg29[%swap3A_895, %swap3A_896] {strides = array<i32>} : memref<80x64xf32, #tpu.memory_space<vmem>>, vector<16xf32>,
          tpu.vector_store %arg29[%swap3A_895, %swap3A_896], %mul3A_894 {strides = array<i32>} : memref<80x64xf32, #tpu.memory_space<vmem>>, vector<16xf32>,
          %get3A_898 = arith.index_cast %add3A_862 : i32 to index
          %get3A_899 = arith.constant 48 : index
          %get3A_900 = tpu.vector_load %arg25[%get3A_898, %get3A_899] {strides = array<i32>} : memref<80x64xf32, #tpu.memory_space<vmem>>, vector<16xf32>,
          %get3A_901 = arith.index_cast %add3A_862 : i32 to index
          %get3A_902 = arith.constant 48 : index
          %get3A_903 = tpu.vector_load %arg27[%get3A_901, %get3A_902] {strides = array<i32>} : memref<80x64xf32, #tpu.memory_space<vmem>>, vector<16xf32>,
          %add3A_904 = arith.addf %get3A_900, %get3A_903 : vector<16xf32>
          %mul3A_905 = arith.mulf %add3A_904, %gather3A_864 : vector<16xf32>
          %swap3A_906 = arith.index_cast %add3A_862 : i32 to index
          %swap3A_907 = arith.constant 48 : index
          %swap3A_908 = tpu.vector_load %arg29[%swap3A_906, %swap3A_907] {strides = array<i32>} : memref<80x64xf32, #tpu.memory_space<vmem>>, vector<16xf32>,
          tpu.vector_store %arg29[%swap3A_906, %swap3A_907], %mul3A_905 {strides = array<i32>} : memref<80x64xf32, #tpu.memory_space<vmem>>, vector<16xf32>,
          %add3A_909 = arith.constant 1 : i32
          %add3A_910 = arith.addi %add3A_860, %add3A_909 : i32
          %broadcast_in_dim3A_911 = vector.broadcast %add3A_910 : i32 to vector<16xi32>
          %gather3A_912 = tpu.vector_load_idx %arg31[%broadcast_in_dim3A_911] : memref<80xf32, #tpu.memory_space<vmem>>[vector<16xi32>], vector<16xf32>,
          %get3A_913 = arith.index_cast %add3A_910 : i32 to index
          %get3A_914 = arith.constant 0 : index
          %get3A_915 = tpu.vector_load %arg25[%get3A_913, %get3A_914] {strides = array<i32>} : memref<80x64xf32, #tpu.memory_space<vmem>>, vector<16xf32>,
          %get3A_916 = arith.index_cast %add3A_910 : i32 to index
          %get3A_917 = arith.constant 0 : index
          %get3A_918 = tpu.vector_load %arg27[%get3A_916, %get3A_917] {strides = array<i32>} : memref<80x64xf32, #tpu.memory_space<vmem>>, vector<16xf32>,
          %add3A_919 = arith.addf %get3A_915, %get3A_918 : vector<16xf32>
          %mul3A_920 = arith.mulf %add3A_919, %gather3A_912 : vector<16xf32>
          %swap3A_921 = arith.index_cast %add3A_910 : i32 to index
          %swap3A_922 = arith.constant 0 : index
          %swap3A_923 = tpu.vector_load %arg29[%swap3A_921, %swap3A_922] {strides = array<i32>} : memref<80x64xf32, #tpu.memory_space<vmem>>, vector<16xf32>,
          tpu.vector_store %arg29[%swap3A_921, %swap3A_922], %mul3A_920 {strides = array<i32>} : memref<80x64xf32, #tpu.memory_space<vmem>>, vector<16xf32>,
          %get3A_924 = arith.index_cast %add3A_910 : i32 to index
          %get3A_925 = arith.constant 16 : index
          %get3A_926 = tpu.vector_load %arg25[%get3A_924, %get3A_925] {strides = array<i32>} : memref<80x64xf32, #tpu.memory_space<vmem>>, vector<16xf32>,
          %get3A_927 = arith.index_cast %add3A_910 : i32 to index
          %get3A_928 = arith.constant 16 : index
          %get3A_929 = tpu.vector_load %arg27[%get3A_927, %get3A_928] {strides = array<i32>} : memref<80x64xf32, #tpu.memory_space<vmem>>, vector<16xf32>,
          %add3A_930 = arith.addf %get3A_926, %get3A_929 : vector<16xf32>
          %mul3A_931 = arith.mulf %add3A_930, %gather3A_912 : vector<16xf32>
          %swap3A_932 = arith.index_cast %add3A_910 : i32 to index
          %swap3A_933 = arith.constant 16 : index
          %swap3A_934 = tpu.vector_load %arg29[%swap3A_932, %swap3A_933] {strides = array<i32>} : memref<80x64xf32, #tpu.memory_space<vmem>>, vector<16xf32>,
          tpu.vector_store %arg29[%swap3A_932, %swap3A_933], %mul3A_931 {strides = array<i32>} : memref<80x64xf32, #tpu.memory_space<vmem>>, vector<16xf32>,
          %get3A_935 = arith.index_cast %add3A_910 : i32 to index
          %get3A_936 = arith.constant 32 : index
          %get3A_937 = tpu.vector_load %arg25[%get3A_935, %get3A_936] {strides = array<i32>} : memref<80x64xf32, #tpu.memory_space<vmem>>, vector<16xf32>,
          %get3A_938 = arith.index_cast %add3A_910 : i32 to index
          %get3A_939 = arith.constant 32 : index
          %get3A_940 = tpu.vector_load %arg27[%get3A_938, %get3A_939] {strides = array<i32>} : memref<80x64xf32, #tpu.memory_space<vmem>>, vector<16xf32>,
          %add3A_941 = arith.addf %get3A_937, %get3A_940 : vector<16xf32>
          %mul3A_942 = arith.mulf %add3A_941, %gather3A_912 : vector<16xf32>
          %swap3A_943 = arith.index_cast %add3A_910 : i32 to index
          %swap3A_944 = arith.constant 32 : index
          %swap3A_945 = tpu.vector_load %arg29[%swap3A_943, %swap3A_944] {strides = array<i32>} : memref<80x64xf32, #tpu.memory_space<vmem>>, vector<16xf32>,
          tpu.vector_store %arg29[%swap3A_943, %swap3A_944], %mul3A_942 {strides = array<i32>} : memref<80x64xf32, #tpu.memory_space<vmem>>, vector<16xf32>,
          %get3A_946 = arith.index_cast %add3A_910 : i32 to index
          %get3A_947 = arith.constant 48 : index
          %get3A_948 = tpu.vector_load %arg25[%get3A_946, %get3A_947] {strides = array<i32>} : memref<80x64xf32, #tpu.memory_space<vmem>>, vector<16xf32>,
          %get3A_949 = arith.index_cast %add3A_910 : i32 to index
          %get3A_950 = arith.constant 48 : index
          %get3A_951 = tpu.vector_load %arg27[%get3A_949, %get3A_950] {strides = array<i32>} : memref<80x64xf32, #tpu.memory_space<vmem>>, vector<16xf32>,
          %add3A_952 = arith.addf %get3A_948, %get3A_951 : vector<16xf32>
          %mul3A_953 = arith.mulf %add3A_952, %gather3A_912 : vector<16xf32>
          %swap3A_954 = arith.index_cast %add3A_910 : i32 to index
          %swap3A_955 = arith.constant 48 : index
          %swap3A_956 = tpu.vector_load %arg29[%swap3A_954, %swap3A_955] {strides = array<i32>} : memref<80x64xf32, #tpu.memory_space<vmem>>, vector<16xf32>,
          tpu.vector_store %arg29[%swap3A_954, %swap3A_955], %mul3A_953 {strides = array<i32>} : memref<80x64xf32, #tpu.memory_space<vmem>>, vector<16xf32>,
          %add3A_957 = arith.constant 2 : i32
          %add3A_958 = arith.addi %add3A_860, %add3A_957 : i32
          %broadcast_in_dim3A_959 = vector.broadcast %add3A_958 : i32 to vector<16xi32>
          %gather3A_960 = tpu.vector_load_idx %arg31[%broadcast_in_dim3A_959] : memref<80xf32, #tpu.memory_space<vmem>>[vector<16xi32>], vector<16xf32>,
          %get3A_961 = arith.index_cast %add3A_958 : i32 to index
          %get3A_962 = arith.constant 0 : index
          %get3A_963 = tpu.vector_load %arg25[%get3A_961, %get3A_962] {strides = array<i32>} : memref<80x64xf32, #tpu.memory_space<vmem>>, vector<16xf32>,
          %get3A_964 = arith.index_cast %add3A_958 : i32 to index
          %get3A_965 = arith.constant 0 : index
          %get3A_966 = tpu.vector_load %arg27[%get3A_964, %get3A_965] {strides = array<i32>} : memref<80x64xf32, #tpu.memory_space<vmem>>, vector<16xf32>,
          %add3A_967 = arith.addf %get3A_963, %get3A_966 : vector<16xf32>
          %mul3A_968 = arith.mulf %add3A_967, %gather3A_960 : vector<16xf32>
          %swap3A_969 = arith.index_cast %add3A_958 : i32 to index
          %swap3A_970 = arith.constant 0 : index
          %swap3A_971 = tpu.vector_load %arg29[%swap3A_969, %swap3A_970] {strides = array<i32>} : memref<80x64xf32, #tpu.memory_space<vmem>>, vector<16xf32>,
          tpu.vector_store %arg29[%swap3A_969, %swap3A_970], %mul3A_968 {strides = array<i32>} : memref<80x64xf32, #tpu.memory_space<vmem>>, vector<16xf32>,
          %get3A_972 = arith.index_cast %add3A_958 : i32 to index
          %get3A_973 = arith.constant 16 : index
          %get3A_974 = tpu.vector_load %arg25[%get3A_972, %get3A_973] {strides = array<i32>} : memref<80x64xf32, #tpu.memory_space<vmem>>, vector<16xf32>,
          %get3A_975 = arith.index_cast %add3A_958 : i32 to index
          %get3A_976 = arith.constant 16 : index
          %get3A_977 = tpu.vector_load %arg27[%get3A_975, %get3A_976] {strides = array<i32>} : memref<80x64xf32, #tpu.memory_space<vmem>>, vector<16xf32>,
          %add3A_978 = arith.addf %get3A_974, %get3A_977 : vector<16xf32>
          %mul3A_979 = arith.mulf %add3A_978, %gather3A_960 : vector<16xf32>
          %swap3A_980 = arith.index_cast %add3A_958 : i32 to index
          %swap3A_981 = arith.constant 16 : index
          %swap3A_982 = tpu.vector_load %arg29[%swap3A_980, %swap3A_981] {strides = array<i32>} : memref<80x64xf32, #tpu.memory_space<vmem>>, vector<16xf32>,
          tpu.vector_store %arg29[%swap3A_980, %swap3A_981], %mul3A_979 {strides = array<i32>} : memref<80x64xf32, #tpu.memory_space<vmem>>, vector<16xf32>,
          %get3A_983 = arith.index_cast %add3A_958 : i32 to index
          %get3A_984 = arith.constant 32 : index
          %get3A_985 = tpu.vector_load %arg25[%get3A_983, %get3A_984] {strides = array<i32>} : memref<80x64xf32, #tpu.memory_space<vmem>>, vector<16xf32>,
          %get3A_986 = arith.index_cast %add3A_958 : i32 to index
          %get3A_987 = arith.constant 32 : index
          %get3A_988 = tpu.vector_load %arg27[%get3A_986, %get3A_987] {strides = array<i32>} : memref<80x64xf32, #tpu.memory_space<vmem>>, vector<16xf32>,
          %add3A_989 = arith.addf %get3A_985, %get3A_988 : vector<16xf32>
          %mul3A_990 = arith.mulf %add3A_989, %gather3A_960 : vector<16xf32>
          %swap3A_991 = arith.index_cast %add3A_958 : i32 to index
          %swap3A_992 = arith.constant 32 : index
          %swap3A_993 = tpu.vector_load %arg29[%swap3A_991, %swap3A_992] {strides = array<i32>} : memref<80x64xf32, #tpu.memory_space<vmem>>, vector<16xf32>,
          tpu.vector_store %arg29[%swap3A_991, %swap3A_992], %mul3A_990 {strides = array<i32>} : memref<80x64xf32, #tpu.memory_space<vmem>>, vector<16xf32>,
          %get3A_994 = arith.index_cast %add3A_958 : i32 to index
          %get3A_995 = arith.constant 48 : index
          %get3A_996 = tpu.vector_load %arg25[%get3A_994, %get3A_995] {strides = array<i32>} : memref<80x64xf32, #tpu.memory_space<vmem>>, vector<16xf32>,
          %get3A_997 = arith.index_cast %add3A_958 : i32 to index
          %get3A_998 = arith.constant 48 : index
          %get3A_999 = tpu.vector_load %arg27[%get3A_997, %get3A_998] {strides = array<i32>} : memref<80x64xf32, #tpu.memory_space<vmem>>, vector<16xf32>,
          %add3A_1000 = arith.addf %get3A_996, %get3A_999 : vector<16xf32>
          %mul3A_1001 = arith.mulf %add3A_1000, %gather3A_960 : vector<16xf32>
          %swap3A_1002 = arith.index_cast %add3A_958 : i32 to index
          %swap3A_1003 = arith.constant 48 : index
          %swap3A_1004 = tpu.vector_load %arg29[%swap3A_1002, %swap3A_1003] {strides = array<i32>} : memref<80x64xf32, #tpu.memory_space<vmem>>, vector<16xf32>,
          tpu.vector_store %arg29[%swap3A_1002, %swap3A_1003], %mul3A_1001 {strides = array<i32>} : memref<80x64xf32, #tpu.memory_space<vmem>>, vector<16xf32>,
          %add3A_1005 = arith.constant 3 : i32
          %add3A_1006 = arith.addi %add3A_860, %add3A_1005 : i32
          %broadcast_in_dim3A_1007 = vector.broadcast %add3A_1006 : i32 to vector<16xi32>
          %gather3A_1008 = tpu.vector_load_idx %arg31[%broadcast_in_dim3A_1007] : memref<80xf32, #tpu.memory_space<vmem>>[vector<16xi32>], vector<16xf32>,
          %get3A_1009 = arith.index_cast %add3A_1006 : i32 to index
          %get3A_1010 = arith.constant 0 : index
          %get3A_1011 = tpu.vector_load %arg25[%get3A_1009, %get3A_1010] {strides = array<i32>} : memref<80x64xf32, #tpu.memory_space<vmem>>, vector<16xf32>,
          %get3A_1012 = arith.index_cast %add3A_1006 : i32 to index
          %get3A_1013 = arith.constant 0 : index
          %get3A_1014 = tpu.vector_load %arg27[%get3A_1012, %get3A_1013] {strides = array<i32>} : memref<80x64xf32, #tpu.memory_space<vmem>>, vector<16xf32>,
          %add3A_1015 = arith.addf %get3A_1011, %get3A_1014 : vector<16xf32>
          %mul3A_1016 = arith.mulf %add3A_1015, %gather3A_1008 : vector<16xf32>
          %swap3A_1017 = arith.index_cast %add3A_1006 : i32 to index
          %swap3A_1018 = arith.constant 0 : index
          %swap3A_1019 = tpu.vector_load %arg29[%swap3A_1017, %swap3A_1018] {strides = array<i32>} : memref<80x64xf32, #tpu.memory_space<vmem>>, vector<16xf32>,
          tpu.vector_store %arg29[%swap3A_1017, %swap3A_1018], %mul3A_1016 {strides = array<i32>} : memref<80x64xf32, #tpu.memory_space<vmem>>, vector<16xf32>,
          %get3A_1020 = arith.index_cast %add3A_1006 : i32 to index
          %get3A_1021 = arith.constant 16 : index
          %get3A_1022 = tpu.vector_load %arg25[%get3A_1020, %get3A_1021] {strides = array<i32>} : memref<80x64xf32, #tpu.memory_space<vmem>>, vector<16xf32>,
          %get3A_1023 = arith.index_cast %add3A_1006 : i32 to index
          %get3A_1024 = arith.constant 16 : index
          %get3A_1025 = tpu.vector_load %arg27[%get3A_1023, %get3A_1024] {strides = array<i32>} : memref<80x64xf32, #tpu.memory_space<vmem>>, vector<16xf32>,
          %add3A_1026 = arith.addf %get3A_1022, %get3A_1025 : vector<16xf32>
          %mul3A_1027 = arith.mulf %add3A_1026, %gather3A_1008 : vector<16xf32>
          %swap3A_1028 = arith.index_cast %add3A_1006 : i32 to index
          %swap3A_1029 = arith.constant 16 : index
          %swap3A_1030 = tpu.vector_load %arg29[%swap3A_1028, %swap3A_1029] {strides = array<i32>} : memref<80x64xf32, #tpu.memory_space<vmem>>, vector<16xf32>,
          tpu.vector_store %arg29[%swap3A_1028, %swap3A_1029], %mul3A_1027 {strides = array<i32>} : memref<80x64xf32, #tpu.memory_space<vmem>>, vector<16xf32>,
          %get3A_1031 = arith.index_cast %add3A_1006 : i32 to index
          %get3A_1032 = arith.constant 32 : index
          %get3A_1033 = tpu.vector_load %arg25[%get3A_1031, %get3A_1032] {strides = array<i32>} : memref<80x64xf32, #tpu.memory_space<vmem>>, vector<16xf32>,
          %get3A_1034 = arith.index_cast %add3A_1006 : i32 to index
          %get3A_1035 = arith.constant 32 : index
          %get3A_1036 = tpu.vector_load %arg27[%get3A_1034, %get3A_1035] {strides = array<i32>} : memref<80x64xf32, #tpu.memory_space<vmem>>, vector<16xf32>,
          %add3A_1037 = arith.addf %get3A_1033, %get3A_1036 : vector<16xf32>
          %mul3A_1038 = arith.mulf %add3A_1037, %gather3A_1008 : vector<16xf32>
          %swap3A_1039 = arith.index_cast %add3A_1006 : i32 to index
          %swap3A_1040 = arith.constant 32 : index
          %swap3A_1041 = tpu.vector_load %arg29[%swap3A_1039, %swap3A_1040] {strides = array<i32>} : memref<80x64xf32, #tpu.memory_space<vmem>>, vector<16xf32>,
          tpu.vector_store %arg29[%swap3A_1039, %swap3A_1040], %mul3A_1038 {strides = array<i32>} : memref<80x64xf32, #tpu.memory_space<vmem>>, vector<16xf32>,
          %get3A_1042 = arith.index_cast %add3A_1006 : i32 to index
          %get3A_1043 = arith.constant 48 : index
          %get3A_1044 = tpu.vector_load %arg25[%get3A_1042, %get3A_1043] {strides = array<i32>} : memref<80x64xf32, #tpu.memory_space<vmem>>, vector<16xf32>,
          %get3A_1045 = arith.index_cast %add3A_1006 : i32 to index
          %get3A_1046 = arith.constant 48 : index
          %get3A_1047 = tpu.vector_load %arg27[%get3A_1045, %get3A_1046] {strides = array<i32>} : memref<80x64xf32, #tpu.memory_space<vmem>>, vector<16xf32>,
          %add3A_1048 = arith.addf %get3A_1044, %get3A_1047 : vector<16xf32>
          %mul3A_1049 = arith.mulf %add3A_1048, %gather3A_1008 : vector<16xf32>
          %swap3A_1050 = arith.index_cast %add3A_1006 : i32 to index
          %swap3A_1051 = arith.constant 48 : index
          %swap3A_1052 = tpu.vector_load %arg29[%swap3A_1050, %swap3A_1051] {strides = array<i32>} : memref<80x64xf32, #tpu.memory_space<vmem>>, vector<16xf32>,
          tpu.vector_store %arg29[%swap3A_1050, %swap3A_1051], %mul3A_1049 {strides = array<i32>} : memref<80x64xf32, #tpu.memory_space<vmem>>, vector<16xf32>,
          %add3A_1053 = arith.constant 4 : i32
          %add3A_1054 = arith.addi %add3A_860, %add3A_1053 : i32
          %broadcast_in_dim3A_1055 = vector.broadcast %add3A_1054 : i32 to vector<16xi32>
          %gather3A_1056 = tpu.vector_load_idx %arg31[%broadcast_in_dim3A_1055] : memref<80xf32, #tpu.memory_space<vmem>>[vector<16xi32>], vector<16xf32>,
          %get3A_1057 = arith.index_cast %add3A_1054 : i32 to index
          %get3A_1058 = arith.constant 0 : index
          %get3A_1059 = tpu.vector_load %arg25[%get3A_1057, %get3A_1058] {strides = array<i32>} : memref<80x64xf32, #tpu.memory_space<vmem>>, vector<16xf32>,
          %get3A_1060 = arith.index_cast %add3A_1054 : i32 to index
          %get3A_1061 = arith.constant 0 : index
          %get3A_1062 = tpu.vector_load %arg27[%get3A_1060, %get3A_1061] {strides = array<i32>} : memref<80x64xf32, #tpu.memory_space<vmem>>, vector<16xf32>,
          %add3A_1063 = arith.addf %get3A_1059, %get3A_1062 : vector<16xf32>
          %mul3A_1064 = arith.mulf %add3A_1063, %gather3A_1056 : vector<16xf32>
          %swap3A_1065 = arith.index_cast %add3A_1054 : i32 to index
          %swap3A_1066 = arith.constant 0 : index
          %swap3A_1067 = tpu.vector_load %arg29[%swap3A_1065, %swap3A_1066] {strides = array<i32>} : memref<80x64xf32, #tpu.memory_space<vmem>>, vector<16xf32>,
          tpu.vector_store %arg29[%swap3A_1065, %swap3A_1066], %mul3A_1064 {strides = array<i32>} : memref<80x64xf32, #tpu.memory_space<vmem>>, vector<16xf32>,
          %get3A_1068 = arith.index_cast %add3A_1054 : i32 to index
          %get3A_1069 = arith.constant 16 : index
          %get3A_1070 = tpu.vector_load %arg25[%get3A_1068, %get3A_1069] {strides = array<i32>} : memref<80x64xf32, #tpu.memory_space<vmem>>, vector<16xf32>,
          %get3A_1071 = arith.index_cast %add3A_1054 : i32 to index
          %get3A_1072 = arith.constant 16 : index
          %get3A_1073 = tpu.vector_load %arg27[%get3A_1071, %get3A_1072] {strides = array<i32>} : memref<80x64xf32, #tpu.memory_space<vmem>>, vector<16xf32>,
          %add3A_1074 = arith.addf %get3A_1070, %get3A_1073 : vector<16xf32>
          %mul3A_1075 = arith.mulf %add3A_1074, %gather3A_1056 : vector<16xf32>
          %swap3A_1076 = arith.index_cast %add3A_1054 : i32 to index
          %swap3A_1077 = arith.constant 16 : index
          %swap3A_1078 = tpu.vector_load %arg29[%swap3A_1076, %swap3A_1077] {strides = array<i32>} : memref<80x64xf32, #tpu.memory_space<vmem>>, vector<16xf32>,
          tpu.vector_store %arg29[%swap3A_1076, %swap3A_1077], %mul3A_1075 {strides = array<i32>} : memref<80x64xf32, #tpu.memory_space<vmem>>, vector<16xf32>,
          %get3A_1079 = arith.index_cast %add3A_1054 : i32 to index
          %get3A_1080 = arith.constant 32 : index
          %get3A_1081 = tpu.vector_load %arg25[%get3A_1079, %get3A_1080] {strides = array<i32>} : memref<80x64xf32, #tpu.memory_space<vmem>>, vector<16xf32>,
          %get3A_1082 = arith.index_cast %add3A_1054 : i32 to index
          %get3A_1083 = arith.constant 32 : index
          %get3A_1084 = tpu.vector_load %arg27[%get3A_1082, %get3A_1083] {strides = array<i32>} : memref<80x64xf32, #tpu.memory_space<vmem>>, vector<16xf32>,
          %add3A_1085 = arith.addf %get3A_1081, %get3A_1084 : vector<16xf32>
          %mul3A_1086 = arith.mulf %add3A_1085, %gather3A_1056 : vector<16xf32>
          %swap3A_1087 = arith.index_cast %add3A_1054 : i32 to index
          %swap3A_1088 = arith.constant 32 : index
          %swap3A_1089 = tpu.vector_load %arg29[%swap3A_1087, %swap3A_1088] {strides = array<i32>} : memref<80x64xf32, #tpu.memory_space<vmem>>, vector<16xf32>,
          tpu.vector_store %arg29[%swap3A_1087, %swap3A_1088], %mul3A_1086 {strides = array<i32>} : memref<80x64xf32, #tpu.memory_space<vmem>>, vector<16xf32>,
          %get3A_1090 = arith.index_cast %add3A_1054 : i32 to index
          %get3A_1091 = arith.constant 48 : index
          %get3A_1092 = tpu.vector_load %arg25[%get3A_1090, %get3A_1091] {strides = array<i32>} : memref<80x64xf32, #tpu.memory_space<vmem>>, vector<16xf32>,
          %get3A_1093 = arith.index_cast %add3A_1054 : i32 to index
          %get3A_1094 = arith.constant 48 : index
          %get3A_1095 = tpu.vector_load %arg27[%get3A_1093, %get3A_1094] {strides = array<i32>} : memref<80x64xf32, #tpu.memory_space<vmem>>, vector<16xf32>,
          %add3A_1096 = arith.addf %get3A_1092, %get3A_1095 : vector<16xf32>
          %mul3A_1097 = arith.mulf %add3A_1096, %gather3A_1056 : vector<16xf32>
          %swap3A_1098 = arith.index_cast %add3A_1054 : i32 to index
          %swap3A_1099 = arith.constant 48 : index
          %swap3A_1100 = tpu.vector_load %arg29[%swap3A_1098, %swap3A_1099] {strides = array<i32>} : memref<80x64xf32, #tpu.memory_space<vmem>>, vector<16xf32>,
          tpu.vector_store %arg29[%swap3A_1098, %swap3A_1099], %mul3A_1097 {strides = array<i32>} : memref<80x64xf32, #tpu.memory_space<vmem>>, vector<16xf32>,
          %add3A_1101 = arith.constant 5 : i32
          %add3A_1102 = arith.addi %add3A_860, %add3A_1101 : i32
          %broadcast_in_dim3A_1103 = vector.broadcast %add3A_1102 : i32 to vector<16xi32>
          %gather3A_1104 = tpu.vector_load_idx %arg31[%broadcast_in_dim3A_1103] : memref<80xf32, #tpu.memory_space<vmem>>[vector<16xi32>], vector<16xf32>,
          %get3A_1105 = arith.index_cast %add3A_1102 : i32 to index
          %get3A_1106 = arith.constant 0 : index
          %get3A_1107 = tpu.vector_load %arg25[%get3A_1105, %get3A_1106] {strides = array<i32>} : memref<80x64xf32, #tpu.memory_space<vmem>>, vector<16xf32>,
          %get3A_1108 = arith.index_cast %add3A_1102 : i32 to index
          %get3A_1109 = arith.constant 0 : index
          %get3A_1110 = tpu.vector_load %arg27[%get3A_1108, %get3A_1109] {strides = array<i32>} : memref<80x64xf32, #tpu.memory_space<vmem>>, vector<16xf32>,
          %add3A_1111 = arith.addf %get3A_1107, %get3A_1110 : vector<16xf32>
          %mul3A_1112 = arith.mulf %add3A_1111, %gather3A_1104 : vector<16xf32>
          %swap3A_1113 = arith.index_cast %add3A_1102 : i32 to index
          %swap3A_1114 = arith.constant 0 : index
          %swap3A_1115 = tpu.vector_load %arg29[%swap3A_1113, %swap3A_1114] {strides = array<i32>} : memref<80x64xf32, #tpu.memory_space<vmem>>, vector<16xf32>,
          tpu.vector_store %arg29[%swap3A_1113, %swap3A_1114], %mul3A_1112 {strides = array<i32>} : memref<80x64xf32, #tpu.memory_space<vmem>>, vector<16xf32>,
          %get3A_1116 = arith.index_cast %add3A_1102 : i32 to index
          %get3A_1117 = arith.constant 16 : index
          %get3A_1118 = tpu.vector_load %arg25[%get3A_1116, %get3A_1117] {strides = array<i32>} : memref<80x64xf32, #tpu.memory_space<vmem>>, vector<16xf32>,
          %get3A_1119 = arith.index_cast %add3A_1102 : i32 to index
          %get3A_1120 = arith.constant 16 : index
          %get3A_1121 = tpu.vector_load %arg27[%get3A_1119, %get3A_1120] {strides = array<i32>} : memref<80x64xf32, #tpu.memory_space<vmem>>, vector<16xf32>,
          %add3A_1122 = arith.addf %get3A_1118, %get3A_1121 : vector<16xf32>
          %mul3A_1123 = arith.mulf %add3A_1122, %gather3A_1104 : vector<16xf32>
          %swap3A_1124 = arith.index_cast %add3A_1102 : i32 to index
          %swap3A_1125 = arith.constant 16 : index
          %swap3A_1126 = tpu.vector_load %arg29[%swap3A_1124, %swap3A_1125] {strides = array<i32>} : memref<80x64xf32, #tpu.memory_space<vmem>>, vector<16xf32>,
          tpu.vector_store %arg29[%swap3A_1124, %swap3A_1125], %mul3A_1123 {strides = array<i32>} : memref<80x64xf32, #tpu.memory_space<vmem>>, vector<16xf32>,
          %get3A_1127 = arith.index_cast %add3A_1102 : i32 to index
          %get3A_1128 = arith.constant 32 : index
          %get3A_1129 = tpu.vector_load %arg25[%get3A_1127, %get3A_1128] {strides = array<i32>} : memref<80x64xf32, #tpu.memory_space<vmem>>, vector<16xf32>,
          %get3A_1130 = arith.index_cast %add3A_1102 : i32 to index
          %get3A_1131 = arith.constant 32 : index
          %get3A_1132 = tpu.vector_load %arg27[%get3A_1130, %get3A_1131] {strides = array<i32>} : memref<80x64xf32, #tpu.memory_space<vmem>>, vector<16xf32>,
          %add3A_1133 = arith.addf %get3A_1129, %get3A_1132 : vector<16xf32>
          %mul3A_1134 = arith.mulf %add3A_1133, %gather3A_1104 : vector<16xf32>
          %swap3A_1135 = arith.index_cast %add3A_1102 : i32 to index
          %swap3A_1136 = arith.constant 32 : index
          %swap3A_1137 = tpu.vector_load %arg29[%swap3A_1135, %swap3A_1136] {strides = array<i32>} : memref<80x64xf32, #tpu.memory_space<vmem>>, vector<16xf32>,
          tpu.vector_store %arg29[%swap3A_1135, %swap3A_1136], %mul3A_1134 {strides = array<i32>} : memref<80x64xf32, #tpu.memory_space<vmem>>, vector<16xf32>,
          %get3A_1138 = arith.index_cast %add3A_1102 : i32 to index
          %get3A_1139 = arith.constant 48 : index
          %get3A_1140 = tpu.vector_load %arg25[%get3A_1138, %get3A_1139] {strides = array<i32>} : memref<80x64xf32, #tpu.memory_space<vmem>>, vector<16xf32>,
          %get3A_1141 = arith.index_cast %add3A_1102 : i32 to index
          %get3A_1142 = arith.constant 48 : index
          %get3A_1143 = tpu.vector_load %arg27[%get3A_1141, %get3A_1142] {strides = array<i32>} : memref<80x64xf32, #tpu.memory_space<vmem>>, vector<16xf32>,
          %add3A_1144 = arith.addf %get3A_1140, %get3A_1143 : vector<16xf32>
          %mul3A_1145 = arith.mulf %add3A_1144, %gather3A_1104 : vector<16xf32>
          %swap3A_1146 = arith.index_cast %add3A_1102 : i32 to index
          %swap3A_1147 = arith.constant 48 : index
          %swap3A_1148 = tpu.vector_load %arg29[%swap3A_1146, %swap3A_1147] {strides = array<i32>} : memref<80x64xf32, #tpu.memory_space<vmem>>, vector<16xf32>,
          tpu.vector_store %arg29[%swap3A_1146, %swap3A_1147], %mul3A_1145 {strides = array<i32>} : memref<80x64xf32, #tpu.memory_space<vmem>>, vector<16xf32>,
          %add3A_1149 = arith.constant 6 : i32
          %add3A_1150 = arith.addi %add3A_860, %add3A_1149 : i32
          %broadcast_in_dim3A_1151 = vector.broadcast %add3A_1150 : i32 to vector<16xi32>
          %gather3A_1152 = tpu.vector_load_idx %arg31[%broadcast_in_dim3A_1151] : memref<80xf32, #tpu.memory_space<vmem>>[vector<16xi32>], vector<16xf32>,
          %get3A_1153 = arith.index_cast %add3A_1150 : i32 to index
          %get3A_1154 = arith.constant 0 : index
          %get3A_1155 = tpu.vector_load %arg25[%get3A_1153, %get3A_1154] {strides = array<i32>} : memref<80x64xf32, #tpu.memory_space<vmem>>, vector<16xf32>,
          %get3A_1156 = arith.index_cast %add3A_1150 : i32 to index
          %get3A_1157 = arith.constant 0 : index
          %get3A_1158 = tpu.vector_load %arg27[%get3A_1156, %get3A_1157] {strides = array<i32>} : memref<80x64xf32, #tpu.memory_space<vmem>>, vector<16xf32>,
          %add3A_1159 = arith.addf %get3A_1155, %get3A_1158 : vector<16xf32>
          %mul3A_1160 = arith.mulf %add3A_1159, %gather3A_1152 : vector<16xf32>
          %swap3A_1161 = arith.index_cast %add3A_1150 : i32 to index
          %swap3A_1162 = arith.constant 0 : index
          %swap3A_1163 = tpu.vector_load %arg29[%swap3A_1161, %swap3A_1162] {strides = array<i32>} : memref<80x64xf32, #tpu.memory_space<vmem>>, vector<16xf32>,
          tpu.vector_store %arg29[%swap3A_1161, %swap3A_1162], %mul3A_1160 {strides = array<i32>} : memref<80x64xf32, #tpu.memory_space<vmem>>, vector<16xf32>,
          %get3A_1164 = arith.index_cast %add3A_1150 : i32 to index
          %get3A_1165 = arith.constant 16 : index
          %get3A_1166 = tpu.vector_load %arg25[%get3A_1164, %get3A_1165] {strides = array<i32>} : memref<80x64xf32, #tpu.memory_space<vmem>>, vector<16xf32>,
          %get3A_1167 = arith.index_cast %add3A_1150 : i32 to index
          %get3A_1168 = arith.constant 16 : index
          %get3A_1169 = tpu.vector_load %arg27[%get3A_1167, %get3A_1168] {strides = array<i32>} : memref<80x64xf32, #tpu.memory_space<vmem>>, vector<16xf32>,
          %add3A_1170 = arith.addf %get3A_1166, %get3A_1169 : vector<16xf32>
          %mul3A_1171 = arith.mulf %add3A_1170, %gather3A_1152 : vector<16xf32>
          %swap3A_1172 = arith.index_cast %add3A_1150 : i32 to index
          %swap3A_1173 = arith.constant 16 : index
          %swap3A_1174 = tpu.vector_load %arg29[%swap3A_1172, %swap3A_1173] {strides = array<i32>} : memref<80x64xf32, #tpu.memory_space<vmem>>, vector<16xf32>,
          tpu.vector_store %arg29[%swap3A_1172, %swap3A_1173], %mul3A_1171 {strides = array<i32>} : memref<80x64xf32, #tpu.memory_space<vmem>>, vector<16xf32>,
          %get3A_1175 = arith.index_cast %add3A_1150 : i32 to index
          %get3A_1176 = arith.constant 32 : index
          %get3A_1177 = tpu.vector_load %arg25[%get3A_1175, %get3A_1176] {strides = array<i32>} : memref<80x64xf32, #tpu.memory_space<vmem>>, vector<16xf32>,
          %get3A_1178 = arith.index_cast %add3A_1150 : i32 to index
          %get3A_1179 = arith.constant 32 : index
          %get3A_1180 = tpu.vector_load %arg27[%get3A_1178, %get3A_1179] {strides = array<i32>} : memref<80x64xf32, #tpu.memory_space<vmem>>, vector<16xf32>,
          %add3A_1181 = arith.addf %get3A_1177, %get3A_1180 : vector<16xf32>
          %mul3A_1182 = arith.mulf %add3A_1181, %gather3A_1152 : vector<16xf32>
          %swap3A_1183 = arith.index_cast %add3A_1150 : i32 to index
          %swap3A_1184 = arith.constant 32 : index
          %swap3A_1185 = tpu.vector_load %arg29[%swap3A_1183, %swap3A_1184] {strides = array<i32>} : memref<80x64xf32, #tpu.memory_space<vmem>>, vector<16xf32>,
          tpu.vector_store %arg29[%swap3A_1183, %swap3A_1184], %mul3A_1182 {strides = array<i32>} : memref<80x64xf32, #tpu.memory_space<vmem>>, vector<16xf32>,
          %get3A_1186 = arith.index_cast %add3A_1150 : i32 to index
          %get3A_1187 = arith.constant 48 : index
          %get3A_1188 = tpu.vector_load %arg25[%get3A_1186, %get3A_1187] {strides = array<i32>} : memref<80x64xf32, #tpu.memory_space<vmem>>, vector<16xf32>,
          %get3A_1189 = arith.index_cast %add3A_1150 : i32 to index
          %get3A_1190 = arith.constant 48 : index
          %get3A_1191 = tpu.vector_load %arg27[%get3A_1189, %get3A_1190] {strides = array<i32>} : memref<80x64xf32, #tpu.memory_space<vmem>>, vector<16xf32>,
          %add3A_1192 = arith.addf %get3A_1188, %get3A_1191 : vector<16xf32>
          %mul3A_1193 = arith.mulf %add3A_1192, %gather3A_1152 : vector<16xf32>
          %swap3A_1194 = arith.index_cast %add3A_1150 : i32 to index
          %swap3A_1195 = arith.constant 48 : index
          %swap3A_1196 = tpu.vector_load %arg29[%swap3A_1194, %swap3A_1195] {strides = array<i32>} : memref<80x64xf32, #tpu.memory_space<vmem>>, vector<16xf32>,
          tpu.vector_store %arg29[%swap3A_1194, %swap3A_1195], %mul3A_1193 {strides = array<i32>} : memref<80x64xf32, #tpu.memory_space<vmem>>, vector<16xf32>,
          %add3A_1197 = arith.constant 7 : i32
          %add3A_1198 = arith.addi %add3A_860, %add3A_1197 : i32
          %broadcast_in_dim3A_1199 = vector.broadcast %add3A_1198 : i32 to vector<16xi32>
          %gather3A_1200 = tpu.vector_load_idx %arg31[%broadcast_in_dim3A_1199] : memref<80xf32, #tpu.memory_space<vmem>>[vector<16xi32>], vector<16xf32>,
          %get3A_1201 = arith.index_cast %add3A_1198 : i32 to index
          %get3A_1202 = arith.constant 0 : index
          %get3A_1203 = tpu.vector_load %arg25[%get3A_1201, %get3A_1202] {strides = array<i32>} : memref<80x64xf32, #tpu.memory_space<vmem>>, vector<16xf32>,
          %get3A_1204 = arith.index_cast %add3A_1198 : i32 to index
          %get3A_1205 = arith.constant 0 : index
          %get3A_1206 = tpu.vector_load %arg27[%get3A_1204, %get3A_1205] {strides = array<i32>} : memref<80x64xf32, #tpu.memory_space<vmem>>, vector<16xf32>,
          %add3A_1207 = arith.addf %get3A_1203, %get3A_1206 : vector<16xf32>
          %mul3A_1208 = arith.mulf %add3A_1207, %gather3A_1200 : vector<16xf32>
          %swap3A_1209 = arith.index_cast %add3A_1198 : i32 to index
          %swap3A_1210 = arith.constant 0 : index
          %swap3A_1211 = tpu.vector_load %arg29[%swap3A_1209, %swap3A_1210] {strides = array<i32>} : memref<80x64xf32, #tpu.memory_space<vmem>>, vector<16xf32>,
          tpu.vector_store %arg29[%swap3A_1209, %swap3A_1210], %mul3A_1208 {strides = array<i32>} : memref<80x64xf32, #tpu.memory_space<vmem>>, vector<16xf32>,
          %get3A_1212 = arith.index_cast %add3A_1198 : i32 to index
          %get3A_1213 = arith.constant 16 : index
          %get3A_1214 = tpu.vector_load %arg25[%get3A_1212, %get3A_1213] {strides = array<i32>} : memref<80x64xf32, #tpu.memory_space<vmem>>, vector<16xf32>,
          %get3A_1215 = arith.index_cast %add3A_1198 : i32 to index
          %get3A_1216 = arith.constant 16 : index
          %get3A_1217 = tpu.vector_load %arg27[%get3A_1215, %get3A_1216] {strides = array<i32>} : memref<80x64xf32, #tpu.memory_space<vmem>>, vector<16xf32>,
          %add3A_1218 = arith.addf %get3A_1214, %get3A_1217 : vector<16xf32>
          %mul3A_1219 = arith.mulf %add3A_1218, %gather3A_1200 : vector<16xf32>
          %swap3A_1220 = arith.index_cast %add3A_1198 : i32 to index
          %swap3A_1221 = arith.constant 16 : index
          %swap3A_1222 = tpu.vector_load %arg29[%swap3A_1220, %swap3A_1221] {strides = array<i32>} : memref<80x64xf32, #tpu.memory_space<vmem>>, vector<16xf32>,
          tpu.vector_store %arg29[%swap3A_1220, %swap3A_1221], %mul3A_1219 {strides = array<i32>} : memref<80x64xf32, #tpu.memory_space<vmem>>, vector<16xf32>,
          %get3A_1223 = arith.index_cast %add3A_1198 : i32 to index
          %get3A_1224 = arith.constant 32 : index
          %get3A_1225 = tpu.vector_load %arg25[%get3A_1223, %get3A_1224] {strides = array<i32>} : memref<80x64xf32, #tpu.memory_space<vmem>>, vector<16xf32>,
          %get3A_1226 = arith.index_cast %add3A_1198 : i32 to index
          %get3A_1227 = arith.constant 32 : index
          %get3A_1228 = tpu.vector_load %arg27[%get3A_1226, %get3A_1227] {strides = array<i32>} : memref<80x64xf32, #tpu.memory_space<vmem>>, vector<16xf32>,
          %add3A_1229 = arith.addf %get3A_1225, %get3A_1228 : vector<16xf32>
          %mul3A_1230 = arith.mulf %add3A_1229, %gather3A_1200 : vector<16xf32>
          %swap3A_1231 = arith.index_cast %add3A_1198 : i32 to index
          %swap3A_1232 = arith.constant 32 : index
          %swap3A_1233 = tpu.vector_load %arg29[%swap3A_1231, %swap3A_1232] {strides = array<i32>} : memref<80x64xf32, #tpu.memory_space<vmem>>, vector<16xf32>,
          tpu.vector_store %arg29[%swap3A_1231, %swap3A_1232], %mul3A_1230 {strides = array<i32>} : memref<80x64xf32, #tpu.memory_space<vmem>>, vector<16xf32>,
          %get3A_1234 = arith.index_cast %add3A_1198 : i32 to index
          %get3A_1235 = arith.constant 48 : index
          %get3A_1236 = tpu.vector_load %arg25[%get3A_1234, %get3A_1235] {strides = array<i32>} : memref<80x64xf32, #tpu.memory_space<vmem>>, vector<16xf32>,
          %get3A_1237 = arith.index_cast %add3A_1198 : i32 to index
          %get3A_1238 = arith.constant 48 : index
          %get3A_1239 = tpu.vector_load %arg27[%get3A_1237, %get3A_1238] {strides = array<i32>} : memref<80x64xf32, #tpu.memory_space<vmem>>, vector<16xf32>,
          %add3A_1240 = arith.addf %get3A_1236, %get3A_1239 : vector<16xf32>
          %mul3A_1241 = arith.mulf %add3A_1240, %gather3A_1200 : vector<16xf32>
          %swap3A_1242 = arith.index_cast %add3A_1198 : i32 to index
          %swap3A_1243 = arith.constant 48 : index
          %swap3A_1244 = tpu.vector_load %arg29[%swap3A_1242, %swap3A_1243] {strides = array<i32>} : memref<80x64xf32, #tpu.memory_space<vmem>>, vector<16xf32>,
          tpu.vector_store %arg29[%swap3A_1242, %swap3A_1243], %mul3A_1241 {strides = array<i32>} : memref<80x64xf32, #tpu.memory_space<vmem>>, vector<16xf32>,
          %add3A_1245 = arith.constant 8 : i32
          %add3A_1246 = arith.addi %add3A_860, %add3A_1245 : i32
          %broadcast_in_dim3A_1247 = vector.broadcast %add3A_1246 : i32 to vector<16xi32>
          %gather3A_1248 = tpu.vector_load_idx %arg31[%broadcast_in_dim3A_1247] : memref<80xf32, #tpu.memory_space<vmem>>[vector<16xi32>], vector<16xf32>,
          %get3A_1249 = arith.index_cast %add3A_1246 : i32 to index
          %get3A_1250 = arith.constant 0 : index
          %get3A_1251 = tpu.vector_load %arg25[%get3A_1249, %get3A_1250] {strides = array<i32>} : memref<80x64xf32, #tpu.memory_space<vmem>>, vector<16xf32>,
          %get3A_1252 = arith.index_cast %add3A_1246 : i32 to index
          %get3A_1253 = arith.constant 0 : index
          %get3A_1254 = tpu.vector_load %arg27[%get3A_1252, %get3A_1253] {strides = array<i32>} : memref<80x64xf32, #tpu.memory_space<vmem>>, vector<16xf32>,
          %add3A_1255 = arith.addf %get3A_1251, %get3A_1254 : vector<16xf32>
          %mul3A_1256 = arith.mulf %add3A_1255, %gather3A_1248 : vector<16xf32>
          %swap3A_1257 = arith.index_cast %add3A_1246 : i32 to index
          %swap3A_1258 = arith.constant 0 : index
          %swap3A_1259 = tpu.vector_load %arg29[%swap3A_1257, %swap3A_1258] {strides = array<i32>} : memref<80x64xf32, #tpu.memory_space<vmem>>, vector<16xf32>,
          tpu.vector_store %arg29[%swap3A_1257, %swap3A_1258], %mul3A_1256 {strides = array<i32>} : memref<80x64xf32, #tpu.memory_space<vmem>>, vector<16xf32>,
          %get3A_1260 = arith.index_cast %add3A_1246 : i32 to index
          %get3A_1261 = arith.constant 16 : index
          %get3A_1262 = tpu.vector_load %arg25[%get3A_1260, %get3A_1261] {strides = array<i32>} : memref<80x64xf32, #tpu.memory_space<vmem>>, vector<16xf32>,
          %get3A_1263 = arith.index_cast %add3A_1246 : i32 to index
          %get3A_1264 = arith.constant 16 : index
          %get3A_1265 = tpu.vector_load %arg27[%get3A_1263, %get3A_1264] {strides = array<i32>} : memref<80x64xf32, #tpu.memory_space<vmem>>, vector<16xf32>,
          %add3A_1266 = arith.addf %get3A_1262, %get3A_1265 : vector<16xf32>
          %mul3A_1267 = arith.mulf %add3A_1266, %gather3A_1248 : vector<16xf32>
          %swap3A_1268 = arith.index_cast %add3A_1246 : i32 to index
          %swap3A_1269 = arith.constant 16 : index
          %swap3A_1270 = tpu.vector_load %arg29[%swap3A_1268, %swap3A_1269] {strides = array<i32>} : memref<80x64xf32, #tpu.memory_space<vmem>>, vector<16xf32>,
          tpu.vector_store %arg29[%swap3A_1268, %swap3A_1269], %mul3A_1267 {strides = array<i32>} : memref<80x64xf32, #tpu.memory_space<vmem>>, vector<16xf32>,
          %get3A_1271 = arith.index_cast %add3A_1246 : i32 to index
          %get3A_1272 = arith.constant 32 : index
          %get3A_1273 = tpu.vector_load %arg25[%get3A_1271, %get3A_1272] {strides = array<i32>} : memref<80x64xf32, #tpu.memory_space<vmem>>, vector<16xf32>,
          %get3A_1274 = arith.index_cast %add3A_1246 : i32 to index
          %get3A_1275 = arith.constant 32 : index
          %get3A_1276 = tpu.vector_load %arg27[%get3A_1274, %get3A_1275] {strides = array<i32>} : memref<80x64xf32, #tpu.memory_space<vmem>>, vector<16xf32>,
          %add3A_1277 = arith.addf %get3A_1273, %get3A_1276 : vector<16xf32>
          %mul3A_1278 = arith.mulf %add3A_1277, %gather3A_1248 : vector<16xf32>
          %swap3A_1279 = arith.index_cast %add3A_1246 : i32 to index
          %swap3A_1280 = arith.constant 32 : index
          %swap3A_1281 = tpu.vector_load %arg29[%swap3A_1279, %swap3A_1280] {strides = array<i32>} : memref<80x64xf32, #tpu.memory_space<vmem>>, vector<16xf32>,
          tpu.vector_store %arg29[%swap3A_1279, %swap3A_1280], %mul3A_1278 {strides = array<i32>} : memref<80x64xf32, #tpu.memory_space<vmem>>, vector<16xf32>,
          %get3A_1282 = arith.index_cast %add3A_1246 : i32 to index
          %get3A_1283 = arith.constant 48 : index
          %get3A_1284 = tpu.vector_load %arg25[%get3A_1282, %get3A_1283] {strides = array<i32>} : memref<80x64xf32, #tpu.memory_space<vmem>>, vector<16xf32>,
          %get3A_1285 = arith.index_cast %add3A_1246 : i32 to index
          %get3A_1286 = arith.constant 48 : index
          %get3A_1287 = tpu.vector_load %arg27[%get3A_1285, %get3A_1286] {strides = array<i32>} : memref<80x64xf32, #tpu.memory_space<vmem>>, vector<16xf32>,
          %add3A_1288 = arith.addf %get3A_1284, %get3A_1287 : vector<16xf32>
          %mul3A_1289 = arith.mulf %add3A_1288, %gather3A_1248 : vector<16xf32>
          %swap3A_1290 = arith.index_cast %add3A_1246 : i32 to index
          %swap3A_1291 = arith.constant 48 : index
          %swap3A_1292 = tpu.vector_load %arg29[%swap3A_1290, %swap3A_1291] {strides = array<i32>} : memref<80x64xf32, #tpu.memory_space<vmem>>, vector<16xf32>,
          tpu.vector_store %arg29[%swap3A_1290, %swap3A_1291], %mul3A_1289 {strides = array<i32>} : memref<80x64xf32, #tpu.memory_space<vmem>>, vector<16xf32>,
          %add3A_1293 = arith.constant 9 : i32
          %add3A_1294 = arith.addi %add3A_860, %add3A_1293 : i32
          %broadcast_in_dim3A_1295 = vector.broadcast %add3A_1294 : i32 to vector<16xi32>
          %gather3A_1296 = tpu.vector_load_idx %arg31[%broadcast_in_dim3A_1295] : memref<80xf32, #tpu.memory_space<vmem>>[vector<16xi32>], vector<16xf32>,
          %get3A_1297 = arith.index_cast %add3A_1294 : i32 to index
          %get3A_1298 = arith.constant 0 : index
          %get3A_1299 = tpu.vector_load %arg25[%get3A_1297, %get3A_1298] {strides = array<i32>} : memref<80x64xf32, #tpu.memory_space<vmem>>, vector<16xf32>,
          %get3A_1300 = arith.index_cast %add3A_1294 : i32 to index
          %get3A_1301 = arith.constant 0 : index
          %get3A_1302 = tpu.vector_load %arg27[%get3A_1300, %get3A_1301] {strides = array<i32>} : memref<80x64xf32, #tpu.memory_space<vmem>>, vector<16xf32>,
          %add3A_1303 = arith.addf %get3A_1299, %get3A_1302 : vector<16xf32>
          %mul3A_1304 = arith.mulf %add3A_1303, %gather3A_1296 : vector<16xf32>
          %swap3A_1305 = arith.index_cast %add3A_1294 : i32 to index
          %swap3A_1306 = arith.constant 0 : index
          %swap3A_1307 = tpu.vector_load %arg29[%swap3A_1305, %swap3A_1306] {strides = array<i32>} : memref<80x64xf32, #tpu.memory_space<vmem>>, vector<16xf32>,
          tpu.vector_store %arg29[%swap3A_1305, %swap3A_1306], %mul3A_1304 {strides = array<i32>} : memref<80x64xf32, #tpu.memory_space<vmem>>, vector<16xf32>,
          %get3A_1308 = arith.index_cast %add3A_1294 : i32 to index
          %get3A_1309 = arith.constant 16 : index
          %get3A_1310 = tpu.vector_load %arg25[%get3A_1308, %get3A_1309] {strides = array<i32>} : memref<80x64xf32, #tpu.memory_space<vmem>>, vector<16xf32>,
          %get3A_1311 = arith.index_cast %add3A_1294 : i32 to index
          %get3A_1312 = arith.constant 16 : index
          %get3A_1313 = tpu.vector_load %arg27[%get3A_1311, %get3A_1312] {strides = array<i32>} : memref<80x64xf32, #tpu.memory_space<vmem>>, vector<16xf32>,
          %add3A_1314 = arith.addf %get3A_1310, %get3A_1313 : vector<16xf32>
          %mul3A_1315 = arith.mulf %add3A_1314, %gather3A_1296 : vector<16xf32>
          %swap3A_1316 = arith.index_cast %add3A_1294 : i32 to index
          %swap3A_1317 = arith.constant 16 : index
          %swap3A_1318 = tpu.vector_load %arg29[%swap3A_1316, %swap3A_1317] {strides = array<i32>} : memref<80x64xf32, #tpu.memory_space<vmem>>, vector<16xf32>,
          tpu.vector_store %arg29[%swap3A_1316, %swap3A_1317], %mul3A_1315 {strides = array<i32>} : memref<80x64xf32, #tpu.memory_space<vmem>>, vector<16xf32>,
          %get3A_1319 = arith.index_cast %add3A_1294 : i32 to index
          %get3A_1320 = arith.constant 32 : index
          %get3A_1321 = tpu.vector_load %arg25[%get3A_1319, %get3A_1320] {strides = array<i32>} : memref<80x64xf32, #tpu.memory_space<vmem>>, vector<16xf32>,
          %get3A_1322 = arith.index_cast %add3A_1294 : i32 to index
          %get3A_1323 = arith.constant 32 : index
          %get3A_1324 = tpu.vector_load %arg27[%get3A_1322, %get3A_1323] {strides = array<i32>} : memref<80x64xf32, #tpu.memory_space<vmem>>, vector<16xf32>,
          %add3A_1325 = arith.addf %get3A_1321, %get3A_1324 : vector<16xf32>
          %mul3A_1326 = arith.mulf %add3A_1325, %gather3A_1296 : vector<16xf32>
          %swap3A_1327 = arith.index_cast %add3A_1294 : i32 to index
          %swap3A_1328 = arith.constant 32 : index
          %swap3A_1329 = tpu.vector_load %arg29[%swap3A_1327, %swap3A_1328] {strides = array<i32>} : memref<80x64xf32, #tpu.memory_space<vmem>>, vector<16xf32>,
          tpu.vector_store %arg29[%swap3A_1327, %swap3A_1328], %mul3A_1326 {strides = array<i32>} : memref<80x64xf32, #tpu.memory_space<vmem>>, vector<16xf32>,
          %get3A_1330 = arith.index_cast %add3A_1294 : i32 to index
          %get3A_1331 = arith.constant 48 : index
          %get3A_1332 = tpu.vector_load %arg25[%get3A_1330, %get3A_1331] {strides = array<i32>} : memref<80x64xf32, #tpu.memory_space<vmem>>, vector<16xf32>,
          %get3A_1333 = arith.index_cast %add3A_1294 : i32 to index
          %get3A_1334 = arith.constant 48 : index
          %get3A_1335 = tpu.vector_load %arg27[%get3A_1333, %get3A_1334] {strides = array<i32>} : memref<80x64xf32, #tpu.memory_space<vmem>>, vector<16xf32>,
          %add3A_1336 = arith.addf %get3A_1332, %get3A_1335 : vector<16xf32>
          %mul3A_1337 = arith.mulf %add3A_1336, %gather3A_1296 : vector<16xf32>
          %swap3A_1338 = arith.index_cast %add3A_1294 : i32 to index
          %swap3A_1339 = arith.constant 48 : index
          %swap3A_1340 = tpu.vector_load %arg29[%swap3A_1338, %swap3A_1339] {strides = array<i32>} : memref<80x64xf32, #tpu.memory_space<vmem>>, vector<16xf32>,
          tpu.vector_store %arg29[%swap3A_1338, %swap3A_1339], %mul3A_1337 {strides = array<i32>} : memref<80x64xf32, #tpu.memory_space<vmem>>, vector<16xf32>,
          %add3A_1341 = arith.constant 10 : i32
          %add3A_1342 = arith.addi %add3A_860, %add3A_1341 : i32
          %broadcast_in_dim3A_1343 = vector.broadcast %add3A_1342 : i32 to vector<16xi32>
          %gather3A_1344 = tpu.vector_load_idx %arg31[%broadcast_in_dim3A_1343] : memref<80xf32, #tpu.memory_space<vmem>>[vector<16xi32>], vector<16xf32>,
          %get3A_1345 = arith.index_cast %add3A_1342 : i32 to index
          %get3A_1346 = arith.constant 0 : index
          %get3A_1347 = tpu.vector_load %arg25[%get3A_1345, %get3A_1346] {strides = array<i32>} : memref<80x64xf32, #tpu.memory_space<vmem>>, vector<16xf32>,
          %get3A_1348 = arith.index_cast %add3A_1342 : i32 to index
          %get3A_1349 = arith.constant 0 : index
          %get3A_1350 = tpu.vector_load %arg27[%get3A_1348, %get3A_1349] {strides = array<i32>} : memref<80x64xf32, #tpu.memory_space<vmem>>, vector<16xf32>,
          %add3A_1351 = arith.addf %get3A_1347, %get3A_1350 : vector<16xf32>
          %mul3A_1352 = arith.mulf %add3A_1351, %gather3A_1344 : vector<16xf32>
          %swap3A_1353 = arith.index_cast %add3A_1342 : i32 to index
          %swap3A_1354 = arith.constant 0 : index
          %swap3A_1355 = tpu.vector_load %arg29[%swap3A_1353, %swap3A_1354] {strides = array<i32>} : memref<80x64xf32, #tpu.memory_space<vmem>>, vector<16xf32>,
          tpu.vector_store %arg29[%swap3A_1353, %swap3A_1354], %mul3A_1352 {strides = array<i32>} : memref<80x64xf32, #tpu.memory_space<vmem>>, vector<16xf32>,
          %get3A_1356 = arith.index_cast %add3A_1342 : i32 to index
          %get3A_1357 = arith.constant 16 : index
          %get3A_1358 = tpu.vector_load %arg25[%get3A_1356, %get3A_1357] {strides = array<i32>} : memref<80x64xf32, #tpu.memory_space<vmem>>, vector<16xf32>,
          %get3A_1359 = arith.index_cast %add3A_1342 : i32 to index
          %get3A_1360 = arith.constant 16 : index
          %get3A_1361 = tpu.vector_load %arg27[%get3A_1359, %get3A_1360] {strides = array<i32>} : memref<80x64xf32, #tpu.memory_space<vmem>>, vector<16xf32>,
          %add3A_1362 = arith.addf %get3A_1358, %get3A_1361 : vector<16xf32>
          %mul3A_1363 = arith.mulf %add3A_1362, %gather3A_1344 : vector<16xf32>
          %swap3A_1364 = arith.index_cast %add3A_1342 : i32 to index
          %swap3A_1365 = arith.constant 16 : index
          %swap3A_1366 = tpu.vector_load %arg29[%swap3A_1364, %swap3A_1365] {strides = array<i32>} : memref<80x64xf32, #tpu.memory_space<vmem>>, vector<16xf32>,
          tpu.vector_store %arg29[%swap3A_1364, %swap3A_1365], %mul3A_1363 {strides = array<i32>} : memref<80x64xf32, #tpu.memory_space<vmem>>, vector<16xf32>,
          %get3A_1367 = arith.index_cast %add3A_1342 : i32 to index
          %get3A_1368 = arith.constant 32 : index
          %get3A_1369 = tpu.vector_load %arg25[%get3A_1367, %get3A_1368] {strides = array<i32>} : memref<80x64xf32, #tpu.memory_space<vmem>>, vector<16xf32>,
          %get3A_1370 = arith.index_cast %add3A_1342 : i32 to index
          %get3A_1371 = arith.constant 32 : index
          %get3A_1372 = tpu.vector_load %arg27[%get3A_1370, %get3A_1371] {strides = array<i32>} : memref<80x64xf32, #tpu.memory_space<vmem>>, vector<16xf32>,
          %add3A_1373 = arith.addf %get3A_1369, %get3A_1372 : vector<16xf32>
          %mul3A_1374 = arith.mulf %add3A_1373, %gather3A_1344 : vector<16xf32>
          %swap3A_1375 = arith.index_cast %add3A_1342 : i32 to index
          %swap3A_1376 = arith.constant 32 : index
          %swap3A_1377 = tpu.vector_load %arg29[%swap3A_1375, %swap3A_1376] {strides = array<i32>} : memref<80x64xf32, #tpu.memory_space<vmem>>, vector<16xf32>,
          tpu.vector_store %arg29[%swap3A_1375, %swap3A_1376], %mul3A_1374 {strides = array<i32>} : memref<80x64xf32, #tpu.memory_space<vmem>>, vector<16xf32>,
          %get3A_1378 = arith.index_cast %add3A_1342 : i32 to index
          %get3A_1379 = arith.constant 48 : index
          %get3A_1380 = tpu.vector_load %arg25[%get3A_1378, %get3A_1379] {strides = array<i32>} : memref<80x64xf32, #tpu.memory_space<vmem>>, vector<16xf32>,
          %get3A_1381 = arith.index_cast %add3A_1342 : i32 to index
          %get3A_1382 = arith.constant 48 : index
          %get3A_1383 = tpu.vector_load %arg27[%get3A_1381, %get3A_1382] {strides = array<i32>} : memref<80x64xf32, #tpu.memory_space<vmem>>, vector<16xf32>,
          %add3A_1384 = arith.addf %get3A_1380, %get3A_1383 : vector<16xf32>
          %mul3A_1385 = arith.mulf %add3A_1384, %gather3A_1344 : vector<16xf32>
          %swap3A_1386 = arith.index_cast %add3A_1342 : i32 to index
          %swap3A_1387 = arith.constant 48 : index
          %swap3A_1388 = tpu.vector_load %arg29[%swap3A_1386, %swap3A_1387] {strides = array<i32>} : memref<80x64xf32, #tpu.memory_space<vmem>>, vector<16xf32>,
          tpu.vector_store %arg29[%swap3A_1386, %swap3A_1387], %mul3A_1385 {strides = array<i32>} : memref<80x64xf32, #tpu.memory_space<vmem>>, vector<16xf32>,
          %add3A_1389 = arith.constant 11 : i32
          %add3A_1390 = arith.addi %add3A_860, %add3A_1389 : i32
          %broadcast_in_dim3A_1391 = vector.broadcast %add3A_1390 : i32 to vector<16xi32>
          %gather3A_1392 = tpu.vector_load_idx %arg31[%broadcast_in_dim3A_1391] : memref<80xf32, #tpu.memory_space<vmem>>[vector<16xi32>], vector<16xf32>,
          %get3A_1393 = arith.index_cast %add3A_1390 : i32 to index
          %get3A_1394 = arith.constant 0 : index
          %get3A_1395 = tpu.vector_load %arg25[%get3A_1393, %get3A_1394] {strides = array<i32>} : memref<80x64xf32, #tpu.memory_space<vmem>>, vector<16xf32>,
          %get3A_1396 = arith.index_cast %add3A_1390 : i32 to index
          %get3A_1397 = arith.constant 0 : index
          %get3A_1398 = tpu.vector_load %arg27[%get3A_1396, %get3A_1397] {strides = array<i32>} : memref<80x64xf32, #tpu.memory_space<vmem>>, vector<16xf32>,
          %add3A_1399 = arith.addf %get3A_1395, %get3A_1398 : vector<16xf32>
          %mul3A_1400 = arith.mulf %add3A_1399, %gather3A_1392 : vector<16xf32>
          %swap3A_1401 = arith.index_cast %add3A_1390 : i32 to index
          %swap3A_1402 = arith.constant 0 : index
          %swap3A_1403 = tpu.vector_load %arg29[%swap3A_1401, %swap3A_1402] {strides = array<i32>} : memref<80x64xf32, #tpu.memory_space<vmem>>, vector<16xf32>,
          tpu.vector_store %arg29[%swap3A_1401, %swap3A_1402], %mul3A_1400 {strides = array<i32>} : memref<80x64xf32, #tpu.memory_space<vmem>>, vector<16xf32>,
          %get3A_1404 = arith.index_cast %add3A_1390 : i32 to index
          %get3A_1405 = arith.constant 16 : index
          %get3A_1406 = tpu.vector_load %arg25[%get3A_1404, %get3A_1405] {strides = array<i32>} : memref<80x64xf32, #tpu.memory_space<vmem>>, vector<16xf32>,
          %get3A_1407 = arith.index_cast %add3A_1390 : i32 to index
          %get3A_1408 = arith.constant 16 : index
          %get3A_1409 = tpu.vector_load %arg27[%get3A_1407, %get3A_1408] {strides = array<i32>} : memref<80x64xf32, #tpu.memory_space<vmem>>, vector<16xf32>,
          %add3A_1410 = arith.addf %get3A_1406, %get3A_1409 : vector<16xf32>
          %mul3A_1411 = arith.mulf %add3A_1410, %gather3A_1392 : vector<16xf32>
          %swap3A_1412 = arith.index_cast %add3A_1390 : i32 to index
          %swap3A_1413 = arith.constant 16 : index
          %swap3A_1414 = tpu.vector_load %arg29[%swap3A_1412, %swap3A_1413] {strides = array<i32>} : memref<80x64xf32, #tpu.memory_space<vmem>>, vector<16xf32>,
          tpu.vector_store %arg29[%swap3A_1412, %swap3A_1413], %mul3A_1411 {strides = array<i32>} : memref<80x64xf32, #tpu.memory_space<vmem>>, vector<16xf32>,
          %get3A_1415 = arith.index_cast %add3A_1390 : i32 to index
          %get3A_1416 = arith.constant 32 : index
          %get3A_1417 = tpu.vector_load %arg25[%get3A_1415, %get3A_1416] {strides = array<i32>} : memref<80x64xf32, #tpu.memory_space<vmem>>, vector<16xf32>,
          %get3A_1418 = arith.index_cast %add3A_1390 : i32 to index
          %get3A_1419 = arith.constant 32 : index
          %get3A_1420 = tpu.vector_load %arg27[%get3A_1418, %get3A_1419] {strides = array<i32>} : memref<80x64xf32, #tpu.memory_space<vmem>>, vector<16xf32>,
          %add3A_1421 = arith.addf %get3A_1417, %get3A_1420 : vector<16xf32>
          %mul3A_1422 = arith.mulf %add3A_1421, %gather3A_1392 : vector<16xf32>
          %swap3A_1423 = arith.index_cast %add3A_1390 : i32 to index
          %swap3A_1424 = arith.constant 32 : index
          %swap3A_1425 = tpu.vector_load %arg29[%swap3A_1423, %swap3A_1424] {strides = array<i32>} : memref<80x64xf32, #tpu.memory_space<vmem>>, vector<16xf32>,
          tpu.vector_store %arg29[%swap3A_1423, %swap3A_1424], %mul3A_1422 {strides = array<i32>} : memref<80x64xf32, #tpu.memory_space<vmem>>, vector<16xf32>,
          %get3A_1426 = arith.index_cast %add3A_1390 : i32 to index
          %get3A_1427 = arith.constant 48 : index
          %get3A_1428 = tpu.vector_load %arg25[%get3A_1426, %get3A_1427] {strides = array<i32>} : memref<80x64xf32, #tpu.memory_space<vmem>>, vector<16xf32>,
          %get3A_1429 = arith.index_cast %add3A_1390 : i32 to index
          %get3A_1430 = arith.constant 48 : index
          %get3A_1431 = tpu.vector_load %arg27[%get3A_1429, %get3A_1430] {strides = array<i32>} : memref<80x64xf32, #tpu.memory_space<vmem>>, vector<16xf32>,
          %add3A_1432 = arith.addf %get3A_1428, %get3A_1431 : vector<16xf32>
          %mul3A_1433 = arith.mulf %add3A_1432, %gather3A_1392 : vector<16xf32>
          %swap3A_1434 = arith.index_cast %add3A_1390 : i32 to index
          %swap3A_1435 = arith.constant 48 : index
          %swap3A_1436 = tpu.vector_load %arg29[%swap3A_1434, %swap3A_1435] {strides = array<i32>} : memref<80x64xf32, #tpu.memory_space<vmem>>, vector<16xf32>,
          tpu.vector_store %arg29[%swap3A_1434, %swap3A_1435], %mul3A_1433 {strides = array<i32>} : memref<80x64xf32, #tpu.memory_space<vmem>>, vector<16xf32>,
          %add3A_1437 = arith.constant 12 : i32
          %add3A_1438 = arith.addi %add3A_860, %add3A_1437 : i32
          %broadcast_in_dim3A_1439 = vector.broadcast %add3A_1438 : i32 to vector<16xi32>
          %gather3A_1440 = tpu.vector_load_idx %arg31[%broadcast_in_dim3A_1439] : memref<80xf32, #tpu.memory_space<vmem>>[vector<16xi32>], vector<16xf32>,
          %get3A_1441 = arith.index_cast %add3A_1438 : i32 to index
          %get3A_1442 = arith.constant 0 : index
          %get3A_1443 = tpu.vector_load %arg25[%get3A_1441, %get3A_1442] {strides = array<i32>} : memref<80x64xf32, #tpu.memory_space<vmem>>, vector<16xf32>,
          %get3A_1444 = arith.index_cast %add3A_1438 : i32 to index
          %get3A_1445 = arith.constant 0 : index
          %get3A_1446 = tpu.vector_load %arg27[%get3A_1444, %get3A_1445] {strides = array<i32>} : memref<80x64xf32, #tpu.memory_space<vmem>>, vector<16xf32>,
          %add3A_1447 = arith.addf %get3A_1443, %get3A_1446 : vector<16xf32>
          %mul3A_1448 = arith.mulf %add3A_1447, %gather3A_1440 : vector<16xf32>
          %swap3A_1449 = arith.index_cast %add3A_1438 : i32 to index
          %swap3A_1450 = arith.constant 0 : index
          %swap3A_1451 = tpu.vector_load %arg29[%swap3A_1449, %swap3A_1450] {strides = array<i32>} : memref<80x64xf32, #tpu.memory_space<vmem>>, vector<16xf32>,
          tpu.vector_store %arg29[%swap3A_1449, %swap3A_1450], %mul3A_1448 {strides = array<i32>} : memref<80x64xf32, #tpu.memory_space<vmem>>, vector<16xf32>,
          %get3A_1452 = arith.index_cast %add3A_1438 : i32 to index
          %get3A_1453 = arith.constant 16 : index
          %get3A_1454 = tpu.vector_load %arg25[%get3A_1452, %get3A_1453] {strides = array<i32>} : memref<80x64xf32, #tpu.memory_space<vmem>>, vector<16xf32>,
          %get3A_1455 = arith.index_cast %add3A_1438 : i32 to index
          %get3A_1456 = arith.constant 16 : index
          %get3A_1457 = tpu.vector_load %arg27[%get3A_1455, %get3A_1456] {strides = array<i32>} : memref<80x64xf32, #tpu.memory_space<vmem>>, vector<16xf32>,
          %add3A_1458 = arith.addf %get3A_1454, %get3A_1457 : vector<16xf32>
          %mul3A_1459 = arith.mulf %add3A_1458, %gather3A_1440 : vector<16xf32>
          %swap3A_1460 = arith.index_cast %add3A_1438 : i32 to index
          %swap3A_1461 = arith.constant 16 : index
          %swap3A_1462 = tpu.vector_load %arg29[%swap3A_1460, %swap3A_1461] {strides = array<i32>} : memref<80x64xf32, #tpu.memory_space<vmem>>, vector<16xf32>,
          tpu.vector_store %arg29[%swap3A_1460, %swap3A_1461], %mul3A_1459 {strides = array<i32>} : memref<80x64xf32, #tpu.memory_space<vmem>>, vector<16xf32>,
          %get3A_1463 = arith.index_cast %add3A_1438 : i32 to index
          %get3A_1464 = arith.constant 32 : index
          %get3A_1465 = tpu.vector_load %arg25[%get3A_1463, %get3A_1464] {strides = array<i32>} : memref<80x64xf32, #tpu.memory_space<vmem>>, vector<16xf32>,
          %get3A_1466 = arith.index_cast %add3A_1438 : i32 to index
          %get3A_1467 = arith.constant 32 : index
          %get3A_1468 = tpu.vector_load %arg27[%get3A_1466, %get3A_1467] {strides = array<i32>} : memref<80x64xf32, #tpu.memory_space<vmem>>, vector<16xf32>,
          %add3A_1469 = arith.addf %get3A_1465, %get3A_1468 : vector<16xf32>
          %mul3A_1470 = arith.mulf %add3A_1469, %gather3A_1440 : vector<16xf32>
          %swap3A_1471 = arith.index_cast %add3A_1438 : i32 to index
          %swap3A_1472 = arith.constant 32 : index
          %swap3A_1473 = tpu.vector_load %arg29[%swap3A_1471, %swap3A_1472] {strides = array<i32>} : memref<80x64xf32, #tpu.memory_space<vmem>>, vector<16xf32>,
          tpu.vector_store %arg29[%swap3A_1471, %swap3A_1472], %mul3A_1470 {strides = array<i32>} : memref<80x64xf32, #tpu.memory_space<vmem>>, vector<16xf32>,
          %get3A_1474 = arith.index_cast %add3A_1438 : i32 to index
          %get3A_1475 = arith.constant 48 : index
          %get3A_1476 = tpu.vector_load %arg25[%get3A_1474, %get3A_1475] {strides = array<i32>} : memref<80x64xf32, #tpu.memory_space<vmem>>, vector<16xf32>,
          %get3A_1477 = arith.index_cast %add3A_1438 : i32 to index
          %get3A_1478 = arith.constant 48 : index
          %get3A_1479 = tpu.vector_load %arg27[%get3A_1477, %get3A_1478] {strides = array<i32>} : memref<80x64xf32, #tpu.memory_space<vmem>>, vector<16xf32>,
          %add3A_1480 = arith.addf %get3A_1476, %get3A_1479 : vector<16xf32>
          %mul3A_1481 = arith.mulf %add3A_1480, %gather3A_1440 : vector<16xf32>
          %swap3A_1482 = arith.index_cast %add3A_1438 : i32 to index
          %swap3A_1483 = arith.constant 48 : index
          %swap3A_1484 = tpu.vector_load %arg29[%swap3A_1482, %swap3A_1483] {strides = array<i32>} : memref<80x64xf32, #tpu.memory_space<vmem>>, vector<16xf32>,
          tpu.vector_store %arg29[%swap3A_1482, %swap3A_1483], %mul3A_1481 {strides = array<i32>} : memref<80x64xf32, #tpu.memory_space<vmem>>, vector<16xf32>,
          %add3A_1485 = arith.constant 13 : i32
          %add3A_1486 = arith.addi %add3A_860, %add3A_1485 : i32
          %broadcast_in_dim3A_1487 = vector.broadcast %add3A_1486 : i32 to vector<16xi32>
          %gather3A_1488 = tpu.vector_load_idx %arg31[%broadcast_in_dim3A_1487] : memref<80xf32, #tpu.memory_space<vmem>>[vector<16xi32>], vector<16xf32>,
          %get3A_1489 = arith.index_cast %add3A_1486 : i32 to index
          %get3A_1490 = arith.constant 0 : index
          %get3A_1491 = tpu.vector_load %arg25[%get3A_1489, %get3A_1490] {strides = array<i32>} : memref<80x64xf32, #tpu.memory_space<vmem>>, vector<16xf32>,
          %get3A_1492 = arith.index_cast %add3A_1486 : i32 to index
          %get3A_1493 = arith.constant 0 : index
          %get3A_1494 = tpu.vector_load %arg27[%get3A_1492, %get3A_1493] {strides = array<i32>} : memref<80x64xf32, #tpu.memory_space<vmem>>, vector<16xf32>,
          %add3A_1495 = arith.addf %get3A_1491, %get3A_1494 : vector<16xf32>
          %mul3A_1496 = arith.mulf %add3A_1495, %gather3A_1488 : vector<16xf32>
          %swap3A_1497 = arith.index_cast %add3A_1486 : i32 to index
          %swap3A_1498 = arith.constant 0 : index
          %swap3A_1499 = tpu.vector_load %arg29[%swap3A_1497, %swap3A_1498] {strides = array<i32>} : memref<80x64xf32, #tpu.memory_space<vmem>>, vector<16xf32>,
          tpu.vector_store %arg29[%swap3A_1497, %swap3A_1498], %mul3A_1496 {strides = array<i32>} : memref<80x64xf32, #tpu.memory_space<vmem>>, vector<16xf32>,
          %get3A_1500 = arith.index_cast %add3A_1486 : i32 to index
          %get3A_1501 = arith.constant 16 : index
          %get3A_1502 = tpu.vector_load %arg25[%get3A_1500, %get3A_1501] {strides = array<i32>} : memref<80x64xf32, #tpu.memory_space<vmem>>, vector<16xf32>,
          %get3A_1503 = arith.index_cast %add3A_1486 : i32 to index
          %get3A_1504 = arith.constant 16 : index
          %get3A_1505 = tpu.vector_load %arg27[%get3A_1503, %get3A_1504] {strides = array<i32>} : memref<80x64xf32, #tpu.memory_space<vmem>>, vector<16xf32>,
          %add3A_1506 = arith.addf %get3A_1502, %get3A_1505 : vector<16xf32>
          %mul3A_1507 = arith.mulf %add3A_1506, %gather3A_1488 : vector<16xf32>
          %swap3A_1508 = arith.index_cast %add3A_1486 : i32 to index
          %swap3A_1509 = arith.constant 16 : index
          %swap3A_1510 = tpu.vector_load %arg29[%swap3A_1508, %swap3A_1509] {strides = array<i32>} : memref<80x64xf32, #tpu.memory_space<vmem>>, vector<16xf32>,
          tpu.vector_store %arg29[%swap3A_1508, %swap3A_1509], %mul3A_1507 {strides = array<i32>} : memref<80x64xf32, #tpu.memory_space<vmem>>, vector<16xf32>,
          %get3A_1511 = arith.index_cast %add3A_1486 : i32 to index
          %get3A_1512 = arith.constant 32 : index
          %get3A_1513 = tpu.vector_load %arg25[%get3A_1511, %get3A_1512] {strides = array<i32>} : memref<80x64xf32, #tpu.memory_space<vmem>>, vector<16xf32>,
          %get3A_1514 = arith.index_cast %add3A_1486 : i32 to index
          %get3A_1515 = arith.constant 32 : index
          %get3A_1516 = tpu.vector_load %arg27[%get3A_1514, %get3A_1515] {strides = array<i32>} : memref<80x64xf32, #tpu.memory_space<vmem>>, vector<16xf32>,
          %add3A_1517 = arith.addf %get3A_1513, %get3A_1516 : vector<16xf32>
          %mul3A_1518 = arith.mulf %add3A_1517, %gather3A_1488 : vector<16xf32>
          %swap3A_1519 = arith.index_cast %add3A_1486 : i32 to index
          %swap3A_1520 = arith.constant 32 : index
          %swap3A_1521 = tpu.vector_load %arg29[%swap3A_1519, %swap3A_1520] {strides = array<i32>} : memref<80x64xf32, #tpu.memory_space<vmem>>, vector<16xf32>,
          tpu.vector_store %arg29[%swap3A_1519, %swap3A_1520], %mul3A_1518 {strides = array<i32>} : memref<80x64xf32, #tpu.memory_space<vmem>>, vector<16xf32>,
          %get3A_1522 = arith.index_cast %add3A_1486 : i32 to index
          %get3A_1523 = arith.constant 48 : index
          %get3A_1524 = tpu.vector_load %arg25[%get3A_1522, %get3A_1523] {strides = array<i32>} : memref<80x64xf32, #tpu.memory_space<vmem>>, vector<16xf32>,
          %get3A_1525 = arith.index_cast %add3A_1486 : i32 to index
          %get3A_1526 = arith.constant 48 : index
          %get3A_1527 = tpu.vector_load %arg27[%get3A_1525, %get3A_1526] {strides = array<i32>} : memref<80x64xf32, #tpu.memory_space<vmem>>, vector<16xf32>,
          %add3A_1528 = arith.addf %get3A_1524, %get3A_1527 : vector<16xf32>
          %mul3A_1529 = arith.mulf %add3A_1528, %gather3A_1488 : vector<16xf32>
          %swap3A_1530 = arith.index_cast %add3A_1486 : i32 to index
          %swap3A_1531 = arith.constant 48 : index
          %swap3A_1532 = tpu.vector_load %arg29[%swap3A_1530, %swap3A_1531] {strides = array<i32>} : memref<80x64xf32, #tpu.memory_space<vmem>>, vector<16xf32>,
          tpu.vector_store %arg29[%swap3A_1530, %swap3A_1531], %mul3A_1529 {strides = array<i32>} : memref<80x64xf32, #tpu.memory_space<vmem>>, vector<16xf32>,
          %add3A_1533 = arith.constant 14 : i32
          %add3A_1534 = arith.addi %add3A_860, %add3A_1533 : i32
          %broadcast_in_dim3A_1535 = vector.broadcast %add3A_1534 : i32 to vector<16xi32>
          %gather3A_1536 = tpu.vector_load_idx %arg31[%broadcast_in_dim3A_1535] : memref<80xf32, #tpu.memory_space<vmem>>[vector<16xi32>], vector<16xf32>,
          %get3A_1537 = arith.index_cast %add3A_1534 : i32 to index
          %get3A_1538 = arith.constant 0 : index
          %get3A_1539 = tpu.vector_load %arg25[%get3A_1537, %get3A_1538] {strides = array<i32>} : memref<80x64xf32, #tpu.memory_space<vmem>>, vector<16xf32>,
          %get3A_1540 = arith.index_cast %add3A_1534 : i32 to index
          %get3A_1541 = arith.constant 0 : index
          %get3A_1542 = tpu.vector_load %arg27[%get3A_1540, %get3A_1541] {strides = array<i32>} : memref<80x64xf32, #tpu.memory_space<vmem>>, vector<16xf32>,
          %add3A_1543 = arith.addf %get3A_1539, %get3A_1542 : vector<16xf32>
          %mul3A_1544 = arith.mulf %add3A_1543, %gather3A_1536 : vector<16xf32>
          %swap3A_1545 = arith.index_cast %add3A_1534 : i32 to index
          %swap3A_1546 = arith.constant 0 : index
          %swap3A_1547 = tpu.vector_load %arg29[%swap3A_1545, %swap3A_1546] {strides = array<i32>} : memref<80x64xf32, #tpu.memory_space<vmem>>, vector<16xf32>,
          tpu.vector_store %arg29[%swap3A_1545, %swap3A_1546], %mul3A_1544 {strides = array<i32>} : memref<80x64xf32, #tpu.memory_space<vmem>>, vector<16xf32>,
          %get3A_1548 = arith.index_cast %add3A_1534 : i32 to index
          %get3A_1549 = arith.constant 16 : index
          %get3A_1550 = tpu.vector_load %arg25[%get3A_1548, %get3A_1549] {strides = array<i32>} : memref<80x64xf32, #tpu.memory_space<vmem>>, vector<16xf32>,
          %get3A_1551 = arith.index_cast %add3A_1534 : i32 to index
          %get3A_1552 = arith.constant 16 : index
          %get3A_1553 = tpu.vector_load %arg27[%get3A_1551, %get3A_1552] {strides = array<i32>} : memref<80x64xf32, #tpu.memory_space<vmem>>, vector<16xf32>,
          %add3A_1554 = arith.addf %get3A_1550, %get3A_1553 : vector<16xf32>
          %mul3A_1555 = arith.mulf %add3A_1554, %gather3A_1536 : vector<16xf32>
          %swap3A_1556 = arith.index_cast %add3A_1534 : i32 to index
          %swap3A_1557 = arith.constant 16 : index
          %swap3A_1558 = tpu.vector_load %arg29[%swap3A_1556, %swap3A_1557] {strides = array<i32>} : memref<80x64xf32, #tpu.memory_space<vmem>>, vector<16xf32>,
          tpu.vector_store %arg29[%swap3A_1556, %swap3A_1557], %mul3A_1555 {strides = array<i32>} : memref<80x64xf32, #tpu.memory_space<vmem>>, vector<16xf32>,
          %get3A_1559 = arith.index_cast %add3A_1534 : i32 to index
          %get3A_1560 = arith.constant 32 : index
          %get3A_1561 = tpu.vector_load %arg25[%get3A_1559, %get3A_1560] {strides = array<i32>} : memref<80x64xf32, #tpu.memory_space<vmem>>, vector<16xf32>,
          %get3A_1562 = arith.index_cast %add3A_1534 : i32 to index
          %get3A_1563 = arith.constant 32 : index
          %get3A_1564 = tpu.vector_load %arg27[%get3A_1562, %get3A_1563] {strides = array<i32>} : memref<80x64xf32, #tpu.memory_space<vmem>>, vector<16xf32>,
          %add3A_1565 = arith.addf %get3A_1561, %get3A_1564 : vector<16xf32>
          %mul3A_1566 = arith.mulf %add3A_1565, %gather3A_1536 : vector<16xf32>
          %swap3A_1567 = arith.index_cast %add3A_1534 : i32 to index
          %swap3A_1568 = arith.constant 32 : index
          %swap3A_1569 = tpu.vector_load %arg29[%swap3A_1567, %swap3A_1568] {strides = array<i32>} : memref<80x64xf32, #tpu.memory_space<vmem>>, vector<16xf32>,
          tpu.vector_store %arg29[%swap3A_1567, %swap3A_1568], %mul3A_1566 {strides = array<i32>} : memref<80x64xf32, #tpu.memory_space<vmem>>, vector<16xf32>,
          %get3A_1570 = arith.index_cast %add3A_1534 : i32 to index
          %get3A_1571 = arith.constant 48 : index
          %get3A_1572 = tpu.vector_load %arg25[%get3A_1570, %get3A_1571] {strides = array<i32>} : memref<80x64xf32, #tpu.memory_space<vmem>>, vector<16xf32>,
          %get3A_1573 = arith.index_cast %add3A_1534 : i32 to index
          %get3A_1574 = arith.constant 48 : index
          %get3A_1575 = tpu.vector_load %arg27[%get3A_1573, %get3A_1574] {strides = array<i32>} : memref<80x64xf32, #tpu.memory_space<vmem>>, vector<16xf32>,
          %add3A_1576 = arith.addf %get3A_1572, %get3A_1575 : vector<16xf32>
          %mul3A_1577 = arith.mulf %add3A_1576, %gather3A_1536 : vector<16xf32>
          %swap3A_1578 = arith.index_cast %add3A_1534 : i32 to index
          %swap3A_1579 = arith.constant 48 : index
          %swap3A_1580 = tpu.vector_load %arg29[%swap3A_1578, %swap3A_1579] {strides = array<i32>} : memref<80x64xf32, #tpu.memory_space<vmem>>, vector<16xf32>,
          tpu.vector_store %arg29[%swap3A_1578, %swap3A_1579], %mul3A_1577 {strides = array<i32>} : memref<80x64xf32, #tpu.memory_space<vmem>>, vector<16xf32>,
          %add3A_1581 = arith.constant 15 : i32
          %add3A_1582 = arith.addi %add3A_860, %add3A_1581 : i32
          %broadcast_in_dim3A_1583 = vector.broadcast %add3A_1582 : i32 to vector<16xi32>
          %gather3A_1584 = tpu.vector_load_idx %arg31[%broadcast_in_dim3A_1583] : memref<80xf32, #tpu.memory_space<vmem>>[vector<16xi32>], vector<16xf32>,
          %get3A_1585 = arith.index_cast %add3A_1582 : i32 to index
          %get3A_1586 = arith.constant 0 : index
          %get3A_1587 = tpu.vector_load %arg25[%get3A_1585, %get3A_1586] {strides = array<i32>} : memref<80x64xf32, #tpu.memory_space<vmem>>, vector<16xf32>,
          %get3A_1588 = arith.index_cast %add3A_1582 : i32 to index
          %get3A_1589 = arith.constant 0 : index
          %get3A_1590 = tpu.vector_load %arg27[%get3A_1588, %get3A_1589] {strides = array<i32>} : memref<80x64xf32, #tpu.memory_space<vmem>>, vector<16xf32>,
          %add3A_1591 = arith.addf %get3A_1587, %get3A_1590 : vector<16xf32>
          %mul3A_1592 = arith.mulf %add3A_1591, %gather3A_1584 : vector<16xf32>
          %swap3A_1593 = arith.index_cast %add3A_1582 : i32 to index
          %swap3A_1594 = arith.constant 0 : index
          %swap3A_1595 = tpu.vector_load %arg29[%swap3A_1593, %swap3A_1594] {strides = array<i32>} : memref<80x64xf32, #tpu.memory_space<vmem>>, vector<16xf32>,
          tpu.vector_store %arg29[%swap3A_1593, %swap3A_1594], %mul3A_1592 {strides = array<i32>} : memref<80x64xf32, #tpu.memory_space<vmem>>, vector<16xf32>,
          %get3A_1596 = arith.index_cast %add3A_1582 : i32 to index
          %get3A_1597 = arith.constant 16 : index
          %get3A_1598 = tpu.vector_load %arg25[%get3A_1596, %get3A_1597] {strides = array<i32>} : memref<80x64xf32, #tpu.memory_space<vmem>>, vector<16xf32>,
          %get3A_1599 = arith.index_cast %add3A_1582 : i32 to index
          %get3A_1600 = arith.constant 16 : index
          %get3A_1601 = tpu.vector_load %arg27[%get3A_1599, %get3A_1600] {strides = array<i32>} : memref<80x64xf32, #tpu.memory_space<vmem>>, vector<16xf32>,
          %add3A_1602 = arith.addf %get3A_1598, %get3A_1601 : vector<16xf32>
          %mul3A_1603 = arith.mulf %add3A_1602, %gather3A_1584 : vector<16xf32>
          %swap3A_1604 = arith.index_cast %add3A_1582 : i32 to index
          %swap3A_1605 = arith.constant 16 : index
          %swap3A_1606 = tpu.vector_load %arg29[%swap3A_1604, %swap3A_1605] {strides = array<i32>} : memref<80x64xf32, #tpu.memory_space<vmem>>, vector<16xf32>,
          tpu.vector_store %arg29[%swap3A_1604, %swap3A_1605], %mul3A_1603 {strides = array<i32>} : memref<80x64xf32, #tpu.memory_space<vmem>>, vector<16xf32>,
          %get3A_1607 = arith.index_cast %add3A_1582 : i32 to index
          %get3A_1608 = arith.constant 32 : index
          %get3A_1609 = tpu.vector_load %arg25[%get3A_1607, %get3A_1608] {strides = array<i32>} : memref<80x64xf32, #tpu.memory_space<vmem>>, vector<16xf32>,
          %get3A_1610 = arith.index_cast %add3A_1582 : i32 to index
          %get3A_1611 = arith.constant 32 : index
          %get3A_1612 = tpu.vector_load %arg27[%get3A_1610, %get3A_1611] {strides = array<i32>} : memref<80x64xf32, #tpu.memory_space<vmem>>, vector<16xf32>,
          %add3A_1613 = arith.addf %get3A_1609, %get3A_1612 : vector<16xf32>
          %mul3A_1614 = arith.mulf %add3A_1613, %gather3A_1584 : vector<16xf32>
          %swap3A_1615 = arith.index_cast %add3A_1582 : i32 to index
          %swap3A_1616 = arith.constant 32 : index
          %swap3A_1617 = tpu.vector_load %arg29[%swap3A_1615, %swap3A_1616] {strides = array<i32>} : memref<80x64xf32, #tpu.memory_space<vmem>>, vector<16xf32>,
          tpu.vector_store %arg29[%swap3A_1615, %swap3A_1616], %mul3A_1614 {strides = array<i32>} : memref<80x64xf32, #tpu.memory_space<vmem>>, vector<16xf32>,
          %get3A_1618 = arith.index_cast %add3A_1582 : i32 to index
          %get3A_1619 = arith.constant 48 : index
          %get3A_1620 = tpu.vector_load %arg25[%get3A_1618, %get3A_1619] {strides = array<i32>} : memref<80x64xf32, #tpu.memory_space<vmem>>, vector<16xf32>,
          %get3A_1621 = arith.index_cast %add3A_1582 : i32 to index
          %get3A_1622 = arith.constant 48 : index
          %get3A_1623 = tpu.vector_load %arg27[%get3A_1621, %get3A_1622] {strides = array<i32>} : memref<80x64xf32, #tpu.memory_space<vmem>>, vector<16xf32>,
          %add3A_1624 = arith.addf %get3A_1620, %get3A_1623 : vector<16xf32>
          %mul3A_1625 = arith.mulf %add3A_1624, %gather3A_1584 : vector<16xf32>
          %swap3A_1626 = arith.index_cast %add3A_1582 : i32 to index
          %swap3A_1627 = arith.constant 48 : index
          %swap3A_1628 = tpu.vector_load %arg29[%swap3A_1626, %swap3A_1627] {strides = array<i32>} : memref<80x64xf32, #tpu.memory_space<vmem>>, vector<16xf32>,
          tpu.vector_store %arg29[%swap3A_1626, %swap3A_1627], %mul3A_1625 {strides = array<i32>} : memref<80x64xf32, #tpu.memory_space<vmem>>, vector<16xf32>,
        }
        %scan3A_848 = arith.constant 5 : i32
        %dma_start3A_849 = arith.constant 0 : i32
        %dma_start3A_850 = arith.constant 0 : i32
        %dma_start3A_851 = tpu.memref_slice %arg17[%dma_start3A_849, %dma_start3A_850] : memref<1x80xi32, #tpu.memory_space<vmem>> -> memref<1x80xi32, #tpu.memory_space<vmem>>
        %dma_start3A_852 = tpu.memref_squeeze %dma_start3A_851 : memref<1x80xi32, #tpu.memory_space<vmem>> -> memref<80xi32, #tpu.memory_space<vmem>>
        %dma_start3A_853 = arith.constant 0 : i32
        %dma_start3A_854 = arith.constant 0 : i32
        %dma_start3A_855 = tpu.memref_slice %arg35[%dma_start3A_853, %dma_start3A_854] : memref<10000x64xf32, #tpu.memory_space<vmem_shared>> -> memref<10000x64xf32, #tpu.memory_space<vmem_shared>>
        tpu.enqueue_indirect_dma source(%arg29 : memref<80x64xf32, #tpu.memory_space<vmem>>) target(%dma_start3A_855 : memref<10000x64xf32, #tpu.memory_space<vmem_shared>>) offsets(%dma_start3A_852 : memref<80xi32, #tpu.memory_space<vmem>>) semaphore(%arg40 : memref<!tpu.dma_semaphore, #tpu.memory_space<semaphore_mem>>) {add = true}
      } else {
      }
      %add3A_259 = arith.constant 1 : i32
      %add3A_260 = arith.addi %add3A_244, %add3A_259 : i32
      %add3A_261 = arith.constant 2 : i32
      %add3A_262 = arith.addi %add3A_260, %add3A_261 : i32
      %sub3A_263 = arith.constant 1 : i32
      %sub3A_264 = arith.subi %add3A_262, %sub3A_263 : i32
      %lt3A_265 = arith.constant 250 : i32
      %lt3A_266 = arith.cmpi slt, %sub3A_264, %lt3A_265 : i32
      %convert_element_type3A_267 = arith.extui %lt3A_266 : i1 to i32
      %cond3A_268 = arith.constant 0 : i32
      %cond3A_269 = arith.cmpi ne, %convert_element_type3A_267, %cond3A_268 : i32
      scf.if %cond3A_269 {
        %mul3A_275 = arith.constant 250 : i32
        %mul3A_276 = arith.muli %arg1, %mul3A_275 : i32
        %add3A_277 = arith.addi %mul3A_276, %sub3A_264 : i32
        %dma_wait3A_278 = arith.constant 0 : i32
        %dma_wait3A_279 = arith.constant 0 : i32
        %dma_wait3A_280 = tpu.memref_slice %arg2[%add3A_277, %dma_wait3A_278, %dma_wait3A_279] : memref<4000x4x80xi32, #tpu.memory_space<hbm>> -> memref<1x4x80xi32, #tpu.memory_space<hbm>>
        %dma_wait3A_281 = tpu.memref_squeeze %dma_wait3A_280 : memref<1x4x80xi32, #tpu.memory_space<hbm>> -> memref<4x80xi32, #tpu.memory_space<hbm>>
        %dma_wait3A_282 = arith.constant 0 : i32
        %dma_wait3A_283 = arith.constant 0 : i32
        %dma_wait3A_284 = tpu.memref_slice %arg2[%add3A_277, %dma_wait3A_282, %dma_wait3A_283] : memref<4000x4x80xi32, #tpu.memory_space<hbm>> -> memref<1x4x80xi32, #tpu.memory_space<hbm>>
        %dma_wait3A_285 = tpu.memref_squeeze %dma_wait3A_284 : memref<1x4x80xi32, #tpu.memory_space<hbm>> -> memref<4x80xi32, #tpu.memory_space<hbm>>
        tpu.wait_dma2 semaphore(%arg36 : memref<!tpu.dma_semaphore, #tpu.memory_space<semaphore_mem>>) src(%dma_wait3A_285 : memref<4x80xi32, #tpu.memory_space<hbm>>) dst(%arg13 : memref<4x80xi32, #tpu.memory_space<vmem>>)
        %get3A_286 = arith.constant 3 : i32
        %get3A_287 = arith.index_cast %get3A_286 : i32 to index
        %get3A_288 = arith.constant 0 : index
        %get3A_289 = tpu.vector_load %arg13[%get3A_287, %get3A_288] {strides = array<i32>} : memref<4x80xi32, #tpu.memory_space<vmem>>, vector<16xi32>,
        %gather3A_290 = tpu.vector_load_idx %arg12[%get3A_289] : memref<10000xi32, #tpu.memory_space<vmem>>[vector<16xi32>], vector<16xi32>,
        %swap3A_291 = arith.constant 0 : index
        %swap3A_292 = tpu.vector_load %arg15[%swap3A_291] {strides = array<i32>} : memref<80xi32, #tpu.memory_space<vmem>>, vector<16xi32>,
        tpu.vector_store %arg15[%swap3A_291], %gather3A_290 {strides = array<i32>} : memref<80xi32, #tpu.memory_space<vmem>>, vector<16xi32>,
        %get3A_293 = arith.constant 0 : i32
        %get3A_294 = arith.index_cast %get3A_293 : i32 to index
        %get3A_295 = arith.constant 0 : index
        %get3A_296 = tpu.vector_load %arg13[%get3A_294, %get3A_295] {strides = array<i32>} : memref<4x80xi32, #tpu.memory_space<vmem>>, vector<16xi32>,
        %add3A_297 = arith.addi %get3A_296, %broadcast_in_dim3A : vector<16xi32>
        %swap3A_298 = arith.constant 0 : i32
        %swap3A_299 = arith.index_cast %swap3A_298 : i32 to index
        %swap3A_300 = arith.constant 0 : index
        %swap3A_301 = tpu.vector_load %arg13[%swap3A_299, %swap3A_300] {strides = array<i32>} : memref<4x80xi32, #tpu.memory_space<vmem>>, vector<16xi32>,
        tpu.vector_store %arg13[%swap3A_299, %swap3A_300], %add3A_297 {strides = array<i32>} : memref<4x80xi32, #tpu.memory_space<vmem>>, vector<16xi32>,
        %get3A_302 = arith.constant 1 : i32
        %get3A_303 = arith.index_cast %get3A_302 : i32 to index
        %get3A_304 = arith.constant 0 : index
        %get3A_305 = tpu.vector_load %arg13[%get3A_303, %get3A_304] {strides = array<i32>} : memref<4x80xi32, #tpu.memory_space<vmem>>, vector<16xi32>,
        %add3A_306 = arith.addi %get3A_305, %broadcast_in_dim3A_16 : vector<16xi32>
        %swap3A_307 = arith.constant 1 : i32
        %swap3A_308 = arith.index_cast %swap3A_307 : i32 to index
        %swap3A_309 = arith.constant 0 : index
        %swap3A_310 = tpu.vector_load %arg13[%swap3A_308, %swap3A_309] {strides = array<i32>} : memref<4x80xi32, #tpu.memory_space<vmem>>, vector<16xi32>,
        tpu.vector_store %arg13[%swap3A_308, %swap3A_309], %add3A_306 {strides = array<i32>} : memref<4x80xi32, #tpu.memory_space<vmem>>, vector<16xi32>,
        %get3A_311 = arith.constant 3 : i32
        %get3A_312 = arith.index_cast %get3A_311 : i32 to index
        %get3A_313 = arith.constant 16 : index
        %get3A_314 = tpu.vector_load %arg13[%get3A_312, %get3A_313] {strides = array<i32>} : memref<4x80xi32, #tpu.memory_space<vmem>>, vector<16xi32>,
        %gather3A_315 = tpu.vector_load_idx %arg12[%get3A_314] : memref<10000xi32, #tpu.memory_space<vmem>>[vector<16xi32>], vector<16xi32>,
        %swap3A_316 = arith.constant 16 : index
        %swap3A_317 = tpu.vector_load %arg15[%swap3A_316] {strides = array<i32>} : memref<80xi32, #tpu.memory_space<vmem>>, vector<16xi32>,
        tpu.vector_store %arg15[%swap3A_316], %gather3A_315 {strides = array<i32>} : memref<80xi32, #tpu.memory_space<vmem>>, vector<16xi32>,
        %get3A_318 = arith.constant 0 : i32
        %get3A_319 = arith.index_cast %get3A_318 : i32 to index
        %get3A_320 = arith.constant 16 : index
        %get3A_321 = tpu.vector_load %arg13[%get3A_319, %get3A_320] {strides = array<i32>} : memref<4x80xi32, #tpu.memory_space<vmem>>, vector<16xi32>,
        %add3A_322 = arith.addi %get3A_321, %broadcast_in_dim3A : vector<16xi32>
        %swap3A_323 = arith.constant 0 : i32
        %swap3A_324 = arith.index_cast %swap3A_323 : i32 to index
        %swap3A_325 = arith.constant 16 : index
        %swap3A_326 = tpu.vector_load %arg13[%swap3A_324, %swap3A_325] {strides = array<i32>} : memref<4x80xi32, #tpu.memory_space<vmem>>, vector<16xi32>,
        tpu.vector_store %arg13[%swap3A_324, %swap3A_325], %add3A_322 {strides = array<i32>} : memref<4x80xi32, #tpu.memory_space<vmem>>, vector<16xi32>,
        %get3A_327 = arith.constant 1 : i32
        %get3A_328 = arith.index_cast %get3A_327 : i32 to index
        %get3A_329 = arith.constant 16 : index
        %get3A_330 = tpu.vector_load %arg13[%get3A_328, %get3A_329] {strides = array<i32>} : memref<4x80xi32, #tpu.memory_space<vmem>>, vector<16xi32>,
        %add3A_331 = arith.addi %get3A_330, %broadcast_in_dim3A_16 : vector<16xi32>
        %swap3A_332 = arith.constant 1 : i32
        %swap3A_333 = arith.index_cast %swap3A_332 : i32 to index
        %swap3A_334 = arith.constant 16 : index
        %swap3A_335 = tpu.vector_load %arg13[%swap3A_333, %swap3A_334] {strides = array<i32>} : memref<4x80xi32, #tpu.memory_space<vmem>>, vector<16xi32>,
        tpu.vector_store %arg13[%swap3A_333, %swap3A_334], %add3A_331 {strides = array<i32>} : memref<4x80xi32, #tpu.memory_space<vmem>>, vector<16xi32>,
        %get3A_336 = arith.constant 3 : i32
        %get3A_337 = arith.index_cast %get3A_336 : i32 to index
        %get3A_338 = arith.constant 32 : index
        %get3A_339 = tpu.vector_load %arg13[%get3A_337, %get3A_338] {strides = array<i32>} : memref<4x80xi32, #tpu.memory_space<vmem>>, vector<16xi32>,
        %gather3A_340 = tpu.vector_load_idx %arg12[%get3A_339] : memref<10000xi32, #tpu.memory_space<vmem>>[vector<16xi32>], vector<16xi32>,
        %swap3A_341 = arith.constant 32 : index
        %swap3A_342 = tpu.vector_load %arg15[%swap3A_341] {strides = array<i32>} : memref<80xi32, #tpu.memory_space<vmem>>, vector<16xi32>,
        tpu.vector_store %arg15[%swap3A_341], %gather3A_340 {strides = array<i32>} : memref<80xi32, #tpu.memory_space<vmem>>, vector<16xi32>,
        %get3A_343 = arith.constant 0 : i32
        %get3A_344 = arith.index_cast %get3A_343 : i32 to index
        %get3A_345 = arith.constant 32 : index
        %get3A_346 = tpu.vector_load %arg13[%get3A_344, %get3A_345] {strides = array<i32>} : memref<4x80xi32, #tpu.memory_space<vmem>>, vector<16xi32>,
        %add3A_347 = arith.addi %get3A_346, %broadcast_in_dim3A : vector<16xi32>
        %swap3A_348 = arith.constant 0 : i32
        %swap3A_349 = arith.index_cast %swap3A_348 : i32 to index
        %swap3A_350 = arith.constant 32 : index
        %swap3A_351 = tpu.vector_load %arg13[%swap3A_349, %swap3A_350] {strides = array<i32>} : memref<4x80xi32, #tpu.memory_space<vmem>>, vector<16xi32>,
        tpu.vector_store %arg13[%swap3A_349, %swap3A_350], %add3A_347 {strides = array<i32>} : memref<4x80xi32, #tpu.memory_space<vmem>>, vector<16xi32>,
        %get3A_352 = arith.constant 1 : i32
        %get3A_353 = arith.index_cast %get3A_352 : i32 to index
        %get3A_354 = arith.constant 32 : index
        %get3A_355 = tpu.vector_load %arg13[%get3A_353, %get3A_354] {strides = array<i32>} : memref<4x80xi32, #tpu.memory_space<vmem>>, vector<16xi32>,
        %add3A_356 = arith.addi %get3A_355, %broadcast_in_dim3A_16 : vector<16xi32>
        %swap3A_357 = arith.constant 1 : i32
        %swap3A_358 = arith.index_cast %swap3A_357 : i32 to index
        %swap3A_359 = arith.constant 32 : index
        %swap3A_360 = tpu.vector_load %arg13[%swap3A_358, %swap3A_359] {strides = array<i32>} : memref<4x80xi32, #tpu.memory_space<vmem>>, vector<16xi32>,
        tpu.vector_store %arg13[%swap3A_358, %swap3A_359], %add3A_356 {strides = array<i32>} : memref<4x80xi32, #tpu.memory_space<vmem>>, vector<16xi32>,
        %get3A_361 = arith.constant 3 : i32
        %get3A_362 = arith.index_cast %get3A_361 : i32 to index
        %get3A_363 = arith.constant 48 : index
        %get3A_364 = tpu.vector_load %arg13[%get3A_362, %get3A_363] {strides = array<i32>} : memref<4x80xi32, #tpu.memory_space<vmem>>, vector<16xi32>,
        %gather3A_365 = tpu.vector_load_idx %arg12[%get3A_364] : memref<10000xi32, #tpu.memory_space<vmem>>[vector<16xi32>], vector<16xi32>,
        %swap3A_366 = arith.constant 48 : index
        %swap3A_367 = tpu.vector_load %arg15[%swap3A_366] {strides = array<i32>} : memref<80xi32, #tpu.memory_space<vmem>>, vector<16xi32>,
        tpu.vector_store %arg15[%swap3A_366], %gather3A_365 {strides = array<i32>} : memref<80xi32, #tpu.memory_space<vmem>>, vector<16xi32>,
        %get3A_368 = arith.constant 0 : i32
        %get3A_369 = arith.index_cast %get3A_368 : i32 to index
        %get3A_370 = arith.constant 48 : index
        %get3A_371 = tpu.vector_load %arg13[%get3A_369, %get3A_370] {strides = array<i32>} : memref<4x80xi32, #tpu.memory_space<vmem>>, vector<16xi32>,
        %add3A_372 = arith.addi %get3A_371, %broadcast_in_dim3A : vector<16xi32>
        %swap3A_373 = arith.constant 0 : i32
        %swap3A_374 = arith.index_cast %swap3A_373 : i32 to index
        %swap3A_375 = arith.constant 48 : index
        %swap3A_376 = tpu.vector_load %arg13[%swap3A_374, %swap3A_375] {strides = array<i32>} : memref<4x80xi32, #tpu.memory_space<vmem>>, vector<16xi32>,
        tpu.vector_store %arg13[%swap3A_374, %swap3A_375], %add3A_372 {strides = array<i32>} : memref<4x80xi32, #tpu.memory_space<vmem>>, vector<16xi32>,
        %get3A_377 = arith.constant 1 : i32
        %get3A_378 = arith.index_cast %get3A_377 : i32 to index
        %get3A_379 = arith.constant 48 : index
        %get3A_380 = tpu.vector_load %arg13[%get3A_378, %get3A_379] {strides = array<i32>} : memref<4x80xi32, #tpu.memory_space<vmem>>, vector<16xi32>,
        %add3A_381 = arith.addi %get3A_380, %broadcast_in_dim3A_16 : vector<16xi32>
        %swap3A_382 = arith.constant 1 : i32
        %swap3A_383 = arith.index_cast %swap3A_382 : i32 to index
        %swap3A_384 = arith.constant 48 : index
        %swap3A_385 = tpu.vector_load %arg13[%swap3A_383, %swap3A_384] {strides = array<i32>} : memref<4x80xi32, #tpu.memory_space<vmem>>, vector<16xi32>,
        tpu.vector_store %arg13[%swap3A_383, %swap3A_384], %add3A_381 {strides = array<i32>} : memref<4x80xi32, #tpu.memory_space<vmem>>, vector<16xi32>,
        %get3A_386 = arith.constant 3 : i32
        %get3A_387 = arith.index_cast %get3A_386 : i32 to index
        %get3A_388 = arith.constant 64 : index
        %get3A_389 = tpu.vector_load %arg13[%get3A_387, %get3A_388] {strides = array<i32>} : memref<4x80xi32, #tpu.memory_space<vmem>>, vector<16xi32>,
        %gather3A_390 = tpu.vector_load_idx %arg12[%get3A_389] : memref<10000xi32, #tpu.memory_space<vmem>>[vector<16xi32>], vector<16xi32>,
        %swap3A_391 = arith.constant 64 : index
        %swap3A_392 = tpu.vector_load %arg15[%swap3A_391] {strides = array<i32>} : memref<80xi32, #tpu.memory_space<vmem>>, vector<16xi32>,
        tpu.vector_store %arg15[%swap3A_391], %gather3A_390 {strides = array<i32>} : memref<80xi32, #tpu.memory_space<vmem>>, vector<16xi32>,
        %get3A_393 = arith.constant 0 : i32
        %get3A_394 = arith.index_cast %get3A_393 : i32 to index
        %get3A_395 = arith.constant 64 : index
        %get3A_396 = tpu.vector_load %arg13[%get3A_394, %get3A_395] {strides = array<i32>} : memref<4x80xi32, #tpu.memory_space<vmem>>, vector<16xi32>,
        %add3A_397 = arith.addi %get3A_396, %broadcast_in_dim3A : vector<16xi32>
        %swap3A_398 = arith.constant 0 : i32
        %swap3A_399 = arith.index_cast %swap3A_398 : i32 to index
        %swap3A_400 = arith.constant 64 : index
        %swap3A_401 = tpu.vector_load %arg13[%swap3A_399, %swap3A_400] {strides = array<i32>} : memref<4x80xi32, #tpu.memory_space<vmem>>, vector<16xi32>,
        tpu.vector_store %arg13[%swap3A_399, %swap3A_400], %add3A_397 {strides = array<i32>} : memref<4x80xi32, #tpu.memory_space<vmem>>, vector<16xi32>,
        %get3A_402 = arith.constant 1 : i32
        %get3A_403 = arith.index_cast %get3A_402 : i32 to index
        %get3A_404 = arith.constant 64 : index
        %get3A_405 = tpu.vector_load %arg13[%get3A_403, %get3A_404] {strides = array<i32>} : memref<4x80xi32, #tpu.memory_space<vmem>>, vector<16xi32>,
        %add3A_406 = arith.addi %get3A_405, %broadcast_in_dim3A_16 : vector<16xi32>
        %swap3A_407 = arith.constant 1 : i32
        %swap3A_408 = arith.index_cast %swap3A_407 : i32 to index
        %swap3A_409 = arith.constant 64 : index
        %swap3A_410 = tpu.vector_load %arg13[%swap3A_408, %swap3A_409] {strides = array<i32>} : memref<4x80xi32, #tpu.memory_space<vmem>>, vector<16xi32>,
        tpu.vector_store %arg13[%swap3A_408, %swap3A_409], %add3A_406 {strides = array<i32>} : memref<4x80xi32, #tpu.memory_space<vmem>>, vector<16xi32>,
        %ge3A = arith.constant 2 : i32
        %ge3A_411 = arith.cmpi sge, %sub3A_264, %ge3A : i32
        %convert_element_type3A_412 = arith.extui %ge3A_411 : i1 to i32
        %cond3A_413 = arith.constant 0 : i32
        %cond3A_414 = arith.cmpi ne, %convert_element_type3A_412, %cond3A_413 : i32
        scf.if %cond3A_414 {
          %dma_wait3A_446 = arith.constant 0 : i32
          %dma_wait3A_447 = arith.constant 0 : i32
          %dma_wait3A_448 = tpu.memref_slice %arg17[%dma_wait3A_446, %dma_wait3A_447] : memref<1x80xi32, #tpu.memory_space<vmem>> -> memref<1x80xi32, #tpu.memory_space<vmem>>
          %dma_wait3A_449 = tpu.memref_squeeze %dma_wait3A_448 : memref<1x80xi32, #tpu.memory_space<vmem>> -> memref<80xi32, #tpu.memory_space<vmem>>
          %dma_wait3A_450 = arith.constant 0 : i32
          %dma_wait3A_451 = arith.constant 0 : i32
          %dma_wait3A_452 = tpu.memref_slice %arg35[%dma_wait3A_450, %dma_wait3A_451] : memref<10000x64xf32, #tpu.memory_space<vmem_shared>> -> memref<10000x64xf32, #tpu.memory_space<vmem_shared>>
          tpu.wait_indirect_dma semaphore(%arg40 : memref<!tpu.dma_semaphore, #tpu.memory_space<semaphore_mem>>) src(%arg29 : memref<80x64xf32, #tpu.memory_space<vmem>>) dst(%dma_wait3A_452 : memref<10000x64xf32, #tpu.memory_space<vmem_shared>>)
        } else {
        }
        %dma_start3A_415 = arith.constant 0 : i32
        %dma_start3A_416 = arith.constant 0 : i32
        %dma_start3A_417 = tpu.memref_slice %arg13[%dma_start3A_415, %dma_start3A_416] : memref<4x80xi32, #tpu.memory_space<vmem>> -> memref<1x80xi32, #tpu.memory_space<vmem>>
        %dma_start3A_418 = tpu.memref_squeeze %dma_start3A_417 : memref<1x80xi32, #tpu.memory_space<vmem>> -> memref<80xi32, #tpu.memory_space<vmem>>
        %dma_start3A_419 = arith.constant 0 : i32
        %dma_start3A_420 = arith.constant 0 : i32
        %dma_start3A_421 = tpu.memref_slice %arg4[%dma_start3A_419, %dma_start3A_420] : memref<20000x64xf32, #tpu.memory_space<hbm>> -> memref<20000x64xf32, #tpu.memory_space<hbm>>
        tpu.enqueue_indirect_dma source(%dma_start3A_421 : memref<20000x64xf32, #tpu.memory_space<hbm>>) target(%arg25 : memref<80x64xf32, #tpu.memory_space<vmem>>) offsets(%dma_start3A_418 : memref<80xi32, #tpu.memory_space<vmem>>) semaphore(%arg38 : memref<!tpu.dma_semaphore, #tpu.memory_space<semaphore_mem>>)
        %dma_start3A_422 = arith.constant 1 : i32
        %dma_start3A_423 = arith.constant 0 : i32
        %dma_start3A_424 = tpu.memref_slice %arg13[%dma_start3A_422, %dma_start3A_423] : memref<4x80xi32, #tpu.memory_space<vmem>> -> memref<1x80xi32, #tpu.memory_space<vmem>>
        %dma_start3A_425 = tpu.memref_squeeze %dma_start3A_424 : memref<1x80xi32, #tpu.memory_space<vmem>> -> memref<80xi32, #tpu.memory_space<vmem>>
        %dma_start3A_426 = arith.constant 0 : i32
        %dma_start3A_427 = arith.constant 0 : i32
        %dma_start3A_428 = tpu.memref_slice %arg5[%dma_start3A_426, %dma_start3A_427] : memref<20016x64xf32, #tpu.memory_space<hbm>> -> memref<20016x64xf32, #tpu.memory_space<hbm>>
        tpu.enqueue_indirect_dma source(%dma_start3A_428 : memref<20016x64xf32, #tpu.memory_space<hbm>>) target(%arg27 : memref<80x64xf32, #tpu.memory_space<vmem>>) offsets(%dma_start3A_425 : memref<80xi32, #tpu.memory_space<vmem>>) semaphore(%arg38 : memref<!tpu.dma_semaphore, #tpu.memory_space<semaphore_mem>>)
        %dma_start3A_429 = arith.constant 0 : i32
        %dma_start3A_430 = arith.constant 0 : i32
        %dma_start3A_431 = tpu.memref_slice %arg13[%dma_start3A_429, %dma_start3A_430] : memref<4x80xi32, #tpu.memory_space<vmem>> -> memref<1x80xi32, #tpu.memory_space<vmem>>
        %dma_start3A_432 = tpu.memref_squeeze %dma_start3A_431 : memref<1x80xi32, #tpu.memory_space<vmem>> -> memref<80xi32, #tpu.memory_space<vmem>>
        %dma_start3A_433 = arith.constant 0 : i32
        %dma_start3A_434 = arith.constant 0 : i32
        %dma_start3A_435 = tpu.memref_slice %arg6[%dma_start3A_433, %dma_start3A_434] : memref<20000x16xf32, #tpu.memory_space<hbm>> -> memref<20000x16xf32, #tpu.memory_space<hbm>>
        tpu.enqueue_indirect_dma source(%dma_start3A_435 : memref<20000x16xf32, #tpu.memory_space<hbm>>) target(%arg19 : memref<80x16xf32, #tpu.memory_space<vmem>>) offsets(%dma_start3A_432 : memref<80xi32, #tpu.memory_space<vmem>>) semaphore(%arg38 : memref<!tpu.dma_semaphore, #tpu.memory_space<semaphore_mem>>)
        %dma_start3A_436 = arith.constant 1 : i32
        %dma_start3A_437 = arith.constant 0 : i32
        %dma_start3A_438 = tpu.memref_slice %arg13[%dma_start3A_436, %dma_start3A_437] : memref<4x80xi32, #tpu.memory_space<vmem>> -> memref<1x80xi32, #tpu.memory_space<vmem>>
        %dma_start3A_439 = tpu.memref_squeeze %dma_start3A_438 : memref<1x80xi32, #tpu.memory_space<vmem>> -> memref<80xi32, #tpu.memory_space<vmem>>
        %dma_start3A_440 = arith.constant 0 : i32
        %dma_start3A_441 = arith.constant 0 : i32
        %dma_start3A_442 = tpu.memref_slice %arg7[%dma_start3A_440, %dma_start3A_441] : memref<20016x16xf32, #tpu.memory_space<hbm>> -> memref<20016x16xf32, #tpu.memory_space<hbm>>
        tpu.enqueue_indirect_dma source(%dma_start3A_442 : memref<20016x16xf32, #tpu.memory_space<hbm>>) target(%arg21 : memref<80x16xf32, #tpu.memory_space<vmem>>) offsets(%dma_start3A_439 : memref<80xi32, #tpu.memory_space<vmem>>) semaphore(%arg38 : memref<!tpu.dma_semaphore, #tpu.memory_space<semaphore_mem>>)
        %dma_start3A_443 = arith.constant 0 : i32
        %dma_start3A_444 = arith.constant 0 : i32
        %dma_start3A_445 = tpu.memref_slice %arg8[%dma_start3A_443, %dma_start3A_444] : memref<10008x16xf32, #tpu.memory_space<hbm>> -> memref<10008x16xf32, #tpu.memory_space<hbm>>
        tpu.enqueue_indirect_dma source(%dma_start3A_445 : memref<10008x16xf32, #tpu.memory_space<hbm>>) target(%arg23 : memref<80x16xf32, #tpu.memory_space<vmem>>) offsets(%arg15 : memref<80xi32, #tpu.memory_space<vmem>>) semaphore(%arg38 : memref<!tpu.dma_semaphore, #tpu.memory_space<semaphore_mem>>)
      } else {
      }
      %lt3A_270 = arith.constant 250 : i32
      %lt3A_271 = arith.cmpi slt, %add3A_260, %lt3A_270 : i32
      %convert_element_type3A_272 = arith.extui %lt3A_271 : i1 to i32
      %cond3A_273 = arith.constant 0 : i32
      %cond3A_274 = arith.cmpi ne, %convert_element_type3A_272, %cond3A_273 : i32
      scf.if %cond3A_274 {
        %dma_wait3A_275 = arith.constant 0 : i32
        %dma_wait3A_276 = arith.constant 0 : i32
        %dma_wait3A_277 = tpu.memref_slice %arg14[%dma_wait3A_275, %dma_wait3A_276] : memref<4x80xi32, #tpu.memory_space<vmem>> -> memref<1x80xi32, #tpu.memory_space<vmem>>
        %dma_wait3A_278 = tpu.memref_squeeze %dma_wait3A_277 : memref<1x80xi32, #tpu.memory_space<vmem>> -> memref<80xi32, #tpu.memory_space<vmem>>
        %dma_wait3A_279 = arith.constant 0 : i32
        %dma_wait3A_280 = arith.constant 0 : i32
        %dma_wait3A_281 = tpu.memref_slice %arg4[%dma_wait3A_279, %dma_wait3A_280] : memref<20000x64xf32, #tpu.memory_space<hbm>> -> memref<20000x64xf32, #tpu.memory_space<hbm>>
        tpu.wait_indirect_dma semaphore(%arg39 : memref<!tpu.dma_semaphore, #tpu.memory_space<semaphore_mem>>) src(%dma_wait3A_281 : memref<20000x64xf32, #tpu.memory_space<hbm>>) dst(%arg26 : memref<80x64xf32, #tpu.memory_space<vmem>>)
        %dma_wait3A_282 = arith.constant 1 : i32
        %dma_wait3A_283 = arith.constant 0 : i32
        %dma_wait3A_284 = tpu.memref_slice %arg14[%dma_wait3A_282, %dma_wait3A_283] : memref<4x80xi32, #tpu.memory_space<vmem>> -> memref<1x80xi32, #tpu.memory_space<vmem>>
        %dma_wait3A_285 = tpu.memref_squeeze %dma_wait3A_284 : memref<1x80xi32, #tpu.memory_space<vmem>> -> memref<80xi32, #tpu.memory_space<vmem>>
        %dma_wait3A_286 = arith.constant 0 : i32
        %dma_wait3A_287 = arith.constant 0 : i32
        %dma_wait3A_288 = tpu.memref_slice %arg5[%dma_wait3A_286, %dma_wait3A_287] : memref<20016x64xf32, #tpu.memory_space<hbm>> -> memref<20016x64xf32, #tpu.memory_space<hbm>>
        tpu.wait_indirect_dma semaphore(%arg39 : memref<!tpu.dma_semaphore, #tpu.memory_space<semaphore_mem>>) src(%dma_wait3A_288 : memref<20016x64xf32, #tpu.memory_space<hbm>>) dst(%arg28 : memref<80x64xf32, #tpu.memory_space<vmem>>)
        %dma_wait3A_289 = arith.constant 0 : i32
        %dma_wait3A_290 = arith.constant 0 : i32
        %dma_wait3A_291 = tpu.memref_slice %arg14[%dma_wait3A_289, %dma_wait3A_290] : memref<4x80xi32, #tpu.memory_space<vmem>> -> memref<1x80xi32, #tpu.memory_space<vmem>>
        %dma_wait3A_292 = tpu.memref_squeeze %dma_wait3A_291 : memref<1x80xi32, #tpu.memory_space<vmem>> -> memref<80xi32, #tpu.memory_space<vmem>>
        %dma_wait3A_293 = arith.constant 0 : i32
        %dma_wait3A_294 = arith.constant 0 : i32
        %dma_wait3A_295 = tpu.memref_slice %arg6[%dma_wait3A_293, %dma_wait3A_294] : memref<20000x16xf32, #tpu.memory_space<hbm>> -> memref<20000x16xf32, #tpu.memory_space<hbm>>
        tpu.wait_indirect_dma semaphore(%arg39 : memref<!tpu.dma_semaphore, #tpu.memory_space<semaphore_mem>>) src(%dma_wait3A_295 : memref<20000x16xf32, #tpu.memory_space<hbm>>) dst(%arg20 : memref<80x16xf32, #tpu.memory_space<vmem>>)
        %dma_wait3A_296 = arith.constant 1 : i32
        %dma_wait3A_297 = arith.constant 0 : i32
        %dma_wait3A_298 = tpu.memref_slice %arg14[%dma_wait3A_296, %dma_wait3A_297] : memref<4x80xi32, #tpu.memory_space<vmem>> -> memref<1x80xi32, #tpu.memory_space<vmem>>
        %dma_wait3A_299 = tpu.memref_squeeze %dma_wait3A_298 : memref<1x80xi32, #tpu.memory_space<vmem>> -> memref<80xi32, #tpu.memory_space<vmem>>
        %dma_wait3A_300 = arith.constant 0 : i32
        %dma_wait3A_301 = arith.constant 0 : i32
        %dma_wait3A_302 = tpu.memref_slice %arg7[%dma_wait3A_300, %dma_wait3A_301] : memref<20016x16xf32, #tpu.memory_space<hbm>> -> memref<20016x16xf32, #tpu.memory_space<hbm>>
        tpu.wait_indirect_dma semaphore(%arg39 : memref<!tpu.dma_semaphore, #tpu.memory_space<semaphore_mem>>) src(%dma_wait3A_302 : memref<20016x16xf32, #tpu.memory_space<hbm>>) dst(%arg22 : memref<80x16xf32, #tpu.memory_space<vmem>>)
        %dma_wait3A_303 = arith.constant 0 : i32
        %dma_wait3A_304 = arith.constant 0 : i32
        %dma_wait3A_305 = tpu.memref_slice %arg8[%dma_wait3A_303, %dma_wait3A_304] : memref<10008x16xf32, #tpu.memory_space<hbm>> -> memref<10008x16xf32, #tpu.memory_space<hbm>>
        tpu.wait_indirect_dma semaphore(%arg39 : memref<!tpu.dma_semaphore, #tpu.memory_space<semaphore_mem>>) src(%dma_wait3A_305 : memref<10008x16xf32, #tpu.memory_space<hbm>>) dst(%arg24 : memref<80x16xf32, #tpu.memory_space<vmem>>)
        %get3A_306 = arith.constant 2 : i32
        %get3A_307 = arith.index_cast %get3A_306 : i32 to index
        %get3A_308 = arith.constant 0 : index
        %get3A_309 = tpu.vector_load %arg14[%get3A_307, %get3A_308] {strides = array<i32>} : memref<4x80xi32, #tpu.memory_space<vmem>>, vector<16xi32>,
        %swap3A_310 = arith.constant 0 : i32
        %swap3A_311 = arith.index_cast %swap3A_310 : i32 to index
        %swap3A_312 = arith.constant 0 : index
        %swap3A_313 = tpu.vector_load %arg18[%swap3A_311, %swap3A_312] {strides = array<i32>} : memref<1x80xi32, #tpu.memory_space<vmem>>, vector<16xi32>,
        tpu.vector_store %arg18[%swap3A_311, %swap3A_312], %get3A_309 {strides = array<i32>} : memref<1x80xi32, #tpu.memory_space<vmem>>, vector<16xi32>,
        %get3A_314 = arith.constant 2 : i32
        %get3A_315 = arith.index_cast %get3A_314 : i32 to index
        %get3A_316 = arith.constant 16 : index
        %get3A_317 = tpu.vector_load %arg14[%get3A_315, %get3A_316] {strides = array<i32>} : memref<4x80xi32, #tpu.memory_space<vmem>>, vector<16xi32>,
        %swap3A_318 = arith.constant 0 : i32
        %swap3A_319 = arith.index_cast %swap3A_318 : i32 to index
        %swap3A_320 = arith.constant 16 : index
        %swap3A_321 = tpu.vector_load %arg18[%swap3A_319, %swap3A_320] {strides = array<i32>} : memref<1x80xi32, #tpu.memory_space<vmem>>, vector<16xi32>,
        tpu.vector_store %arg18[%swap3A_319, %swap3A_320], %get3A_317 {strides = array<i32>} : memref<1x80xi32, #tpu.memory_space<vmem>>, vector<16xi32>,
        %get3A_322 = arith.constant 2 : i32
        %get3A_323 = arith.index_cast %get3A_322 : i32 to index
        %get3A_324 = arith.constant 32 : index
        %get3A_325 = tpu.vector_load %arg14[%get3A_323, %get3A_324] {strides = array<i32>} : memref<4x80xi32, #tpu.memory_space<vmem>>, vector<16xi32>,
        %swap3A_326 = arith.constant 0 : i32
        %swap3A_327 = arith.index_cast %swap3A_326 : i32 to index
        %swap3A_328 = arith.constant 32 : index
        %swap3A_329 = tpu.vector_load %arg18[%swap3A_327, %swap3A_328] {strides = array<i32>} : memref<1x80xi32, #tpu.memory_space<vmem>>, vector<16xi32>,
        tpu.vector_store %arg18[%swap3A_327, %swap3A_328], %get3A_325 {strides = array<i32>} : memref<1x80xi32, #tpu.memory_space<vmem>>, vector<16xi32>,
        %get3A_330 = arith.constant 2 : i32
        %get3A_331 = arith.index_cast %get3A_330 : i32 to index
        %get3A_332 = arith.constant 48 : index
        %get3A_333 = tpu.vector_load %arg14[%get3A_331, %get3A_332] {strides = array<i32>} : memref<4x80xi32, #tpu.memory_space<vmem>>, vector<16xi32>,
        %swap3A_334 = arith.constant 0 : i32
        %swap3A_335 = arith.index_cast %swap3A_334 : i32 to index
        %swap3A_336 = arith.constant 48 : index
        %swap3A_337 = tpu.vector_load %arg18[%swap3A_335, %swap3A_336] {strides = array<i32>} : memref<1x80xi32, #tpu.memory_space<vmem>>, vector<16xi32>,
        tpu.vector_store %arg18[%swap3A_335, %swap3A_336], %get3A_333 {strides = array<i32>} : memref<1x80xi32, #tpu.memory_space<vmem>>, vector<16xi32>,
        %get3A_338 = arith.constant 2 : i32
        %get3A_339 = arith.index_cast %get3A_338 : i32 to index
        %get3A_340 = arith.constant 64 : index
        %get3A_341 = tpu.vector_load %arg14[%get3A_339, %get3A_340] {strides = array<i32>} : memref<4x80xi32, #tpu.memory_space<vmem>>, vector<16xi32>,
        %swap3A_342 = arith.constant 0 : i32
        %swap3A_343 = arith.index_cast %swap3A_342 : i32 to index
        %swap3A_344 = arith.constant 64 : index
        %swap3A_345 = tpu.vector_load %arg18[%swap3A_343, %swap3A_344] {strides = array<i32>} : memref<1x80xi32, #tpu.memory_space<vmem>>, vector<16xi32>,
        tpu.vector_store %arg18[%swap3A_343, %swap3A_344], %get3A_341 {strides = array<i32>} : memref<1x80xi32, #tpu.memory_space<vmem>>, vector<16xi32>,
        %add3A_346 = arith.constant 2 : i32
        %add3A_347 = arith.addi %add3A_260, %add3A_346 : i32
        %lt3A_348 = arith.constant 250 : i32
        %lt3A_349 = arith.cmpi slt, %add3A_347, %lt3A_348 : i32
        %convert_element_type3A_350 = arith.extui %lt3A_349 : i1 to i32
        %cond3A_351 = arith.constant 0 : i32
        %cond3A_352 = arith.cmpi ne, %convert_element_type3A_350, %cond3A_351 : i32
        scf.if %cond3A_352 {
          %add3A_856 = arith.constant 2 : i32
          %add3A_857 = arith.addi %add3A_260, %add3A_856 : i32
          %mul3A_858 = arith.constant 250 : i32
          %mul3A_859 = arith.muli %arg1, %mul3A_858 : i32
          %add3A_860 = arith.addi %mul3A_859, %add3A_857 : i32
          %dma_start3A_861 = arith.constant 0 : i32
          %dma_start3A_862 = arith.constant 0 : i32
          %dma_start3A_863 = tpu.memref_slice %arg2[%add3A_860, %dma_start3A_861, %dma_start3A_862] : memref<4000x4x80xi32, #tpu.memory_space<hbm>> -> memref<1x4x80xi32, #tpu.memory_space<hbm>>
          %dma_start3A_864 = tpu.memref_squeeze %dma_start3A_863 : memref<1x4x80xi32, #tpu.memory_space<hbm>> -> memref<4x80xi32, #tpu.memory_space<hbm>>
          %dma_start3A_865 = arith.constant 0 : i32
          %dma_start3A_866 = arith.constant 0 : i32
          %dma_start3A_867 = tpu.memref_slice %arg2[%add3A_860, %dma_start3A_865, %dma_start3A_866] : memref<4000x4x80xi32, #tpu.memory_space<hbm>> -> memref<1x4x80xi32, #tpu.memory_space<hbm>>
          %dma_start3A_868 = tpu.memref_squeeze %dma_start3A_867 : memref<1x4x80xi32, #tpu.memory_space<hbm>> -> memref<4x80xi32, #tpu.memory_space<hbm>>
          tpu.enqueue_dma source(%dma_start3A_868 : memref<4x80xi32, #tpu.memory_space<hbm>>) target(%arg14 : memref<4x80xi32, #tpu.memory_space<vmem>>) target_semaphore(%arg37 : memref<!tpu.dma_semaphore, #tpu.memory_space<semaphore_mem>>)
        } else {
        }
        %add3A_353 = arith.constant 0 : i32
        %add3A_354 = vector.broadcast %add3A_353 : i32 to vector<16xi32>
        %add3A_355 = arith.addi %iota3A, %add3A_354 : vector<16xi32>
        %broadcast_in_dim3A_356 = arith.constant 0 : i32
        %broadcast_in_dim3A_357 = vector.broadcast %broadcast_in_dim3A_356 : i32 to vector<16xi32>
        %gather3A_358 = tpu.vector_load_idx %arg20[%add3A_355, %broadcast_in_dim3A_357] : memref<80x16xf32, #tpu.memory_space<vmem>>[vector<16xi32>, vector<16xi32>], vector<16xf32>,
        %gather3A_359 = tpu.vector_load_idx %arg22[%add3A_355, %broadcast_in_dim3A_357] : memref<80x16xf32, #tpu.memory_space<vmem>>[vector<16xi32>, vector<16xi32>], vector<16xf32>,
        %add3A_360 = arith.addf %gather3A_358, %gather3A_359 : vector<16xf32>
        %gather3A_361 = tpu.vector_load_idx %arg24[%add3A_355, %broadcast_in_dim3A_357] : memref<80x16xf32, #tpu.memory_space<vmem>>[vector<16xi32>, vector<16xi32>], vector<16xf32>,
        %add3A_362 = arith.addf %add3A_360, %gather3A_361 : vector<16xf32>
        %max3A = arith.constant 0.000000e+00 : f32
        %max3A_363 = vector.broadcast %max3A : f32 to vector<16xf32>
        %max3A_364 = arith.maximumf %add3A_362, %max3A_363 : vector<16xf32>
        %get3A_365 = arith.constant 0 : i32
        %get3A_366 = arith.index_cast %get3A_365 : i32 to index
        %get3A_367 = arith.constant 0 : index
        %get3A_368 = tpu.vector_load %arg33[%get3A_366, %get3A_367] {strides = array<i32>} : memref<6x16xf32, #tpu.memory_space<vmem>>, vector<16xf32>,
        %mul3A_369 = arith.mulf %max3A_364, %get3A_368 : vector<16xf32>
        %broadcast_in_dim3A_370 = arith.constant 1 : i32
        %broadcast_in_dim3A_371 = vector.broadcast %broadcast_in_dim3A_370 : i32 to vector<16xi32>
        %gather3A_372 = tpu.vector_load_idx %arg20[%add3A_355, %broadcast_in_dim3A_371] : memref<80x16xf32, #tpu.memory_space<vmem>>[vector<16xi32>, vector<16xi32>], vector<16xf32>,
        %gather3A_373 = tpu.vector_load_idx %arg22[%add3A_355, %broadcast_in_dim3A_371] : memref<80x16xf32, #tpu.memory_space<vmem>>[vector<16xi32>, vector<16xi32>], vector<16xf32>,
        %add3A_374 = arith.addf %gather3A_372, %gather3A_373 : vector<16xf32>
        %gather3A_375 = tpu.vector_load_idx %arg24[%add3A_355, %broadcast_in_dim3A_371] : memref<80x16xf32, #tpu.memory_space<vmem>>[vector<16xi32>, vector<16xi32>], vector<16xf32>,
        %add3A_376 = arith.addf %add3A_374, %gather3A_375 : vector<16xf32>
        %max3A_377 = arith.constant 0.000000e+00 : f32
        %max3A_378 = vector.broadcast %max3A_377 : f32 to vector<16xf32>
        %max3A_379 = arith.maximumf %add3A_376, %max3A_378 : vector<16xf32>
        %get3A_380 = arith.constant 1 : i32
        %get3A_381 = arith.index_cast %get3A_380 : i32 to index
        %get3A_382 = arith.constant 0 : index
        %get3A_383 = tpu.vector_load %arg33[%get3A_381, %get3A_382] {strides = array<i32>} : memref<6x16xf32, #tpu.memory_space<vmem>>, vector<16xf32>,
        %mul3A_384 = arith.mulf %max3A_379, %get3A_383 : vector<16xf32>
        %add3A_385 = arith.addf %mul3A_369, %mul3A_384 : vector<16xf32>
        %broadcast_in_dim3A_386 = arith.constant 2 : i32
        %broadcast_in_dim3A_387 = vector.broadcast %broadcast_in_dim3A_386 : i32 to vector<16xi32>
        %gather3A_388 = tpu.vector_load_idx %arg20[%add3A_355, %broadcast_in_dim3A_387] : memref<80x16xf32, #tpu.memory_space<vmem>>[vector<16xi32>, vector<16xi32>], vector<16xf32>,
        %gather3A_389 = tpu.vector_load_idx %arg22[%add3A_355, %broadcast_in_dim3A_387] : memref<80x16xf32, #tpu.memory_space<vmem>>[vector<16xi32>, vector<16xi32>], vector<16xf32>,
        %add3A_390 = arith.addf %gather3A_388, %gather3A_389 : vector<16xf32>
        %gather3A_391 = tpu.vector_load_idx %arg24[%add3A_355, %broadcast_in_dim3A_387] : memref<80x16xf32, #tpu.memory_space<vmem>>[vector<16xi32>, vector<16xi32>], vector<16xf32>,
        %add3A_392 = arith.addf %add3A_390, %gather3A_391 : vector<16xf32>
        %max3A_393 = arith.constant 0.000000e+00 : f32
        %max3A_394 = vector.broadcast %max3A_393 : f32 to vector<16xf32>
        %max3A_395 = arith.maximumf %add3A_392, %max3A_394 : vector<16xf32>
        %get3A_396 = arith.constant 2 : i32
        %get3A_397 = arith.index_cast %get3A_396 : i32 to index
        %get3A_398 = arith.constant 0 : index
        %get3A_399 = tpu.vector_load %arg33[%get3A_397, %get3A_398] {strides = array<i32>} : memref<6x16xf32, #tpu.memory_space<vmem>>, vector<16xf32>,
        %mul3A_400 = arith.mulf %max3A_395, %get3A_399 : vector<16xf32>
        %add3A_401 = arith.addf %add3A_385, %mul3A_400 : vector<16xf32>
        %broadcast_in_dim3A_402 = arith.constant 3 : i32
        %broadcast_in_dim3A_403 = vector.broadcast %broadcast_in_dim3A_402 : i32 to vector<16xi32>
        %gather3A_404 = tpu.vector_load_idx %arg20[%add3A_355, %broadcast_in_dim3A_403] : memref<80x16xf32, #tpu.memory_space<vmem>>[vector<16xi32>, vector<16xi32>], vector<16xf32>,
        %gather3A_405 = tpu.vector_load_idx %arg22[%add3A_355, %broadcast_in_dim3A_403] : memref<80x16xf32, #tpu.memory_space<vmem>>[vector<16xi32>, vector<16xi32>], vector<16xf32>,
        %add3A_406 = arith.addf %gather3A_404, %gather3A_405 : vector<16xf32>
        %gather3A_407 = tpu.vector_load_idx %arg24[%add3A_355, %broadcast_in_dim3A_403] : memref<80x16xf32, #tpu.memory_space<vmem>>[vector<16xi32>, vector<16xi32>], vector<16xf32>,
        %add3A_408 = arith.addf %add3A_406, %gather3A_407 : vector<16xf32>
        %max3A_409 = arith.constant 0.000000e+00 : f32
        %max3A_410 = vector.broadcast %max3A_409 : f32 to vector<16xf32>
        %max3A_411 = arith.maximumf %add3A_408, %max3A_410 : vector<16xf32>
        %get3A_412 = arith.constant 3 : i32
        %get3A_413 = arith.index_cast %get3A_412 : i32 to index
        %get3A_414 = arith.constant 0 : index
        %get3A_415 = tpu.vector_load %arg33[%get3A_413, %get3A_414] {strides = array<i32>} : memref<6x16xf32, #tpu.memory_space<vmem>>, vector<16xf32>,
        %mul3A_416 = arith.mulf %max3A_411, %get3A_415 : vector<16xf32>
        %add3A_417 = arith.addf %add3A_401, %mul3A_416 : vector<16xf32>
        %broadcast_in_dim3A_418 = arith.constant 4 : i32
        %broadcast_in_dim3A_419 = vector.broadcast %broadcast_in_dim3A_418 : i32 to vector<16xi32>
        %gather3A_420 = tpu.vector_load_idx %arg20[%add3A_355, %broadcast_in_dim3A_419] : memref<80x16xf32, #tpu.memory_space<vmem>>[vector<16xi32>, vector<16xi32>], vector<16xf32>,
        %gather3A_421 = tpu.vector_load_idx %arg22[%add3A_355, %broadcast_in_dim3A_419] : memref<80x16xf32, #tpu.memory_space<vmem>>[vector<16xi32>, vector<16xi32>], vector<16xf32>,
        %add3A_422 = arith.addf %gather3A_420, %gather3A_421 : vector<16xf32>
        %gather3A_423 = tpu.vector_load_idx %arg24[%add3A_355, %broadcast_in_dim3A_419] : memref<80x16xf32, #tpu.memory_space<vmem>>[vector<16xi32>, vector<16xi32>], vector<16xf32>,
        %add3A_424 = arith.addf %add3A_422, %gather3A_423 : vector<16xf32>
        %max3A_425 = arith.constant 0.000000e+00 : f32
        %max3A_426 = vector.broadcast %max3A_425 : f32 to vector<16xf32>
        %max3A_427 = arith.maximumf %add3A_424, %max3A_426 : vector<16xf32>
        %get3A_428 = arith.constant 4 : i32
        %get3A_429 = arith.index_cast %get3A_428 : i32 to index
        %get3A_430 = arith.constant 0 : index
        %get3A_431 = tpu.vector_load %arg33[%get3A_429, %get3A_430] {strides = array<i32>} : memref<6x16xf32, #tpu.memory_space<vmem>>, vector<16xf32>,
        %mul3A_432 = arith.mulf %max3A_427, %get3A_431 : vector<16xf32>
        %add3A_433 = arith.addf %add3A_417, %mul3A_432 : vector<16xf32>
        %get3A_434 = arith.constant 5 : i32
        %get3A_435 = arith.index_cast %get3A_434 : i32 to index
        %get3A_436 = arith.constant 0 : index
        %get3A_437 = tpu.vector_load %arg33[%get3A_435, %get3A_436] {strides = array<i32>} : memref<6x16xf32, #tpu.memory_space<vmem>>, vector<16xf32>,
        %add3A_438 = arith.addf %add3A_433, %get3A_437 : vector<16xf32>
        %neg3A = arith.constant 0.000000e+00 : f32
        %neg3A_439 = vector.broadcast %neg3A : f32 to vector<16xf32>
        %neg3A_440 = arith.subf %neg3A_439, %add3A_438 : vector<16xf32>
        %exp3A = math.exp %neg3A_440 : vector<16xf32>
        %add3A_441 = arith.constant 1.000000e+00 : f32
        %add3A_442 = vector.broadcast %add3A_441 : f32 to vector<16xf32>
        %add3A_443 = arith.addf %add3A_442, %exp3A : vector<16xf32>
        %div3A = arith.constant 1.000000e+00 : f32
        %div3A_444 = vector.broadcast %div3A : f32 to vector<16xf32>
        %div3A_445 = arith.divf %div3A_444, %add3A_443 : vector<16xf32>
        %swap3A_446 = arith.constant 0 : index
        %swap3A_447 = tpu.vector_load %arg32[%swap3A_446] {strides = array<i32>} : memref<80xf32, #tpu.memory_space<vmem>>, vector<16xf32>,
        tpu.vector_store %arg32[%swap3A_446], %div3A_445 {strides = array<i32>} : memref<80xf32, #tpu.memory_space<vmem>>, vector<16xf32>,
        %add3A_448 = arith.constant 16 : i32
        %add3A_449 = vector.broadcast %add3A_448 : i32 to vector<16xi32>
        %add3A_450 = arith.addi %iota3A, %add3A_449 : vector<16xi32>
        %broadcast_in_dim3A_451 = arith.constant 0 : i32
        %broadcast_in_dim3A_452 = vector.broadcast %broadcast_in_dim3A_451 : i32 to vector<16xi32>
        %gather3A_453 = tpu.vector_load_idx %arg20[%add3A_450, %broadcast_in_dim3A_452] : memref<80x16xf32, #tpu.memory_space<vmem>>[vector<16xi32>, vector<16xi32>], vector<16xf32>,
        %gather3A_454 = tpu.vector_load_idx %arg22[%add3A_450, %broadcast_in_dim3A_452] : memref<80x16xf32, #tpu.memory_space<vmem>>[vector<16xi32>, vector<16xi32>], vector<16xf32>,
        %add3A_455 = arith.addf %gather3A_453, %gather3A_454 : vector<16xf32>
        %gather3A_456 = tpu.vector_load_idx %arg24[%add3A_450, %broadcast_in_dim3A_452] : memref<80x16xf32, #tpu.memory_space<vmem>>[vector<16xi32>, vector<16xi32>], vector<16xf32>,
        %add3A_457 = arith.addf %add3A_455, %gather3A_456 : vector<16xf32>
        %max3A_458 = arith.constant 0.000000e+00 : f32
        %max3A_459 = vector.broadcast %max3A_458 : f32 to vector<16xf32>
        %max3A_460 = arith.maximumf %add3A_457, %max3A_459 : vector<16xf32>
        %get3A_461 = arith.constant 0 : i32
        %get3A_462 = arith.index_cast %get3A_461 : i32 to index
        %get3A_463 = arith.constant 0 : index
        %get3A_464 = tpu.vector_load %arg33[%get3A_462, %get3A_463] {strides = array<i32>} : memref<6x16xf32, #tpu.memory_space<vmem>>, vector<16xf32>,
        %mul3A_465 = arith.mulf %max3A_460, %get3A_464 : vector<16xf32>
        %broadcast_in_dim3A_466 = arith.constant 1 : i32
        %broadcast_in_dim3A_467 = vector.broadcast %broadcast_in_dim3A_466 : i32 to vector<16xi32>
        %gather3A_468 = tpu.vector_load_idx %arg20[%add3A_450, %broadcast_in_dim3A_467] : memref<80x16xf32, #tpu.memory_space<vmem>>[vector<16xi32>, vector<16xi32>], vector<16xf32>,
        %gather3A_469 = tpu.vector_load_idx %arg22[%add3A_450, %broadcast_in_dim3A_467] : memref<80x16xf32, #tpu.memory_space<vmem>>[vector<16xi32>, vector<16xi32>], vector<16xf32>,
        %add3A_470 = arith.addf %gather3A_468, %gather3A_469 : vector<16xf32>
        %gather3A_471 = tpu.vector_load_idx %arg24[%add3A_450, %broadcast_in_dim3A_467] : memref<80x16xf32, #tpu.memory_space<vmem>>[vector<16xi32>, vector<16xi32>], vector<16xf32>,
        %add3A_472 = arith.addf %add3A_470, %gather3A_471 : vector<16xf32>
        %max3A_473 = arith.constant 0.000000e+00 : f32
        %max3A_474 = vector.broadcast %max3A_473 : f32 to vector<16xf32>
        %max3A_475 = arith.maximumf %add3A_472, %max3A_474 : vector<16xf32>
        %get3A_476 = arith.constant 1 : i32
        %get3A_477 = arith.index_cast %get3A_476 : i32 to index
        %get3A_478 = arith.constant 0 : index
        %get3A_479 = tpu.vector_load %arg33[%get3A_477, %get3A_478] {strides = array<i32>} : memref<6x16xf32, #tpu.memory_space<vmem>>, vector<16xf32>,
        %mul3A_480 = arith.mulf %max3A_475, %get3A_479 : vector<16xf32>
        %add3A_481 = arith.addf %mul3A_465, %mul3A_480 : vector<16xf32>
        %broadcast_in_dim3A_482 = arith.constant 2 : i32
        %broadcast_in_dim3A_483 = vector.broadcast %broadcast_in_dim3A_482 : i32 to vector<16xi32>
        %gather3A_484 = tpu.vector_load_idx %arg20[%add3A_450, %broadcast_in_dim3A_483] : memref<80x16xf32, #tpu.memory_space<vmem>>[vector<16xi32>, vector<16xi32>], vector<16xf32>,
        %gather3A_485 = tpu.vector_load_idx %arg22[%add3A_450, %broadcast_in_dim3A_483] : memref<80x16xf32, #tpu.memory_space<vmem>>[vector<16xi32>, vector<16xi32>], vector<16xf32>,
        %add3A_486 = arith.addf %gather3A_484, %gather3A_485 : vector<16xf32>
        %gather3A_487 = tpu.vector_load_idx %arg24[%add3A_450, %broadcast_in_dim3A_483] : memref<80x16xf32, #tpu.memory_space<vmem>>[vector<16xi32>, vector<16xi32>], vector<16xf32>,
        %add3A_488 = arith.addf %add3A_486, %gather3A_487 : vector<16xf32>
        %max3A_489 = arith.constant 0.000000e+00 : f32
        %max3A_490 = vector.broadcast %max3A_489 : f32 to vector<16xf32>
        %max3A_491 = arith.maximumf %add3A_488, %max3A_490 : vector<16xf32>
        %get3A_492 = arith.constant 2 : i32
        %get3A_493 = arith.index_cast %get3A_492 : i32 to index
        %get3A_494 = arith.constant 0 : index
        %get3A_495 = tpu.vector_load %arg33[%get3A_493, %get3A_494] {strides = array<i32>} : memref<6x16xf32, #tpu.memory_space<vmem>>, vector<16xf32>,
        %mul3A_496 = arith.mulf %max3A_491, %get3A_495 : vector<16xf32>
        %add3A_497 = arith.addf %add3A_481, %mul3A_496 : vector<16xf32>
        %broadcast_in_dim3A_498 = arith.constant 3 : i32
        %broadcast_in_dim3A_499 = vector.broadcast %broadcast_in_dim3A_498 : i32 to vector<16xi32>
        %gather3A_500 = tpu.vector_load_idx %arg20[%add3A_450, %broadcast_in_dim3A_499] : memref<80x16xf32, #tpu.memory_space<vmem>>[vector<16xi32>, vector<16xi32>], vector<16xf32>,
        %gather3A_501 = tpu.vector_load_idx %arg22[%add3A_450, %broadcast_in_dim3A_499] : memref<80x16xf32, #tpu.memory_space<vmem>>[vector<16xi32>, vector<16xi32>], vector<16xf32>,
        %add3A_502 = arith.addf %gather3A_500, %gather3A_501 : vector<16xf32>
        %gather3A_503 = tpu.vector_load_idx %arg24[%add3A_450, %broadcast_in_dim3A_499] : memref<80x16xf32, #tpu.memory_space<vmem>>[vector<16xi32>, vector<16xi32>], vector<16xf32>,
        %add3A_504 = arith.addf %add3A_502, %gather3A_503 : vector<16xf32>
        %max3A_505 = arith.constant 0.000000e+00 : f32
        %max3A_506 = vector.broadcast %max3A_505 : f32 to vector<16xf32>
        %max3A_507 = arith.maximumf %add3A_504, %max3A_506 : vector<16xf32>
        %get3A_508 = arith.constant 3 : i32
        %get3A_509 = arith.index_cast %get3A_508 : i32 to index
        %get3A_510 = arith.constant 0 : index
        %get3A_511 = tpu.vector_load %arg33[%get3A_509, %get3A_510] {strides = array<i32>} : memref<6x16xf32, #tpu.memory_space<vmem>>, vector<16xf32>,
        %mul3A_512 = arith.mulf %max3A_507, %get3A_511 : vector<16xf32>
        %add3A_513 = arith.addf %add3A_497, %mul3A_512 : vector<16xf32>
        %broadcast_in_dim3A_514 = arith.constant 4 : i32
        %broadcast_in_dim3A_515 = vector.broadcast %broadcast_in_dim3A_514 : i32 to vector<16xi32>
        %gather3A_516 = tpu.vector_load_idx %arg20[%add3A_450, %broadcast_in_dim3A_515] : memref<80x16xf32, #tpu.memory_space<vmem>>[vector<16xi32>, vector<16xi32>], vector<16xf32>,
        %gather3A_517 = tpu.vector_load_idx %arg22[%add3A_450, %broadcast_in_dim3A_515] : memref<80x16xf32, #tpu.memory_space<vmem>>[vector<16xi32>, vector<16xi32>], vector<16xf32>,
        %add3A_518 = arith.addf %gather3A_516, %gather3A_517 : vector<16xf32>
        %gather3A_519 = tpu.vector_load_idx %arg24[%add3A_450, %broadcast_in_dim3A_515] : memref<80x16xf32, #tpu.memory_space<vmem>>[vector<16xi32>, vector<16xi32>], vector<16xf32>,
        %add3A_520 = arith.addf %add3A_518, %gather3A_519 : vector<16xf32>
        %max3A_521 = arith.constant 0.000000e+00 : f32
        %max3A_522 = vector.broadcast %max3A_521 : f32 to vector<16xf32>
        %max3A_523 = arith.maximumf %add3A_520, %max3A_522 : vector<16xf32>
        %get3A_524 = arith.constant 4 : i32
        %get3A_525 = arith.index_cast %get3A_524 : i32 to index
        %get3A_526 = arith.constant 0 : index
        %get3A_527 = tpu.vector_load %arg33[%get3A_525, %get3A_526] {strides = array<i32>} : memref<6x16xf32, #tpu.memory_space<vmem>>, vector<16xf32>,
        %mul3A_528 = arith.mulf %max3A_523, %get3A_527 : vector<16xf32>
        %add3A_529 = arith.addf %add3A_513, %mul3A_528 : vector<16xf32>
        %get3A_530 = arith.constant 5 : i32
        %get3A_531 = arith.index_cast %get3A_530 : i32 to index
        %get3A_532 = arith.constant 0 : index
        %get3A_533 = tpu.vector_load %arg33[%get3A_531, %get3A_532] {strides = array<i32>} : memref<6x16xf32, #tpu.memory_space<vmem>>, vector<16xf32>,
        %add3A_534 = arith.addf %add3A_529, %get3A_533 : vector<16xf32>
        %neg3A_535 = arith.constant 0.000000e+00 : f32
        %neg3A_536 = vector.broadcast %neg3A_535 : f32 to vector<16xf32>
        %neg3A_537 = arith.subf %neg3A_536, %add3A_534 : vector<16xf32>
        %exp3A_538 = math.exp %neg3A_537 : vector<16xf32>
        %add3A_539 = arith.constant 1.000000e+00 : f32
        %add3A_540 = vector.broadcast %add3A_539 : f32 to vector<16xf32>
        %add3A_541 = arith.addf %add3A_540, %exp3A_538 : vector<16xf32>
        %div3A_542 = arith.constant 1.000000e+00 : f32
        %div3A_543 = vector.broadcast %div3A_542 : f32 to vector<16xf32>
        %div3A_544 = arith.divf %div3A_543, %add3A_541 : vector<16xf32>
        %swap3A_545 = arith.constant 16 : index
        %swap3A_546 = tpu.vector_load %arg32[%swap3A_545] {strides = array<i32>} : memref<80xf32, #tpu.memory_space<vmem>>, vector<16xf32>,
        tpu.vector_store %arg32[%swap3A_545], %div3A_544 {strides = array<i32>} : memref<80xf32, #tpu.memory_space<vmem>>, vector<16xf32>,
        %add3A_547 = arith.constant 32 : i32
        %add3A_548 = vector.broadcast %add3A_547 : i32 to vector<16xi32>
        %add3A_549 = arith.addi %iota3A, %add3A_548 : vector<16xi32>
        %broadcast_in_dim3A_550 = arith.constant 0 : i32
        %broadcast_in_dim3A_551 = vector.broadcast %broadcast_in_dim3A_550 : i32 to vector<16xi32>
        %gather3A_552 = tpu.vector_load_idx %arg20[%add3A_549, %broadcast_in_dim3A_551] : memref<80x16xf32, #tpu.memory_space<vmem>>[vector<16xi32>, vector<16xi32>], vector<16xf32>,
        %gather3A_553 = tpu.vector_load_idx %arg22[%add3A_549, %broadcast_in_dim3A_551] : memref<80x16xf32, #tpu.memory_space<vmem>>[vector<16xi32>, vector<16xi32>], vector<16xf32>,
        %add3A_554 = arith.addf %gather3A_552, %gather3A_553 : vector<16xf32>
        %gather3A_555 = tpu.vector_load_idx %arg24[%add3A_549, %broadcast_in_dim3A_551] : memref<80x16xf32, #tpu.memory_space<vmem>>[vector<16xi32>, vector<16xi32>], vector<16xf32>,
        %add3A_556 = arith.addf %add3A_554, %gather3A_555 : vector<16xf32>
        %max3A_557 = arith.constant 0.000000e+00 : f32
        %max3A_558 = vector.broadcast %max3A_557 : f32 to vector<16xf32>
        %max3A_559 = arith.maximumf %add3A_556, %max3A_558 : vector<16xf32>
        %get3A_560 = arith.constant 0 : i32
        %get3A_561 = arith.index_cast %get3A_560 : i32 to index
        %get3A_562 = arith.constant 0 : index
        %get3A_563 = tpu.vector_load %arg33[%get3A_561, %get3A_562] {strides = array<i32>} : memref<6x16xf32, #tpu.memory_space<vmem>>, vector<16xf32>,
        %mul3A_564 = arith.mulf %max3A_559, %get3A_563 : vector<16xf32>
        %broadcast_in_dim3A_565 = arith.constant 1 : i32
        %broadcast_in_dim3A_566 = vector.broadcast %broadcast_in_dim3A_565 : i32 to vector<16xi32>
        %gather3A_567 = tpu.vector_load_idx %arg20[%add3A_549, %broadcast_in_dim3A_566] : memref<80x16xf32, #tpu.memory_space<vmem>>[vector<16xi32>, vector<16xi32>], vector<16xf32>,
        %gather3A_568 = tpu.vector_load_idx %arg22[%add3A_549, %broadcast_in_dim3A_566] : memref<80x16xf32, #tpu.memory_space<vmem>>[vector<16xi32>, vector<16xi32>], vector<16xf32>,
        %add3A_569 = arith.addf %gather3A_567, %gather3A_568 : vector<16xf32>
        %gather3A_570 = tpu.vector_load_idx %arg24[%add3A_549, %broadcast_in_dim3A_566] : memref<80x16xf32, #tpu.memory_space<vmem>>[vector<16xi32>, vector<16xi32>], vector<16xf32>,
        %add3A_571 = arith.addf %add3A_569, %gather3A_570 : vector<16xf32>
        %max3A_572 = arith.constant 0.000000e+00 : f32
        %max3A_573 = vector.broadcast %max3A_572 : f32 to vector<16xf32>
        %max3A_574 = arith.maximumf %add3A_571, %max3A_573 : vector<16xf32>
        %get3A_575 = arith.constant 1 : i32
        %get3A_576 = arith.index_cast %get3A_575 : i32 to index
        %get3A_577 = arith.constant 0 : index
        %get3A_578 = tpu.vector_load %arg33[%get3A_576, %get3A_577] {strides = array<i32>} : memref<6x16xf32, #tpu.memory_space<vmem>>, vector<16xf32>,
        %mul3A_579 = arith.mulf %max3A_574, %get3A_578 : vector<16xf32>
        %add3A_580 = arith.addf %mul3A_564, %mul3A_579 : vector<16xf32>
        %broadcast_in_dim3A_581 = arith.constant 2 : i32
        %broadcast_in_dim3A_582 = vector.broadcast %broadcast_in_dim3A_581 : i32 to vector<16xi32>
        %gather3A_583 = tpu.vector_load_idx %arg20[%add3A_549, %broadcast_in_dim3A_582] : memref<80x16xf32, #tpu.memory_space<vmem>>[vector<16xi32>, vector<16xi32>], vector<16xf32>,
        %gather3A_584 = tpu.vector_load_idx %arg22[%add3A_549, %broadcast_in_dim3A_582] : memref<80x16xf32, #tpu.memory_space<vmem>>[vector<16xi32>, vector<16xi32>], vector<16xf32>,
        %add3A_585 = arith.addf %gather3A_583, %gather3A_584 : vector<16xf32>
        %gather3A_586 = tpu.vector_load_idx %arg24[%add3A_549, %broadcast_in_dim3A_582] : memref<80x16xf32, #tpu.memory_space<vmem>>[vector<16xi32>, vector<16xi32>], vector<16xf32>,
        %add3A_587 = arith.addf %add3A_585, %gather3A_586 : vector<16xf32>
        %max3A_588 = arith.constant 0.000000e+00 : f32
        %max3A_589 = vector.broadcast %max3A_588 : f32 to vector<16xf32>
        %max3A_590 = arith.maximumf %add3A_587, %max3A_589 : vector<16xf32>
        %get3A_591 = arith.constant 2 : i32
        %get3A_592 = arith.index_cast %get3A_591 : i32 to index
        %get3A_593 = arith.constant 0 : index
        %get3A_594 = tpu.vector_load %arg33[%get3A_592, %get3A_593] {strides = array<i32>} : memref<6x16xf32, #tpu.memory_space<vmem>>, vector<16xf32>,
        %mul3A_595 = arith.mulf %max3A_590, %get3A_594 : vector<16xf32>
        %add3A_596 = arith.addf %add3A_580, %mul3A_595 : vector<16xf32>
        %broadcast_in_dim3A_597 = arith.constant 3 : i32
        %broadcast_in_dim3A_598 = vector.broadcast %broadcast_in_dim3A_597 : i32 to vector<16xi32>
        %gather3A_599 = tpu.vector_load_idx %arg20[%add3A_549, %broadcast_in_dim3A_598] : memref<80x16xf32, #tpu.memory_space<vmem>>[vector<16xi32>, vector<16xi32>], vector<16xf32>,
        %gather3A_600 = tpu.vector_load_idx %arg22[%add3A_549, %broadcast_in_dim3A_598] : memref<80x16xf32, #tpu.memory_space<vmem>>[vector<16xi32>, vector<16xi32>], vector<16xf32>,
        %add3A_601 = arith.addf %gather3A_599, %gather3A_600 : vector<16xf32>
        %gather3A_602 = tpu.vector_load_idx %arg24[%add3A_549, %broadcast_in_dim3A_598] : memref<80x16xf32, #tpu.memory_space<vmem>>[vector<16xi32>, vector<16xi32>], vector<16xf32>,
        %add3A_603 = arith.addf %add3A_601, %gather3A_602 : vector<16xf32>
        %max3A_604 = arith.constant 0.000000e+00 : f32
        %max3A_605 = vector.broadcast %max3A_604 : f32 to vector<16xf32>
        %max3A_606 = arith.maximumf %add3A_603, %max3A_605 : vector<16xf32>
        %get3A_607 = arith.constant 3 : i32
        %get3A_608 = arith.index_cast %get3A_607 : i32 to index
        %get3A_609 = arith.constant 0 : index
        %get3A_610 = tpu.vector_load %arg33[%get3A_608, %get3A_609] {strides = array<i32>} : memref<6x16xf32, #tpu.memory_space<vmem>>, vector<16xf32>,
        %mul3A_611 = arith.mulf %max3A_606, %get3A_610 : vector<16xf32>
        %add3A_612 = arith.addf %add3A_596, %mul3A_611 : vector<16xf32>
        %broadcast_in_dim3A_613 = arith.constant 4 : i32
        %broadcast_in_dim3A_614 = vector.broadcast %broadcast_in_dim3A_613 : i32 to vector<16xi32>
        %gather3A_615 = tpu.vector_load_idx %arg20[%add3A_549, %broadcast_in_dim3A_614] : memref<80x16xf32, #tpu.memory_space<vmem>>[vector<16xi32>, vector<16xi32>], vector<16xf32>,
        %gather3A_616 = tpu.vector_load_idx %arg22[%add3A_549, %broadcast_in_dim3A_614] : memref<80x16xf32, #tpu.memory_space<vmem>>[vector<16xi32>, vector<16xi32>], vector<16xf32>,
        %add3A_617 = arith.addf %gather3A_615, %gather3A_616 : vector<16xf32>
        %gather3A_618 = tpu.vector_load_idx %arg24[%add3A_549, %broadcast_in_dim3A_614] : memref<80x16xf32, #tpu.memory_space<vmem>>[vector<16xi32>, vector<16xi32>], vector<16xf32>,
        %add3A_619 = arith.addf %add3A_617, %gather3A_618 : vector<16xf32>
        %max3A_620 = arith.constant 0.000000e+00 : f32
        %max3A_621 = vector.broadcast %max3A_620 : f32 to vector<16xf32>
        %max3A_622 = arith.maximumf %add3A_619, %max3A_621 : vector<16xf32>
        %get3A_623 = arith.constant 4 : i32
        %get3A_624 = arith.index_cast %get3A_623 : i32 to index
        %get3A_625 = arith.constant 0 : index
        %get3A_626 = tpu.vector_load %arg33[%get3A_624, %get3A_625] {strides = array<i32>} : memref<6x16xf32, #tpu.memory_space<vmem>>, vector<16xf32>,
        %mul3A_627 = arith.mulf %max3A_622, %get3A_626 : vector<16xf32>
        %add3A_628 = arith.addf %add3A_612, %mul3A_627 : vector<16xf32>
        %get3A_629 = arith.constant 5 : i32
        %get3A_630 = arith.index_cast %get3A_629 : i32 to index
        %get3A_631 = arith.constant 0 : index
        %get3A_632 = tpu.vector_load %arg33[%get3A_630, %get3A_631] {strides = array<i32>} : memref<6x16xf32, #tpu.memory_space<vmem>>, vector<16xf32>,
        %add3A_633 = arith.addf %add3A_628, %get3A_632 : vector<16xf32>
        %neg3A_634 = arith.constant 0.000000e+00 : f32
        %neg3A_635 = vector.broadcast %neg3A_634 : f32 to vector<16xf32>
        %neg3A_636 = arith.subf %neg3A_635, %add3A_633 : vector<16xf32>
        %exp3A_637 = math.exp %neg3A_636 : vector<16xf32>
        %add3A_638 = arith.constant 1.000000e+00 : f32
        %add3A_639 = vector.broadcast %add3A_638 : f32 to vector<16xf32>
        %add3A_640 = arith.addf %add3A_639, %exp3A_637 : vector<16xf32>
        %div3A_641 = arith.constant 1.000000e+00 : f32
        %div3A_642 = vector.broadcast %div3A_641 : f32 to vector<16xf32>
        %div3A_643 = arith.divf %div3A_642, %add3A_640 : vector<16xf32>
        %swap3A_644 = arith.constant 32 : index
        %swap3A_645 = tpu.vector_load %arg32[%swap3A_644] {strides = array<i32>} : memref<80xf32, #tpu.memory_space<vmem>>, vector<16xf32>,
        tpu.vector_store %arg32[%swap3A_644], %div3A_643 {strides = array<i32>} : memref<80xf32, #tpu.memory_space<vmem>>, vector<16xf32>,
        %add3A_646 = arith.constant 48 : i32
        %add3A_647 = vector.broadcast %add3A_646 : i32 to vector<16xi32>
        %add3A_648 = arith.addi %iota3A, %add3A_647 : vector<16xi32>
        %broadcast_in_dim3A_649 = arith.constant 0 : i32
        %broadcast_in_dim3A_650 = vector.broadcast %broadcast_in_dim3A_649 : i32 to vector<16xi32>
        %gather3A_651 = tpu.vector_load_idx %arg20[%add3A_648, %broadcast_in_dim3A_650] : memref<80x16xf32, #tpu.memory_space<vmem>>[vector<16xi32>, vector<16xi32>], vector<16xf32>,
        %gather3A_652 = tpu.vector_load_idx %arg22[%add3A_648, %broadcast_in_dim3A_650] : memref<80x16xf32, #tpu.memory_space<vmem>>[vector<16xi32>, vector<16xi32>], vector<16xf32>,
        %add3A_653 = arith.addf %gather3A_651, %gather3A_652 : vector<16xf32>
        %gather3A_654 = tpu.vector_load_idx %arg24[%add3A_648, %broadcast_in_dim3A_650] : memref<80x16xf32, #tpu.memory_space<vmem>>[vector<16xi32>, vector<16xi32>], vector<16xf32>,
        %add3A_655 = arith.addf %add3A_653, %gather3A_654 : vector<16xf32>
        %max3A_656 = arith.constant 0.000000e+00 : f32
        %max3A_657 = vector.broadcast %max3A_656 : f32 to vector<16xf32>
        %max3A_658 = arith.maximumf %add3A_655, %max3A_657 : vector<16xf32>
        %get3A_659 = arith.constant 0 : i32
        %get3A_660 = arith.index_cast %get3A_659 : i32 to index
        %get3A_661 = arith.constant 0 : index
        %get3A_662 = tpu.vector_load %arg33[%get3A_660, %get3A_661] {strides = array<i32>} : memref<6x16xf32, #tpu.memory_space<vmem>>, vector<16xf32>,
        %mul3A_663 = arith.mulf %max3A_658, %get3A_662 : vector<16xf32>
        %broadcast_in_dim3A_664 = arith.constant 1 : i32
        %broadcast_in_dim3A_665 = vector.broadcast %broadcast_in_dim3A_664 : i32 to vector<16xi32>
        %gather3A_666 = tpu.vector_load_idx %arg20[%add3A_648, %broadcast_in_dim3A_665] : memref<80x16xf32, #tpu.memory_space<vmem>>[vector<16xi32>, vector<16xi32>], vector<16xf32>,
        %gather3A_667 = tpu.vector_load_idx %arg22[%add3A_648, %broadcast_in_dim3A_665] : memref<80x16xf32, #tpu.memory_space<vmem>>[vector<16xi32>, vector<16xi32>], vector<16xf32>,
        %add3A_668 = arith.addf %gather3A_666, %gather3A_667 : vector<16xf32>
        %gather3A_669 = tpu.vector_load_idx %arg24[%add3A_648, %broadcast_in_dim3A_665] : memref<80x16xf32, #tpu.memory_space<vmem>>[vector<16xi32>, vector<16xi32>], vector<16xf32>,
        %add3A_670 = arith.addf %add3A_668, %gather3A_669 : vector<16xf32>
        %max3A_671 = arith.constant 0.000000e+00 : f32
        %max3A_672 = vector.broadcast %max3A_671 : f32 to vector<16xf32>
        %max3A_673 = arith.maximumf %add3A_670, %max3A_672 : vector<16xf32>
        %get3A_674 = arith.constant 1 : i32
        %get3A_675 = arith.index_cast %get3A_674 : i32 to index
        %get3A_676 = arith.constant 0 : index
        %get3A_677 = tpu.vector_load %arg33[%get3A_675, %get3A_676] {strides = array<i32>} : memref<6x16xf32, #tpu.memory_space<vmem>>, vector<16xf32>,
        %mul3A_678 = arith.mulf %max3A_673, %get3A_677 : vector<16xf32>
        %add3A_679 = arith.addf %mul3A_663, %mul3A_678 : vector<16xf32>
        %broadcast_in_dim3A_680 = arith.constant 2 : i32
        %broadcast_in_dim3A_681 = vector.broadcast %broadcast_in_dim3A_680 : i32 to vector<16xi32>
        %gather3A_682 = tpu.vector_load_idx %arg20[%add3A_648, %broadcast_in_dim3A_681] : memref<80x16xf32, #tpu.memory_space<vmem>>[vector<16xi32>, vector<16xi32>], vector<16xf32>,
        %gather3A_683 = tpu.vector_load_idx %arg22[%add3A_648, %broadcast_in_dim3A_681] : memref<80x16xf32, #tpu.memory_space<vmem>>[vector<16xi32>, vector<16xi32>], vector<16xf32>,
        %add3A_684 = arith.addf %gather3A_682, %gather3A_683 : vector<16xf32>
        %gather3A_685 = tpu.vector_load_idx %arg24[%add3A_648, %broadcast_in_dim3A_681] : memref<80x16xf32, #tpu.memory_space<vmem>>[vector<16xi32>, vector<16xi32>], vector<16xf32>,
        %add3A_686 = arith.addf %add3A_684, %gather3A_685 : vector<16xf32>
        %max3A_687 = arith.constant 0.000000e+00 : f32
        %max3A_688 = vector.broadcast %max3A_687 : f32 to vector<16xf32>
        %max3A_689 = arith.maximumf %add3A_686, %max3A_688 : vector<16xf32>
        %get3A_690 = arith.constant 2 : i32
        %get3A_691 = arith.index_cast %get3A_690 : i32 to index
        %get3A_692 = arith.constant 0 : index
        %get3A_693 = tpu.vector_load %arg33[%get3A_691, %get3A_692] {strides = array<i32>} : memref<6x16xf32, #tpu.memory_space<vmem>>, vector<16xf32>,
        %mul3A_694 = arith.mulf %max3A_689, %get3A_693 : vector<16xf32>
        %add3A_695 = arith.addf %add3A_679, %mul3A_694 : vector<16xf32>
        %broadcast_in_dim3A_696 = arith.constant 3 : i32
        %broadcast_in_dim3A_697 = vector.broadcast %broadcast_in_dim3A_696 : i32 to vector<16xi32>
        %gather3A_698 = tpu.vector_load_idx %arg20[%add3A_648, %broadcast_in_dim3A_697] : memref<80x16xf32, #tpu.memory_space<vmem>>[vector<16xi32>, vector<16xi32>], vector<16xf32>,
        %gather3A_699 = tpu.vector_load_idx %arg22[%add3A_648, %broadcast_in_dim3A_697] : memref<80x16xf32, #tpu.memory_space<vmem>>[vector<16xi32>, vector<16xi32>], vector<16xf32>,
        %add3A_700 = arith.addf %gather3A_698, %gather3A_699 : vector<16xf32>
        %gather3A_701 = tpu.vector_load_idx %arg24[%add3A_648, %broadcast_in_dim3A_697] : memref<80x16xf32, #tpu.memory_space<vmem>>[vector<16xi32>, vector<16xi32>], vector<16xf32>,
        %add3A_702 = arith.addf %add3A_700, %gather3A_701 : vector<16xf32>
        %max3A_703 = arith.constant 0.000000e+00 : f32
        %max3A_704 = vector.broadcast %max3A_703 : f32 to vector<16xf32>
        %max3A_705 = arith.maximumf %add3A_702, %max3A_704 : vector<16xf32>
        %get3A_706 = arith.constant 3 : i32
        %get3A_707 = arith.index_cast %get3A_706 : i32 to index
        %get3A_708 = arith.constant 0 : index
        %get3A_709 = tpu.vector_load %arg33[%get3A_707, %get3A_708] {strides = array<i32>} : memref<6x16xf32, #tpu.memory_space<vmem>>, vector<16xf32>,
        %mul3A_710 = arith.mulf %max3A_705, %get3A_709 : vector<16xf32>
        %add3A_711 = arith.addf %add3A_695, %mul3A_710 : vector<16xf32>
        %broadcast_in_dim3A_712 = arith.constant 4 : i32
        %broadcast_in_dim3A_713 = vector.broadcast %broadcast_in_dim3A_712 : i32 to vector<16xi32>
        %gather3A_714 = tpu.vector_load_idx %arg20[%add3A_648, %broadcast_in_dim3A_713] : memref<80x16xf32, #tpu.memory_space<vmem>>[vector<16xi32>, vector<16xi32>], vector<16xf32>,
        %gather3A_715 = tpu.vector_load_idx %arg22[%add3A_648, %broadcast_in_dim3A_713] : memref<80x16xf32, #tpu.memory_space<vmem>>[vector<16xi32>, vector<16xi32>], vector<16xf32>,
        %add3A_716 = arith.addf %gather3A_714, %gather3A_715 : vector<16xf32>
        %gather3A_717 = tpu.vector_load_idx %arg24[%add3A_648, %broadcast_in_dim3A_713] : memref<80x16xf32, #tpu.memory_space<vmem>>[vector<16xi32>, vector<16xi32>], vector<16xf32>,
        %add3A_718 = arith.addf %add3A_716, %gather3A_717 : vector<16xf32>
        %max3A_719 = arith.constant 0.000000e+00 : f32
        %max3A_720 = vector.broadcast %max3A_719 : f32 to vector<16xf32>
        %max3A_721 = arith.maximumf %add3A_718, %max3A_720 : vector<16xf32>
        %get3A_722 = arith.constant 4 : i32
        %get3A_723 = arith.index_cast %get3A_722 : i32 to index
        %get3A_724 = arith.constant 0 : index
        %get3A_725 = tpu.vector_load %arg33[%get3A_723, %get3A_724] {strides = array<i32>} : memref<6x16xf32, #tpu.memory_space<vmem>>, vector<16xf32>,
        %mul3A_726 = arith.mulf %max3A_721, %get3A_725 : vector<16xf32>
        %add3A_727 = arith.addf %add3A_711, %mul3A_726 : vector<16xf32>
        %get3A_728 = arith.constant 5 : i32
        %get3A_729 = arith.index_cast %get3A_728 : i32 to index
        %get3A_730 = arith.constant 0 : index
        %get3A_731 = tpu.vector_load %arg33[%get3A_729, %get3A_730] {strides = array<i32>} : memref<6x16xf32, #tpu.memory_space<vmem>>, vector<16xf32>,
        %add3A_732 = arith.addf %add3A_727, %get3A_731 : vector<16xf32>
        %neg3A_733 = arith.constant 0.000000e+00 : f32
        %neg3A_734 = vector.broadcast %neg3A_733 : f32 to vector<16xf32>
        %neg3A_735 = arith.subf %neg3A_734, %add3A_732 : vector<16xf32>
        %exp3A_736 = math.exp %neg3A_735 : vector<16xf32>
        %add3A_737 = arith.constant 1.000000e+00 : f32
        %add3A_738 = vector.broadcast %add3A_737 : f32 to vector<16xf32>
        %add3A_739 = arith.addf %add3A_738, %exp3A_736 : vector<16xf32>
        %div3A_740 = arith.constant 1.000000e+00 : f32
        %div3A_741 = vector.broadcast %div3A_740 : f32 to vector<16xf32>
        %div3A_742 = arith.divf %div3A_741, %add3A_739 : vector<16xf32>
        %swap3A_743 = arith.constant 48 : index
        %swap3A_744 = tpu.vector_load %arg32[%swap3A_743] {strides = array<i32>} : memref<80xf32, #tpu.memory_space<vmem>>, vector<16xf32>,
        tpu.vector_store %arg32[%swap3A_743], %div3A_742 {strides = array<i32>} : memref<80xf32, #tpu.memory_space<vmem>>, vector<16xf32>,
        %add3A_745 = arith.constant 64 : i32
        %add3A_746 = vector.broadcast %add3A_745 : i32 to vector<16xi32>
        %add3A_747 = arith.addi %iota3A, %add3A_746 : vector<16xi32>
        %broadcast_in_dim3A_748 = arith.constant 0 : i32
        %broadcast_in_dim3A_749 = vector.broadcast %broadcast_in_dim3A_748 : i32 to vector<16xi32>
        %gather3A_750 = tpu.vector_load_idx %arg20[%add3A_747, %broadcast_in_dim3A_749] : memref<80x16xf32, #tpu.memory_space<vmem>>[vector<16xi32>, vector<16xi32>], vector<16xf32>,
        %gather3A_751 = tpu.vector_load_idx %arg22[%add3A_747, %broadcast_in_dim3A_749] : memref<80x16xf32, #tpu.memory_space<vmem>>[vector<16xi32>, vector<16xi32>], vector<16xf32>,
        %add3A_752 = arith.addf %gather3A_750, %gather3A_751 : vector<16xf32>
        %gather3A_753 = tpu.vector_load_idx %arg24[%add3A_747, %broadcast_in_dim3A_749] : memref<80x16xf32, #tpu.memory_space<vmem>>[vector<16xi32>, vector<16xi32>], vector<16xf32>,
        %add3A_754 = arith.addf %add3A_752, %gather3A_753 : vector<16xf32>
        %max3A_755 = arith.constant 0.000000e+00 : f32
        %max3A_756 = vector.broadcast %max3A_755 : f32 to vector<16xf32>
        %max3A_757 = arith.maximumf %add3A_754, %max3A_756 : vector<16xf32>
        %get3A_758 = arith.constant 0 : i32
        %get3A_759 = arith.index_cast %get3A_758 : i32 to index
        %get3A_760 = arith.constant 0 : index
        %get3A_761 = tpu.vector_load %arg33[%get3A_759, %get3A_760] {strides = array<i32>} : memref<6x16xf32, #tpu.memory_space<vmem>>, vector<16xf32>,
        %mul3A_762 = arith.mulf %max3A_757, %get3A_761 : vector<16xf32>
        %broadcast_in_dim3A_763 = arith.constant 1 : i32
        %broadcast_in_dim3A_764 = vector.broadcast %broadcast_in_dim3A_763 : i32 to vector<16xi32>
        %gather3A_765 = tpu.vector_load_idx %arg20[%add3A_747, %broadcast_in_dim3A_764] : memref<80x16xf32, #tpu.memory_space<vmem>>[vector<16xi32>, vector<16xi32>], vector<16xf32>,
        %gather3A_766 = tpu.vector_load_idx %arg22[%add3A_747, %broadcast_in_dim3A_764] : memref<80x16xf32, #tpu.memory_space<vmem>>[vector<16xi32>, vector<16xi32>], vector<16xf32>,
        %add3A_767 = arith.addf %gather3A_765, %gather3A_766 : vector<16xf32>
        %gather3A_768 = tpu.vector_load_idx %arg24[%add3A_747, %broadcast_in_dim3A_764] : memref<80x16xf32, #tpu.memory_space<vmem>>[vector<16xi32>, vector<16xi32>], vector<16xf32>,
        %add3A_769 = arith.addf %add3A_767, %gather3A_768 : vector<16xf32>
        %max3A_770 = arith.constant 0.000000e+00 : f32
        %max3A_771 = vector.broadcast %max3A_770 : f32 to vector<16xf32>
        %max3A_772 = arith.maximumf %add3A_769, %max3A_771 : vector<16xf32>
        %get3A_773 = arith.constant 1 : i32
        %get3A_774 = arith.index_cast %get3A_773 : i32 to index
        %get3A_775 = arith.constant 0 : index
        %get3A_776 = tpu.vector_load %arg33[%get3A_774, %get3A_775] {strides = array<i32>} : memref<6x16xf32, #tpu.memory_space<vmem>>, vector<16xf32>,
        %mul3A_777 = arith.mulf %max3A_772, %get3A_776 : vector<16xf32>
        %add3A_778 = arith.addf %mul3A_762, %mul3A_777 : vector<16xf32>
        %broadcast_in_dim3A_779 = arith.constant 2 : i32
        %broadcast_in_dim3A_780 = vector.broadcast %broadcast_in_dim3A_779 : i32 to vector<16xi32>
        %gather3A_781 = tpu.vector_load_idx %arg20[%add3A_747, %broadcast_in_dim3A_780] : memref<80x16xf32, #tpu.memory_space<vmem>>[vector<16xi32>, vector<16xi32>], vector<16xf32>,
        %gather3A_782 = tpu.vector_load_idx %arg22[%add3A_747, %broadcast_in_dim3A_780] : memref<80x16xf32, #tpu.memory_space<vmem>>[vector<16xi32>, vector<16xi32>], vector<16xf32>,
        %add3A_783 = arith.addf %gather3A_781, %gather3A_782 : vector<16xf32>
        %gather3A_784 = tpu.vector_load_idx %arg24[%add3A_747, %broadcast_in_dim3A_780] : memref<80x16xf32, #tpu.memory_space<vmem>>[vector<16xi32>, vector<16xi32>], vector<16xf32>,
        %add3A_785 = arith.addf %add3A_783, %gather3A_784 : vector<16xf32>
        %max3A_786 = arith.constant 0.000000e+00 : f32
        %max3A_787 = vector.broadcast %max3A_786 : f32 to vector<16xf32>
        %max3A_788 = arith.maximumf %add3A_785, %max3A_787 : vector<16xf32>
        %get3A_789 = arith.constant 2 : i32
        %get3A_790 = arith.index_cast %get3A_789 : i32 to index
        %get3A_791 = arith.constant 0 : index
        %get3A_792 = tpu.vector_load %arg33[%get3A_790, %get3A_791] {strides = array<i32>} : memref<6x16xf32, #tpu.memory_space<vmem>>, vector<16xf32>,
        %mul3A_793 = arith.mulf %max3A_788, %get3A_792 : vector<16xf32>
        %add3A_794 = arith.addf %add3A_778, %mul3A_793 : vector<16xf32>
        %broadcast_in_dim3A_795 = arith.constant 3 : i32
        %broadcast_in_dim3A_796 = vector.broadcast %broadcast_in_dim3A_795 : i32 to vector<16xi32>
        %gather3A_797 = tpu.vector_load_idx %arg20[%add3A_747, %broadcast_in_dim3A_796] : memref<80x16xf32, #tpu.memory_space<vmem>>[vector<16xi32>, vector<16xi32>], vector<16xf32>,
        %gather3A_798 = tpu.vector_load_idx %arg22[%add3A_747, %broadcast_in_dim3A_796] : memref<80x16xf32, #tpu.memory_space<vmem>>[vector<16xi32>, vector<16xi32>], vector<16xf32>,
        %add3A_799 = arith.addf %gather3A_797, %gather3A_798 : vector<16xf32>
        %gather3A_800 = tpu.vector_load_idx %arg24[%add3A_747, %broadcast_in_dim3A_796] : memref<80x16xf32, #tpu.memory_space<vmem>>[vector<16xi32>, vector<16xi32>], vector<16xf32>,
        %add3A_801 = arith.addf %add3A_799, %gather3A_800 : vector<16xf32>
        %max3A_802 = arith.constant 0.000000e+00 : f32
        %max3A_803 = vector.broadcast %max3A_802 : f32 to vector<16xf32>
        %max3A_804 = arith.maximumf %add3A_801, %max3A_803 : vector<16xf32>
        %get3A_805 = arith.constant 3 : i32
        %get3A_806 = arith.index_cast %get3A_805 : i32 to index
        %get3A_807 = arith.constant 0 : index
        %get3A_808 = tpu.vector_load %arg33[%get3A_806, %get3A_807] {strides = array<i32>} : memref<6x16xf32, #tpu.memory_space<vmem>>, vector<16xf32>,
        %mul3A_809 = arith.mulf %max3A_804, %get3A_808 : vector<16xf32>
        %add3A_810 = arith.addf %add3A_794, %mul3A_809 : vector<16xf32>
        %broadcast_in_dim3A_811 = arith.constant 4 : i32
        %broadcast_in_dim3A_812 = vector.broadcast %broadcast_in_dim3A_811 : i32 to vector<16xi32>
        %gather3A_813 = tpu.vector_load_idx %arg20[%add3A_747, %broadcast_in_dim3A_812] : memref<80x16xf32, #tpu.memory_space<vmem>>[vector<16xi32>, vector<16xi32>], vector<16xf32>,
        %gather3A_814 = tpu.vector_load_idx %arg22[%add3A_747, %broadcast_in_dim3A_812] : memref<80x16xf32, #tpu.memory_space<vmem>>[vector<16xi32>, vector<16xi32>], vector<16xf32>,
        %add3A_815 = arith.addf %gather3A_813, %gather3A_814 : vector<16xf32>
        %gather3A_816 = tpu.vector_load_idx %arg24[%add3A_747, %broadcast_in_dim3A_812] : memref<80x16xf32, #tpu.memory_space<vmem>>[vector<16xi32>, vector<16xi32>], vector<16xf32>,
        %add3A_817 = arith.addf %add3A_815, %gather3A_816 : vector<16xf32>
        %max3A_818 = arith.constant 0.000000e+00 : f32
        %max3A_819 = vector.broadcast %max3A_818 : f32 to vector<16xf32>
        %max3A_820 = arith.maximumf %add3A_817, %max3A_819 : vector<16xf32>
        %get3A_821 = arith.constant 4 : i32
        %get3A_822 = arith.index_cast %get3A_821 : i32 to index
        %get3A_823 = arith.constant 0 : index
        %get3A_824 = tpu.vector_load %arg33[%get3A_822, %get3A_823] {strides = array<i32>} : memref<6x16xf32, #tpu.memory_space<vmem>>, vector<16xf32>,
        %mul3A_825 = arith.mulf %max3A_820, %get3A_824 : vector<16xf32>
        %add3A_826 = arith.addf %add3A_810, %mul3A_825 : vector<16xf32>
        %get3A_827 = arith.constant 5 : i32
        %get3A_828 = arith.index_cast %get3A_827 : i32 to index
        %get3A_829 = arith.constant 0 : index
        %get3A_830 = tpu.vector_load %arg33[%get3A_828, %get3A_829] {strides = array<i32>} : memref<6x16xf32, #tpu.memory_space<vmem>>, vector<16xf32>,
        %add3A_831 = arith.addf %add3A_826, %get3A_830 : vector<16xf32>
        %neg3A_832 = arith.constant 0.000000e+00 : f32
        %neg3A_833 = vector.broadcast %neg3A_832 : f32 to vector<16xf32>
        %neg3A_834 = arith.subf %neg3A_833, %add3A_831 : vector<16xf32>
        %exp3A_835 = math.exp %neg3A_834 : vector<16xf32>
        %add3A_836 = arith.constant 1.000000e+00 : f32
        %add3A_837 = vector.broadcast %add3A_836 : f32 to vector<16xf32>
        %add3A_838 = arith.addf %add3A_837, %exp3A_835 : vector<16xf32>
        %div3A_839 = arith.constant 1.000000e+00 : f32
        %div3A_840 = vector.broadcast %div3A_839 : f32 to vector<16xf32>
        %div3A_841 = arith.divf %div3A_840, %add3A_838 : vector<16xf32>
        %swap3A_842 = arith.constant 64 : index
        %swap3A_843 = tpu.vector_load %arg32[%swap3A_842] {strides = array<i32>} : memref<80xf32, #tpu.memory_space<vmem>>, vector<16xf32>,
        tpu.vector_store %arg32[%swap3A_842], %div3A_841 {strides = array<i32>} : memref<80xf32, #tpu.memory_space<vmem>>, vector<16xf32>,
        %scan3A_844 = arith.constant 0 : i32
        %scan3A_845 = arith.constant 5 : i32
        %scan3A_846 = arith.addi %scan3A_844, %scan3A_845 : i32
        %scan3A_847 = arith.constant 1 : i32
        scf.for %scan3A_856 = %scan3A_844 to %scan3A_846 step %scan3A_847  : i32 {
          %mul3A_857 = arith.constant 16 : i32
          %mul3A_858 = arith.muli %scan3A_856, %mul3A_857 : i32
          %add3A_859 = arith.constant 0 : i32
          %add3A_860 = arith.addi %add3A_859, %mul3A_858 : i32
          %add3A_861 = arith.constant 0 : i32
          %add3A_862 = arith.addi %add3A_860, %add3A_861 : i32
          %broadcast_in_dim3A_863 = vector.broadcast %add3A_862 : i32 to vector<16xi32>
          %gather3A_864 = tpu.vector_load_idx %arg32[%broadcast_in_dim3A_863] : memref<80xf32, #tpu.memory_space<vmem>>[vector<16xi32>], vector<16xf32>,
          %get3A_865 = arith.index_cast %add3A_862 : i32 to index
          %get3A_866 = arith.constant 0 : index
          %get3A_867 = tpu.vector_load %arg26[%get3A_865, %get3A_866] {strides = array<i32>} : memref<80x64xf32, #tpu.memory_space<vmem>>, vector<16xf32>,
          %get3A_868 = arith.index_cast %add3A_862 : i32 to index
          %get3A_869 = arith.constant 0 : index
          %get3A_870 = tpu.vector_load %arg28[%get3A_868, %get3A_869] {strides = array<i32>} : memref<80x64xf32, #tpu.memory_space<vmem>>, vector<16xf32>,
          %add3A_871 = arith.addf %get3A_867, %get3A_870 : vector<16xf32>
          %mul3A_872 = arith.mulf %add3A_871, %gather3A_864 : vector<16xf32>
          %swap3A_873 = arith.index_cast %add3A_862 : i32 to index
          %swap3A_874 = arith.constant 0 : index
          %swap3A_875 = tpu.vector_load %arg30[%swap3A_873, %swap3A_874] {strides = array<i32>} : memref<80x64xf32, #tpu.memory_space<vmem>>, vector<16xf32>,
          tpu.vector_store %arg30[%swap3A_873, %swap3A_874], %mul3A_872 {strides = array<i32>} : memref<80x64xf32, #tpu.memory_space<vmem>>, vector<16xf32>,
          %get3A_876 = arith.index_cast %add3A_862 : i32 to index
          %get3A_877 = arith.constant 16 : index
          %get3A_878 = tpu.vector_load %arg26[%get3A_876, %get3A_877] {strides = array<i32>} : memref<80x64xf32, #tpu.memory_space<vmem>>, vector<16xf32>,
          %get3A_879 = arith.index_cast %add3A_862 : i32 to index
          %get3A_880 = arith.constant 16 : index
          %get3A_881 = tpu.vector_load %arg28[%get3A_879, %get3A_880] {strides = array<i32>} : memref<80x64xf32, #tpu.memory_space<vmem>>, vector<16xf32>,
          %add3A_882 = arith.addf %get3A_878, %get3A_881 : vector<16xf32>
          %mul3A_883 = arith.mulf %add3A_882, %gather3A_864 : vector<16xf32>
          %swap3A_884 = arith.index_cast %add3A_862 : i32 to index
          %swap3A_885 = arith.constant 16 : index
          %swap3A_886 = tpu.vector_load %arg30[%swap3A_884, %swap3A_885] {strides = array<i32>} : memref<80x64xf32, #tpu.memory_space<vmem>>, vector<16xf32>,
          tpu.vector_store %arg30[%swap3A_884, %swap3A_885], %mul3A_883 {strides = array<i32>} : memref<80x64xf32, #tpu.memory_space<vmem>>, vector<16xf32>,
          %get3A_887 = arith.index_cast %add3A_862 : i32 to index
          %get3A_888 = arith.constant 32 : index
          %get3A_889 = tpu.vector_load %arg26[%get3A_887, %get3A_888] {strides = array<i32>} : memref<80x64xf32, #tpu.memory_space<vmem>>, vector<16xf32>,
          %get3A_890 = arith.index_cast %add3A_862 : i32 to index
          %get3A_891 = arith.constant 32 : index
          %get3A_892 = tpu.vector_load %arg28[%get3A_890, %get3A_891] {strides = array<i32>} : memref<80x64xf32, #tpu.memory_space<vmem>>, vector<16xf32>,
          %add3A_893 = arith.addf %get3A_889, %get3A_892 : vector<16xf32>
          %mul3A_894 = arith.mulf %add3A_893, %gather3A_864 : vector<16xf32>
          %swap3A_895 = arith.index_cast %add3A_862 : i32 to index
          %swap3A_896 = arith.constant 32 : index
          %swap3A_897 = tpu.vector_load %arg30[%swap3A_895, %swap3A_896] {strides = array<i32>} : memref<80x64xf32, #tpu.memory_space<vmem>>, vector<16xf32>,
          tpu.vector_store %arg30[%swap3A_895, %swap3A_896], %mul3A_894 {strides = array<i32>} : memref<80x64xf32, #tpu.memory_space<vmem>>, vector<16xf32>,
          %get3A_898 = arith.index_cast %add3A_862 : i32 to index
          %get3A_899 = arith.constant 48 : index
          %get3A_900 = tpu.vector_load %arg26[%get3A_898, %get3A_899] {strides = array<i32>} : memref<80x64xf32, #tpu.memory_space<vmem>>, vector<16xf32>,
          %get3A_901 = arith.index_cast %add3A_862 : i32 to index
          %get3A_902 = arith.constant 48 : index
          %get3A_903 = tpu.vector_load %arg28[%get3A_901, %get3A_902] {strides = array<i32>} : memref<80x64xf32, #tpu.memory_space<vmem>>, vector<16xf32>,
          %add3A_904 = arith.addf %get3A_900, %get3A_903 : vector<16xf32>
          %mul3A_905 = arith.mulf %add3A_904, %gather3A_864 : vector<16xf32>
          %swap3A_906 = arith.index_cast %add3A_862 : i32 to index
          %swap3A_907 = arith.constant 48 : index
          %swap3A_908 = tpu.vector_load %arg30[%swap3A_906, %swap3A_907] {strides = array<i32>} : memref<80x64xf32, #tpu.memory_space<vmem>>, vector<16xf32>,
          tpu.vector_store %arg30[%swap3A_906, %swap3A_907], %mul3A_905 {strides = array<i32>} : memref<80x64xf32, #tpu.memory_space<vmem>>, vector<16xf32>,
          %add3A_909 = arith.constant 1 : i32
          %add3A_910 = arith.addi %add3A_860, %add3A_909 : i32
          %broadcast_in_dim3A_911 = vector.broadcast %add3A_910 : i32 to vector<16xi32>
          %gather3A_912 = tpu.vector_load_idx %arg32[%broadcast_in_dim3A_911] : memref<80xf32, #tpu.memory_space<vmem>>[vector<16xi32>], vector<16xf32>,
          %get3A_913 = arith.index_cast %add3A_910 : i32 to index
          %get3A_914 = arith.constant 0 : index
          %get3A_915 = tpu.vector_load %arg26[%get3A_913, %get3A_914] {strides = array<i32>} : memref<80x64xf32, #tpu.memory_space<vmem>>, vector<16xf32>,
          %get3A_916 = arith.index_cast %add3A_910 : i32 to index
          %get3A_917 = arith.constant 0 : index
          %get3A_918 = tpu.vector_load %arg28[%get3A_916, %get3A_917] {strides = array<i32>} : memref<80x64xf32, #tpu.memory_space<vmem>>, vector<16xf32>,
          %add3A_919 = arith.addf %get3A_915, %get3A_918 : vector<16xf32>
          %mul3A_920 = arith.mulf %add3A_919, %gather3A_912 : vector<16xf32>
          %swap3A_921 = arith.index_cast %add3A_910 : i32 to index
          %swap3A_922 = arith.constant 0 : index
          %swap3A_923 = tpu.vector_load %arg30[%swap3A_921, %swap3A_922] {strides = array<i32>} : memref<80x64xf32, #tpu.memory_space<vmem>>, vector<16xf32>,
          tpu.vector_store %arg30[%swap3A_921, %swap3A_922], %mul3A_920 {strides = array<i32>} : memref<80x64xf32, #tpu.memory_space<vmem>>, vector<16xf32>,
          %get3A_924 = arith.index_cast %add3A_910 : i32 to index
          %get3A_925 = arith.constant 16 : index
          %get3A_926 = tpu.vector_load %arg26[%get3A_924, %get3A_925] {strides = array<i32>} : memref<80x64xf32, #tpu.memory_space<vmem>>, vector<16xf32>,
          %get3A_927 = arith.index_cast %add3A_910 : i32 to index
          %get3A_928 = arith.constant 16 : index
          %get3A_929 = tpu.vector_load %arg28[%get3A_927, %get3A_928] {strides = array<i32>} : memref<80x64xf32, #tpu.memory_space<vmem>>, vector<16xf32>,
          %add3A_930 = arith.addf %get3A_926, %get3A_929 : vector<16xf32>
          %mul3A_931 = arith.mulf %add3A_930, %gather3A_912 : vector<16xf32>
          %swap3A_932 = arith.index_cast %add3A_910 : i32 to index
          %swap3A_933 = arith.constant 16 : index
          %swap3A_934 = tpu.vector_load %arg30[%swap3A_932, %swap3A_933] {strides = array<i32>} : memref<80x64xf32, #tpu.memory_space<vmem>>, vector<16xf32>,
          tpu.vector_store %arg30[%swap3A_932, %swap3A_933], %mul3A_931 {strides = array<i32>} : memref<80x64xf32, #tpu.memory_space<vmem>>, vector<16xf32>,
          %get3A_935 = arith.index_cast %add3A_910 : i32 to index
          %get3A_936 = arith.constant 32 : index
          %get3A_937 = tpu.vector_load %arg26[%get3A_935, %get3A_936] {strides = array<i32>} : memref<80x64xf32, #tpu.memory_space<vmem>>, vector<16xf32>,
          %get3A_938 = arith.index_cast %add3A_910 : i32 to index
          %get3A_939 = arith.constant 32 : index
          %get3A_940 = tpu.vector_load %arg28[%get3A_938, %get3A_939] {strides = array<i32>} : memref<80x64xf32, #tpu.memory_space<vmem>>, vector<16xf32>,
          %add3A_941 = arith.addf %get3A_937, %get3A_940 : vector<16xf32>
          %mul3A_942 = arith.mulf %add3A_941, %gather3A_912 : vector<16xf32>
          %swap3A_943 = arith.index_cast %add3A_910 : i32 to index
          %swap3A_944 = arith.constant 32 : index
          %swap3A_945 = tpu.vector_load %arg30[%swap3A_943, %swap3A_944] {strides = array<i32>} : memref<80x64xf32, #tpu.memory_space<vmem>>, vector<16xf32>,
          tpu.vector_store %arg30[%swap3A_943, %swap3A_944], %mul3A_942 {strides = array<i32>} : memref<80x64xf32, #tpu.memory_space<vmem>>, vector<16xf32>,
          %get3A_946 = arith.index_cast %add3A_910 : i32 to index
          %get3A_947 = arith.constant 48 : index
          %get3A_948 = tpu.vector_load %arg26[%get3A_946, %get3A_947] {strides = array<i32>} : memref<80x64xf32, #tpu.memory_space<vmem>>, vector<16xf32>,
          %get3A_949 = arith.index_cast %add3A_910 : i32 to index
          %get3A_950 = arith.constant 48 : index
          %get3A_951 = tpu.vector_load %arg28[%get3A_949, %get3A_950] {strides = array<i32>} : memref<80x64xf32, #tpu.memory_space<vmem>>, vector<16xf32>,
          %add3A_952 = arith.addf %get3A_948, %get3A_951 : vector<16xf32>
          %mul3A_953 = arith.mulf %add3A_952, %gather3A_912 : vector<16xf32>
          %swap3A_954 = arith.index_cast %add3A_910 : i32 to index
          %swap3A_955 = arith.constant 48 : index
          %swap3A_956 = tpu.vector_load %arg30[%swap3A_954, %swap3A_955] {strides = array<i32>} : memref<80x64xf32, #tpu.memory_space<vmem>>, vector<16xf32>,
          tpu.vector_store %arg30[%swap3A_954, %swap3A_955], %mul3A_953 {strides = array<i32>} : memref<80x64xf32, #tpu.memory_space<vmem>>, vector<16xf32>,
          %add3A_957 = arith.constant 2 : i32
          %add3A_958 = arith.addi %add3A_860, %add3A_957 : i32
          %broadcast_in_dim3A_959 = vector.broadcast %add3A_958 : i32 to vector<16xi32>
          %gather3A_960 = tpu.vector_load_idx %arg32[%broadcast_in_dim3A_959] : memref<80xf32, #tpu.memory_space<vmem>>[vector<16xi32>], vector<16xf32>,
          %get3A_961 = arith.index_cast %add3A_958 : i32 to index
          %get3A_962 = arith.constant 0 : index
          %get3A_963 = tpu.vector_load %arg26[%get3A_961, %get3A_962] {strides = array<i32>} : memref<80x64xf32, #tpu.memory_space<vmem>>, vector<16xf32>,
          %get3A_964 = arith.index_cast %add3A_958 : i32 to index
          %get3A_965 = arith.constant 0 : index
          %get3A_966 = tpu.vector_load %arg28[%get3A_964, %get3A_965] {strides = array<i32>} : memref<80x64xf32, #tpu.memory_space<vmem>>, vector<16xf32>,
          %add3A_967 = arith.addf %get3A_963, %get3A_966 : vector<16xf32>
          %mul3A_968 = arith.mulf %add3A_967, %gather3A_960 : vector<16xf32>
          %swap3A_969 = arith.index_cast %add3A_958 : i32 to index
          %swap3A_970 = arith.constant 0 : index
          %swap3A_971 = tpu.vector_load %arg30[%swap3A_969, %swap3A_970] {strides = array<i32>} : memref<80x64xf32, #tpu.memory_space<vmem>>, vector<16xf32>,
          tpu.vector_store %arg30[%swap3A_969, %swap3A_970], %mul3A_968 {strides = array<i32>} : memref<80x64xf32, #tpu.memory_space<vmem>>, vector<16xf32>,
          %get3A_972 = arith.index_cast %add3A_958 : i32 to index
          %get3A_973 = arith.constant 16 : index
          %get3A_974 = tpu.vector_load %arg26[%get3A_972, %get3A_973] {strides = array<i32>} : memref<80x64xf32, #tpu.memory_space<vmem>>, vector<16xf32>,
          %get3A_975 = arith.index_cast %add3A_958 : i32 to index
          %get3A_976 = arith.constant 16 : index
          %get3A_977 = tpu.vector_load %arg28[%get3A_975, %get3A_976] {strides = array<i32>} : memref<80x64xf32, #tpu.memory_space<vmem>>, vector<16xf32>,
          %add3A_978 = arith.addf %get3A_974, %get3A_977 : vector<16xf32>
          %mul3A_979 = arith.mulf %add3A_978, %gather3A_960 : vector<16xf32>
          %swap3A_980 = arith.index_cast %add3A_958 : i32 to index
          %swap3A_981 = arith.constant 16 : index
          %swap3A_982 = tpu.vector_load %arg30[%swap3A_980, %swap3A_981] {strides = array<i32>} : memref<80x64xf32, #tpu.memory_space<vmem>>, vector<16xf32>,
          tpu.vector_store %arg30[%swap3A_980, %swap3A_981], %mul3A_979 {strides = array<i32>} : memref<80x64xf32, #tpu.memory_space<vmem>>, vector<16xf32>,
          %get3A_983 = arith.index_cast %add3A_958 : i32 to index
          %get3A_984 = arith.constant 32 : index
          %get3A_985 = tpu.vector_load %arg26[%get3A_983, %get3A_984] {strides = array<i32>} : memref<80x64xf32, #tpu.memory_space<vmem>>, vector<16xf32>,
          %get3A_986 = arith.index_cast %add3A_958 : i32 to index
          %get3A_987 = arith.constant 32 : index
          %get3A_988 = tpu.vector_load %arg28[%get3A_986, %get3A_987] {strides = array<i32>} : memref<80x64xf32, #tpu.memory_space<vmem>>, vector<16xf32>,
          %add3A_989 = arith.addf %get3A_985, %get3A_988 : vector<16xf32>
          %mul3A_990 = arith.mulf %add3A_989, %gather3A_960 : vector<16xf32>
          %swap3A_991 = arith.index_cast %add3A_958 : i32 to index
          %swap3A_992 = arith.constant 32 : index
          %swap3A_993 = tpu.vector_load %arg30[%swap3A_991, %swap3A_992] {strides = array<i32>} : memref<80x64xf32, #tpu.memory_space<vmem>>, vector<16xf32>,
          tpu.vector_store %arg30[%swap3A_991, %swap3A_992], %mul3A_990 {strides = array<i32>} : memref<80x64xf32, #tpu.memory_space<vmem>>, vector<16xf32>,
          %get3A_994 = arith.index_cast %add3A_958 : i32 to index
          %get3A_995 = arith.constant 48 : index
          %get3A_996 = tpu.vector_load %arg26[%get3A_994, %get3A_995] {strides = array<i32>} : memref<80x64xf32, #tpu.memory_space<vmem>>, vector<16xf32>,
          %get3A_997 = arith.index_cast %add3A_958 : i32 to index
          %get3A_998 = arith.constant 48 : index
          %get3A_999 = tpu.vector_load %arg28[%get3A_997, %get3A_998] {strides = array<i32>} : memref<80x64xf32, #tpu.memory_space<vmem>>, vector<16xf32>,
          %add3A_1000 = arith.addf %get3A_996, %get3A_999 : vector<16xf32>
          %mul3A_1001 = arith.mulf %add3A_1000, %gather3A_960 : vector<16xf32>
          %swap3A_1002 = arith.index_cast %add3A_958 : i32 to index
          %swap3A_1003 = arith.constant 48 : index
          %swap3A_1004 = tpu.vector_load %arg30[%swap3A_1002, %swap3A_1003] {strides = array<i32>} : memref<80x64xf32, #tpu.memory_space<vmem>>, vector<16xf32>,
          tpu.vector_store %arg30[%swap3A_1002, %swap3A_1003], %mul3A_1001 {strides = array<i32>} : memref<80x64xf32, #tpu.memory_space<vmem>>, vector<16xf32>,
          %add3A_1005 = arith.constant 3 : i32
          %add3A_1006 = arith.addi %add3A_860, %add3A_1005 : i32
          %broadcast_in_dim3A_1007 = vector.broadcast %add3A_1006 : i32 to vector<16xi32>
          %gather3A_1008 = tpu.vector_load_idx %arg32[%broadcast_in_dim3A_1007] : memref<80xf32, #tpu.memory_space<vmem>>[vector<16xi32>], vector<16xf32>,
          %get3A_1009 = arith.index_cast %add3A_1006 : i32 to index
          %get3A_1010 = arith.constant 0 : index
          %get3A_1011 = tpu.vector_load %arg26[%get3A_1009, %get3A_1010] {strides = array<i32>} : memref<80x64xf32, #tpu.memory_space<vmem>>, vector<16xf32>,
          %get3A_1012 = arith.index_cast %add3A_1006 : i32 to index
          %get3A_1013 = arith.constant 0 : index
          %get3A_1014 = tpu.vector_load %arg28[%get3A_1012, %get3A_1013] {strides = array<i32>} : memref<80x64xf32, #tpu.memory_space<vmem>>, vector<16xf32>,
          %add3A_1015 = arith.addf %get3A_1011, %get3A_1014 : vector<16xf32>
          %mul3A_1016 = arith.mulf %add3A_1015, %gather3A_1008 : vector<16xf32>
          %swap3A_1017 = arith.index_cast %add3A_1006 : i32 to index
          %swap3A_1018 = arith.constant 0 : index
          %swap3A_1019 = tpu.vector_load %arg30[%swap3A_1017, %swap3A_1018] {strides = array<i32>} : memref<80x64xf32, #tpu.memory_space<vmem>>, vector<16xf32>,
          tpu.vector_store %arg30[%swap3A_1017, %swap3A_1018], %mul3A_1016 {strides = array<i32>} : memref<80x64xf32, #tpu.memory_space<vmem>>, vector<16xf32>,
          %get3A_1020 = arith.index_cast %add3A_1006 : i32 to index
          %get3A_1021 = arith.constant 16 : index
          %get3A_1022 = tpu.vector_load %arg26[%get3A_1020, %get3A_1021] {strides = array<i32>} : memref<80x64xf32, #tpu.memory_space<vmem>>, vector<16xf32>,
          %get3A_1023 = arith.index_cast %add3A_1006 : i32 to index
          %get3A_1024 = arith.constant 16 : index
          %get3A_1025 = tpu.vector_load %arg28[%get3A_1023, %get3A_1024] {strides = array<i32>} : memref<80x64xf32, #tpu.memory_space<vmem>>, vector<16xf32>,
          %add3A_1026 = arith.addf %get3A_1022, %get3A_1025 : vector<16xf32>
          %mul3A_1027 = arith.mulf %add3A_1026, %gather3A_1008 : vector<16xf32>
          %swap3A_1028 = arith.index_cast %add3A_1006 : i32 to index
          %swap3A_1029 = arith.constant 16 : index
          %swap3A_1030 = tpu.vector_load %arg30[%swap3A_1028, %swap3A_1029] {strides = array<i32>} : memref<80x64xf32, #tpu.memory_space<vmem>>, vector<16xf32>,
          tpu.vector_store %arg30[%swap3A_1028, %swap3A_1029], %mul3A_1027 {strides = array<i32>} : memref<80x64xf32, #tpu.memory_space<vmem>>, vector<16xf32>,
          %get3A_1031 = arith.index_cast %add3A_1006 : i32 to index
          %get3A_1032 = arith.constant 32 : index
          %get3A_1033 = tpu.vector_load %arg26[%get3A_1031, %get3A_1032] {strides = array<i32>} : memref<80x64xf32, #tpu.memory_space<vmem>>, vector<16xf32>,
          %get3A_1034 = arith.index_cast %add3A_1006 : i32 to index
          %get3A_1035 = arith.constant 32 : index
          %get3A_1036 = tpu.vector_load %arg28[%get3A_1034, %get3A_1035] {strides = array<i32>} : memref<80x64xf32, #tpu.memory_space<vmem>>, vector<16xf32>,
          %add3A_1037 = arith.addf %get3A_1033, %get3A_1036 : vector<16xf32>
          %mul3A_1038 = arith.mulf %add3A_1037, %gather3A_1008 : vector<16xf32>
          %swap3A_1039 = arith.index_cast %add3A_1006 : i32 to index
          %swap3A_1040 = arith.constant 32 : index
          %swap3A_1041 = tpu.vector_load %arg30[%swap3A_1039, %swap3A_1040] {strides = array<i32>} : memref<80x64xf32, #tpu.memory_space<vmem>>, vector<16xf32>,
          tpu.vector_store %arg30[%swap3A_1039, %swap3A_1040], %mul3A_1038 {strides = array<i32>} : memref<80x64xf32, #tpu.memory_space<vmem>>, vector<16xf32>,
          %get3A_1042 = arith.index_cast %add3A_1006 : i32 to index
          %get3A_1043 = arith.constant 48 : index
          %get3A_1044 = tpu.vector_load %arg26[%get3A_1042, %get3A_1043] {strides = array<i32>} : memref<80x64xf32, #tpu.memory_space<vmem>>, vector<16xf32>,
          %get3A_1045 = arith.index_cast %add3A_1006 : i32 to index
          %get3A_1046 = arith.constant 48 : index
          %get3A_1047 = tpu.vector_load %arg28[%get3A_1045, %get3A_1046] {strides = array<i32>} : memref<80x64xf32, #tpu.memory_space<vmem>>, vector<16xf32>,
          %add3A_1048 = arith.addf %get3A_1044, %get3A_1047 : vector<16xf32>
          %mul3A_1049 = arith.mulf %add3A_1048, %gather3A_1008 : vector<16xf32>
          %swap3A_1050 = arith.index_cast %add3A_1006 : i32 to index
          %swap3A_1051 = arith.constant 48 : index
          %swap3A_1052 = tpu.vector_load %arg30[%swap3A_1050, %swap3A_1051] {strides = array<i32>} : memref<80x64xf32, #tpu.memory_space<vmem>>, vector<16xf32>,
          tpu.vector_store %arg30[%swap3A_1050, %swap3A_1051], %mul3A_1049 {strides = array<i32>} : memref<80x64xf32, #tpu.memory_space<vmem>>, vector<16xf32>,
          %add3A_1053 = arith.constant 4 : i32
          %add3A_1054 = arith.addi %add3A_860, %add3A_1053 : i32
          %broadcast_in_dim3A_1055 = vector.broadcast %add3A_1054 : i32 to vector<16xi32>
          %gather3A_1056 = tpu.vector_load_idx %arg32[%broadcast_in_dim3A_1055] : memref<80xf32, #tpu.memory_space<vmem>>[vector<16xi32>], vector<16xf32>,
          %get3A_1057 = arith.index_cast %add3A_1054 : i32 to index
          %get3A_1058 = arith.constant 0 : index
          %get3A_1059 = tpu.vector_load %arg26[%get3A_1057, %get3A_1058] {strides = array<i32>} : memref<80x64xf32, #tpu.memory_space<vmem>>, vector<16xf32>,
          %get3A_1060 = arith.index_cast %add3A_1054 : i32 to index
          %get3A_1061 = arith.constant 0 : index
          %get3A_1062 = tpu.vector_load %arg28[%get3A_1060, %get3A_1061] {strides = array<i32>} : memref<80x64xf32, #tpu.memory_space<vmem>>, vector<16xf32>,
          %add3A_1063 = arith.addf %get3A_1059, %get3A_1062 : vector<16xf32>
          %mul3A_1064 = arith.mulf %add3A_1063, %gather3A_1056 : vector<16xf32>
          %swap3A_1065 = arith.index_cast %add3A_1054 : i32 to index
          %swap3A_1066 = arith.constant 0 : index
          %swap3A_1067 = tpu.vector_load %arg30[%swap3A_1065, %swap3A_1066] {strides = array<i32>} : memref<80x64xf32, #tpu.memory_space<vmem>>, vector<16xf32>,
          tpu.vector_store %arg30[%swap3A_1065, %swap3A_1066], %mul3A_1064 {strides = array<i32>} : memref<80x64xf32, #tpu.memory_space<vmem>>, vector<16xf32>,
          %get3A_1068 = arith.index_cast %add3A_1054 : i32 to index
          %get3A_1069 = arith.constant 16 : index
          %get3A_1070 = tpu.vector_load %arg26[%get3A_1068, %get3A_1069] {strides = array<i32>} : memref<80x64xf32, #tpu.memory_space<vmem>>, vector<16xf32>,
          %get3A_1071 = arith.index_cast %add3A_1054 : i32 to index
          %get3A_1072 = arith.constant 16 : index
          %get3A_1073 = tpu.vector_load %arg28[%get3A_1071, %get3A_1072] {strides = array<i32>} : memref<80x64xf32, #tpu.memory_space<vmem>>, vector<16xf32>,
          %add3A_1074 = arith.addf %get3A_1070, %get3A_1073 : vector<16xf32>
          %mul3A_1075 = arith.mulf %add3A_1074, %gather3A_1056 : vector<16xf32>
          %swap3A_1076 = arith.index_cast %add3A_1054 : i32 to index
          %swap3A_1077 = arith.constant 16 : index
          %swap3A_1078 = tpu.vector_load %arg30[%swap3A_1076, %swap3A_1077] {strides = array<i32>} : memref<80x64xf32, #tpu.memory_space<vmem>>, vector<16xf32>,
          tpu.vector_store %arg30[%swap3A_1076, %swap3A_1077], %mul3A_1075 {strides = array<i32>} : memref<80x64xf32, #tpu.memory_space<vmem>>, vector<16xf32>,
          %get3A_1079 = arith.index_cast %add3A_1054 : i32 to index
          %get3A_1080 = arith.constant 32 : index
          %get3A_1081 = tpu.vector_load %arg26[%get3A_1079, %get3A_1080] {strides = array<i32>} : memref<80x64xf32, #tpu.memory_space<vmem>>, vector<16xf32>,
          %get3A_1082 = arith.index_cast %add3A_1054 : i32 to index
          %get3A_1083 = arith.constant 32 : index
          %get3A_1084 = tpu.vector_load %arg28[%get3A_1082, %get3A_1083] {strides = array<i32>} : memref<80x64xf32, #tpu.memory_space<vmem>>, vector<16xf32>,
          %add3A_1085 = arith.addf %get3A_1081, %get3A_1084 : vector<16xf32>
          %mul3A_1086 = arith.mulf %add3A_1085, %gather3A_1056 : vector<16xf32>
          %swap3A_1087 = arith.index_cast %add3A_1054 : i32 to index
          %swap3A_1088 = arith.constant 32 : index
          %swap3A_1089 = tpu.vector_load %arg30[%swap3A_1087, %swap3A_1088] {strides = array<i32>} : memref<80x64xf32, #tpu.memory_space<vmem>>, vector<16xf32>,
          tpu.vector_store %arg30[%swap3A_1087, %swap3A_1088], %mul3A_1086 {strides = array<i32>} : memref<80x64xf32, #tpu.memory_space<vmem>>, vector<16xf32>,
          %get3A_1090 = arith.index_cast %add3A_1054 : i32 to index
          %get3A_1091 = arith.constant 48 : index
          %get3A_1092 = tpu.vector_load %arg26[%get3A_1090, %get3A_1091] {strides = array<i32>} : memref<80x64xf32, #tpu.memory_space<vmem>>, vector<16xf32>,
          %get3A_1093 = arith.index_cast %add3A_1054 : i32 to index
          %get3A_1094 = arith.constant 48 : index
          %get3A_1095 = tpu.vector_load %arg28[%get3A_1093, %get3A_1094] {strides = array<i32>} : memref<80x64xf32, #tpu.memory_space<vmem>>, vector<16xf32>,
          %add3A_1096 = arith.addf %get3A_1092, %get3A_1095 : vector<16xf32>
          %mul3A_1097 = arith.mulf %add3A_1096, %gather3A_1056 : vector<16xf32>
          %swap3A_1098 = arith.index_cast %add3A_1054 : i32 to index
          %swap3A_1099 = arith.constant 48 : index
          %swap3A_1100 = tpu.vector_load %arg30[%swap3A_1098, %swap3A_1099] {strides = array<i32>} : memref<80x64xf32, #tpu.memory_space<vmem>>, vector<16xf32>,
          tpu.vector_store %arg30[%swap3A_1098, %swap3A_1099], %mul3A_1097 {strides = array<i32>} : memref<80x64xf32, #tpu.memory_space<vmem>>, vector<16xf32>,
          %add3A_1101 = arith.constant 5 : i32
          %add3A_1102 = arith.addi %add3A_860, %add3A_1101 : i32
          %broadcast_in_dim3A_1103 = vector.broadcast %add3A_1102 : i32 to vector<16xi32>
          %gather3A_1104 = tpu.vector_load_idx %arg32[%broadcast_in_dim3A_1103] : memref<80xf32, #tpu.memory_space<vmem>>[vector<16xi32>], vector<16xf32>,
          %get3A_1105 = arith.index_cast %add3A_1102 : i32 to index
          %get3A_1106 = arith.constant 0 : index
          %get3A_1107 = tpu.vector_load %arg26[%get3A_1105, %get3A_1106] {strides = array<i32>} : memref<80x64xf32, #tpu.memory_space<vmem>>, vector<16xf32>,
          %get3A_1108 = arith.index_cast %add3A_1102 : i32 to index
          %get3A_1109 = arith.constant 0 : index
          %get3A_1110 = tpu.vector_load %arg28[%get3A_1108, %get3A_1109] {strides = array<i32>} : memref<80x64xf32, #tpu.memory_space<vmem>>, vector<16xf32>,
          %add3A_1111 = arith.addf %get3A_1107, %get3A_1110 : vector<16xf32>
          %mul3A_1112 = arith.mulf %add3A_1111, %gather3A_1104 : vector<16xf32>
          %swap3A_1113 = arith.index_cast %add3A_1102 : i32 to index
          %swap3A_1114 = arith.constant 0 : index
          %swap3A_1115 = tpu.vector_load %arg30[%swap3A_1113, %swap3A_1114] {strides = array<i32>} : memref<80x64xf32, #tpu.memory_space<vmem>>, vector<16xf32>,
          tpu.vector_store %arg30[%swap3A_1113, %swap3A_1114], %mul3A_1112 {strides = array<i32>} : memref<80x64xf32, #tpu.memory_space<vmem>>, vector<16xf32>,
          %get3A_1116 = arith.index_cast %add3A_1102 : i32 to index
          %get3A_1117 = arith.constant 16 : index
          %get3A_1118 = tpu.vector_load %arg26[%get3A_1116, %get3A_1117] {strides = array<i32>} : memref<80x64xf32, #tpu.memory_space<vmem>>, vector<16xf32>,
          %get3A_1119 = arith.index_cast %add3A_1102 : i32 to index
          %get3A_1120 = arith.constant 16 : index
          %get3A_1121 = tpu.vector_load %arg28[%get3A_1119, %get3A_1120] {strides = array<i32>} : memref<80x64xf32, #tpu.memory_space<vmem>>, vector<16xf32>,
          %add3A_1122 = arith.addf %get3A_1118, %get3A_1121 : vector<16xf32>
          %mul3A_1123 = arith.mulf %add3A_1122, %gather3A_1104 : vector<16xf32>
          %swap3A_1124 = arith.index_cast %add3A_1102 : i32 to index
          %swap3A_1125 = arith.constant 16 : index
          %swap3A_1126 = tpu.vector_load %arg30[%swap3A_1124, %swap3A_1125] {strides = array<i32>} : memref<80x64xf32, #tpu.memory_space<vmem>>, vector<16xf32>,
          tpu.vector_store %arg30[%swap3A_1124, %swap3A_1125], %mul3A_1123 {strides = array<i32>} : memref<80x64xf32, #tpu.memory_space<vmem>>, vector<16xf32>,
          %get3A_1127 = arith.index_cast %add3A_1102 : i32 to index
          %get3A_1128 = arith.constant 32 : index
          %get3A_1129 = tpu.vector_load %arg26[%get3A_1127, %get3A_1128] {strides = array<i32>} : memref<80x64xf32, #tpu.memory_space<vmem>>, vector<16xf32>,
          %get3A_1130 = arith.index_cast %add3A_1102 : i32 to index
          %get3A_1131 = arith.constant 32 : index
          %get3A_1132 = tpu.vector_load %arg28[%get3A_1130, %get3A_1131] {strides = array<i32>} : memref<80x64xf32, #tpu.memory_space<vmem>>, vector<16xf32>,
          %add3A_1133 = arith.addf %get3A_1129, %get3A_1132 : vector<16xf32>
          %mul3A_1134 = arith.mulf %add3A_1133, %gather3A_1104 : vector<16xf32>
          %swap3A_1135 = arith.index_cast %add3A_1102 : i32 to index
          %swap3A_1136 = arith.constant 32 : index
          %swap3A_1137 = tpu.vector_load %arg30[%swap3A_1135, %swap3A_1136] {strides = array<i32>} : memref<80x64xf32, #tpu.memory_space<vmem>>, vector<16xf32>,
          tpu.vector_store %arg30[%swap3A_1135, %swap3A_1136], %mul3A_1134 {strides = array<i32>} : memref<80x64xf32, #tpu.memory_space<vmem>>, vector<16xf32>,
          %get3A_1138 = arith.index_cast %add3A_1102 : i32 to index
          %get3A_1139 = arith.constant 48 : index
          %get3A_1140 = tpu.vector_load %arg26[%get3A_1138, %get3A_1139] {strides = array<i32>} : memref<80x64xf32, #tpu.memory_space<vmem>>, vector<16xf32>,
          %get3A_1141 = arith.index_cast %add3A_1102 : i32 to index
          %get3A_1142 = arith.constant 48 : index
          %get3A_1143 = tpu.vector_load %arg28[%get3A_1141, %get3A_1142] {strides = array<i32>} : memref<80x64xf32, #tpu.memory_space<vmem>>, vector<16xf32>,
          %add3A_1144 = arith.addf %get3A_1140, %get3A_1143 : vector<16xf32>
          %mul3A_1145 = arith.mulf %add3A_1144, %gather3A_1104 : vector<16xf32>
          %swap3A_1146 = arith.index_cast %add3A_1102 : i32 to index
          %swap3A_1147 = arith.constant 48 : index
          %swap3A_1148 = tpu.vector_load %arg30[%swap3A_1146, %swap3A_1147] {strides = array<i32>} : memref<80x64xf32, #tpu.memory_space<vmem>>, vector<16xf32>,
          tpu.vector_store %arg30[%swap3A_1146, %swap3A_1147], %mul3A_1145 {strides = array<i32>} : memref<80x64xf32, #tpu.memory_space<vmem>>, vector<16xf32>,
          %add3A_1149 = arith.constant 6 : i32
          %add3A_1150 = arith.addi %add3A_860, %add3A_1149 : i32
          %broadcast_in_dim3A_1151 = vector.broadcast %add3A_1150 : i32 to vector<16xi32>
          %gather3A_1152 = tpu.vector_load_idx %arg32[%broadcast_in_dim3A_1151] : memref<80xf32, #tpu.memory_space<vmem>>[vector<16xi32>], vector<16xf32>,
          %get3A_1153 = arith.index_cast %add3A_1150 : i32 to index
          %get3A_1154 = arith.constant 0 : index
          %get3A_1155 = tpu.vector_load %arg26[%get3A_1153, %get3A_1154] {strides = array<i32>} : memref<80x64xf32, #tpu.memory_space<vmem>>, vector<16xf32>,
          %get3A_1156 = arith.index_cast %add3A_1150 : i32 to index
          %get3A_1157 = arith.constant 0 : index
          %get3A_1158 = tpu.vector_load %arg28[%get3A_1156, %get3A_1157] {strides = array<i32>} : memref<80x64xf32, #tpu.memory_space<vmem>>, vector<16xf32>,
          %add3A_1159 = arith.addf %get3A_1155, %get3A_1158 : vector<16xf32>
          %mul3A_1160 = arith.mulf %add3A_1159, %gather3A_1152 : vector<16xf32>
          %swap3A_1161 = arith.index_cast %add3A_1150 : i32 to index
          %swap3A_1162 = arith.constant 0 : index
          %swap3A_1163 = tpu.vector_load %arg30[%swap3A_1161, %swap3A_1162] {strides = array<i32>} : memref<80x64xf32, #tpu.memory_space<vmem>>, vector<16xf32>,
          tpu.vector_store %arg30[%swap3A_1161, %swap3A_1162], %mul3A_1160 {strides = array<i32>} : memref<80x64xf32, #tpu.memory_space<vmem>>, vector<16xf32>,
          %get3A_1164 = arith.index_cast %add3A_1150 : i32 to index
          %get3A_1165 = arith.constant 16 : index
          %get3A_1166 = tpu.vector_load %arg26[%get3A_1164, %get3A_1165] {strides = array<i32>} : memref<80x64xf32, #tpu.memory_space<vmem>>, vector<16xf32>,
          %get3A_1167 = arith.index_cast %add3A_1150 : i32 to index
          %get3A_1168 = arith.constant 16 : index
          %get3A_1169 = tpu.vector_load %arg28[%get3A_1167, %get3A_1168] {strides = array<i32>} : memref<80x64xf32, #tpu.memory_space<vmem>>, vector<16xf32>,
          %add3A_1170 = arith.addf %get3A_1166, %get3A_1169 : vector<16xf32>
          %mul3A_1171 = arith.mulf %add3A_1170, %gather3A_1152 : vector<16xf32>
          %swap3A_1172 = arith.index_cast %add3A_1150 : i32 to index
          %swap3A_1173 = arith.constant 16 : index
          %swap3A_1174 = tpu.vector_load %arg30[%swap3A_1172, %swap3A_1173] {strides = array<i32>} : memref<80x64xf32, #tpu.memory_space<vmem>>, vector<16xf32>,
          tpu.vector_store %arg30[%swap3A_1172, %swap3A_1173], %mul3A_1171 {strides = array<i32>} : memref<80x64xf32, #tpu.memory_space<vmem>>, vector<16xf32>,
          %get3A_1175 = arith.index_cast %add3A_1150 : i32 to index
          %get3A_1176 = arith.constant 32 : index
          %get3A_1177 = tpu.vector_load %arg26[%get3A_1175, %get3A_1176] {strides = array<i32>} : memref<80x64xf32, #tpu.memory_space<vmem>>, vector<16xf32>,
          %get3A_1178 = arith.index_cast %add3A_1150 : i32 to index
          %get3A_1179 = arith.constant 32 : index
          %get3A_1180 = tpu.vector_load %arg28[%get3A_1178, %get3A_1179] {strides = array<i32>} : memref<80x64xf32, #tpu.memory_space<vmem>>, vector<16xf32>,
          %add3A_1181 = arith.addf %get3A_1177, %get3A_1180 : vector<16xf32>
          %mul3A_1182 = arith.mulf %add3A_1181, %gather3A_1152 : vector<16xf32>
          %swap3A_1183 = arith.index_cast %add3A_1150 : i32 to index
          %swap3A_1184 = arith.constant 32 : index
          %swap3A_1185 = tpu.vector_load %arg30[%swap3A_1183, %swap3A_1184] {strides = array<i32>} : memref<80x64xf32, #tpu.memory_space<vmem>>, vector<16xf32>,
          tpu.vector_store %arg30[%swap3A_1183, %swap3A_1184], %mul3A_1182 {strides = array<i32>} : memref<80x64xf32, #tpu.memory_space<vmem>>, vector<16xf32>,
          %get3A_1186 = arith.index_cast %add3A_1150 : i32 to index
          %get3A_1187 = arith.constant 48 : index
          %get3A_1188 = tpu.vector_load %arg26[%get3A_1186, %get3A_1187] {strides = array<i32>} : memref<80x64xf32, #tpu.memory_space<vmem>>, vector<16xf32>,
          %get3A_1189 = arith.index_cast %add3A_1150 : i32 to index
          %get3A_1190 = arith.constant 48 : index
          %get3A_1191 = tpu.vector_load %arg28[%get3A_1189, %get3A_1190] {strides = array<i32>} : memref<80x64xf32, #tpu.memory_space<vmem>>, vector<16xf32>,
          %add3A_1192 = arith.addf %get3A_1188, %get3A_1191 : vector<16xf32>
          %mul3A_1193 = arith.mulf %add3A_1192, %gather3A_1152 : vector<16xf32>
          %swap3A_1194 = arith.index_cast %add3A_1150 : i32 to index
          %swap3A_1195 = arith.constant 48 : index
          %swap3A_1196 = tpu.vector_load %arg30[%swap3A_1194, %swap3A_1195] {strides = array<i32>} : memref<80x64xf32, #tpu.memory_space<vmem>>, vector<16xf32>,
          tpu.vector_store %arg30[%swap3A_1194, %swap3A_1195], %mul3A_1193 {strides = array<i32>} : memref<80x64xf32, #tpu.memory_space<vmem>>, vector<16xf32>,
          %add3A_1197 = arith.constant 7 : i32
          %add3A_1198 = arith.addi %add3A_860, %add3A_1197 : i32
          %broadcast_in_dim3A_1199 = vector.broadcast %add3A_1198 : i32 to vector<16xi32>
          %gather3A_1200 = tpu.vector_load_idx %arg32[%broadcast_in_dim3A_1199] : memref<80xf32, #tpu.memory_space<vmem>>[vector<16xi32>], vector<16xf32>,
          %get3A_1201 = arith.index_cast %add3A_1198 : i32 to index
          %get3A_1202 = arith.constant 0 : index
          %get3A_1203 = tpu.vector_load %arg26[%get3A_1201, %get3A_1202] {strides = array<i32>} : memref<80x64xf32, #tpu.memory_space<vmem>>, vector<16xf32>,
          %get3A_1204 = arith.index_cast %add3A_1198 : i32 to index
          %get3A_1205 = arith.constant 0 : index
          %get3A_1206 = tpu.vector_load %arg28[%get3A_1204, %get3A_1205] {strides = array<i32>} : memref<80x64xf32, #tpu.memory_space<vmem>>, vector<16xf32>,
          %add3A_1207 = arith.addf %get3A_1203, %get3A_1206 : vector<16xf32>
          %mul3A_1208 = arith.mulf %add3A_1207, %gather3A_1200 : vector<16xf32>
          %swap3A_1209 = arith.index_cast %add3A_1198 : i32 to index
          %swap3A_1210 = arith.constant 0 : index
          %swap3A_1211 = tpu.vector_load %arg30[%swap3A_1209, %swap3A_1210] {strides = array<i32>} : memref<80x64xf32, #tpu.memory_space<vmem>>, vector<16xf32>,
          tpu.vector_store %arg30[%swap3A_1209, %swap3A_1210], %mul3A_1208 {strides = array<i32>} : memref<80x64xf32, #tpu.memory_space<vmem>>, vector<16xf32>,
          %get3A_1212 = arith.index_cast %add3A_1198 : i32 to index
          %get3A_1213 = arith.constant 16 : index
          %get3A_1214 = tpu.vector_load %arg26[%get3A_1212, %get3A_1213] {strides = array<i32>} : memref<80x64xf32, #tpu.memory_space<vmem>>, vector<16xf32>,
          %get3A_1215 = arith.index_cast %add3A_1198 : i32 to index
          %get3A_1216 = arith.constant 16 : index
          %get3A_1217 = tpu.vector_load %arg28[%get3A_1215, %get3A_1216] {strides = array<i32>} : memref<80x64xf32, #tpu.memory_space<vmem>>, vector<16xf32>,
          %add3A_1218 = arith.addf %get3A_1214, %get3A_1217 : vector<16xf32>
          %mul3A_1219 = arith.mulf %add3A_1218, %gather3A_1200 : vector<16xf32>
          %swap3A_1220 = arith.index_cast %add3A_1198 : i32 to index
          %swap3A_1221 = arith.constant 16 : index
          %swap3A_1222 = tpu.vector_load %arg30[%swap3A_1220, %swap3A_1221] {strides = array<i32>} : memref<80x64xf32, #tpu.memory_space<vmem>>, vector<16xf32>,
          tpu.vector_store %arg30[%swap3A_1220, %swap3A_1221], %mul3A_1219 {strides = array<i32>} : memref<80x64xf32, #tpu.memory_space<vmem>>, vector<16xf32>,
          %get3A_1223 = arith.index_cast %add3A_1198 : i32 to index
          %get3A_1224 = arith.constant 32 : index
          %get3A_1225 = tpu.vector_load %arg26[%get3A_1223, %get3A_1224] {strides = array<i32>} : memref<80x64xf32, #tpu.memory_space<vmem>>, vector<16xf32>,
          %get3A_1226 = arith.index_cast %add3A_1198 : i32 to index
          %get3A_1227 = arith.constant 32 : index
          %get3A_1228 = tpu.vector_load %arg28[%get3A_1226, %get3A_1227] {strides = array<i32>} : memref<80x64xf32, #tpu.memory_space<vmem>>, vector<16xf32>,
          %add3A_1229 = arith.addf %get3A_1225, %get3A_1228 : vector<16xf32>
          %mul3A_1230 = arith.mulf %add3A_1229, %gather3A_1200 : vector<16xf32>
          %swap3A_1231 = arith.index_cast %add3A_1198 : i32 to index
          %swap3A_1232 = arith.constant 32 : index
          %swap3A_1233 = tpu.vector_load %arg30[%swap3A_1231, %swap3A_1232] {strides = array<i32>} : memref<80x64xf32, #tpu.memory_space<vmem>>, vector<16xf32>,
          tpu.vector_store %arg30[%swap3A_1231, %swap3A_1232], %mul3A_1230 {strides = array<i32>} : memref<80x64xf32, #tpu.memory_space<vmem>>, vector<16xf32>,
          %get3A_1234 = arith.index_cast %add3A_1198 : i32 to index
          %get3A_1235 = arith.constant 48 : index
          %get3A_1236 = tpu.vector_load %arg26[%get3A_1234, %get3A_1235] {strides = array<i32>} : memref<80x64xf32, #tpu.memory_space<vmem>>, vector<16xf32>,
          %get3A_1237 = arith.index_cast %add3A_1198 : i32 to index
          %get3A_1238 = arith.constant 48 : index
          %get3A_1239 = tpu.vector_load %arg28[%get3A_1237, %get3A_1238] {strides = array<i32>} : memref<80x64xf32, #tpu.memory_space<vmem>>, vector<16xf32>,
          %add3A_1240 = arith.addf %get3A_1236, %get3A_1239 : vector<16xf32>
          %mul3A_1241 = arith.mulf %add3A_1240, %gather3A_1200 : vector<16xf32>
          %swap3A_1242 = arith.index_cast %add3A_1198 : i32 to index
          %swap3A_1243 = arith.constant 48 : index
          %swap3A_1244 = tpu.vector_load %arg30[%swap3A_1242, %swap3A_1243] {strides = array<i32>} : memref<80x64xf32, #tpu.memory_space<vmem>>, vector<16xf32>,
          tpu.vector_store %arg30[%swap3A_1242, %swap3A_1243], %mul3A_1241 {strides = array<i32>} : memref<80x64xf32, #tpu.memory_space<vmem>>, vector<16xf32>,
          %add3A_1245 = arith.constant 8 : i32
          %add3A_1246 = arith.addi %add3A_860, %add3A_1245 : i32
          %broadcast_in_dim3A_1247 = vector.broadcast %add3A_1246 : i32 to vector<16xi32>
          %gather3A_1248 = tpu.vector_load_idx %arg32[%broadcast_in_dim3A_1247] : memref<80xf32, #tpu.memory_space<vmem>>[vector<16xi32>], vector<16xf32>,
          %get3A_1249 = arith.index_cast %add3A_1246 : i32 to index
          %get3A_1250 = arith.constant 0 : index
          %get3A_1251 = tpu.vector_load %arg26[%get3A_1249, %get3A_1250] {strides = array<i32>} : memref<80x64xf32, #tpu.memory_space<vmem>>, vector<16xf32>,
          %get3A_1252 = arith.index_cast %add3A_1246 : i32 to index
          %get3A_1253 = arith.constant 0 : index
          %get3A_1254 = tpu.vector_load %arg28[%get3A_1252, %get3A_1253] {strides = array<i32>} : memref<80x64xf32, #tpu.memory_space<vmem>>, vector<16xf32>,
          %add3A_1255 = arith.addf %get3A_1251, %get3A_1254 : vector<16xf32>
          %mul3A_1256 = arith.mulf %add3A_1255, %gather3A_1248 : vector<16xf32>
          %swap3A_1257 = arith.index_cast %add3A_1246 : i32 to index
          %swap3A_1258 = arith.constant 0 : index
          %swap3A_1259 = tpu.vector_load %arg30[%swap3A_1257, %swap3A_1258] {strides = array<i32>} : memref<80x64xf32, #tpu.memory_space<vmem>>, vector<16xf32>,
          tpu.vector_store %arg30[%swap3A_1257, %swap3A_1258], %mul3A_1256 {strides = array<i32>} : memref<80x64xf32, #tpu.memory_space<vmem>>, vector<16xf32>,
          %get3A_1260 = arith.index_cast %add3A_1246 : i32 to index
          %get3A_1261 = arith.constant 16 : index
          %get3A_1262 = tpu.vector_load %arg26[%get3A_1260, %get3A_1261] {strides = array<i32>} : memref<80x64xf32, #tpu.memory_space<vmem>>, vector<16xf32>,
          %get3A_1263 = arith.index_cast %add3A_1246 : i32 to index
          %get3A_1264 = arith.constant 16 : index
          %get3A_1265 = tpu.vector_load %arg28[%get3A_1263, %get3A_1264] {strides = array<i32>} : memref<80x64xf32, #tpu.memory_space<vmem>>, vector<16xf32>,
          %add3A_1266 = arith.addf %get3A_1262, %get3A_1265 : vector<16xf32>
          %mul3A_1267 = arith.mulf %add3A_1266, %gather3A_1248 : vector<16xf32>
          %swap3A_1268 = arith.index_cast %add3A_1246 : i32 to index
          %swap3A_1269 = arith.constant 16 : index
          %swap3A_1270 = tpu.vector_load %arg30[%swap3A_1268, %swap3A_1269] {strides = array<i32>} : memref<80x64xf32, #tpu.memory_space<vmem>>, vector<16xf32>,
          tpu.vector_store %arg30[%swap3A_1268, %swap3A_1269], %mul3A_1267 {strides = array<i32>} : memref<80x64xf32, #tpu.memory_space<vmem>>, vector<16xf32>,
          %get3A_1271 = arith.index_cast %add3A_1246 : i32 to index
          %get3A_1272 = arith.constant 32 : index
          %get3A_1273 = tpu.vector_load %arg26[%get3A_1271, %get3A_1272] {strides = array<i32>} : memref<80x64xf32, #tpu.memory_space<vmem>>, vector<16xf32>,
          %get3A_1274 = arith.index_cast %add3A_1246 : i32 to index
          %get3A_1275 = arith.constant 32 : index
          %get3A_1276 = tpu.vector_load %arg28[%get3A_1274, %get3A_1275] {strides = array<i32>} : memref<80x64xf32, #tpu.memory_space<vmem>>, vector<16xf32>,
          %add3A_1277 = arith.addf %get3A_1273, %get3A_1276 : vector<16xf32>
          %mul3A_1278 = arith.mulf %add3A_1277, %gather3A_1248 : vector<16xf32>
          %swap3A_1279 = arith.index_cast %add3A_1246 : i32 to index
          %swap3A_1280 = arith.constant 32 : index
          %swap3A_1281 = tpu.vector_load %arg30[%swap3A_1279, %swap3A_1280] {strides = array<i32>} : memref<80x64xf32, #tpu.memory_space<vmem>>, vector<16xf32>,
          tpu.vector_store %arg30[%swap3A_1279, %swap3A_1280], %mul3A_1278 {strides = array<i32>} : memref<80x64xf32, #tpu.memory_space<vmem>>, vector<16xf32>,
          %get3A_1282 = arith.index_cast %add3A_1246 : i32 to index
          %get3A_1283 = arith.constant 48 : index
          %get3A_1284 = tpu.vector_load %arg26[%get3A_1282, %get3A_1283] {strides = array<i32>} : memref<80x64xf32, #tpu.memory_space<vmem>>, vector<16xf32>,
          %get3A_1285 = arith.index_cast %add3A_1246 : i32 to index
          %get3A_1286 = arith.constant 48 : index
          %get3A_1287 = tpu.vector_load %arg28[%get3A_1285, %get3A_1286] {strides = array<i32>} : memref<80x64xf32, #tpu.memory_space<vmem>>, vector<16xf32>,
          %add3A_1288 = arith.addf %get3A_1284, %get3A_1287 : vector<16xf32>
          %mul3A_1289 = arith.mulf %add3A_1288, %gather3A_1248 : vector<16xf32>
          %swap3A_1290 = arith.index_cast %add3A_1246 : i32 to index
          %swap3A_1291 = arith.constant 48 : index
          %swap3A_1292 = tpu.vector_load %arg30[%swap3A_1290, %swap3A_1291] {strides = array<i32>} : memref<80x64xf32, #tpu.memory_space<vmem>>, vector<16xf32>,
          tpu.vector_store %arg30[%swap3A_1290, %swap3A_1291], %mul3A_1289 {strides = array<i32>} : memref<80x64xf32, #tpu.memory_space<vmem>>, vector<16xf32>,
          %add3A_1293 = arith.constant 9 : i32
          %add3A_1294 = arith.addi %add3A_860, %add3A_1293 : i32
          %broadcast_in_dim3A_1295 = vector.broadcast %add3A_1294 : i32 to vector<16xi32>
          %gather3A_1296 = tpu.vector_load_idx %arg32[%broadcast_in_dim3A_1295] : memref<80xf32, #tpu.memory_space<vmem>>[vector<16xi32>], vector<16xf32>,
          %get3A_1297 = arith.index_cast %add3A_1294 : i32 to index
          %get3A_1298 = arith.constant 0 : index
          %get3A_1299 = tpu.vector_load %arg26[%get3A_1297, %get3A_1298] {strides = array<i32>} : memref<80x64xf32, #tpu.memory_space<vmem>>, vector<16xf32>,
          %get3A_1300 = arith.index_cast %add3A_1294 : i32 to index
          %get3A_1301 = arith.constant 0 : index
          %get3A_1302 = tpu.vector_load %arg28[%get3A_1300, %get3A_1301] {strides = array<i32>} : memref<80x64xf32, #tpu.memory_space<vmem>>, vector<16xf32>,
          %add3A_1303 = arith.addf %get3A_1299, %get3A_1302 : vector<16xf32>
          %mul3A_1304 = arith.mulf %add3A_1303, %gather3A_1296 : vector<16xf32>
          %swap3A_1305 = arith.index_cast %add3A_1294 : i32 to index
          %swap3A_1306 = arith.constant 0 : index
          %swap3A_1307 = tpu.vector_load %arg30[%swap3A_1305, %swap3A_1306] {strides = array<i32>} : memref<80x64xf32, #tpu.memory_space<vmem>>, vector<16xf32>,
          tpu.vector_store %arg30[%swap3A_1305, %swap3A_1306], %mul3A_1304 {strides = array<i32>} : memref<80x64xf32, #tpu.memory_space<vmem>>, vector<16xf32>,
          %get3A_1308 = arith.index_cast %add3A_1294 : i32 to index
          %get3A_1309 = arith.constant 16 : index
          %get3A_1310 = tpu.vector_load %arg26[%get3A_1308, %get3A_1309] {strides = array<i32>} : memref<80x64xf32, #tpu.memory_space<vmem>>, vector<16xf32>,
          %get3A_1311 = arith.index_cast %add3A_1294 : i32 to index
          %get3A_1312 = arith.constant 16 : index
          %get3A_1313 = tpu.vector_load %arg28[%get3A_1311, %get3A_1312] {strides = array<i32>} : memref<80x64xf32, #tpu.memory_space<vmem>>, vector<16xf32>,
          %add3A_1314 = arith.addf %get3A_1310, %get3A_1313 : vector<16xf32>
          %mul3A_1315 = arith.mulf %add3A_1314, %gather3A_1296 : vector<16xf32>
          %swap3A_1316 = arith.index_cast %add3A_1294 : i32 to index
          %swap3A_1317 = arith.constant 16 : index
          %swap3A_1318 = tpu.vector_load %arg30[%swap3A_1316, %swap3A_1317] {strides = array<i32>} : memref<80x64xf32, #tpu.memory_space<vmem>>, vector<16xf32>,
          tpu.vector_store %arg30[%swap3A_1316, %swap3A_1317], %mul3A_1315 {strides = array<i32>} : memref<80x64xf32, #tpu.memory_space<vmem>>, vector<16xf32>,
          %get3A_1319 = arith.index_cast %add3A_1294 : i32 to index
          %get3A_1320 = arith.constant 32 : index
          %get3A_1321 = tpu.vector_load %arg26[%get3A_1319, %get3A_1320] {strides = array<i32>} : memref<80x64xf32, #tpu.memory_space<vmem>>, vector<16xf32>,
          %get3A_1322 = arith.index_cast %add3A_1294 : i32 to index
          %get3A_1323 = arith.constant 32 : index
          %get3A_1324 = tpu.vector_load %arg28[%get3A_1322, %get3A_1323] {strides = array<i32>} : memref<80x64xf32, #tpu.memory_space<vmem>>, vector<16xf32>,
          %add3A_1325 = arith.addf %get3A_1321, %get3A_1324 : vector<16xf32>
          %mul3A_1326 = arith.mulf %add3A_1325, %gather3A_1296 : vector<16xf32>
          %swap3A_1327 = arith.index_cast %add3A_1294 : i32 to index
          %swap3A_1328 = arith.constant 32 : index
          %swap3A_1329 = tpu.vector_load %arg30[%swap3A_1327, %swap3A_1328] {strides = array<i32>} : memref<80x64xf32, #tpu.memory_space<vmem>>, vector<16xf32>,
          tpu.vector_store %arg30[%swap3A_1327, %swap3A_1328], %mul3A_1326 {strides = array<i32>} : memref<80x64xf32, #tpu.memory_space<vmem>>, vector<16xf32>,
          %get3A_1330 = arith.index_cast %add3A_1294 : i32 to index
          %get3A_1331 = arith.constant 48 : index
          %get3A_1332 = tpu.vector_load %arg26[%get3A_1330, %get3A_1331] {strides = array<i32>} : memref<80x64xf32, #tpu.memory_space<vmem>>, vector<16xf32>,
          %get3A_1333 = arith.index_cast %add3A_1294 : i32 to index
          %get3A_1334 = arith.constant 48 : index
          %get3A_1335 = tpu.vector_load %arg28[%get3A_1333, %get3A_1334] {strides = array<i32>} : memref<80x64xf32, #tpu.memory_space<vmem>>, vector<16xf32>,
          %add3A_1336 = arith.addf %get3A_1332, %get3A_1335 : vector<16xf32>
          %mul3A_1337 = arith.mulf %add3A_1336, %gather3A_1296 : vector<16xf32>
          %swap3A_1338 = arith.index_cast %add3A_1294 : i32 to index
          %swap3A_1339 = arith.constant 48 : index
          %swap3A_1340 = tpu.vector_load %arg30[%swap3A_1338, %swap3A_1339] {strides = array<i32>} : memref<80x64xf32, #tpu.memory_space<vmem>>, vector<16xf32>,
          tpu.vector_store %arg30[%swap3A_1338, %swap3A_1339], %mul3A_1337 {strides = array<i32>} : memref<80x64xf32, #tpu.memory_space<vmem>>, vector<16xf32>,
          %add3A_1341 = arith.constant 10 : i32
          %add3A_1342 = arith.addi %add3A_860, %add3A_1341 : i32
          %broadcast_in_dim3A_1343 = vector.broadcast %add3A_1342 : i32 to vector<16xi32>
          %gather3A_1344 = tpu.vector_load_idx %arg32[%broadcast_in_dim3A_1343] : memref<80xf32, #tpu.memory_space<vmem>>[vector<16xi32>], vector<16xf32>,
          %get3A_1345 = arith.index_cast %add3A_1342 : i32 to index
          %get3A_1346 = arith.constant 0 : index
          %get3A_1347 = tpu.vector_load %arg26[%get3A_1345, %get3A_1346] {strides = array<i32>} : memref<80x64xf32, #tpu.memory_space<vmem>>, vector<16xf32>,
          %get3A_1348 = arith.index_cast %add3A_1342 : i32 to index
          %get3A_1349 = arith.constant 0 : index
          %get3A_1350 = tpu.vector_load %arg28[%get3A_1348, %get3A_1349] {strides = array<i32>} : memref<80x64xf32, #tpu.memory_space<vmem>>, vector<16xf32>,
          %add3A_1351 = arith.addf %get3A_1347, %get3A_1350 : vector<16xf32>
          %mul3A_1352 = arith.mulf %add3A_1351, %gather3A_1344 : vector<16xf32>
          %swap3A_1353 = arith.index_cast %add3A_1342 : i32 to index
          %swap3A_1354 = arith.constant 0 : index
          %swap3A_1355 = tpu.vector_load %arg30[%swap3A_1353, %swap3A_1354] {strides = array<i32>} : memref<80x64xf32, #tpu.memory_space<vmem>>, vector<16xf32>,
          tpu.vector_store %arg30[%swap3A_1353, %swap3A_1354], %mul3A_1352 {strides = array<i32>} : memref<80x64xf32, #tpu.memory_space<vmem>>, vector<16xf32>,
          %get3A_1356 = arith.index_cast %add3A_1342 : i32 to index
          %get3A_1357 = arith.constant 16 : index
          %get3A_1358 = tpu.vector_load %arg26[%get3A_1356, %get3A_1357] {strides = array<i32>} : memref<80x64xf32, #tpu.memory_space<vmem>>, vector<16xf32>,
          %get3A_1359 = arith.index_cast %add3A_1342 : i32 to index
          %get3A_1360 = arith.constant 16 : index
          %get3A_1361 = tpu.vector_load %arg28[%get3A_1359, %get3A_1360] {strides = array<i32>} : memref<80x64xf32, #tpu.memory_space<vmem>>, vector<16xf32>,
          %add3A_1362 = arith.addf %get3A_1358, %get3A_1361 : vector<16xf32>
          %mul3A_1363 = arith.mulf %add3A_1362, %gather3A_1344 : vector<16xf32>
          %swap3A_1364 = arith.index_cast %add3A_1342 : i32 to index
          %swap3A_1365 = arith.constant 16 : index
          %swap3A_1366 = tpu.vector_load %arg30[%swap3A_1364, %swap3A_1365] {strides = array<i32>} : memref<80x64xf32, #tpu.memory_space<vmem>>, vector<16xf32>,
          tpu.vector_store %arg30[%swap3A_1364, %swap3A_1365], %mul3A_1363 {strides = array<i32>} : memref<80x64xf32, #tpu.memory_space<vmem>>, vector<16xf32>,
          %get3A_1367 = arith.index_cast %add3A_1342 : i32 to index
          %get3A_1368 = arith.constant 32 : index
          %get3A_1369 = tpu.vector_load %arg26[%get3A_1367, %get3A_1368] {strides = array<i32>} : memref<80x64xf32, #tpu.memory_space<vmem>>, vector<16xf32>,
          %get3A_1370 = arith.index_cast %add3A_1342 : i32 to index
          %get3A_1371 = arith.constant 32 : index
          %get3A_1372 = tpu.vector_load %arg28[%get3A_1370, %get3A_1371] {strides = array<i32>} : memref<80x64xf32, #tpu.memory_space<vmem>>, vector<16xf32>,
          %add3A_1373 = arith.addf %get3A_1369, %get3A_1372 : vector<16xf32>
          %mul3A_1374 = arith.mulf %add3A_1373, %gather3A_1344 : vector<16xf32>
          %swap3A_1375 = arith.index_cast %add3A_1342 : i32 to index
          %swap3A_1376 = arith.constant 32 : index
          %swap3A_1377 = tpu.vector_load %arg30[%swap3A_1375, %swap3A_1376] {strides = array<i32>} : memref<80x64xf32, #tpu.memory_space<vmem>>, vector<16xf32>,
          tpu.vector_store %arg30[%swap3A_1375, %swap3A_1376], %mul3A_1374 {strides = array<i32>} : memref<80x64xf32, #tpu.memory_space<vmem>>, vector<16xf32>,
          %get3A_1378 = arith.index_cast %add3A_1342 : i32 to index
          %get3A_1379 = arith.constant 48 : index
          %get3A_1380 = tpu.vector_load %arg26[%get3A_1378, %get3A_1379] {strides = array<i32>} : memref<80x64xf32, #tpu.memory_space<vmem>>, vector<16xf32>,
          %get3A_1381 = arith.index_cast %add3A_1342 : i32 to index
          %get3A_1382 = arith.constant 48 : index
          %get3A_1383 = tpu.vector_load %arg28[%get3A_1381, %get3A_1382] {strides = array<i32>} : memref<80x64xf32, #tpu.memory_space<vmem>>, vector<16xf32>,
          %add3A_1384 = arith.addf %get3A_1380, %get3A_1383 : vector<16xf32>
          %mul3A_1385 = arith.mulf %add3A_1384, %gather3A_1344 : vector<16xf32>
          %swap3A_1386 = arith.index_cast %add3A_1342 : i32 to index
          %swap3A_1387 = arith.constant 48 : index
          %swap3A_1388 = tpu.vector_load %arg30[%swap3A_1386, %swap3A_1387] {strides = array<i32>} : memref<80x64xf32, #tpu.memory_space<vmem>>, vector<16xf32>,
          tpu.vector_store %arg30[%swap3A_1386, %swap3A_1387], %mul3A_1385 {strides = array<i32>} : memref<80x64xf32, #tpu.memory_space<vmem>>, vector<16xf32>,
          %add3A_1389 = arith.constant 11 : i32
          %add3A_1390 = arith.addi %add3A_860, %add3A_1389 : i32
          %broadcast_in_dim3A_1391 = vector.broadcast %add3A_1390 : i32 to vector<16xi32>
          %gather3A_1392 = tpu.vector_load_idx %arg32[%broadcast_in_dim3A_1391] : memref<80xf32, #tpu.memory_space<vmem>>[vector<16xi32>], vector<16xf32>,
          %get3A_1393 = arith.index_cast %add3A_1390 : i32 to index
          %get3A_1394 = arith.constant 0 : index
          %get3A_1395 = tpu.vector_load %arg26[%get3A_1393, %get3A_1394] {strides = array<i32>} : memref<80x64xf32, #tpu.memory_space<vmem>>, vector<16xf32>,
          %get3A_1396 = arith.index_cast %add3A_1390 : i32 to index
          %get3A_1397 = arith.constant 0 : index
          %get3A_1398 = tpu.vector_load %arg28[%get3A_1396, %get3A_1397] {strides = array<i32>} : memref<80x64xf32, #tpu.memory_space<vmem>>, vector<16xf32>,
          %add3A_1399 = arith.addf %get3A_1395, %get3A_1398 : vector<16xf32>
          %mul3A_1400 = arith.mulf %add3A_1399, %gather3A_1392 : vector<16xf32>
          %swap3A_1401 = arith.index_cast %add3A_1390 : i32 to index
          %swap3A_1402 = arith.constant 0 : index
          %swap3A_1403 = tpu.vector_load %arg30[%swap3A_1401, %swap3A_1402] {strides = array<i32>} : memref<80x64xf32, #tpu.memory_space<vmem>>, vector<16xf32>,
          tpu.vector_store %arg30[%swap3A_1401, %swap3A_1402], %mul3A_1400 {strides = array<i32>} : memref<80x64xf32, #tpu.memory_space<vmem>>, vector<16xf32>,
          %get3A_1404 = arith.index_cast %add3A_1390 : i32 to index
          %get3A_1405 = arith.constant 16 : index
          %get3A_1406 = tpu.vector_load %arg26[%get3A_1404, %get3A_1405] {strides = array<i32>} : memref<80x64xf32, #tpu.memory_space<vmem>>, vector<16xf32>,
          %get3A_1407 = arith.index_cast %add3A_1390 : i32 to index
          %get3A_1408 = arith.constant 16 : index
          %get3A_1409 = tpu.vector_load %arg28[%get3A_1407, %get3A_1408] {strides = array<i32>} : memref<80x64xf32, #tpu.memory_space<vmem>>, vector<16xf32>,
          %add3A_1410 = arith.addf %get3A_1406, %get3A_1409 : vector<16xf32>
          %mul3A_1411 = arith.mulf %add3A_1410, %gather3A_1392 : vector<16xf32>
          %swap3A_1412 = arith.index_cast %add3A_1390 : i32 to index
          %swap3A_1413 = arith.constant 16 : index
          %swap3A_1414 = tpu.vector_load %arg30[%swap3A_1412, %swap3A_1413] {strides = array<i32>} : memref<80x64xf32, #tpu.memory_space<vmem>>, vector<16xf32>,
          tpu.vector_store %arg30[%swap3A_1412, %swap3A_1413], %mul3A_1411 {strides = array<i32>} : memref<80x64xf32, #tpu.memory_space<vmem>>, vector<16xf32>,
          %get3A_1415 = arith.index_cast %add3A_1390 : i32 to index
          %get3A_1416 = arith.constant 32 : index
          %get3A_1417 = tpu.vector_load %arg26[%get3A_1415, %get3A_1416] {strides = array<i32>} : memref<80x64xf32, #tpu.memory_space<vmem>>, vector<16xf32>,
          %get3A_1418 = arith.index_cast %add3A_1390 : i32 to index
          %get3A_1419 = arith.constant 32 : index
          %get3A_1420 = tpu.vector_load %arg28[%get3A_1418, %get3A_1419] {strides = array<i32>} : memref<80x64xf32, #tpu.memory_space<vmem>>, vector<16xf32>,
          %add3A_1421 = arith.addf %get3A_1417, %get3A_1420 : vector<16xf32>
          %mul3A_1422 = arith.mulf %add3A_1421, %gather3A_1392 : vector<16xf32>
          %swap3A_1423 = arith.index_cast %add3A_1390 : i32 to index
          %swap3A_1424 = arith.constant 32 : index
          %swap3A_1425 = tpu.vector_load %arg30[%swap3A_1423, %swap3A_1424] {strides = array<i32>} : memref<80x64xf32, #tpu.memory_space<vmem>>, vector<16xf32>,
          tpu.vector_store %arg30[%swap3A_1423, %swap3A_1424], %mul3A_1422 {strides = array<i32>} : memref<80x64xf32, #tpu.memory_space<vmem>>, vector<16xf32>,
          %get3A_1426 = arith.index_cast %add3A_1390 : i32 to index
          %get3A_1427 = arith.constant 48 : index
          %get3A_1428 = tpu.vector_load %arg26[%get3A_1426, %get3A_1427] {strides = array<i32>} : memref<80x64xf32, #tpu.memory_space<vmem>>, vector<16xf32>,
          %get3A_1429 = arith.index_cast %add3A_1390 : i32 to index
          %get3A_1430 = arith.constant 48 : index
          %get3A_1431 = tpu.vector_load %arg28[%get3A_1429, %get3A_1430] {strides = array<i32>} : memref<80x64xf32, #tpu.memory_space<vmem>>, vector<16xf32>,
          %add3A_1432 = arith.addf %get3A_1428, %get3A_1431 : vector<16xf32>
          %mul3A_1433 = arith.mulf %add3A_1432, %gather3A_1392 : vector<16xf32>
          %swap3A_1434 = arith.index_cast %add3A_1390 : i32 to index
          %swap3A_1435 = arith.constant 48 : index
          %swap3A_1436 = tpu.vector_load %arg30[%swap3A_1434, %swap3A_1435] {strides = array<i32>} : memref<80x64xf32, #tpu.memory_space<vmem>>, vector<16xf32>,
          tpu.vector_store %arg30[%swap3A_1434, %swap3A_1435], %mul3A_1433 {strides = array<i32>} : memref<80x64xf32, #tpu.memory_space<vmem>>, vector<16xf32>,
          %add3A_1437 = arith.constant 12 : i32
          %add3A_1438 = arith.addi %add3A_860, %add3A_1437 : i32
          %broadcast_in_dim3A_1439 = vector.broadcast %add3A_1438 : i32 to vector<16xi32>
          %gather3A_1440 = tpu.vector_load_idx %arg32[%broadcast_in_dim3A_1439] : memref<80xf32, #tpu.memory_space<vmem>>[vector<16xi32>], vector<16xf32>,
          %get3A_1441 = arith.index_cast %add3A_1438 : i32 to index
          %get3A_1442 = arith.constant 0 : index
          %get3A_1443 = tpu.vector_load %arg26[%get3A_1441, %get3A_1442] {strides = array<i32>} : memref<80x64xf32, #tpu.memory_space<vmem>>, vector<16xf32>,
          %get3A_1444 = arith.index_cast %add3A_1438 : i32 to index
          %get3A_1445 = arith.constant 0 : index
          %get3A_1446 = tpu.vector_load %arg28[%get3A_1444, %get3A_1445] {strides = array<i32>} : memref<80x64xf32, #tpu.memory_space<vmem>>, vector<16xf32>,
          %add3A_1447 = arith.addf %get3A_1443, %get3A_1446 : vector<16xf32>
          %mul3A_1448 = arith.mulf %add3A_1447, %gather3A_1440 : vector<16xf32>
          %swap3A_1449 = arith.index_cast %add3A_1438 : i32 to index
          %swap3A_1450 = arith.constant 0 : index
          %swap3A_1451 = tpu.vector_load %arg30[%swap3A_1449, %swap3A_1450] {strides = array<i32>} : memref<80x64xf32, #tpu.memory_space<vmem>>, vector<16xf32>,
          tpu.vector_store %arg30[%swap3A_1449, %swap3A_1450], %mul3A_1448 {strides = array<i32>} : memref<80x64xf32, #tpu.memory_space<vmem>>, vector<16xf32>,
          %get3A_1452 = arith.index_cast %add3A_1438 : i32 to index
          %get3A_1453 = arith.constant 16 : index
          %get3A_1454 = tpu.vector_load %arg26[%get3A_1452, %get3A_1453] {strides = array<i32>} : memref<80x64xf32, #tpu.memory_space<vmem>>, vector<16xf32>,
          %get3A_1455 = arith.index_cast %add3A_1438 : i32 to index
          %get3A_1456 = arith.constant 16 : index
          %get3A_1457 = tpu.vector_load %arg28[%get3A_1455, %get3A_1456] {strides = array<i32>} : memref<80x64xf32, #tpu.memory_space<vmem>>, vector<16xf32>,
          %add3A_1458 = arith.addf %get3A_1454, %get3A_1457 : vector<16xf32>
          %mul3A_1459 = arith.mulf %add3A_1458, %gather3A_1440 : vector<16xf32>
          %swap3A_1460 = arith.index_cast %add3A_1438 : i32 to index
          %swap3A_1461 = arith.constant 16 : index
          %swap3A_1462 = tpu.vector_load %arg30[%swap3A_1460, %swap3A_1461] {strides = array<i32>} : memref<80x64xf32, #tpu.memory_space<vmem>>, vector<16xf32>,
          tpu.vector_store %arg30[%swap3A_1460, %swap3A_1461], %mul3A_1459 {strides = array<i32>} : memref<80x64xf32, #tpu.memory_space<vmem>>, vector<16xf32>,
          %get3A_1463 = arith.index_cast %add3A_1438 : i32 to index
          %get3A_1464 = arith.constant 32 : index
          %get3A_1465 = tpu.vector_load %arg26[%get3A_1463, %get3A_1464] {strides = array<i32>} : memref<80x64xf32, #tpu.memory_space<vmem>>, vector<16xf32>,
          %get3A_1466 = arith.index_cast %add3A_1438 : i32 to index
          %get3A_1467 = arith.constant 32 : index
          %get3A_1468 = tpu.vector_load %arg28[%get3A_1466, %get3A_1467] {strides = array<i32>} : memref<80x64xf32, #tpu.memory_space<vmem>>, vector<16xf32>,
          %add3A_1469 = arith.addf %get3A_1465, %get3A_1468 : vector<16xf32>
          %mul3A_1470 = arith.mulf %add3A_1469, %gather3A_1440 : vector<16xf32>
          %swap3A_1471 = arith.index_cast %add3A_1438 : i32 to index
          %swap3A_1472 = arith.constant 32 : index
          %swap3A_1473 = tpu.vector_load %arg30[%swap3A_1471, %swap3A_1472] {strides = array<i32>} : memref<80x64xf32, #tpu.memory_space<vmem>>, vector<16xf32>,
          tpu.vector_store %arg30[%swap3A_1471, %swap3A_1472], %mul3A_1470 {strides = array<i32>} : memref<80x64xf32, #tpu.memory_space<vmem>>, vector<16xf32>,
          %get3A_1474 = arith.index_cast %add3A_1438 : i32 to index
          %get3A_1475 = arith.constant 48 : index
          %get3A_1476 = tpu.vector_load %arg26[%get3A_1474, %get3A_1475] {strides = array<i32>} : memref<80x64xf32, #tpu.memory_space<vmem>>, vector<16xf32>,
          %get3A_1477 = arith.index_cast %add3A_1438 : i32 to index
          %get3A_1478 = arith.constant 48 : index
          %get3A_1479 = tpu.vector_load %arg28[%get3A_1477, %get3A_1478] {strides = array<i32>} : memref<80x64xf32, #tpu.memory_space<vmem>>, vector<16xf32>,
          %add3A_1480 = arith.addf %get3A_1476, %get3A_1479 : vector<16xf32>
          %mul3A_1481 = arith.mulf %add3A_1480, %gather3A_1440 : vector<16xf32>
          %swap3A_1482 = arith.index_cast %add3A_1438 : i32 to index
          %swap3A_1483 = arith.constant 48 : index
          %swap3A_1484 = tpu.vector_load %arg30[%swap3A_1482, %swap3A_1483] {strides = array<i32>} : memref<80x64xf32, #tpu.memory_space<vmem>>, vector<16xf32>,
          tpu.vector_store %arg30[%swap3A_1482, %swap3A_1483], %mul3A_1481 {strides = array<i32>} : memref<80x64xf32, #tpu.memory_space<vmem>>, vector<16xf32>,
          %add3A_1485 = arith.constant 13 : i32
          %add3A_1486 = arith.addi %add3A_860, %add3A_1485 : i32
          %broadcast_in_dim3A_1487 = vector.broadcast %add3A_1486 : i32 to vector<16xi32>
          %gather3A_1488 = tpu.vector_load_idx %arg32[%broadcast_in_dim3A_1487] : memref<80xf32, #tpu.memory_space<vmem>>[vector<16xi32>], vector<16xf32>,
          %get3A_1489 = arith.index_cast %add3A_1486 : i32 to index
          %get3A_1490 = arith.constant 0 : index
          %get3A_1491 = tpu.vector_load %arg26[%get3A_1489, %get3A_1490] {strides = array<i32>} : memref<80x64xf32, #tpu.memory_space<vmem>>, vector<16xf32>,
          %get3A_1492 = arith.index_cast %add3A_1486 : i32 to index
          %get3A_1493 = arith.constant 0 : index
          %get3A_1494 = tpu.vector_load %arg28[%get3A_1492, %get3A_1493] {strides = array<i32>} : memref<80x64xf32, #tpu.memory_space<vmem>>, vector<16xf32>,
          %add3A_1495 = arith.addf %get3A_1491, %get3A_1494 : vector<16xf32>
          %mul3A_1496 = arith.mulf %add3A_1495, %gather3A_1488 : vector<16xf32>
          %swap3A_1497 = arith.index_cast %add3A_1486 : i32 to index
          %swap3A_1498 = arith.constant 0 : index
          %swap3A_1499 = tpu.vector_load %arg30[%swap3A_1497, %swap3A_1498] {strides = array<i32>} : memref<80x64xf32, #tpu.memory_space<vmem>>, vector<16xf32>,
          tpu.vector_store %arg30[%swap3A_1497, %swap3A_1498], %mul3A_1496 {strides = array<i32>} : memref<80x64xf32, #tpu.memory_space<vmem>>, vector<16xf32>,
          %get3A_1500 = arith.index_cast %add3A_1486 : i32 to index
          %get3A_1501 = arith.constant 16 : index
          %get3A_1502 = tpu.vector_load %arg26[%get3A_1500, %get3A_1501] {strides = array<i32>} : memref<80x64xf32, #tpu.memory_space<vmem>>, vector<16xf32>,
          %get3A_1503 = arith.index_cast %add3A_1486 : i32 to index
          %get3A_1504 = arith.constant 16 : index
          %get3A_1505 = tpu.vector_load %arg28[%get3A_1503, %get3A_1504] {strides = array<i32>} : memref<80x64xf32, #tpu.memory_space<vmem>>, vector<16xf32>,
          %add3A_1506 = arith.addf %get3A_1502, %get3A_1505 : vector<16xf32>
          %mul3A_1507 = arith.mulf %add3A_1506, %gather3A_1488 : vector<16xf32>
          %swap3A_1508 = arith.index_cast %add3A_1486 : i32 to index
          %swap3A_1509 = arith.constant 16 : index
          %swap3A_1510 = tpu.vector_load %arg30[%swap3A_1508, %swap3A_1509] {strides = array<i32>} : memref<80x64xf32, #tpu.memory_space<vmem>>, vector<16xf32>,
          tpu.vector_store %arg30[%swap3A_1508, %swap3A_1509], %mul3A_1507 {strides = array<i32>} : memref<80x64xf32, #tpu.memory_space<vmem>>, vector<16xf32>,
          %get3A_1511 = arith.index_cast %add3A_1486 : i32 to index
          %get3A_1512 = arith.constant 32 : index
          %get3A_1513 = tpu.vector_load %arg26[%get3A_1511, %get3A_1512] {strides = array<i32>} : memref<80x64xf32, #tpu.memory_space<vmem>>, vector<16xf32>,
          %get3A_1514 = arith.index_cast %add3A_1486 : i32 to index
          %get3A_1515 = arith.constant 32 : index
          %get3A_1516 = tpu.vector_load %arg28[%get3A_1514, %get3A_1515] {strides = array<i32>} : memref<80x64xf32, #tpu.memory_space<vmem>>, vector<16xf32>,
          %add3A_1517 = arith.addf %get3A_1513, %get3A_1516 : vector<16xf32>
          %mul3A_1518 = arith.mulf %add3A_1517, %gather3A_1488 : vector<16xf32>
          %swap3A_1519 = arith.index_cast %add3A_1486 : i32 to index
          %swap3A_1520 = arith.constant 32 : index
          %swap3A_1521 = tpu.vector_load %arg30[%swap3A_1519, %swap3A_1520] {strides = array<i32>} : memref<80x64xf32, #tpu.memory_space<vmem>>, vector<16xf32>,
          tpu.vector_store %arg30[%swap3A_1519, %swap3A_1520], %mul3A_1518 {strides = array<i32>} : memref<80x64xf32, #tpu.memory_space<vmem>>, vector<16xf32>,
          %get3A_1522 = arith.index_cast %add3A_1486 : i32 to index
          %get3A_1523 = arith.constant 48 : index
          %get3A_1524 = tpu.vector_load %arg26[%get3A_1522, %get3A_1523] {strides = array<i32>} : memref<80x64xf32, #tpu.memory_space<vmem>>, vector<16xf32>,
          %get3A_1525 = arith.index_cast %add3A_1486 : i32 to index
          %get3A_1526 = arith.constant 48 : index
          %get3A_1527 = tpu.vector_load %arg28[%get3A_1525, %get3A_1526] {strides = array<i32>} : memref<80x64xf32, #tpu.memory_space<vmem>>, vector<16xf32>,
          %add3A_1528 = arith.addf %get3A_1524, %get3A_1527 : vector<16xf32>
          %mul3A_1529 = arith.mulf %add3A_1528, %gather3A_1488 : vector<16xf32>
          %swap3A_1530 = arith.index_cast %add3A_1486 : i32 to index
          %swap3A_1531 = arith.constant 48 : index
          %swap3A_1532 = tpu.vector_load %arg30[%swap3A_1530, %swap3A_1531] {strides = array<i32>} : memref<80x64xf32, #tpu.memory_space<vmem>>, vector<16xf32>,
          tpu.vector_store %arg30[%swap3A_1530, %swap3A_1531], %mul3A_1529 {strides = array<i32>} : memref<80x64xf32, #tpu.memory_space<vmem>>, vector<16xf32>,
          %add3A_1533 = arith.constant 14 : i32
          %add3A_1534 = arith.addi %add3A_860, %add3A_1533 : i32
          %broadcast_in_dim3A_1535 = vector.broadcast %add3A_1534 : i32 to vector<16xi32>
          %gather3A_1536 = tpu.vector_load_idx %arg32[%broadcast_in_dim3A_1535] : memref<80xf32, #tpu.memory_space<vmem>>[vector<16xi32>], vector<16xf32>,
          %get3A_1537 = arith.index_cast %add3A_1534 : i32 to index
          %get3A_1538 = arith.constant 0 : index
          %get3A_1539 = tpu.vector_load %arg26[%get3A_1537, %get3A_1538] {strides = array<i32>} : memref<80x64xf32, #tpu.memory_space<vmem>>, vector<16xf32>,
          %get3A_1540 = arith.index_cast %add3A_1534 : i32 to index
          %get3A_1541 = arith.constant 0 : index
          %get3A_1542 = tpu.vector_load %arg28[%get3A_1540, %get3A_1541] {strides = array<i32>} : memref<80x64xf32, #tpu.memory_space<vmem>>, vector<16xf32>,
          %add3A_1543 = arith.addf %get3A_1539, %get3A_1542 : vector<16xf32>
          %mul3A_1544 = arith.mulf %add3A_1543, %gather3A_1536 : vector<16xf32>
          %swap3A_1545 = arith.index_cast %add3A_1534 : i32 to index
          %swap3A_1546 = arith.constant 0 : index
          %swap3A_1547 = tpu.vector_load %arg30[%swap3A_1545, %swap3A_1546] {strides = array<i32>} : memref<80x64xf32, #tpu.memory_space<vmem>>, vector<16xf32>,
          tpu.vector_store %arg30[%swap3A_1545, %swap3A_1546], %mul3A_1544 {strides = array<i32>} : memref<80x64xf32, #tpu.memory_space<vmem>>, vector<16xf32>,
          %get3A_1548 = arith.index_cast %add3A_1534 : i32 to index
          %get3A_1549 = arith.constant 16 : index
          %get3A_1550 = tpu.vector_load %arg26[%get3A_1548, %get3A_1549] {strides = array<i32>} : memref<80x64xf32, #tpu.memory_space<vmem>>, vector<16xf32>,
          %get3A_1551 = arith.index_cast %add3A_1534 : i32 to index
          %get3A_1552 = arith.constant 16 : index
          %get3A_1553 = tpu.vector_load %arg28[%get3A_1551, %get3A_1552] {strides = array<i32>} : memref<80x64xf32, #tpu.memory_space<vmem>>, vector<16xf32>,
          %add3A_1554 = arith.addf %get3A_1550, %get3A_1553 : vector<16xf32>
          %mul3A_1555 = arith.mulf %add3A_1554, %gather3A_1536 : vector<16xf32>
          %swap3A_1556 = arith.index_cast %add3A_1534 : i32 to index
          %swap3A_1557 = arith.constant 16 : index
          %swap3A_1558 = tpu.vector_load %arg30[%swap3A_1556, %swap3A_1557] {strides = array<i32>} : memref<80x64xf32, #tpu.memory_space<vmem>>, vector<16xf32>,
          tpu.vector_store %arg30[%swap3A_1556, %swap3A_1557], %mul3A_1555 {strides = array<i32>} : memref<80x64xf32, #tpu.memory_space<vmem>>, vector<16xf32>,
          %get3A_1559 = arith.index_cast %add3A_1534 : i32 to index
          %get3A_1560 = arith.constant 32 : index
          %get3A_1561 = tpu.vector_load %arg26[%get3A_1559, %get3A_1560] {strides = array<i32>} : memref<80x64xf32, #tpu.memory_space<vmem>>, vector<16xf32>,
          %get3A_1562 = arith.index_cast %add3A_1534 : i32 to index
          %get3A_1563 = arith.constant 32 : index
          %get3A_1564 = tpu.vector_load %arg28[%get3A_1562, %get3A_1563] {strides = array<i32>} : memref<80x64xf32, #tpu.memory_space<vmem>>, vector<16xf32>,
          %add3A_1565 = arith.addf %get3A_1561, %get3A_1564 : vector<16xf32>
          %mul3A_1566 = arith.mulf %add3A_1565, %gather3A_1536 : vector<16xf32>
          %swap3A_1567 = arith.index_cast %add3A_1534 : i32 to index
          %swap3A_1568 = arith.constant 32 : index
          %swap3A_1569 = tpu.vector_load %arg30[%swap3A_1567, %swap3A_1568] {strides = array<i32>} : memref<80x64xf32, #tpu.memory_space<vmem>>, vector<16xf32>,
          tpu.vector_store %arg30[%swap3A_1567, %swap3A_1568], %mul3A_1566 {strides = array<i32>} : memref<80x64xf32, #tpu.memory_space<vmem>>, vector<16xf32>,
          %get3A_1570 = arith.index_cast %add3A_1534 : i32 to index
          %get3A_1571 = arith.constant 48 : index
          %get3A_1572 = tpu.vector_load %arg26[%get3A_1570, %get3A_1571] {strides = array<i32>} : memref<80x64xf32, #tpu.memory_space<vmem>>, vector<16xf32>,
          %get3A_1573 = arith.index_cast %add3A_1534 : i32 to index
          %get3A_1574 = arith.constant 48 : index
          %get3A_1575 = tpu.vector_load %arg28[%get3A_1573, %get3A_1574] {strides = array<i32>} : memref<80x64xf32, #tpu.memory_space<vmem>>, vector<16xf32>,
          %add3A_1576 = arith.addf %get3A_1572, %get3A_1575 : vector<16xf32>
          %mul3A_1577 = arith.mulf %add3A_1576, %gather3A_1536 : vector<16xf32>
          %swap3A_1578 = arith.index_cast %add3A_1534 : i32 to index
          %swap3A_1579 = arith.constant 48 : index
          %swap3A_1580 = tpu.vector_load %arg30[%swap3A_1578, %swap3A_1579] {strides = array<i32>} : memref<80x64xf32, #tpu.memory_space<vmem>>, vector<16xf32>,
          tpu.vector_store %arg30[%swap3A_1578, %swap3A_1579], %mul3A_1577 {strides = array<i32>} : memref<80x64xf32, #tpu.memory_space<vmem>>, vector<16xf32>,
          %add3A_1581 = arith.constant 15 : i32
          %add3A_1582 = arith.addi %add3A_860, %add3A_1581 : i32
          %broadcast_in_dim3A_1583 = vector.broadcast %add3A_1582 : i32 to vector<16xi32>
          %gather3A_1584 = tpu.vector_load_idx %arg32[%broadcast_in_dim3A_1583] : memref<80xf32, #tpu.memory_space<vmem>>[vector<16xi32>], vector<16xf32>,
          %get3A_1585 = arith.index_cast %add3A_1582 : i32 to index
          %get3A_1586 = arith.constant 0 : index
          %get3A_1587 = tpu.vector_load %arg26[%get3A_1585, %get3A_1586] {strides = array<i32>} : memref<80x64xf32, #tpu.memory_space<vmem>>, vector<16xf32>,
          %get3A_1588 = arith.index_cast %add3A_1582 : i32 to index
          %get3A_1589 = arith.constant 0 : index
          %get3A_1590 = tpu.vector_load %arg28[%get3A_1588, %get3A_1589] {strides = array<i32>} : memref<80x64xf32, #tpu.memory_space<vmem>>, vector<16xf32>,
          %add3A_1591 = arith.addf %get3A_1587, %get3A_1590 : vector<16xf32>
          %mul3A_1592 = arith.mulf %add3A_1591, %gather3A_1584 : vector<16xf32>
          %swap3A_1593 = arith.index_cast %add3A_1582 : i32 to index
          %swap3A_1594 = arith.constant 0 : index
          %swap3A_1595 = tpu.vector_load %arg30[%swap3A_1593, %swap3A_1594] {strides = array<i32>} : memref<80x64xf32, #tpu.memory_space<vmem>>, vector<16xf32>,
          tpu.vector_store %arg30[%swap3A_1593, %swap3A_1594], %mul3A_1592 {strides = array<i32>} : memref<80x64xf32, #tpu.memory_space<vmem>>, vector<16xf32>,
          %get3A_1596 = arith.index_cast %add3A_1582 : i32 to index
          %get3A_1597 = arith.constant 16 : index
          %get3A_1598 = tpu.vector_load %arg26[%get3A_1596, %get3A_1597] {strides = array<i32>} : memref<80x64xf32, #tpu.memory_space<vmem>>, vector<16xf32>,
          %get3A_1599 = arith.index_cast %add3A_1582 : i32 to index
          %get3A_1600 = arith.constant 16 : index
          %get3A_1601 = tpu.vector_load %arg28[%get3A_1599, %get3A_1600] {strides = array<i32>} : memref<80x64xf32, #tpu.memory_space<vmem>>, vector<16xf32>,
          %add3A_1602 = arith.addf %get3A_1598, %get3A_1601 : vector<16xf32>
          %mul3A_1603 = arith.mulf %add3A_1602, %gather3A_1584 : vector<16xf32>
          %swap3A_1604 = arith.index_cast %add3A_1582 : i32 to index
          %swap3A_1605 = arith.constant 16 : index
          %swap3A_1606 = tpu.vector_load %arg30[%swap3A_1604, %swap3A_1605] {strides = array<i32>} : memref<80x64xf32, #tpu.memory_space<vmem>>, vector<16xf32>,
          tpu.vector_store %arg30[%swap3A_1604, %swap3A_1605], %mul3A_1603 {strides = array<i32>} : memref<80x64xf32, #tpu.memory_space<vmem>>, vector<16xf32>,
          %get3A_1607 = arith.index_cast %add3A_1582 : i32 to index
          %get3A_1608 = arith.constant 32 : index
          %get3A_1609 = tpu.vector_load %arg26[%get3A_1607, %get3A_1608] {strides = array<i32>} : memref<80x64xf32, #tpu.memory_space<vmem>>, vector<16xf32>,
          %get3A_1610 = arith.index_cast %add3A_1582 : i32 to index
          %get3A_1611 = arith.constant 32 : index
          %get3A_1612 = tpu.vector_load %arg28[%get3A_1610, %get3A_1611] {strides = array<i32>} : memref<80x64xf32, #tpu.memory_space<vmem>>, vector<16xf32>,
          %add3A_1613 = arith.addf %get3A_1609, %get3A_1612 : vector<16xf32>
          %mul3A_1614 = arith.mulf %add3A_1613, %gather3A_1584 : vector<16xf32>
          %swap3A_1615 = arith.index_cast %add3A_1582 : i32 to index
          %swap3A_1616 = arith.constant 32 : index
          %swap3A_1617 = tpu.vector_load %arg30[%swap3A_1615, %swap3A_1616] {strides = array<i32>} : memref<80x64xf32, #tpu.memory_space<vmem>>, vector<16xf32>,
          tpu.vector_store %arg30[%swap3A_1615, %swap3A_1616], %mul3A_1614 {strides = array<i32>} : memref<80x64xf32, #tpu.memory_space<vmem>>, vector<16xf32>,
          %get3A_1618 = arith.index_cast %add3A_1582 : i32 to index
          %get3A_1619 = arith.constant 48 : index
          %get3A_1620 = tpu.vector_load %arg26[%get3A_1618, %get3A_1619] {strides = array<i32>} : memref<80x64xf32, #tpu.memory_space<vmem>>, vector<16xf32>,
          %get3A_1621 = arith.index_cast %add3A_1582 : i32 to index
          %get3A_1622 = arith.constant 48 : index
          %get3A_1623 = tpu.vector_load %arg28[%get3A_1621, %get3A_1622] {strides = array<i32>} : memref<80x64xf32, #tpu.memory_space<vmem>>, vector<16xf32>,
          %add3A_1624 = arith.addf %get3A_1620, %get3A_1623 : vector<16xf32>
          %mul3A_1625 = arith.mulf %add3A_1624, %gather3A_1584 : vector<16xf32>
          %swap3A_1626 = arith.index_cast %add3A_1582 : i32 to index
          %swap3A_1627 = arith.constant 48 : index
          %swap3A_1628 = tpu.vector_load %arg30[%swap3A_1626, %swap3A_1627] {strides = array<i32>} : memref<80x64xf32, #tpu.memory_space<vmem>>, vector<16xf32>,
          tpu.vector_store %arg30[%swap3A_1626, %swap3A_1627], %mul3A_1625 {strides = array<i32>} : memref<80x64xf32, #tpu.memory_space<vmem>>, vector<16xf32>,
        }
        %scan3A_848 = arith.constant 5 : i32
        %dma_start3A_849 = arith.constant 0 : i32
        %dma_start3A_850 = arith.constant 0 : i32
        %dma_start3A_851 = tpu.memref_slice %arg18[%dma_start3A_849, %dma_start3A_850] : memref<1x80xi32, #tpu.memory_space<vmem>> -> memref<1x80xi32, #tpu.memory_space<vmem>>
        %dma_start3A_852 = tpu.memref_squeeze %dma_start3A_851 : memref<1x80xi32, #tpu.memory_space<vmem>> -> memref<80xi32, #tpu.memory_space<vmem>>
        %dma_start3A_853 = arith.constant 0 : i32
        %dma_start3A_854 = arith.constant 0 : i32
        %dma_start3A_855 = tpu.memref_slice %arg35[%dma_start3A_853, %dma_start3A_854] : memref<10000x64xf32, #tpu.memory_space<vmem_shared>> -> memref<10000x64xf32, #tpu.memory_space<vmem_shared>>
        tpu.enqueue_indirect_dma source(%arg30 : memref<80x64xf32, #tpu.memory_space<vmem>>) target(%dma_start3A_855 : memref<10000x64xf32, #tpu.memory_space<vmem_shared>>) offsets(%dma_start3A_852 : memref<80xi32, #tpu.memory_space<vmem>>) semaphore(%arg41 : memref<!tpu.dma_semaphore, #tpu.memory_space<semaphore_mem>>) {add = true}
      } else {
      }
    }
    %scan3A_207 = arith.constant 125 : i32
    %dma_wait3A_208 = arith.constant 0 : i32
    %dma_wait3A_209 = arith.constant 0 : i32
    %dma_wait3A_210 = tpu.memref_slice %arg17[%dma_wait3A_208, %dma_wait3A_209] : memref<1x80xi32, #tpu.memory_space<vmem>> -> memref<1x80xi32, #tpu.memory_space<vmem>>
    %dma_wait3A_211 = tpu.memref_squeeze %dma_wait3A_210 : memref<1x80xi32, #tpu.memory_space<vmem>> -> memref<80xi32, #tpu.memory_space<vmem>>
    %dma_wait3A_212 = arith.constant 0 : i32
    %dma_wait3A_213 = arith.constant 0 : i32
    %dma_wait3A_214 = tpu.memref_slice %arg35[%dma_wait3A_212, %dma_wait3A_213] : memref<10000x64xf32, #tpu.memory_space<vmem_shared>> -> memref<10000x64xf32, #tpu.memory_space<vmem_shared>>
    tpu.wait_indirect_dma semaphore(%arg40 : memref<!tpu.dma_semaphore, #tpu.memory_space<semaphore_mem>>) src(%arg29 : memref<80x64xf32, #tpu.memory_space<vmem>>) dst(%dma_wait3A_214 : memref<10000x64xf32, #tpu.memory_space<vmem_shared>>)
    %dma_wait3A_215 = arith.constant 0 : i32
    %dma_wait3A_216 = arith.constant 0 : i32
    %dma_wait3A_217 = tpu.memref_slice %arg18[%dma_wait3A_215, %dma_wait3A_216] : memref<1x80xi32, #tpu.memory_space<vmem>> -> memref<1x80xi32, #tpu.memory_space<vmem>>
    %dma_wait3A_218 = tpu.memref_squeeze %dma_wait3A_217 : memref<1x80xi32, #tpu.memory_space<vmem>> -> memref<80xi32, #tpu.memory_space<vmem>>
    %dma_wait3A_219 = arith.constant 0 : i32
    %dma_wait3A_220 = arith.constant 0 : i32
    %dma_wait3A_221 = tpu.memref_slice %arg35[%dma_wait3A_219, %dma_wait3A_220] : memref<10000x64xf32, #tpu.memory_space<vmem_shared>> -> memref<10000x64xf32, #tpu.memory_space<vmem_shared>>
    tpu.wait_indirect_dma semaphore(%arg41 : memref<!tpu.dma_semaphore, #tpu.memory_space<semaphore_mem>>) src(%arg30 : memref<80x64xf32, #tpu.memory_space<vmem>>) dst(%dma_wait3A_221 : memref<10000x64xf32, #tpu.memory_space<vmem_shared>>)
    %barrier3A_222 = arith.constant 0 : index
    tpu.barrier barrier_id(%barrier3A_222)
    %mul3A_223 = arith.constant 624 : i32
    %mul3A_224 = arith.muli %arg1, %mul3A_223 : i32
    %add3A_225 = arith.constant 0 : i32
    %add3A_226 = arith.addi %mul3A_224, %add3A_225 : i32
    "tpu.region"() ({
      %run_scoped3A = tpu.sem_alloc : memref<!tpu.dma_semaphore, #tpu.memory_space<semaphore_mem>>
      %dma_start3A_240 = arith.constant 0 : i32
      %dma_start3A_241 = tpu.memref_slice %arg11[%arg0, %add3A_226, %dma_start3A_240] : memref<2x10000x64xf32, #tpu.memory_space<hbm>> -> memref<1x208x64xf32, #tpu.memory_space<hbm>>
      %dma_start3A_242 = tpu.memref_squeeze %dma_start3A_241 : memref<1x208x64xf32, #tpu.memory_space<hbm>> -> memref<208x64xf32, #tpu.memory_space<hbm>>
      %dma_start3A_243 = arith.constant 0 : i32
      %dma_start3A_244 = tpu.memref_slice %arg35[%add3A_226, %dma_start3A_243] : memref<10000x64xf32, #tpu.memory_space<vmem_shared>> -> memref<208x64xf32, #tpu.memory_space<vmem_shared>>
      tpu.enqueue_dma source(%dma_start3A_244 : memref<208x64xf32, #tpu.memory_space<vmem_shared>>) target(%dma_start3A_242 : memref<208x64xf32, #tpu.memory_space<hbm>>) target_semaphore(%run_scoped3A : memref<!tpu.dma_semaphore, #tpu.memory_space<semaphore_mem>>)
      %dma_wait3A_245 = arith.constant 0 : i32
      %dma_wait3A_246 = tpu.memref_slice %arg11[%arg0, %add3A_226, %dma_wait3A_245] : memref<2x10000x64xf32, #tpu.memory_space<hbm>> -> memref<1x208x64xf32, #tpu.memory_space<hbm>>
      %dma_wait3A_247 = tpu.memref_squeeze %dma_wait3A_246 : memref<1x208x64xf32, #tpu.memory_space<hbm>> -> memref<208x64xf32, #tpu.memory_space<hbm>>
      %dma_wait3A_248 = arith.constant 0 : i32
      %dma_wait3A_249 = tpu.memref_slice %arg35[%add3A_226, %dma_wait3A_248] : memref<10000x64xf32, #tpu.memory_space<vmem_shared>> -> memref<208x64xf32, #tpu.memory_space<vmem_shared>>
      tpu.wait_dma2 semaphore(%run_scoped3A : memref<!tpu.dma_semaphore, #tpu.memory_space<semaphore_mem>>) src(%dma_wait3A_249 : memref<208x64xf32, #tpu.memory_space<vmem_shared>>) dst(%dma_wait3A_247 : memref<208x64xf32, #tpu.memory_space<hbm>>)
      tpu.yield
    }) : () -> ()
    %mul3A_227 = arith.constant 624 : i32
    %mul3A_228 = arith.muli %arg1, %mul3A_227 : i32
    %add3A_229 = arith.constant 208 : i32
    %add3A_230 = arith.addi %mul3A_228, %add3A_229 : i32
    "tpu.region"() ({
      %run_scoped3A = tpu.sem_alloc : memref<!tpu.dma_semaphore, #tpu.memory_space<semaphore_mem>>
      %dma_start3A_240 = arith.constant 0 : i32
      %dma_start3A_241 = tpu.memref_slice %arg11[%arg0, %add3A_230, %dma_start3A_240] : memref<2x10000x64xf32, #tpu.memory_space<hbm>> -> memref<1x208x64xf32, #tpu.memory_space<hbm>>
      %dma_start3A_242 = tpu.memref_squeeze %dma_start3A_241 : memref<1x208x64xf32, #tpu.memory_space<hbm>> -> memref<208x64xf32, #tpu.memory_space<hbm>>
      %dma_start3A_243 = arith.constant 0 : i32
      %dma_start3A_244 = tpu.memref_slice %arg35[%add3A_230, %dma_start3A_243] : memref<10000x64xf32, #tpu.memory_space<vmem_shared>> -> memref<208x64xf32, #tpu.memory_space<vmem_shared>>
      tpu.enqueue_dma source(%dma_start3A_244 : memref<208x64xf32, #tpu.memory_space<vmem_shared>>) target(%dma_start3A_242 : memref<208x64xf32, #tpu.memory_space<hbm>>) target_semaphore(%run_scoped3A : memref<!tpu.dma_semaphore, #tpu.memory_space<semaphore_mem>>)
      %dma_wait3A_245 = arith.constant 0 : i32
      %dma_wait3A_246 = tpu.memref_slice %arg11[%arg0, %add3A_230, %dma_wait3A_245] : memref<2x10000x64xf32, #tpu.memory_space<hbm>> -> memref<1x208x64xf32, #tpu.memory_space<hbm>>
      %dma_wait3A_247 = tpu.memref_squeeze %dma_wait3A_246 : memref<1x208x64xf32, #tpu.memory_space<hbm>> -> memref<208x64xf32, #tpu.memory_space<hbm>>
      %dma_wait3A_248 = arith.constant 0 : i32
      %dma_wait3A_249 = tpu.memref_slice %arg35[%add3A_230, %dma_wait3A_248] : memref<10000x64xf32, #tpu.memory_space<vmem_shared>> -> memref<208x64xf32, #tpu.memory_space<vmem_shared>>
      tpu.wait_dma2 semaphore(%run_scoped3A : memref<!tpu.dma_semaphore, #tpu.memory_space<semaphore_mem>>) src(%dma_wait3A_249 : memref<208x64xf32, #tpu.memory_space<vmem_shared>>) dst(%dma_wait3A_247 : memref<208x64xf32, #tpu.memory_space<hbm>>)
      tpu.yield
    }) : () -> ()
    %mul3A_231 = arith.constant 624 : i32
    %mul3A_232 = arith.muli %arg1, %mul3A_231 : i32
    %add3A_233 = arith.constant 416 : i32
    %add3A_234 = arith.addi %mul3A_232, %add3A_233 : i32
    "tpu.region"() ({
      %run_scoped3A = tpu.sem_alloc : memref<!tpu.dma_semaphore, #tpu.memory_space<semaphore_mem>>
      %dma_start3A_240 = arith.constant 0 : i32
      %dma_start3A_241 = tpu.memref_slice %arg11[%arg0, %add3A_234, %dma_start3A_240] : memref<2x10000x64xf32, #tpu.memory_space<hbm>> -> memref<1x208x64xf32, #tpu.memory_space<hbm>>
      %dma_start3A_242 = tpu.memref_squeeze %dma_start3A_241 : memref<1x208x64xf32, #tpu.memory_space<hbm>> -> memref<208x64xf32, #tpu.memory_space<hbm>>
      %dma_start3A_243 = arith.constant 0 : i32
      %dma_start3A_244 = tpu.memref_slice %arg35[%add3A_234, %dma_start3A_243] : memref<10000x64xf32, #tpu.memory_space<vmem_shared>> -> memref<208x64xf32, #tpu.memory_space<vmem_shared>>
      tpu.enqueue_dma source(%dma_start3A_244 : memref<208x64xf32, #tpu.memory_space<vmem_shared>>) target(%dma_start3A_242 : memref<208x64xf32, #tpu.memory_space<hbm>>) target_semaphore(%run_scoped3A : memref<!tpu.dma_semaphore, #tpu.memory_space<semaphore_mem>>)
      %dma_wait3A_245 = arith.constant 0 : i32
      %dma_wait3A_246 = tpu.memref_slice %arg11[%arg0, %add3A_234, %dma_wait3A_245] : memref<2x10000x64xf32, #tpu.memory_space<hbm>> -> memref<1x208x64xf32, #tpu.memory_space<hbm>>
      %dma_wait3A_247 = tpu.memref_squeeze %dma_wait3A_246 : memref<1x208x64xf32, #tpu.memory_space<hbm>> -> memref<208x64xf32, #tpu.memory_space<hbm>>
      %dma_wait3A_248 = arith.constant 0 : i32
      %dma_wait3A_249 = tpu.memref_slice %arg35[%add3A_234, %dma_wait3A_248] : memref<10000x64xf32, #tpu.memory_space<vmem_shared>> -> memref<208x64xf32, #tpu.memory_space<vmem_shared>>
      tpu.wait_dma2 semaphore(%run_scoped3A : memref<!tpu.dma_semaphore, #tpu.memory_space<semaphore_mem>>) src(%dma_wait3A_249 : memref<208x64xf32, #tpu.memory_space<vmem_shared>>) dst(%dma_wait3A_247 : memref<208x64xf32, #tpu.memory_space<hbm>>)
      tpu.yield
    }) : () -> ()
    %eq3A_235 = arith.constant 0 : i32
    %eq3A_236 = arith.cmpi eq, %arg1, %eq3A_235 : i32
    %convert_element_type3A_237 = arith.extui %eq3A_236 : i1 to i32
    %cond3A_238 = arith.constant 0 : i32
    %cond3A_239 = arith.cmpi ne, %convert_element_type3A_237, %cond3A_238 : i32
    scf.if %cond3A_239 {
      "tpu.region"() ({
        %run_scoped3A = tpu.sem_alloc : memref<!tpu.dma_semaphore, #tpu.memory_space<semaphore_mem>>
        %dma_start3A_240 = arith.constant 9984 : i32
        %dma_start3A_241 = arith.constant 0 : i32
        %dma_start3A_242 = tpu.memref_slice %arg11[%arg0, %dma_start3A_240, %dma_start3A_241] : memref<2x10000x64xf32, #tpu.memory_space<hbm>> -> memref<1x16x64xf32, #tpu.memory_space<hbm>>
        %dma_start3A_243 = tpu.memref_squeeze %dma_start3A_242 : memref<1x16x64xf32, #tpu.memory_space<hbm>> -> memref<16x64xf32, #tpu.memory_space<hbm>>
        %dma_start3A_244 = arith.constant 9984 : i32
        %dma_start3A_245 = arith.constant 0 : i32
        %dma_start3A_246 = tpu.memref_slice %arg35[%dma_start3A_244, %dma_start3A_245] : memref<10000x64xf32, #tpu.memory_space<vmem_shared>> -> memref<16x64xf32, #tpu.memory_space<vmem_shared>>
        tpu.enqueue_dma source(%dma_start3A_246 : memref<16x64xf32, #tpu.memory_space<vmem_shared>>) target(%dma_start3A_243 : memref<16x64xf32, #tpu.memory_space<hbm>>) target_semaphore(%run_scoped3A : memref<!tpu.dma_semaphore, #tpu.memory_space<semaphore_mem>>)
        %dma_wait3A_247 = arith.constant 9984 : i32
        %dma_wait3A_248 = arith.constant 0 : i32
        %dma_wait3A_249 = tpu.memref_slice %arg11[%arg0, %dma_wait3A_247, %dma_wait3A_248] : memref<2x10000x64xf32, #tpu.memory_space<hbm>> -> memref<1x16x64xf32, #tpu.memory_space<hbm>>
        %dma_wait3A_250 = tpu.memref_squeeze %dma_wait3A_249 : memref<1x16x64xf32, #tpu.memory_space<hbm>> -> memref<16x64xf32, #tpu.memory_space<hbm>>
        %dma_wait3A_251 = arith.constant 9984 : i32
        %dma_wait3A_252 = arith.constant 0 : i32
        %dma_wait3A_253 = tpu.memref_slice %arg35[%dma_wait3A_251, %dma_wait3A_252] : memref<10000x64xf32, #tpu.memory_space<vmem_shared>> -> memref<16x64xf32, #tpu.memory_space<vmem_shared>>
        tpu.wait_dma2 semaphore(%run_scoped3A : memref<!tpu.dma_semaphore, #tpu.memory_space<semaphore_mem>>) src(%dma_wait3A_253 : memref<16x64xf32, #tpu.memory_space<vmem_shared>>) dst(%dma_wait3A_250 : memref<16x64xf32, #tpu.memory_space<hbm>>)
        tpu.yield
      }) : () -> ()
    } else {
    }
    return
  }
}

module attributes {stable_mosaic.version = 14 : i64} {
  func.func @_prologue_body(%arg0: memref<10000x128xf32, #tpu.memory_space<vmem>>, %arg1: memref<10008x128xf32, #tpu.memory_space<vmem>>, %arg2: memref<128x16xf32, #tpu.memory_space<vmem>>, %arg3: memref<128x16xf32, #tpu.memory_space<vmem>>, %arg4: memref<128x16xf32, #tpu.memory_space<vmem>>, %arg5: memref<1x16xf32, #tpu.memory_space<vmem>>, %arg6: memref<10000x16xf32, #tpu.memory_space<vmem>>, %arg7: memref<10008x16xf32, #tpu.memory_space<vmem>>, %arg8: memref<10008x16xf32, #tpu.memory_space<vmem>>) attributes {dimension_semantics = [], scalar_prefetch = 0 : i64, scratch_operands = 0 : i64, tpu.core_type = #tpu.core_type<tc>} {
    %get3A = arith.constant 0 : index
    %get3A_0 = arith.constant 0 : index
    %get3A_1 = vector.load %arg0[%get3A, %get3A_0] : memref<10000x128xf32, #tpu.memory_space<vmem>>, vector<10000x128xf32>
    %get3A_2 = arith.constant 0 : index
    %get3A_3 = arith.constant 0 : index
    %get3A_4 = vector.load %arg2[%get3A_2, %get3A_3] : memref<128x16xf32, #tpu.memory_space<vmem>>, vector<128x16xf32>
    %dot_general3A = arith.constant dense<0.000000e+00> : vector<10000x16xf32>
    %dot_general3A_5 = tpu.matmul %get3A_1, %get3A_4, %dot_general3A {dimension_numbers = #tpu.dot_dimension_numbers<[1], [0], [0], [1], [0, 0, 1, 1], [], []>, transpose_lhs_hint = false} : vector<10000x128xf32>, vector<128x16xf32>, vector<10000x16xf32> -> vector<10000x16xf32>
    %swap3A = arith.constant 0 : index
    %swap3A_6 = arith.constant 0 : index
    %swap3A_7 = vector.load %arg6[%swap3A, %swap3A_6] : memref<10000x16xf32, #tpu.memory_space<vmem>>, vector<10000x16xf32>
    tpu.vector_store %arg6[%swap3A, %swap3A_6], %dot_general3A_5 {strides = array<i32>} : memref<10000x16xf32, #tpu.memory_space<vmem>>, vector<10000x16xf32>,
    %get3A_8 = arith.constant 0 : index
    %get3A_9 = arith.constant 0 : index
    %get3A_10 = vector.load %arg1[%get3A_8, %get3A_9] : memref<10008x128xf32, #tpu.memory_space<vmem>>, vector<10008x128xf32>
    %get3A_11 = arith.constant 0 : index
    %get3A_12 = arith.constant 0 : index
    %get3A_13 = vector.load %arg3[%get3A_11, %get3A_12] : memref<128x16xf32, #tpu.memory_space<vmem>>, vector<128x16xf32>
    %dot_general3A_14 = arith.constant dense<0.000000e+00> : vector<10008x16xf32>
    %dot_general3A_15 = tpu.matmul %get3A_10, %get3A_13, %dot_general3A_14 {dimension_numbers = #tpu.dot_dimension_numbers<[1], [0], [0], [1], [0, 0, 1, 1], [], []>, transpose_lhs_hint = false} : vector<10008x128xf32>, vector<128x16xf32>, vector<10008x16xf32> -> vector<10008x16xf32>
    %swap3A_16 = arith.constant 0 : index
    %swap3A_17 = arith.constant 0 : index
    %swap3A_18 = vector.load %arg7[%swap3A_16, %swap3A_17] : memref<10008x16xf32, #tpu.memory_space<vmem>>, vector<10008x16xf32>
    tpu.vector_store %arg7[%swap3A_16, %swap3A_17], %dot_general3A_15 {strides = array<i32>} : memref<10008x16xf32, #tpu.memory_space<vmem>>, vector<10008x16xf32>,
    %get3A_19 = arith.constant 0 : index
    %get3A_20 = arith.constant 0 : index
    %get3A_21 = vector.load %arg1[%get3A_19, %get3A_20] : memref<10008x128xf32, #tpu.memory_space<vmem>>, vector<10008x128xf32>
    %get3A_22 = arith.constant 0 : index
    %get3A_23 = arith.constant 0 : index
    %get3A_24 = vector.load %arg4[%get3A_22, %get3A_23] : memref<128x16xf32, #tpu.memory_space<vmem>>, vector<128x16xf32>
    %dot_general3A_25 = arith.constant dense<0.000000e+00> : vector<10008x16xf32>
    %dot_general3A_26 = tpu.matmul %get3A_21, %get3A_24, %dot_general3A_25 {dimension_numbers = #tpu.dot_dimension_numbers<[1], [0], [0], [1], [0, 0, 1, 1], [], []>, transpose_lhs_hint = false} : vector<10008x128xf32>, vector<128x16xf32>, vector<10008x16xf32> -> vector<10008x16xf32>
    %get3A_27 = arith.constant 0 : index
    %get3A_28 = arith.constant 0 : index
    %get3A_29 = vector.load %arg5[%get3A_27, %get3A_28] : memref<1x16xf32, #tpu.memory_space<vmem>>, vector<1x16xf32>
    %add3A = vector.broadcast %get3A_29 : vector<1x16xf32> to vector<10008x16xf32>
    %add3A_30 = arith.addf %dot_general3A_26, %add3A : vector<10008x16xf32>
    %swap3A_31 = arith.constant 0 : index
    %swap3A_32 = arith.constant 0 : index
    %swap3A_33 = vector.load %arg8[%swap3A_31, %swap3A_32] : memref<10008x16xf32, #tpu.memory_space<vmem>>, vector<10008x16xf32>
    tpu.vector_store %arg8[%swap3A_31, %swap3A_32], %add3A_30 {strides = array<i32>} : memref<10008x16xf32, #tpu.memory_space<vmem>>, vector<10008x16xf32>,
    return
  }
}

module attributes {stable_mosaic.version = 14 : i64} {
  func.func @_epilogue_body(%arg0: memref<2x10000x64xf32, #tpu.memory_space<vmem>>, %arg1: memref<128x128xf32, #tpu.memory_space<vmem>>, %arg2: memref<10000x128xf32, #tpu.memory_space<vmem>>) attributes {dimension_semantics = [], scalar_prefetch = 0 : i64, scratch_operands = 0 : i64, tpu.core_type = #tpu.core_type<tc>} {
    %get3A = arith.constant 0 : index
    %get3A_0 = arith.constant 0 : index
    %get3A_1 = vector.load %arg1[%get3A, %get3A_0] : memref<128x128xf32, #tpu.memory_space<vmem>>, vector<128x128xf32>
    %get3A_2 = arith.constant 0 : index
    %get3A_3 = arith.constant 0 : index
    %get3A_4 = arith.constant 0 : index
    %get3A_5 = vector.load %arg0[%get3A_2, %get3A_3, %get3A_4] : memref<2x10000x64xf32, #tpu.memory_space<vmem>>, vector<1x10000x64xf32>
    %get3A_6 = vector.shape_cast %get3A_5 : vector<1x10000x64xf32> to vector<10000x64xf32>
    %slice3A = vector.extract_strided_slice %get3A_1 {offsets = [0, 0], sizes = [64, 128], strides = [1, 1]} : vector<128x128xf32> to vector<64x128xf32>
    %dot_general3A = arith.constant dense<0.000000e+00> : vector<10000x128xf32>
    %dot_general3A_7 = tpu.matmul %get3A_6, %slice3A, %dot_general3A {dimension_numbers = #tpu.dot_dimension_numbers<[1], [0], [0], [1], [0, 0, 1, 1], [], []>, transpose_lhs_hint = false} : vector<10000x64xf32>, vector<64x128xf32>, vector<10000x128xf32> -> vector<10000x128xf32>
    %get3A_8 = arith.constant 1 : index
    %get3A_9 = arith.constant 0 : index
    %get3A_10 = arith.constant 0 : index
    %get3A_11 = vector.load %arg0[%get3A_8, %get3A_9, %get3A_10] : memref<2x10000x64xf32, #tpu.memory_space<vmem>>, vector<1x10000x64xf32>
    %get3A_12 = vector.shape_cast %get3A_11 : vector<1x10000x64xf32> to vector<10000x64xf32>
    %slice3A_13 = vector.extract_strided_slice %get3A_1 {offsets = [64, 0], sizes = [64, 128], strides = [1, 1]} : vector<128x128xf32> to vector<64x128xf32>
    %dot_general3A_14 = arith.constant dense<0.000000e+00> : vector<10000x128xf32>
    %dot_general3A_15 = tpu.matmul %get3A_12, %slice3A_13, %dot_general3A_14 {dimension_numbers = #tpu.dot_dimension_numbers<[1], [0], [0], [1], [0, 0, 1, 1], [], []>, transpose_lhs_hint = false} : vector<10000x64xf32>, vector<64x128xf32>, vector<10000x128xf32> -> vector<10000x128xf32>
    %add3A = arith.addf %dot_general3A_7, %dot_general3A_15 : vector<10000x128xf32>
    %swap3A = arith.constant 0 : index
    %swap3A_16 = arith.constant 0 : index
    %swap3A_17 = vector.load %arg2[%swap3A, %swap3A_16] : memref<10000x128xf32, #tpu.memory_space<vmem>>, vector<10000x128xf32>
    tpu.vector_store %arg2[%swap3A, %swap3A_16], %add3A {strides = array<i32>} : memref<10000x128xf32, #tpu.memory_space<vmem>>, vector<10000x128xf32>,
    return
  }
}

</mosaic_0001>

<sc_bundles>
// kernel: _run.5.cloned.1.call-start
scs
__scs_entry_jumppad:
0x0: {  	(pc) =	sbr.rel $0x88, $3  }
0x1: {  	(tag) =	ssettag $0x0;
	lr =	simm.s32 $0x1  }
0x2: {  	[smem:$0x3F96] =	sst lr;
	_ =	strace $0xD0000000  }
0x3: {  	_ = 	snop  }
0x4: {  	_ = 	snop  }
0x5: {  	_ = 	snop  }
0x6: {  	_ = 	snop  }
0x7: {  	_ = 	snop  }
__scs_overlays_trampoline_lowered:
0x8: {  	[smem:$0x3FA5] =	sst s0  }
0x9: {  	[smem:$0x3FA6] =	sst s1  }
0xa: {  	[smem:$0x3FA7] =	sst s2  }
0xb: {  	[smem:$0x3FA8] =	sst s3  }
0xc: {  	[smem:$0x3FA9] =	sst s4  }
0xd: {  	[smem:$0x3FAA] =	sst s5  }
0xe: {  	[smem:$0x3FAB] =	sst s6  }
0xf: {  	[smem:$0x3FAC] =	sst s7  }
0x10: {  	[smem:$0x3FAD] =	sst s8  }
0x11: {  	[smem:$0x3FAE] =	sst s9;
	s0 =	simm.s32 @!p0 $0x0  }
0x12: {  	s1 =	sld [smem:$0x3F94];
	s0 =	simm.s32 @p0 $0x1  }
0x13: {  	[smem:$0x3FAF] =	sst s0;
	s0 =	simm.s32 @!p1 $0x0  }
0x14: {  	s2 =	sld [smem:$0x3F93];
	s0 =	simm.s32 @p1 $0x1  }
0x15: {  	[smem:$0x3FB0] =	sst s0;
	s0 =	simm.s32 @!p2 $0x0  }
0x16: {  	s3 =	sld [smem:$0x3FDB];
	s0 =	simm.s32 @p2 $0x1  }
0x17: {  	s4 =	simm.s32 $0x1BF5;
	[smem:$0x3FB2] =	sst s0  }
0x18: {  	s0 =	sld [smem:$0x3F95];
	_ =	swait.ge [sflag:s4], $0x0  }
0x19: {  	s7 =	sld [smem:$0x3F96]  }
0x1a: {  	s8 =	sadd.s32 $0xFFFFE003, lr  }
0x1b: {  	s9 =	sadd.s32 $0xFFFFFEF7, lr;
	s5 =	simm.s32 $0xFFFFFFFF;
	p2 =	slt.u32 s8, $0xFFFFF086  }
0x1c: {  	p1 =	slt.u32 s9, $0xF7A;
	s5 =	simm.s32 @!p2 $0x0  }
0x1d: {  	s5 =	simm.s32 @p1 $0x1;
	p0 =	seq.s32 s7, s2  }
0x1e: {  	s7 =	smul.u32 @!p0 $0xF7A, s2;
	p2 =	seq.s32 @!p0 s5, $0x0  }
0x1f: {  	s9 =	smul.u32 $0xF7A, s1;
	s8 =	simm.s32 @!p0 $0x1BF5;
	p2 =	por !p2, p0  }
0x20: {  	[sflag:s8] =	ssyncset.s32 @!p0 $0xFFFFF086;
	s6 =	sadd.s32 @!p0 s3, s7;
	s7 =	simm.s32 @!p0 $0x108  }
0x21: {  	s3 =	sadd.s32 s3, s9;
	s6 =	sadd.s32 @!p0 $0x88, s6;
	s7 =	simm.s32 @p2 $0x1082  }
0x22: {  	[simem:s7], [sflag:s8] =	dma.local @!p0 [hbm:s6], $0xF7A  }
0x23: {  	s9 =	sor.u32 $0xD0000000, s2;
	s6 =	simm.s32 $0x108;
	_ =	swait.ge @!p0 [sflag:s8], $0x0  }
0x24: {  	s3 =	sadd.s32 $0x88, s3;
	s6 =	simm.s32 @!p1 $0x1082;
	[sflag:s4] =	ssyncset.s32 $0xFFFFF086  }
0x25: {  	[simem:s6], [sflag:s4] =	dma.local [hbm:s3], $0xF7A  }
0x26: {  	[smem:$0x3F96] =	sst s1;
	(tag) =	ssettag s2;
	_ =	strace s9  }
0x27: {  	s1 =	sld [smem:$0x3FA6]  }
0x28: {  	s2 =	sld [smem:$0x3FA7]  }
0x29: {  	s4 =	sld [smem:$0x3FA9]  }
0x2a: {  	p0 =	seq.s32 s5, $0x0;
	s5 =	sld [smem:$0x3FAA]  }
0x2b: {  	s6 =	sld [smem:$0x3FAB]  }
0x2c: {  	s7 =	sld [smem:$0x3FAC]  }
0x2d: {  	s3 =	simm.s32 $0x108;
	s8 =	sld [smem:$0x3FAD]  }
0x2e: {  	s3 =	simm.s32 @!p0 $0x1082;
	s9 =	sld [smem:$0x3FAE]  }
0x2f: {  	lr =	sadd.s32 s0, s3;
	s0 =	sld [smem:$0x3FA5]  }
0x30: {  	s3 =	sld [smem:$0x3FA8]  }
0x31: {  	[smem:$0x3FB1] =	sst s10  }
0x32: {  	s10 =	sld [smem:$0x3FAF];
	_ =	sdelay $0x3  }
0x33: {  	p0 =	seq.s32 s10, $0x1;
	s10 =	sld [smem:$0x3FB1];
	_ =	sdelay $0x3  }
0x34: {  	[smem:$0x3FB1] =	sst s10  }
0x35: {  	s10 =	sld [smem:$0x3FB0];
	_ =	sdelay $0x3  }
0x36: {  	p1 =	seq.s32 s10, $0x1;
	s10 =	sld [smem:$0x3FB1];
	_ =	sdelay $0x3  }
0x37: {  	[smem:$0x3FB1] =	sst s10  }
0x38: {  	s10 =	sld [smem:$0x3FB2]  }
0x39: {  	_ = 	snop;
	(pc) =	sbr.ind lr, $3  }
0x3a: {  	_ = 	snop  }
0x3b: {  	_ = 	snop  }
0x3c: {  	p2 =	seq.s32 s10, $0x1;
	s10 =	sld [smem:$0x3FB1]  }
0x3d: {  	_ =	shalt  }
0x3e: {  	_ =	shalt  }
0x3f: {  	_ =	shalt  }
0x40: {  	_ =	shalt  }
0x41: {  	_ =	shalt  }
0x42: {  	_ =	shalt  }
0x43: {  	_ =	shalt  }
0x44: {  	_ =	shalt  }
0x45: {  	_ =	shalt  }
0x46: {  	_ =	shalt  }
0x47: {  	_ =	shalt  }
0x48: {  	_ =	shalt  }
0x49: {  	_ =	shalt  }
0x4a: {  	_ =	shalt  }
0x4b: {  	_ =	shalt  }
0x4c: {  	_ =	shalt  }
0x4d: {  	_ =	shalt  }
0x4e: {  	_ =	shalt  }
0x4f: {  	_ =	shalt  }
0x50: {  	_ =	shalt  }
0x51: {  	_ =	shalt  }
0x52: {  	_ =	shalt  }
0x53: {  	_ =	shalt  }
0x54: {  	_ =	shalt  }
0x55: {  	_ =	shalt  }
0x56: {  	_ =	shalt  }
0x57: {  	_ =	shalt  }
0x58: {  	_ =	shalt  }
0x59: {  	_ =	shalt  }
0x5a: {  	_ =	shalt  }
0x5b: {  	_ =	shalt  }
0x5c: {  	_ =	shalt  }
0x5d: {  	_ =	shalt  }
0x5e: {  	_ =	shalt  }
0x5f: {  	_ =	shalt  }
0x60: {  	_ =	shalt  }
0x61: {  	_ =	shalt  }
0x62: {  	_ =	shalt  }
0x63: {  	_ =	shalt  }
0x64: {  	_ =	shalt  }
0x65: {  	_ =	shalt  }
0x66: {  	_ =	shalt  }
0x67: {  	_ =	shalt  }
0x68: {  	_ =	shalt  }
0x69: {  	_ =	shalt  }
0x6a: {  	_ =	shalt  }
0x6b: {  	_ =	shalt  }
0x6c: {  	_ =	shalt  }
0x6d: {  	_ =	shalt  }
0x6e: {  	_ =	shalt  }
0x6f: {  	_ =	shalt  }
0x70: {  	_ =	shalt  }
0x71: {  	_ =	shalt  }
0x72: {  	_ =	shalt  }
0x73: {  	_ =	shalt  }
0x74: {  	_ =	shalt  }
0x75: {  	_ =	shalt  }
0x76: {  	_ =	shalt  }
0x77: {  	_ =	shalt  }
0x78: {  	_ =	shalt  }
0x79: {  	_ =	shalt  }
0x7a: {  	_ =	shalt  }
0x7b: {  	_ =	shalt  }
0x7c: {  	_ =	shalt  }
0x7d: {  	_ =	shalt  }
0x7e: {  	_ =	shalt  }
0x7f: {  	_ =	shalt  }
0x80: {  	_ =	shalt  }
0x81: {  	_ =	shalt  }
0x82: {  	_ =	shalt  }
0x83: {  	_ =	shalt  }
0x84: {  	_ =	shalt  }
0x85: {  	_ =	shalt  }
0x86: {  	_ =	shalt  }
0x87: {  	_ =	shalt  }
.Lfunc_end0:
.L_simem_size_0:
called_computation_lowered:
.L_overlay_start_0:
0x88: {  	s2 =	sld [smem:$0x3FD9]  }
0x89: {  	s3 =	sld [smem:$0x3FFE];
	_ =	sdelay $0x1  }
0x8a: {  	s1 =	srdreg.scid  }
0x8b: {  	s0 =	sand.u32 $0x1, s1  }
0x8c: {  	s17 =	sshll.u32 s0, $0xA;
	s2 =	sadd.s32 s3, s2  }
0x8d: {  	s2 =	sadd.s32 s2, s17  }
0x8e: {  	[smem:$0x3FBD] =	sst s2  }
0x8f: {  	_ = 	snop  }
0x90: {  	s2 =	sld [smem:$0x3FC9]  }
0x91: {  	s18 =	sld [smem:$0x3FD0];
	(tm) =	ssettm $0x1  }
0x92: {  	s4 =	sld [smem:$0x3FFB];
	_ =	sdelay $0x3  }
0x93: {  	_ =	strace s4  }
0x94: {  	s4 =	sld [smem:$0x3FFC];
	_ =	sdelay $0x3  }
0x95: {  	_ =	strace s4  }
0x96: {  	s4 =	sld [smem:$0x3FFD];
	_ =	sdelay $0x3  }
0x97: {  	_ =	strace s4  }
0x98: {  	_ =	strace $0x8FFFFFFF  }
0x99: {  	s19 =	sld [smem:$0x3FDB];
	_ =	sdelay $0x1  }
0x9a: {  	s5 =	simm.s32 $_scs_section_size  }
0x9b: {  	s6 =	simm.s32 $_size__tile_overlayer_lowered;
	s7 =	simm.s32 $_tile_overlayer_lowered  }
0x9c: {  	s22 =	simm.s32 $0x1BFF;
	s21 =	sshll.u32 s7, $0x1;
	s4 =	sadd.s32 s5, s19  }
0x9d: {  	s8 =	simm.s32 $0x0;
	s20 =	sshll.u32 s6, $0x1;
	s6 =	sadd.s32 s21, s4  }
0x9e: {  	[timem:s8], [sflag:s22] =	dma.local [hbm:s6], s20  }
0x9f: {  	_ =	swait.ge [sflag:s22], s20  }
0xa0: {  	s5 =	ssub.s32 $0x0, s20;
	[sflag:s22] =	ssyncset.done $0x0  }
0xa1: {  	[sflag:s22] =	ssyncadd.s32 s5;
	_ =	sdelay $0x1  }
0xa2: {  	s23 =	simm.s32 $0x1B8B  }
0xa3: {  	_ =	swait.ge [sflag:s23], $0x1  }
0xa4: {  	[sflag:s23] =	ssyncset.done $0x0  }
0xa5: {  	s25 =	simm.s32 $0x1B8E;
	s24 =	sld [smem:$0x3FFE];
	[sflag:s23] =	ssyncadd.s32 $0xFFFFFFFF  }
0xa6: {  	s26 =	simm.s32 $execute0_lowered;
	[smem:$0x3FD2] =	sst s25  }
0xa7: {  	s6 =	sshll.u32 s26, $0x1;
	_ =	strace $0x80000046;
	[dreg:$0x1] =	wrdreg $0xFFFFFFFF  }
0xa8: {  	s28 =	simm.s32 $_size_execute0_lowered;
	s4 =	sadd.s32 s4, s6;
	[dreg:$0x0] =	wrdreg $0x0  }
0xa9: {  	s6 =	sshll.u32 s28, $0x1;
	[dreg:$0x2] =	wrdreg s4  }
0xaa: {  	[dreg:$0x3] =	wrdreg s6  }
0xab: {  	[dreg:$0x4] =	wrdreg $0xC0  }
0xac: {  	_ =	task [dreg:s8], $0x5FFFF  }
0xad: {  	[dreg:$0x1] =	wrdreg $0xFFFFFFFF  }
0xae: {  	[dreg:$0x0] =	wrdreg $0x60  }
0xaf: {  	[dreg:$0x2] =	wrdreg s18  }
0xb0: {  	[dreg:$0x3] =	wrdreg s2  }
0xb1: {  	[dreg:$0x4] =	wrdreg s24  }
0xb2: {  	[dreg:$0x5] =	wrdreg $0xF5D00  }
0xb3: {  	[dreg:$0x6] =	wrdreg $0x9  }
0xb4: {  	_ =	task.clear_ibuf [dreg:s8], $0x7FFFF;
	_ =	strace $0x90000046  }
0xb5: {  	s29 =	simm.s32 $0x9;
	_ =	strace $0x80000048  }
0xb6: {  	_ =	swait.ge [sflag:s29], $0x1  }
0xb7: {  	[sflag:s29] =	ssyncadd.s32 $0xFFFFFFFF  }
0xb8: {  	_ =	strace $0x90000048  }
0xb9: {  	_ =	sfence  }
0xba: {  	s30 =	sld [smem:$0x0];
	_ =	sdelay $0x2  }
0xbb: {  	s31 =	sshll.u32 s1, $0xD;
	s1 =	sshrl.u32 s1, $0x2  }
0xbc: {  	s3 =	sand.u32 $0x4000, s31;
	s1 =	sadd.s32 s1, s30  }
0xbd: {  	s0 =	sor.u32 s3, s0;
	s1 =	sshll.u32 s1, $0x11  }
0xbe: {  	s0 =	sor.u32 s1, s0  }
0xbf: {  	s0 =	sadd.s32 $0x8F2B, s0  }
0xc0: {  	[sflag:s0] =	ssyncadd.remote.s32 $0x1  }
0xc1: {  	_ =	sfence.sel $0xFFFF  }
0xc2: {  	[dreg:$0x0] =	wrdreg $0xFFFFFFFF;
	(pc) =	sbr.abs _section_cstart, $3  }
0xc3: {  	[dreg:$0x1] =	wrdreg $0xFFFFFFFF  }
0xc4: {  	_ =	task.clear_ibuf [dreg:s8], $0x2FFFF;
	_ =	strace $0x9FFFFFFF  }
0xc5: {  	(tm) =	ssettm $0x7FFFFFFF  }
tec
execute0_lowered:
.L_overlay_start_1:
0x0: {  	(tag) =	ssettag $0x1  }
0x1: {  	s1 =	rddreg [dreg:$0x0]  }
0x2: {  	s0 =	rddreg [dreg:$0x2]  }
0x3: {  	s3 =	rddreg [dreg:$0x3];
	s4 =	simm.s32 $0x0;
	s2 =	srdreg.scid  }
0x4: {  	s18 =	stileid.u32;
	s31 =	simm.s32 $0x2850;
	s29 =	simm.s32 $0xC0D0  }
0x5: {  	s28 =	simm.s32 $0x4;
	[smem:$0x7FF] =	sst s4;
	s5 =	sadd.s32 $0x42600, s0  }
0x6: {  	s6 =	sadd.s32 $0x2800, s0;
	s7 =	sadd.s32 $0x33800, s0;
	s11 =	smul.u32 $0x9C00, s18  }
0x7: {  	s8 =	sadd.s32 $0x29A00, s0;
	s9 =	sadd.s32 $0x3D600, s0;
	s26 =	smul.u32 $0x13880, s18  }
0x8: {  	s2 =	sand.u32 $0x1, s2;
	s10 =	sadd.s32 $0x69800, s0;
	s17 =	smul.u32 $0x2710, s18  }
0x9: {  	s12 =	sadd.s32 $0x69A00, s0;
	s0 =	sadd.s32 $0x6A200, s0;
	s23 =	smul.u32 $0xFA, s18  }
0xa: {  	p0 =	sne.s32 s18, $0x0;
	s30 =	sadd.s32 $0x9C000, s3;
	s18 =	simm.s32 $0x3ED0  }
0xb: {  	_ =	strace $0x80000047;
	[dreg:$0x5] =	wrdreg s10;
	s15 =	smul.u32 $0x9C400, s2  }
0xc: {  	s24 =	ssub.s32 $0x2, s2;
	[dreg:$0x6] =	wrdreg s12;
	s16 =	smul.u32 $0x2710, s2  }
0xd: {  	s2 =	smul.u32 $0x2718, s2;
	[dreg:$0x11] =	wrdreg s30;
	s25 =	sshrl.u32 s24, $0x1  }
0xe: {  	s13 =	sadd.s32 $0x3400, s11;
	s14 =	sadd.s32 $0x6800, s11;
	s12 =	sshrl.u32 s26, $0x3  }
0xf: {  	s10 =	ssub.s32 s24, s25;
	s24 =	sadd.s32 s11, s3;
	s19 =	sadd.s32 s13, s3  }
0x10: {  	s20 =	sadd.s32 s14, s3;
	s11 =	sadd.s32 s11, s15;
	s13 =	sadd.s32 s15, s13  }
0x11: {  	s14 =	sadd.s32 s15, s14;
	s22 =	sshrl.u32 s15, $0x3;
	s12 =	sadd.s32 s1, s12  }
0x12: {  	s25 =	sadd.s32 s1, s17;
	v1 =	vmov s16;
	v2 =	vmov s2;
	s2 =	simm.s32 $0x50;
	s16 =	simm.s32 $0x34D0  }
0x13: {  	v0 =	vlaneseq.u32;
	s1 =	simm.s32 $0x0;
	s11 =	sshrl.u32 s11, $0x3;
	s13 =	sshrl.u32 s13, $0x3  }
0x14: {  	v27 =	vimm.s32 $0x0;
	vm0 =	vcmask $0x300;
	v0 =	vmul.u32 $0x10, v0;
	s14 =	sshrl.u32 s14, $0x3;
	s15 =	smov.u32 s19;
	[dreg:$0xd] =	wrdreg s25  }
0x15: {  	v27 =	vsel vm0, $0x3, v27;
	s17 =	smov.u32 s20;
	s12 =	sadd.s32 $0x28, s12;
	[dreg:$0x7] =	wrdreg s24  }
0x16: {  	v3 =	vor.u32 $0x1, v0;
	v4 =	vor.u32 $0x2, v0;
	v5 =	vor.u32 $0x3, v0;
	s26 =	smax.u32 s10, $0x1;
	s19 =	simm.s32 $0x2;
	[dreg:$0xe] =	wrdreg s12  }
0x17: {  	v6 =	vor.u32 $0x4, v0;
	v7 =	vor.u32 $0x100, v0;
	v8 =	vor.u32 $0x101, v0;
	s25 =	simm.s32 $0x3;
	s20 =	simm.s32 $0xC120;
	[dreg:$0x10] =	wrdreg s26  }
0x18: {  	v9 =	vor.u32 $0x102, v0;
	v10 =	vor.u32 $0x103, v0;
	v11 =	vor.u32 $0x104, v0;
	s11 =	sadd.s32 s0, s11;
	s21 =	sadd.s32 s0, s14;
	[dreg:$0x8] =	wrdreg s15  }
0x19: {  	v12 =	vor.u32 $0x200, v0;
	v13 =	vor.u32 $0x201, v0;
	v14 =	vor.u32 $0x202, v0;
	s12 =	simm.s32 $0x2AD0;
	s14 =	simm.s32 $0x39D0;
	[dreg:$0x9] =	wrdreg s17  }
0x1a: {  	v15 =	vor.u32 $0x203, v0;
	v16 =	vor.u32 $0x204, v0;
	v17 =	vor.u32 $0x300, v0;
	s26 =	simm.s32 $0x43D0;
	[dreg:$0xa] =	wrdreg s11;
	s11 =	sadd.s32 s0, s13  }
0x1b: {  	v18 =	vor.u32 $0x301, v0;
	v19 =	vor.u32 $0x302, v0;
	v20 =	vor.u32 $0x303, v0;
	[dreg:$0xc] =	wrdreg s21;
	s0 =	sadd.s32 s0, s22;
	s21 =	sadd.s32 $0x2, s23  }
0x1c: {  	v21 =	vor.u32 $0x304, v0;
	v22 =	vor.u32 $0x400, v0;
	v23 =	vor.u32 $0x401, v0;
	s22 =	sadd.s32 $0x3, s23;
	[dreg:$0xb] =	wrdreg s11;
	s0 =	sadd.s32 $0x13800, s0  }
0x1d: {  	v24 =	vor.u32 $0x402, v0;
	v25 =	vor.u32 $0x403, v0;
	v26 =	vor.u32 $0x404, v0;
	s23 =	simm.s32 $0x28A0;
	s13 =	simm.s32 $0x2FD0;
	[dreg:$0xf] =	wrdreg s0  }
.LBB2_1:
0x1e: {  	[dreg:$0x12] =	wrdreg s1  }
0x1f: {  	s0 =	rddreg [dreg:$0x6];
	s10 =	simm.s32 $0xC1D0;
	s1 =	simm.s32 $0x7  }
0x20: {  	[tilespmem:s10], [sflag:$0x7] =	stream.linear.gather [hbm4b:s0+s4], $0x3400, $0x38;
	[tilespmem:$0x19210] =	vst v63  }
0x21: {  	_ =	swait.ge [sflag:s1], $0x3400  }
0x22: {  	[sflag:s1] =	ssyncset.done $0x0  }
0x23: {  	s11 =	simm.s32 $0xC170;
	s0 =	rddreg [dreg:$0x5];
	[sflag:s1] =	ssyncadd.s32 $0xFFFFCC00  }
0x24: {  	[tilespmem:s11], [sflag:$0x7] =	stream.linear.gather [hbm4b:s0+s4], $0x60, $0x38;
	[tilespmem:$0x19210] =	vst v63  }
0x25: {  	_ =	swait.ge [sflag:s1], $0x60  }
0x26: {  	[sflag:s1] =	ssyncset.done $0x0  }
0x27: {  	[sflag:s1] =	ssyncadd.s32 $0xFFFFFFA0  }
0x28: {  	s11 =	rddreg [dreg:$0x1]  }
0x29: {  	[tilespmem:s4], [sflag:$0x7] =	stream.linear.gather [hbm4b:s11+s4], $0x2710, $0x38;
	[tilespmem:$0x19210] =	vst v63  }
0x2a: {  	_ =	swait.ge [sflag:s1], $0x2710  }
0x2b: {  	[sflag:s1] =	ssyncset.done $0x0  }
0x2c: {  	[sflag:s1] =	ssyncadd.s32 $0xFFFFD8F0  }
0x2d: {  	[spmem:s24] =	stream.linear.scatter [tilespmem:s10], [sflag:$0x7], $0x3400, $0x38;
	[tilespmem:$0x19210] =	vst v63  }
0x2e: {  	_ =	swait.ge [sflag:s1], $0x3400  }
0x2f: {  	[sflag:s1] =	ssyncset.done $0x0  }
0x30: {  	[sflag:s1] =	ssyncadd.s32 $0xFFFFCC00  }
0x31: {  	[spmem:s15] =	stream.linear.scatter [tilespmem:s10], [sflag:$0x7], $0x3400, $0x38;
	[tilespmem:$0x19210] =	vst v63  }
0x32: {  	_ =	swait.ge [sflag:s1], $0x3400  }
0x33: {  	[sflag:s1] =	ssyncset.done $0x0  }
0x34: {  	[sflag:s1] =	ssyncadd.s32 $0xFFFFCC00  }
0x35: {  	[spmem:s17] =	stream.linear.scatter [tilespmem:s10], [sflag:$0x7], $0x3400, $0x38;
	[tilespmem:$0x19210] =	vst v63  }
0x36: {  	_ =	swait.ge [sflag:s1], $0x3400  }
0x37: {  	[sflag:s1] =	ssyncset.done $0x0  }
0x38: {  	s10 =	simm.s32 @!p0 $0xC1D0;
	[sflag:s1] =	ssyncadd.s32 $0xFFFFCC00  }
0x39: {  	[spmem:s30] =	stream.linear.scatter @!p0 [tilespmem:s10], [sflag:$0x7], $0x400, $0x38;
	[tilespmem:$0x19210] =	vst v63  }
0x3a: {  	s10 =	simm.s32 @!p0 $0x7  }
0x3b: {  	_ =	swait.ge @!p0 [sflag:s10], $0x400  }
0x3c: {  	[sflag:s10] =	ssyncset.done @!p0 $0x0  }
0x3d: {  	[sflag:s10] =	ssyncadd.s32 @!p0 $0xFFFFFC00  }
0x3e: {  	[bflag:$0x0] =	sbarrier.arrive $0xFFFF  }
0x3f: {  	s11 =	simm.s32 $0x2710;
	s30 =	rddreg [dreg:$0xd]  }
0x40: {  	[tilespmem:s11], [sflag:$0x1] =	stream.linear.gather [hbm4b:s30+s4], $0x140, $0x38;
	[tilespmem:$0x19210] =	vst v63  }
0x41: {  	s10 =	simm.s32 $0x1;
	s1 =	rddreg [dreg:$0xe]  }
0x42: {  	[tilespmem:s31], [sflag:$0x2] =	stream.linear.gather [hbm4b:s1+s4], $0x140, $0x38;
	[tilespmem:$0x19210] =	vst v63  }
0x43: {  	_ =	swait.ge [sflag:s10], $0x140  }
0x44: {  	[sflag:s10] =	ssyncset.done $0x0  }
0x45: {  	[sflag:s10] =	ssyncadd.s32 $0xFFFFFEC0  }
0x46: {  	v28 =	vld [tilespmem:$0x2800];
	_ =	sdelay $0x5  }
0x47: {  	v29 =	vld [tilespmem:$0x2710]  }
0x48: {  	v30 =	vld [tilespmem:$0x2810]  }
0x49: {  	v28 =	vld.idx.msk [tilespmem:v28+s4+$0x0], $0xffff  }
0x4a: {  	v31 =	vld [tilespmem:$0x2760];
	_ =	sdelay $0x3  }
0x4b: {  	[tilespmem:$0x2990] =	vst v28;
	v28 =	vadd.s32 v1, v29  }
0x4c: {  	v57 =	vld [tilespmem:$0x2820];
	[tilespmem:$0x2710] =	vst v28;
	v28 =	vadd.s32 v2, v31  }
0x4d: {  	v29 =	vld [tilespmem:$0x2720];
	[tilespmem:$0x2760] =	vst v28  }
0x4e: {  	v28 =	vld.idx.msk [tilespmem:v30+s4+$0x0], $0xffff  }
0x4f: {  	v58 =	vld [tilespmem:$0x2770];
	_ =	sdelay $0x3  }
0x50: {  	[tilespmem:$0x29A0] =	vst v28;
	v28 =	vadd.s32 v1, v29  }
0x51: {  	v59 =	vld [tilespmem:$0x2830];
	[tilespmem:$0x2720] =	vst v28;
	v28 =	vadd.s32 v2, v58  }
0x52: {  	v29 =	vld [tilespmem:$0x2730];
	[tilespmem:$0x2770] =	vst v28  }
0x53: {  	v28 =	vld.idx.msk [tilespmem:v57+s4+$0x0], $0xffff  }
0x54: {  	v60 =	vld [tilespmem:$0x2780];
	_ =	sdelay $0x3  }
0x55: {  	[tilespmem:$0x29B0] =	vst v28;
	v28 =	vadd.s32 v1, v29  }
0x56: {  	v61 =	vld [tilespmem:$0x2840];
	[tilespmem:$0x2730] =	vst v28;
	v28 =	vadd.s32 v2, v60  }
0x57: {  	v29 =	vld [tilespmem:$0x2740];
	[tilespmem:$0x2780] =	vst v28  }
0x58: {  	v28 =	vld.idx.msk [tilespmem:v59+s4+$0x0], $0xffff  }
0x59: {  	v62 =	vld [tilespmem:$0x2790];
	_ =	sdelay $0x3  }
0x5a: {  	[tilespmem:$0x29C0] =	vst v28;
	v28 =	vadd.s32 v1, v29  }
0x5b: {  	[tilespmem:$0x2740] =	vst v28;
	v28 =	vadd.s32 v2, v62  }
0x5c: {  	v29 =	vld [tilespmem:$0x2750];
	[tilespmem:$0x2790] =	vst v28  }
0x5d: {  	v28 =	vld.idx.msk [tilespmem:v61+s4+$0x0], $0xffff  }
0x5e: {  	v63 =	vld [tilespmem:$0x27A0];
	_ =	sdelay $0x3  }
0x5f: {  	[tilespmem:$0x29D0] =	vst v28;
	v28 =	vadd.s32 v1, v29  }
0x60: {  	[tilespmem:$0x2750] =	vst v28;
	v28 =	vadd.s32 v2, v63  }
0x61: {  	s15 =	simm.s32 $0x48D0;
	[tilespmem:$0x27A0] =	vst v28  }
0x62: {  	[tilespmem:s15], [sflag:$0x3] =	stream.indirect.gather [hbm4b:s5+s2], $0x40, s11, s2, $0xb8;
	[tilespmem:$0x19210] =	vst v63  }
0x63: {  	s24 =	simm.s32 $0x70D0;
	s17 =	simm.s32 $0x2760  }
0x64: {  	[tilespmem:s24], [sflag:$0x3] =	stream.indirect.gather [hbm4b:s6+s2], $0x40, s17, s2, $0xb8;
	[tilespmem:$0x19210] =	vst v63  }
0x65: {  	_ = 	snop  }
0x66: {  	[tilespmem:s12], [sflag:$0x3] =	stream.indirect.gather [hbm4b:s7+s2], $0x10, s11, s2, $0xb8;
	[tilespmem:$0x19210] =	vst v63  }
0x67: {  	_ = 	snop  }
0x68: {  	[tilespmem:s16], [sflag:$0x3] =	stream.indirect.gather [hbm4b:s8+s2], $0x10, s17, s2, $0xb8;
	[tilespmem:$0x19210] =	vst v63  }
0x69: {  	s30 =	simm.s32 $0x2990;
	s1 =	rddreg [dreg:$0x0];
	s17 =	simm.s32 $0x0  }
0x6a: {  	[tilespmem:s18], [sflag:$0x3] =	stream.indirect.gather [hbm4b:s9+s2], $0x10, s30, s2, $0xb8;
	[tilespmem:$0x19210] =	vst v63  }
.LBB2_2:
0x6b: {  	_ =	swait.ge [sflag:s19], $0x140  }
0x6c: {  	[sflag:s19] =	ssyncset.done $0x0  }
0x6d: {  	[sflag:s19] =	ssyncadd.s32 $0xFFFFFEC0  }
0x6e: {  	v28 =	vld [tilespmem:$0x2940];
	_ =	sdelay $0x5  }
0x6f: {  	v29 =	vld [tilespmem:$0x2850]  }
0x70: {  	v30 =	vld [tilespmem:$0x2950]  }
0x71: {  	v28 =	vld.idx.msk [tilespmem:v28+s4+$0x0], $0xffff  }
0x72: {  	v31 =	vld [tilespmem:$0x28A0];
	_ =	sdelay $0x3  }
0x73: {  	[tilespmem:$0x29E0] =	vst v28;
	v28 =	vadd.s32 v1, v29  }
0x74: {  	v53 =	vld [tilespmem:$0x2960];
	[tilespmem:$0x2850] =	vst v28;
	v28 =	vadd.s32 v2, v31  }
0x75: {  	v29 =	vld [tilespmem:$0x2860];
	[tilespmem:$0x28A0] =	vst v28  }
0x76: {  	v28 =	vld.idx.msk [tilespmem:v30+s4+$0x0], $0xffff  }
0x77: {  	v54 =	vld [tilespmem:$0x28B0];
	_ =	sdelay $0x3  }
0x78: {  	[tilespmem:$0x29F0] =	vst v28;
	v28 =	vadd.s32 v1, v29  }
0x79: {  	v55 =	vld [tilespmem:$0x2970];
	[tilespmem:$0x2860] =	vst v28;
	v28 =	vadd.s32 v2, v54  }
0x7a: {  	v29 =	vld [tilespmem:$0x2870];
	[tilespmem:$0x28B0] =	vst v28  }
0x7b: {  	v28 =	vld.idx.msk [tilespmem:v53+s4+$0x0], $0xffff  }
0x7c: {  	v56 =	vld [tilespmem:$0x28C0];
	_ =	sdelay $0x3  }
0x7d: {  	[tilespmem:$0x2A00] =	vst v28;
	v28 =	vadd.s32 v1, v29  }
0x7e: {  	v57 =	vld [tilespmem:$0x2980];
	[tilespmem:$0x2870] =	vst v28;
	v28 =	vadd.s32 v2, v56  }
0x7f: {  	v29 =	vld [tilespmem:$0x2880];
	[tilespmem:$0x28C0] =	vst v28  }
0x80: {  	v28 =	vld.idx.msk [tilespmem:v55+s4+$0x0], $0xffff  }
0x81: {  	v58 =	vld [tilespmem:$0x28D0];
	_ =	sdelay $0x3  }
0x82: {  	[tilespmem:$0x2A10] =	vst v28;
	v28 =	vadd.s32 v1, v29  }
0x83: {  	[tilespmem:$0x2880] =	vst v28;
	v28 =	vadd.s32 v2, v58  }
0x84: {  	v29 =	vld [tilespmem:$0x2890];
	[tilespmem:$0x28D0] =	vst v28  }
0x85: {  	v28 =	vld.idx.msk [tilespmem:v57+s4+$0x0], $0xffff  }
0x86: {  	v59 =	vld [tilespmem:$0x28E0];
	_ =	sdelay $0x3  }
0x87: {  	[tilespmem:$0x2A20] =	vst v28;
	v28 =	vadd.s32 v1, v29  }
0x88: {  	p1 =	seq.s32 s17, $0x0;
	[tilespmem:$0x2890] =	vst v28;
	v28 =	vadd.s32 v2, v59  }
0x89: {  	s10 =	simm.s32 @!p1 $0x6;
	[tilespmem:$0x28E0] =	vst v28  }
0x8a: {  	_ =	swait.ge @!p1 [sflag:s10], $0x1400  }
0x8b: {  	[sflag:s10] =	ssyncset.done @!p1 $0x0  }
0x8c: {  	s0 =	simm.s32 $0x5CD0;
	[sflag:s10] =	ssyncadd.s32 @!p1 $0xFFFFEC00  }
0x8d: {  	[tilespmem:s0], [sflag:$0x4] =	stream.indirect.gather [hbm4b:s5+s2], $0x40, s31, s2, $0xb8;
	[tilespmem:$0x19210] =	vst v63  }
0x8e: {  	s24 =	simm.s32 $0x84D0  }
0x8f: {  	[tilespmem:s24], [sflag:$0x4] =	stream.indirect.gather [hbm4b:s6+s2], $0x40, s23, s2, $0xb8;
	[tilespmem:$0x19210] =	vst v63  }
0x90: {  	_ = 	snop  }
0x91: {  	[tilespmem:s13], [sflag:$0x4] =	stream.indirect.gather [hbm4b:s7+s2], $0x10, s31, s2, $0xb8;
	[tilespmem:$0x19210] =	vst v63  }
0x92: {  	_ = 	snop  }
0x93: {  	[tilespmem:s14], [sflag:$0x4] =	stream.indirect.gather [hbm4b:s8+s2], $0x10, s23, s2, $0xb8;
	[tilespmem:$0x19210] =	vst v63  }
0x94: {  	s30 =	simm.s32 $0x29E0  }
0x95: {  	[tilespmem:s26], [sflag:$0x4] =	stream.indirect.gather [hbm4b:s9+s2], $0x10, s30, s2, $0xb8;
	[tilespmem:$0x19210] =	vst v63  }
0x96: {  	_ =	swait.ge [sflag:s25], $0x1400  }
0x97: {  	[sflag:s25] =	ssyncset.done $0x0  }
0x98: {  	[sflag:s25] =	ssyncadd.s32 $0xFFFFEC00  }
0x99: {  	_ =	swait.ge [sflag:s25], $0x1400  }
0x9a: {  	[sflag:s25] =	ssyncset.done $0x0  }
0x9b: {  	[sflag:s25] =	ssyncadd.s32 $0xFFFFEC00  }
0x9c: {  	_ =	swait.ge [sflag:s25], $0x500  }
0x9d: {  	[sflag:s25] =	ssyncset.done $0x0  }
0x9e: {  	[sflag:s25] =	ssyncadd.s32 $0xFFFFFB00  }
0x9f: {  	_ =	swait.ge [sflag:s25], $0x500  }
0xa0: {  	[sflag:s25] =	ssyncset.done $0x0  }
0xa1: {  	[sflag:s25] =	ssyncadd.s32 $0xFFFFFB00  }
0xa2: {  	_ =	swait.ge [sflag:s25], $0x500  }
0xa3: {  	[sflag:s25] =	ssyncset.done $0x0  }
0xa4: {  	[sflag:s25] =	ssyncadd.s32 $0xFFFFFB00  }
0xa5: {  	v28 =	vld [tilespmem:$0x27B0]  }
0xa6: {  	v29 =	vld [tilespmem:$0x27C0]  }
0xa7: {  	v60 =	vld [tilespmem:$0x27D0]  }
0xa8: {  	v61 =	vld [tilespmem:$0x27E0]  }
0xa9: {  	v32 =	vld [tilespmem:$0x27F0]  }
0xaa: {  	p1 =	seq.s32 s17, $0x7C;
	s24 =	sshll.u32 s17, $0x1;
	[tilespmem:$0x2A30] =	vst v28  }
0xab: {  	s10 =	sadd.s32 @!p1 s24, s21;
	[tilespmem:$0x2A40] =	vst v29  }
0xac: {  	s10 =	smul.u32 @!p1 $0x28, s10;
	[tilespmem:$0x2A50] =	vst v60  }
0xad: {  	[tilespmem:$0x2A60] =	vst v61  }
0xae: {  	s15 =	simm.s32 @!p1 $0x0;
	s10 =	sadd.s32 @!p1 s1, s10;
	s30 =	simm.s32 @!p1 $0x2710;
	[tilespmem:$0x2A70] =	vst v32  }
0xaf: {  	[tilespmem:s30], [sflag:$0x1] =	stream.linear.gather @!p1 [hbm4b:s10+s15], $0x140, $0x38;
	[tilespmem:$0x19210] =	vst v63  }
0xb0: {  	v28 =	vld.idx.msk [tilespmem:v0+s12+$0x0], $0xffff  }
0xb1: {  	v29 =	vld.idx.msk [tilespmem:v0+s16+$0x0], $0xffff  }
0xb2: {  	v30 =	vld.idx.msk [tilespmem:v0+s18+$0x0], $0xffff  }
0xb3: {  	v62 =	vld [tilespmem:$0xC170]  }
0xb4: {  	v32 =	vld.idx.msk [tilespmem:v3+s12+$0x0], $0xffff  }
0xb5: {  	v33 =	vld.idx.msk [tilespmem:v3+s16+$0x0], $0xffff  }
0xb6: {  	v34 =	vld.idx.msk [tilespmem:v3+s18+$0x0], $0xffff  }
0xb7: {  	v35 =	vld [tilespmem:$0xC180]  }
0xb8: {  	v36 =	vld.idx.msk [tilespmem:v4+s12+$0x0], $0xffff  }
0xb9: {  	v37 =	vld.idx.msk [tilespmem:v4+s16+$0x0], $0xffff  }
0xba: {  	v38 =	vld.idx.msk [tilespmem:v4+s18+$0x0], $0xffff  }
0xbb: {  	v39 =	vld.idx.msk [tilespmem:v5+s12+$0x0], $0xffff  }
0xbc: {  	v40 =	vld.idx.msk [tilespmem:v5+s16+$0x0], $0xffff  }
0xbd: {  	v63 =	vld.idx.msk [tilespmem:v6+s12+$0x0], $0xffff  }
0xbe: {  	v42 =	vld.idx.msk [tilespmem:v6+s16+$0x0], $0xffff;
	v28 =	vadd.f32 v29, v28;
	v32 =	vadd.f32 v33, v32  }
0xbf: {  	v29 =	vld.idx.msk [tilespmem:v5+s18+$0x0], $0xffff;
	v43 =	vadd.f32 v37, v36  }
0xc0: {  	v44 =	vld [tilespmem:$0xC190];
	v28 =	vadd.f32 v30, v28;
	v32 =	vadd.f32 v34, v32  }
0xc1: {  	v45 =	vld.idx.msk [tilespmem:v6+s18+$0x0], $0xffff;
	v46 =	vadd.f32 v40, v39  }
0xc2: {  	v47 =	vld [tilespmem:$0xC1A0];
	v34 =	vadd.f32 v38, v43;
	v28 =	vmax.f32 v28, $0.0e+00;
	v32 =	vmax.f32 v32, $0.0e+00  }
0xc3: {  	v28 =	vmul.f32 v28, v62;
	v48 =	vmul.f32 v32, v35  }
0xc4: {  	v50 =	vld [tilespmem:$0xC1B0];
	v30 =	vadd.f32 v42, v63;
	v49 =	vmax.f32 v34, $0.0e+00;
	v29 =	vadd.f32 v29, v46  }
0xc5: {  	v51 =	vmul.f32 v49, v44;
	v28 =	vadd.f32 v48, v28  }
0xc6: {  	v30 =	vadd.f32 v45, v30;
	v29 =	vmax.f32 v29, $0.0e+00  }
0xc7: {  	v29 =	vmul.f32 v29, v47;
	v28 =	vadd.f32 v51, v28  }
0xc8: {  	v52 =	vld [tilespmem:$0xC1C0];
	v30 =	vmax.f32 v30, $0.0e+00  }
0xc9: {  	v28 =	vadd.f32 v29, v28;
	v29 =	vmul.f32 v30, v50;
	_ =	sdelay $0x1  }
0xca: {  	v28 =	vadd.f32 v29, v28;
	_ =	sdelay $0x1  }
0xcb: {  	v28 =	vadd.f32 v28, v52;
	_ =	sdelay $0x1  }
0xcc: {  	v28 =	vsub.f32 $0.0e+00, v28;
	_ =	sdelay $0x1  }
0xcd: {  	v28 =	vmul.f32 $1.442695020e+00, v28;
	_ =	sdelay $0x1  }
0xce: {  	(erf) = vpow2.f32 v28;
	_ =	sdelay $0x8  }
0xcf: {  	v28 =	vpop (erf)  }
0xd0: {  	v28 =	vadd.f32 $1.000000000e+00, v28;
	_ =	sdelay $0x1  }
0xd1: {  	(erf) = vrcp.f32 v28;
	_ =	sdelay $0x8  }
0xd2: {  	v54 =	vld [tilespmem:$0xC170];
	v28 =	vpop (erf)  }
0xd3: {  	v58 =	vld [tilespmem:$0xC180];
	[tilespmem:$0xC0D0] =	vst v28  }
0xd4: {  	v28 =	vld.idx.msk [tilespmem:v7+s12+$0x0], $0xffff  }
0xd5: {  	v29 =	vld.idx.msk [tilespmem:v7+s16+$0x0], $0xffff  }
0xd6: {  	v53 =	vld.idx.msk [tilespmem:v7+s18+$0x0], $0xffff  }
0xd7: {  	v55 =	vld.idx.msk [tilespmem:v8+s12+$0x0], $0xffff  }
0xd8: {  	v56 =	vld.idx.msk [tilespmem:v8+s16+$0x0], $0xffff  }
0xd9: {  	v57 =	vld.idx.msk [tilespmem:v8+s18+$0x0], $0xffff  }
0xda: {  	v59 =	vld.idx.msk [tilespmem:v9+s12+$0x0], $0xffff  }
0xdb: {  	v60 =	vld.idx.msk [tilespmem:v9+s16+$0x0], $0xffff  }
0xdc: {  	v61 =	vld.idx.msk [tilespmem:v9+s18+$0x0], $0xffff  }
0xdd: {  	v62 =	vld.idx.msk [tilespmem:v10+s12+$0x0], $0xffff  }
0xde: {  	v63 =	vld.idx.msk [tilespmem:v10+s16+$0x0], $0xffff  }
0xdf: {  	v44 =	vld.idx.msk [tilespmem:v11+s12+$0x0], $0xffff  }
0xe0: {  	v45 =	vld.idx.msk [tilespmem:v11+s16+$0x0], $0xffff;
	v28 =	vadd.f32 v29, v28;
	v32 =	vadd.f32 v56, v55  }
0xe1: {  	v29 =	vld.idx.msk [tilespmem:v10+s18+$0x0], $0xffff;
	v46 =	vadd.f32 v60, v59  }
0xe2: {  	v47 =	vld [tilespmem:$0xC190];
	v28 =	vadd.f32 v53, v28;
	v32 =	vadd.f32 v57, v32  }
0xe3: {  	v48 =	vld.idx.msk [tilespmem:v11+s18+$0x0], $0xffff;
	v49 =	vadd.f32 v63, v62  }
0xe4: {  	v50 =	vld [tilespmem:$0xC1A0];
	v34 =	vadd.f32 v61, v46;
	v28 =	vmax.f32 v28, $0.0e+00;
	v32 =	vmax.f32 v32, $0.0e+00  }
0xe5: {  	v28 =	vmul.f32 v28, v54;
	v51 =	vmul.f32 v32, v58  }
0xe6: {  	v30 =	vadd.f32 v45, v44;
	v53 =	vld [tilespmem:$0xC1B0];
	v52 =	vmax.f32 v34, $0.0e+00;
	v29 =	vadd.f32 v29, v49  }
0xe7: {  	v54 =	vmul.f32 v52, v47;
	v28 =	vadd.f32 v51, v28  }
0xe8: {  	v30 =	vadd.f32 v48, v30;
	v29 =	vmax.f32 v29, $0.0e+00  }
0xe9: {  	v29 =	vmul.f32 v29, v50;
	v28 =	vadd.f32 v54, v28  }
0xea: {  	v55 =	vld [tilespmem:$0xC1C0];
	v30 =	vmax.f32 v30, $0.0e+00  }
0xeb: {  	v28 =	vadd.f32 v29, v28;
	v29 =	vmul.f32 v30, v53;
	_ =	sdelay $0x1  }
0xec: {  	v28 =	vadd.f32 v29, v28;
	_ =	sdelay $0x1  }
0xed: {  	v28 =	vadd.f32 v28, v55;
	_ =	sdelay $0x1  }
0xee: {  	v28 =	vsub.f32 $0.0e+00, v28;
	_ =	sdelay $0x1  }
0xef: {  	v28 =	vmul.f32 $1.442695020e+00, v28;
	_ =	sdelay $0x1  }
0xf0: {  	(erf) = vpow2.f32 v28;
	_ =	sdelay $0x8  }
0xf1: {  	v28 =	vpop (erf)  }
0xf2: {  	v28 =	vadd.f32 $1.000000000e+00, v28;
	_ =	sdelay $0x1  }
0xf3: {  	(erf) = vrcp.f32 v28;
	_ =	sdelay $0x8  }
0xf4: {  	v57 =	vld [tilespmem:$0xC170];
	v28 =	vpop (erf)  }
0xf5: {  	v61 =	vld [tilespmem:$0xC180];
	[tilespmem:$0xC0E0] =	vst v28  }
0xf6: {  	v28 =	vld.idx.msk [tilespmem:v12+s12+$0x0], $0xffff  }
0xf7: {  	v29 =	vld.idx.msk [tilespmem:v12+s16+$0x0], $0xffff  }
0xf8: {  	v56 =	vld.idx.msk [tilespmem:v12+s18+$0x0], $0xffff  }
0xf9: {  	v58 =	vld.idx.msk [tilespmem:v13+s12+$0x0], $0xffff  }
0xfa: {  	v59 =	vld.idx.msk [tilespmem:v13+s16+$0x0], $0xffff  }
0xfb: {  	v60 =	vld.idx.msk [tilespmem:v13+s18+$0x0], $0xffff  }
0xfc: {  	v62 =	vld.idx.msk [tilespmem:v14+s12+$0x0], $0xffff  }
0xfd: {  	v63 =	vld.idx.msk [tilespmem:v14+s16+$0x0], $0xffff  }
0xfe: {  	v44 =	vld.idx.msk [tilespmem:v14+s18+$0x0], $0xffff  }
0xff: {  	v45 =	vld.idx.msk [tilespmem:v15+s12+$0x0], $0xffff  }
0x100: {  	v46 =	vld.idx.msk [tilespmem:v15+s16+$0x0], $0xffff  }
0x101: {  	v47 =	vld.idx.msk [tilespmem:v16+s12+$0x0], $0xffff  }
0x102: {  	v48 =	vld.idx.msk [tilespmem:v16+s16+$0x0], $0xffff;
	v28 =	vadd.f32 v29, v28;
	v32 =	vadd.f32 v59, v58  }
0x103: {  	v29 =	vld.idx.msk [tilespmem:v15+s18+$0x0], $0xffff;
	v49 =	vadd.f32 v63, v62  }
0x104: {  	v50 =	vld [tilespmem:$0xC190];
	v28 =	vadd.f32 v56, v28;
	v32 =	vadd.f32 v60, v32  }
0x105: {  	v51 =	vld.idx.msk [tilespmem:v16+s18+$0x0], $0xffff;
	v52 =	vadd.f32 v46, v45  }
0x106: {  	v53 =	vld [tilespmem:$0xC1A0];
	v34 =	vadd.f32 v44, v49;
	v28 =	vmax.f32 v28, $0.0e+00;
	v32 =	vmax.f32 v32, $0.0e+00  }
0x107: {  	v28 =	vmul.f32 v28, v57;
	v54 =	vmul.f32 v32, v61  }
0x108: {  	v30 =	vadd.f32 v48, v47;
	v56 =	vld [tilespmem:$0xC1B0];
	v55 =	vmax.f32 v34, $0.0e+00;
	v29 =	vadd.f32 v29, v52  }
0x109: {  	v57 =	vmul.f32 v55, v50;
	v28 =	vadd.f32 v54, v28  }
0x10a: {  	v30 =	vadd.f32 v51, v30;
	v29 =	vmax.f32 v29, $0.0e+00  }
0x10b: {  	v29 =	vmul.f32 v29, v53;
	v28 =	vadd.f32 v57, v28  }
0x10c: {  	v58 =	vld [tilespmem:$0xC1C0];
	v30 =	vmax.f32 v30, $0.0e+00  }
0x10d: {  	v28 =	vadd.f32 v29, v28;
	v29 =	vmul.f32 v30, v56;
	_ =	sdelay $0x1  }
0x10e: {  	v28 =	vadd.f32 v29, v28;
	_ =	sdelay $0x1  }
0x10f: {  	v28 =	vadd.f32 v28, v58;
	_ =	sdelay $0x1  }
0x110: {  	v28 =	vsub.f32 $0.0e+00, v28;
	_ =	sdelay $0x1  }
0x111: {  	v28 =	vmul.f32 $1.442695020e+00, v28;
	_ =	sdelay $0x1  }
0x112: {  	(erf) = vpow2.f32 v28;
	_ =	sdelay $0x8  }
0x113: {  	v28 =	vpop (erf)  }
0x114: {  	v28 =	vadd.f32 $1.000000000e+00, v28;
	_ =	sdelay $0x1  }
0x115: {  	(erf) = vrcp.f32 v28;
	_ =	sdelay $0x8  }
0x116: {  	v60 =	vld [tilespmem:$0xC170];
	v28 =	vpop (erf)  }
0x117: {  	v44 =	vld [tilespmem:$0xC180];
	[tilespmem:$0xC0F0] =	vst v28  }
0x118: {  	v28 =	vld.idx.msk [tilespmem:v17+s12+$0x0], $0xffff  }
0x119: {  	v29 =	vld.idx.msk [tilespmem:v17+s16+$0x0], $0xffff  }
0x11a: {  	v59 =	vld.idx.msk [tilespmem:v17+s18+$0x0], $0xffff  }
0x11b: {  	v61 =	vld.idx.msk [tilespmem:v18+s12+$0x0], $0xffff  }
0x11c: {  	v62 =	vld.idx.msk [tilespmem:v18+s16+$0x0], $0xffff  }
0x11d: {  	v63 =	vld.idx.msk [tilespmem:v18+s18+$0x0], $0xffff  }
0x11e: {  	v45 =	vld.idx.msk [tilespmem:v19+s12+$0x0], $0xffff  }
0x11f: {  	v46 =	vld.idx.msk [tilespmem:v19+s16+$0x0], $0xffff  }
0x120: {  	v47 =	vld.idx.msk [tilespmem:v19+s18+$0x0], $0xffff  }
0x121: {  	v48 =	vld.idx.msk [tilespmem:v20+s12+$0x0], $0xffff  }
0x122: {  	v49 =	vld.idx.msk [tilespmem:v20+s16+$0x0], $0xffff  }
0x123: {  	v50 =	vld.idx.msk [tilespmem:v21+s12+$0x0], $0xffff  }
0x124: {  	v51 =	vld.idx.msk [tilespmem:v21+s16+$0x0], $0xffff;
	v28 =	vadd.f32 v29, v28;
	v32 =	vadd.f32 v62, v61  }
0x125: {  	v29 =	vld.idx.msk [tilespmem:v20+s18+$0x0], $0xffff;
	v52 =	vadd.f32 v46, v45  }
0x126: {  	v53 =	vld [tilespmem:$0xC190];
	v28 =	vadd.f32 v59, v28;
	v32 =	vadd.f32 v63, v32  }
0x127: {  	v54 =	vld.idx.msk [tilespmem:v21+s18+$0x0], $0xffff;
	v55 =	vadd.f32 v49, v48  }
0x128: {  	v56 =	vld [tilespmem:$0xC1A0];
	v34 =	vadd.f32 v47, v52;
	v28 =	vmax.f32 v28, $0.0e+00;
	v32 =	vmax.f32 v32, $0.0e+00  }
0x129: {  	v28 =	vmul.f32 v28, v60;
	v57 =	vmul.f32 v32, v44  }
0x12a: {  	v30 =	vadd.f32 v51, v50;
	v59 =	vld [tilespmem:$0xC1B0];
	v58 =	vmax.f32 v34, $0.0e+00;
	v29 =	vadd.f32 v29, v55  }
0x12b: {  	v60 =	vmul.f32 v58, v53;
	v28 =	vadd.f32 v57, v28  }
0x12c: {  	v30 =	vadd.f32 v54, v30;
	v29 =	vmax.f32 v29, $0.0e+00  }
0x12d: {  	v29 =	vmul.f32 v29, v56;
	v28 =	vadd.f32 v60, v28  }
0x12e: {  	v61 =	vld [tilespmem:$0xC1C0];
	v30 =	vmax.f32 v30, $0.0e+00  }
0x12f: {  	v28 =	vadd.f32 v29, v28;
	v29 =	vmul.f32 v30, v59;
	_ =	sdelay $0x1  }
0x130: {  	v28 =	vadd.f32 v29, v28;
	_ =	sdelay $0x1  }
0x131: {  	v28 =	vadd.f32 v28, v61;
	_ =	sdelay $0x1  }
0x132: {  	v28 =	vsub.f32 $0.0e+00, v28;
	_ =	sdelay $0x1  }
0x133: {  	v28 =	vmul.f32 $1.442695020e+00, v28;
	_ =	sdelay $0x1  }
0x134: {  	(erf) = vpow2.f32 v28;
	_ =	sdelay $0x8  }
0x135: {  	v28 =	vpop (erf)  }
0x136: {  	v28 =	vadd.f32 $1.000000000e+00, v28;
	_ =	sdelay $0x1  }
0x137: {  	(erf) = vrcp.f32 v28;
	_ =	sdelay $0x8  }
0x138: {  	v63 =	vld [tilespmem:$0xC170];
	v28 =	vpop (erf)  }
0x139: {  	v47 =	vld [tilespmem:$0xC180];
	[tilespmem:$0xC100] =	vst v28  }
0x13a: {  	v28 =	vld.idx.msk [tilespmem:v22+s12+$0x0], $0xffff  }
0x13b: {  	v29 =	vld.idx.msk [tilespmem:v22+s16+$0x0], $0xffff  }
0x13c: {  	v62 =	vld.idx.msk [tilespmem:v22+s18+$0x0], $0xffff  }
0x13d: {  	v44 =	vld.idx.msk [tilespmem:v23+s12+$0x0], $0xffff  }
0x13e: {  	v45 =	vld.idx.msk [tilespmem:v23+s16+$0x0], $0xffff  }
0x13f: {  	v46 =	vld.idx.msk [tilespmem:v23+s18+$0x0], $0xffff  }
0x140: {  	v48 =	vld.idx.msk [tilespmem:v24+s12+$0x0], $0xffff  }
0x141: {  	v49 =	vld.idx.msk [tilespmem:v24+s16+$0x0], $0xffff  }
0x142: {  	v50 =	vld.idx.msk [tilespmem:v24+s18+$0x0], $0xffff  }
0x143: {  	v51 =	vld.idx.msk [tilespmem:v25+s12+$0x0], $0xffff  }
0x144: {  	v52 =	vld.idx.msk [tilespmem:v25+s16+$0x0], $0xffff  }
0x145: {  	v41 =	vld.idx.msk [tilespmem:v25+s18+$0x0], $0xffff  }
0x146: {  	v53 =	vld.idx.msk [tilespmem:v26+s12+$0x0], $0xffff;
	v28 =	vadd.f32 v29, v28;
	v29 =	vadd.f32 v45, v44  }
0x147: {  	v55 =	vld.idx.msk [tilespmem:v26+s16+$0x0], $0xffff;
	v54 =	vadd.f32 v49, v48  }
0x148: {  	v56 =	vld [tilespmem:$0xC190];
	v28 =	vadd.f32 v62, v28;
	v29 =	vadd.f32 v46, v29  }
0x149: {  	v57 =	vld.idx.msk [tilespmem:v26+s18+$0x0], $0xffff;
	v58 =	vadd.f32 v52, v51  }
0x14a: {  	v59 =	vld [tilespmem:$0xC1A0];
	v33 =	vadd.f32 v50, v54;
	v28 =	vmax.f32 v28, $0.0e+00;
	v29 =	vmax.f32 v29, $0.0e+00  }
0x14b: {  	v28 =	vmul.f32 v28, v63;
	v29 =	vmul.f32 v29, v47  }
0x14c: {  	v61 =	vld [tilespmem:$0xC1B0];
	v32 =	vadd.f32 v55, v53;
	v60 =	vadd.f32 v41, v58;
	v33 =	vmax.f32 v33, $0.0e+00  }
0x14d: {  	v28 =	vadd.f32 v29, v28;
	v29 =	vmul.f32 v33, v56  }
0x14e: {  	v62 =	vadd.f32 v57, v32;
	v31 =	vmax.f32 v60, $0.0e+00  }
0x14f: {  	v28 =	vadd.f32 v29, v28;
	v29 =	vmul.f32 v31, v59  }
0x150: {  	v30 =	vmax.f32 v62, $0.0e+00;
	v63 =	vld [tilespmem:$0xC1C0]  }
0x151: {  	v28 =	vadd.f32 v29, v28;
	v29 =	vmul.f32 v30, v61;
	_ =	sdelay $0x1  }
0x152: {  	v28 =	vadd.f32 v29, v28;
	_ =	sdelay $0x1  }
0x153: {  	v28 =	vadd.f32 v28, v63;
	_ =	sdelay $0x1  }
0x154: {  	v28 =	vsub.f32 $0.0e+00, v28;
	_ =	sdelay $0x1  }
0x155: {  	v28 =	vmul.f32 $1.442695020e+00, v28;
	_ =	sdelay $0x1  }
0x156: {  	(erf) = vpow2.f32 v28;
	_ =	sdelay $0x8  }
0x157: {  	v28 =	vpop (erf)  }
0x158: {  	v28 =	vadd.f32 $1.000000000e+00, v28;
	_ =	sdelay $0x1  }
0x159: {  	(erf) = vrcp.f32 v28;
	_ =	sdelay $0x8  }
0x15a: {  	v28 =	vpop (erf)  }
0x15b: {  	s15 =	simm.s32 $0x0;
	[tilespmem:$0xC110] =	vst v28  }
.LBB2_3:
0x15c: {  	s10 =	sshll.u32 s15, $0x4  }
0x15d: {  	v28 =	vmov s10  }
0x15e: {  	s30 =	sshll.u32 s15, $0xA;
	v28 =	vshrl.u32 v28, $0x3  }
0x15f: {  	v29 =	vld [tilespmem:s30+$0x48D0];
	v28 =	vshll.u32 v28, v27  }
0x160: {  	v30 =	vld [tilespmem:s30+$0x70D0];
	v28 =	vbroadcast v28, $0x0  }
0x161: {  	v31 =	vld [tilespmem:s30+$0x48E0]  }
0x162: {  	v32 =	vld [tilespmem:s30+$0x70E0]  }
0x163: {  	v33 =	vld [tilespmem:s30+$0x48F0]  }
0x164: {  	v34 =	vld [tilespmem:s30+$0x70F0]  }
0x165: {  	v35 =	vld [tilespmem:s30+$0x4900]  }
0x166: {  	s0 =	sor.u32 $0x1, s10;
	v28 =	vld.idx.msk [tilespmem:v28+s29+$0x0], $0xffff  }
0x167: {  	v36 =	vld [tilespmem:s30+$0x7100];
	v37 =	vmov s0  }
0x168: {  	v37 =	vshrl.u32 v37, $0x3  }
0x169: {  	v58 =	vshll.u32 v37, v27;
	v29 =	vadd.f32 v30, v29  }
0x16a: {  	v31 =	vadd.f32 v32, v31;
	v30 =	vor.u32 $0x1, v58  }
0x16b: {  	v59 =	vadd.f32 v34, v33;
	v30 =	vbroadcast v30, $0x0;
	v29 =	vmul.f32 v29, v28  }
0x16c: {  	v60 =	vadd.f32 v36, v35;
	v31 =	vmul.f32 v31, v28  }
0x16d: {  	[tilespmem:s30+$0x98D0] =	vst v29;
	v29 =	vmul.f32 v59, v28  }
0x16e: {  	[tilespmem:s30+$0x98E0] =	vst v31;
	v28 =	vmul.f32 v60, v28  }
0x16f: {  	[tilespmem:s30+$0x98F0] =	vst v29  }
0x170: {  	[tilespmem:s30+$0x9900] =	vst v28  }
0x171: {  	s0 =	sshll.u32 s0, $0x6;
	v28 =	vld.idx.msk [tilespmem:v30+s29+$0x0], $0xffff  }
0x172: {  	v29 =	vld [tilespmem:s0+$0x48D0]  }
0x173: {  	v61 =	vld [tilespmem:s0+$0x70D0]  }
0x174: {  	v31 =	vld [tilespmem:s0+$0x48E0]  }
0x175: {  	v62 =	vld [tilespmem:s0+$0x70E0]  }
0x176: {  	v63 =	vld [tilespmem:s0+$0x48F0]  }
0x177: {  	v40 =	vld [tilespmem:s0+$0x70F0]  }
0x178: {  	s30 =	sor.u32 $0x2, s10;
	v41 =	vld [tilespmem:s0+$0x4900]  }
0x179: {  	v42 =	vld [tilespmem:s0+$0x7100];
	v43 =	vmov s30  }
0x17a: {  	v37 =	vshrl.u32 v43, $0x3  }
0x17b: {  	v44 =	vshll.u32 v37, v27;
	v29 =	vadd.f32 v61, v29  }
0x17c: {  	v30 =	vadd.s32 $0x2, v44;
	v31 =	vadd.f32 v62, v31  }
0x17d: {  	v30 =	vbroadcast v30, $0x0;
	v45 =	vadd.f32 v40, v63;
	v29 =	vmul.f32 v29, v28  }
0x17e: {  	v46 =	vadd.f32 v42, v41;
	v31 =	vmul.f32 v31, v28  }
0x17f: {  	[tilespmem:s0+$0x98D0] =	vst v29;
	v29 =	vmul.f32 v45, v28  }
0x180: {  	[tilespmem:s0+$0x98E0] =	vst v31;
	v28 =	vmul.f32 v46, v28  }
0x181: {  	[tilespmem:s0+$0x98F0] =	vst v29  }
0x182: {  	[tilespmem:s0+$0x9900] =	vst v28  }
0x183: {  	s0 =	sshll.u32 s30, $0x6;
	v28 =	vld.idx.msk [tilespmem:v30+s29+$0x0], $0xffff  }
0x184: {  	v29 =	vld [tilespmem:s0+$0x48D0]  }
0x185: {  	v47 =	vld [tilespmem:s0+$0x70D0]  }
0x186: {  	v31 =	vld [tilespmem:s0+$0x48E0]  }
0x187: {  	v48 =	vld [tilespmem:s0+$0x70E0]  }
0x188: {  	v49 =	vld [tilespmem:s0+$0x48F0]  }
0x189: {  	v50 =	vld [tilespmem:s0+$0x70F0]  }
0x18a: {  	s30 =	sor.u32 $0x3, s10;
	v51 =	vld [tilespmem:s0+$0x4900]  }
0x18b: {  	v52 =	vld [tilespmem:s0+$0x7100];
	v53 =	vmov s30  }
0x18c: {  	v37 =	vshrl.u32 v53, $0x3  }
0x18d: {  	v54 =	vshll.u32 v37, v27;
	v29 =	vadd.f32 v47, v29  }
0x18e: {  	v30 =	vadd.s32 $0x3, v54;
	v31 =	vadd.f32 v48, v31  }
0x18f: {  	v30 =	vbroadcast v30, $0x0;
	v55 =	vadd.f32 v50, v49;
	v29 =	vmul.f32 v29, v28  }
0x190: {  	v56 =	vadd.f32 v52, v51;
	v31 =	vmul.f32 v31, v28  }
0x191: {  	[tilespmem:s0+$0x98D0] =	vst v29;
	v29 =	vmul.f32 v55, v28  }
0x192: {  	[tilespmem:s0+$0x98E0] =	vst v31;
	v28 =	vmul.f32 v56, v28  }
0x193: {  	[tilespmem:s0+$0x98F0] =	vst v29  }
0x194: {  	[tilespmem:s0+$0x9900] =	vst v28  }
0x195: {  	s0 =	sshll.u32 s30, $0x6;
	v28 =	vld.idx.msk [tilespmem:v30+s29+$0x0], $0xffff  }
0x196: {  	v29 =	vld [tilespmem:s0+$0x48D0]  }
0x197: {  	v57 =	vld [tilespmem:s0+$0x70D0]  }
0x198: {  	v31 =	vld [tilespmem:s0+$0x48E0]  }
0x199: {  	v58 =	vld [tilespmem:s0+$0x70E0]  }
0x19a: {  	v59 =	vld [tilespmem:s0+$0x48F0]  }
0x19b: {  	v60 =	vld [tilespmem:s0+$0x70F0]  }
0x19c: {  	s30 =	sor.u32 $0x4, s10;
	v61 =	vld [tilespmem:s0+$0x4900]  }
0x19d: {  	v62 =	vld [tilespmem:s0+$0x7100];
	v63 =	vmov s30  }
0x19e: {  	v37 =	vshrl.u32 v63, $0x3  }
0x19f: {  	v38 =	vshll.u32 v37, v27;
	v29 =	vadd.f32 v57, v29  }
0x1a0: {  	v30 =	vadd.s32 $0x4, v38;
	v31 =	vadd.f32 v58, v31  }
0x1a1: {  	v30 =	vbroadcast v30, $0x0;
	v39 =	vadd.f32 v60, v59;
	v29 =	vmul.f32 v29, v28  }
0x1a2: {  	v40 =	vadd.f32 v62, v61;
	v31 =	vmul.f32 v31, v28  }
0x1a3: {  	[tilespmem:s0+$0x98D0] =	vst v29;
	v29 =	vmul.f32 v39, v28  }
0x1a4: {  	[tilespmem:s0+$0x98E0] =	vst v31;
	v28 =	vmul.f32 v40, v28  }
0x1a5: {  	[tilespmem:s0+$0x98F0] =	vst v29  }
0x1a6: {  	[tilespmem:s0+$0x9900] =	vst v28  }
0x1a7: {  	s0 =	sshll.u32 s30, $0x6;
	v28 =	vld.idx.msk [tilespmem:v30+s29+$0x0], $0xffff  }
0x1a8: {  	v29 =	vld [tilespmem:s0+$0x48D0]  }
0x1a9: {  	v41 =	vld [tilespmem:s0+$0x70D0]  }
0x1aa: {  	v31 =	vld [tilespmem:s0+$0x48E0]  }
0x1ab: {  	v42 =	vld [tilespmem:s0+$0x70E0]  }
0x1ac: {  	v43 =	vld [tilespmem:s0+$0x48F0]  }
0x1ad: {  	v44 =	vld [tilespmem:s0+$0x70F0]  }
0x1ae: {  	s30 =	sor.u32 $0x5, s10;
	v45 =	vld [tilespmem:s0+$0x4900]  }
0x1af: {  	v46 =	vld [tilespmem:s0+$0x7100];
	v47 =	vmov s30  }
0x1b0: {  	v37 =	vshrl.u32 v47, $0x3  }
0x1b1: {  	v48 =	vshll.u32 v37, v27;
	v29 =	vadd.f32 v41, v29  }
0x1b2: {  	v30 =	vadd.s32 $0x5, v48;
	v31 =	vadd.f32 v42, v31  }
0x1b3: {  	v30 =	vbroadcast v30, $0x0;
	v49 =	vadd.f32 v44, v43;
	v29 =	vmul.f32 v29, v28  }
0x1b4: {  	v50 =	vadd.f32 v46, v45;
	v31 =	vmul.f32 v31, v28  }
0x1b5: {  	[tilespmem:s0+$0x98D0] =	vst v29;
	v29 =	vmul.f32 v49, v28  }
0x1b6: {  	[tilespmem:s0+$0x98E0] =	vst v31;
	v28 =	vmul.f32 v50, v28  }
0x1b7: {  	[tilespmem:s0+$0x98F0] =	vst v29  }
0x1b8: {  	[tilespmem:s0+$0x9900] =	vst v28  }
0x1b9: {  	s0 =	sshll.u32 s30, $0x6;
	v28 =	vld.idx.msk [tilespmem:v30+s29+$0x0], $0xffff  }
0x1ba: {  	v29 =	vld [tilespmem:s0+$0x48D0]  }
0x1bb: {  	v51 =	vld [tilespmem:s0+$0x70D0]  }
0x1bc: {  	v31 =	vld [tilespmem:s0+$0x48E0]  }
0x1bd: {  	v52 =	vld [tilespmem:s0+$0x70E0]  }
0x1be: {  	v53 =	vld [tilespmem:s0+$0x48F0]  }
0x1bf: {  	v54 =	vld [tilespmem:s0+$0x70F0]  }
0x1c0: {  	s30 =	sor.u32 $0x6, s10;
	v55 =	vld [tilespmem:s0+$0x4900]  }
0x1c1: {  	v56 =	vld [tilespmem:s0+$0x7100];
	v57 =	vmov s30  }
0x1c2: {  	v37 =	vshrl.u32 v57, $0x3  }
0x1c3: {  	v58 =	vshll.u32 v37, v27;
	v29 =	vadd.f32 v51, v29  }
0x1c4: {  	v30 =	vadd.s32 $0x6, v58;
	v31 =	vadd.f32 v52, v31  }
0x1c5: {  	v30 =	vbroadcast v30, $0x0;
	v59 =	vadd.f32 v54, v53;
	v29 =	vmul.f32 v29, v28  }
0x1c6: {  	v60 =	vadd.f32 v56, v55;
	v31 =	vmul.f32 v31, v28  }
0x1c7: {  	[tilespmem:s0+$0x98D0] =	vst v29;
	v29 =	vmul.f32 v59, v28  }
0x1c8: {  	[tilespmem:s0+$0x98E0] =	vst v31;
	v28 =	vmul.f32 v60, v28  }
0x1c9: {  	[tilespmem:s0+$0x98F0] =	vst v29  }
0x1ca: {  	[tilespmem:s0+$0x9900] =	vst v28  }
0x1cb: {  	s0 =	sshll.u32 s30, $0x6;
	v28 =	vld.idx.msk [tilespmem:v30+s29+$0x0], $0xffff  }
0x1cc: {  	v29 =	vld [tilespmem:s0+$0x48D0]  }
0x1cd: {  	v61 =	vld [tilespmem:s0+$0x70D0]  }
0x1ce: {  	v31 =	vld [tilespmem:s0+$0x48E0]  }
0x1cf: {  	v62 =	vld [tilespmem:s0+$0x70E0]  }
0x1d0: {  	v63 =	vld [tilespmem:s0+$0x48F0]  }
0x1d1: {  	v40 =	vld [tilespmem:s0+$0x70F0]  }
0x1d2: {  	s30 =	sor.u32 $0x7, s10;
	v41 =	vld [tilespmem:s0+$0x4900]  }
0x1d3: {  	v42 =	vld [tilespmem:s0+$0x7100];
	v43 =	vmov s30  }
0x1d4: {  	v37 =	vshrl.u32 v43, $0x3  }
0x1d5: {  	v44 =	vshll.u32 v37, v27;
	v29 =	vadd.f32 v61, v29  }
0x1d6: {  	v30 =	vadd.s32 $0x7, v44;
	v31 =	vadd.f32 v62, v31  }
0x1d7: {  	v30 =	vbroadcast v30, $0x0;
	v45 =	vadd.f32 v40, v63;
	v29 =	vmul.f32 v29, v28  }
0x1d8: {  	v46 =	vadd.f32 v42, v41;
	v31 =	vmul.f32 v31, v28  }
0x1d9: {  	[tilespmem:s0+$0x98D0] =	vst v29;
	v29 =	vmul.f32 v45, v28  }
0x1da: {  	[tilespmem:s0+$0x98E0] =	vst v31;
	v28 =	vmul.f32 v46, v28  }
0x1db: {  	[tilespmem:s0+$0x98F0] =	vst v29  }
0x1dc: {  	[tilespmem:s0+$0x9900] =	vst v28  }
0x1dd: {  	s0 =	sshll.u32 s30, $0x6;
	v28 =	vld.idx.msk [tilespmem:v30+s29+$0x0], $0xffff  }
0x1de: {  	v29 =	vld [tilespmem:s0+$0x48D0]  }
0x1df: {  	v47 =	vld [tilespmem:s0+$0x70D0]  }
0x1e0: {  	v31 =	vld [tilespmem:s0+$0x48E0]  }
0x1e1: {  	v48 =	vld [tilespmem:s0+$0x70E0]  }
0x1e2: {  	v49 =	vld [tilespmem:s0+$0x48F0]  }
0x1e3: {  	v50 =	vld [tilespmem:s0+$0x70F0]  }
0x1e4: {  	v51 =	vld [tilespmem:s0+$0x4900]  }
0x1e5: {  	s30 =	sor.u32 $0x8, s10;
	v52 =	vld [tilespmem:s0+$0x7100]  }
0x1e6: {  	v53 =	vmov s30  }
0x1e7: {  	v54 =	vshrl.u32 v53, $0x3;
	v29 =	vadd.f32 v47, v29  }
0x1e8: {  	v30 =	vshll.u32 v54, v27;
	v31 =	vadd.f32 v48, v31  }
0x1e9: {  	v30 =	vbroadcast v30, $0x0;
	v55 =	vadd.f32 v50, v49;
	v29 =	vmul.f32 v29, v28  }
0x1ea: {  	v56 =	vadd.f32 v52, v51;
	v31 =	vmul.f32 v31, v28  }
0x1eb: {  	[tilespmem:s0+$0x98D0] =	vst v29;
	v29 =	vmul.f32 v55, v28  }
0x1ec: {  	[tilespmem:s0+$0x98E0] =	vst v31;
	v28 =	vmul.f32 v56, v28  }
0x1ed: {  	[tilespmem:s0+$0x98F0] =	vst v29  }
0x1ee: {  	[tilespmem:s0+$0x9900] =	vst v28  }
0x1ef: {  	s0 =	sshll.u32 s30, $0x6;
	v28 =	vld.idx.msk [tilespmem:v30+s29+$0x0], $0xffff  }
0x1f0: {  	v29 =	vld [tilespmem:s0+$0x48D0]  }
0x1f1: {  	v57 =	vld [tilespmem:s0+$0x70D0]  }
0x1f2: {  	v31 =	vld [tilespmem:s0+$0x48E0]  }
0x1f3: {  	v58 =	vld [tilespmem:s0+$0x70E0]  }
0x1f4: {  	v59 =	vld [tilespmem:s0+$0x48F0]  }
0x1f5: {  	v60 =	vld [tilespmem:s0+$0x70F0]  }
0x1f6: {  	s30 =	sor.u32 $0x9, s10;
	v61 =	vld [tilespmem:s0+$0x4900]  }
0x1f7: {  	v62 =	vld [tilespmem:s0+$0x7100];
	v63 =	vmov s30  }
0x1f8: {  	v37 =	vshrl.u32 v63, $0x3  }
0x1f9: {  	v40 =	vshll.u32 v37, v27;
	v29 =	vadd.f32 v57, v29  }
0x1fa: {  	v30 =	vadd.s32 $0x1, v40;
	v31 =	vadd.f32 v58, v31  }
0x1fb: {  	v30 =	vbroadcast v30, $0x0;
	v41 =	vadd.f32 v60, v59;
	v29 =	vmul.f32 v29, v28  }
0x1fc: {  	v42 =	vadd.f32 v62, v61;
	v31 =	vmul.f32 v31, v28  }
0x1fd: {  	[tilespmem:s0+$0x98D0] =	vst v29;
	v29 =	vmul.f32 v41, v28  }
0x1fe: {  	[tilespmem:s0+$0x98E0] =	vst v31;
	v28 =	vmul.f32 v42, v28  }
0x1ff: {  	[tilespmem:s0+$0x98F0] =	vst v29  }
0x200: {  	[tilespmem:s0+$0x9900] =	vst v28  }
0x201: {  	s0 =	sshll.u32 s30, $0x6;
	v28 =	vld.idx.msk [tilespmem:v30+s29+$0x0], $0xffff  }
0x202: {  	v29 =	vld [tilespmem:s0+$0x48D0]  }
0x203: {  	v43 =	vld [tilespmem:s0+$0x70D0]  }
0x204: {  	v31 =	vld [tilespmem:s0+$0x48E0]  }
0x205: {  	v44 =	vld [tilespmem:s0+$0x70E0]  }
0x206: {  	v45 =	vld [tilespmem:s0+$0x48F0]  }
0x207: {  	v46 =	vld [tilespmem:s0+$0x70F0]  }
0x208: {  	s30 =	sor.u32 $0xA, s10;
	v47 =	vld [tilespmem:s0+$0x4900]  }
0x209: {  	v48 =	vld [tilespmem:s0+$0x7100];
	v49 =	vmov s30  }
0x20a: {  	v37 =	vshrl.u32 v49, $0x3  }
0x20b: {  	v50 =	vshll.u32 v37, v27;
	v29 =	vadd.f32 v43, v29  }
0x20c: {  	v30 =	vadd.s32 $0x2, v50;
	v31 =	vadd.f32 v44, v31  }
0x20d: {  	v30 =	vbroadcast v30, $0x0;
	v51 =	vadd.f32 v46, v45;
	v29 =	vmul.f32 v29, v28  }
0x20e: {  	v52 =	vadd.f32 v48, v47;
	v31 =	vmul.f32 v31, v28  }
0x20f: {  	[tilespmem:s0+$0x98D0] =	vst v29;
	v29 =	vmul.f32 v51, v28  }
0x210: {  	[tilespmem:s0+$0x98E0] =	vst v31;
	v28 =	vmul.f32 v52, v28  }
0x211: {  	[tilespmem:s0+$0x98F0] =	vst v29  }
0x212: {  	[tilespmem:s0+$0x9900] =	vst v28  }
0x213: {  	s0 =	sshll.u32 s30, $0x6;
	v28 =	vld.idx.msk [tilespmem:v30+s29+$0x0], $0xffff  }
0x214: {  	v29 =	vld [tilespmem:s0+$0x48D0]  }
0x215: {  	v53 =	vld [tilespmem:s0+$0x70D0]  }
0x216: {  	v31 =	vld [tilespmem:s0+$0x48E0]  }
0x217: {  	v54 =	vld [tilespmem:s0+$0x70E0]  }
0x218: {  	v55 =	vld [tilespmem:s0+$0x48F0]  }
0x219: {  	v56 =	vld [tilespmem:s0+$0x70F0]  }
0x21a: {  	s30 =	sor.u32 $0xB, s10;
	v57 =	vld [tilespmem:s0+$0x4900]  }
0x21b: {  	v58 =	vld [tilespmem:s0+$0x7100];
	v59 =	vmov s30  }
0x21c: {  	v37 =	vshrl.u32 v59, $0x3  }
0x21d: {  	v60 =	vshll.u32 v37, v27;
	v29 =	vadd.f32 v53, v29  }
0x21e: {  	v30 =	vadd.s32 $0x3, v60;
	v31 =	vadd.f32 v54, v31  }
0x21f: {  	v30 =	vbroadcast v30, $0x0;
	v61 =	vadd.f32 v56, v55;
	v29 =	vmul.f32 v29, v28  }
0x220: {  	v62 =	vadd.f32 v58, v57;
	v31 =	vmul.f32 v31, v28  }
0x221: {  	[tilespmem:s0+$0x98D0] =	vst v29;
	v29 =	vmul.f32 v61, v28  }
0x222: {  	[tilespmem:s0+$0x98E0] =	vst v31;
	v28 =	vmul.f32 v62, v28  }
0x223: {  	[tilespmem:s0+$0x98F0] =	vst v29  }
0x224: {  	[tilespmem:s0+$0x9900] =	vst v28  }
0x225: {  	s0 =	sshll.u32 s30, $0x6;
	v28 =	vld.idx.msk [tilespmem:v30+s29+$0x0], $0xffff  }
0x226: {  	v29 =	vld [tilespmem:s0+$0x48D0]  }
0x227: {  	v63 =	vld [tilespmem:s0+$0x70D0]  }
0x228: {  	v31 =	vld [tilespmem:s0+$0x48E0]  }
0x229: {  	v40 =	vld [tilespmem:s0+$0x70E0]  }
0x22a: {  	v41 =	vld [tilespmem:s0+$0x48F0]  }
0x22b: {  	v42 =	vld [tilespmem:s0+$0x70F0]  }
0x22c: {  	s30 =	sor.u32 $0xC, s10;
	v43 =	vld [tilespmem:s0+$0x4900]  }
0x22d: {  	v44 =	vld [tilespmem:s0+$0x7100];
	v45 =	vmov s30  }
0x22e: {  	v37 =	vshrl.u32 v45, $0x3  }
0x22f: {  	v46 =	vshll.u32 v37, v27;
	v29 =	vadd.f32 v63, v29  }
0x230: {  	v30 =	vadd.s32 $0x4, v46;
	v31 =	vadd.f32 v40, v31  }
0x231: {  	v30 =	vbroadcast v30, $0x0;
	v47 =	vadd.f32 v42, v41;
	v29 =	vmul.f32 v29, v28  }
0x232: {  	v48 =	vadd.f32 v44, v43;
	v31 =	vmul.f32 v31, v28  }
0x233: {  	[tilespmem:s0+$0x98D0] =	vst v29;
	v29 =	vmul.f32 v47, v28  }
0x234: {  	[tilespmem:s0+$0x98E0] =	vst v31;
	v28 =	vmul.f32 v48, v28  }
0x235: {  	[tilespmem:s0+$0x98F0] =	vst v29  }
0x236: {  	[tilespmem:s0+$0x9900] =	vst v28  }
0x237: {  	s0 =	sshll.u32 s30, $0x6;
	v28 =	vld.idx.msk [tilespmem:v30+s29+$0x0], $0xffff  }
0x238: {  	v29 =	vld [tilespmem:s0+$0x48D0]  }
0x239: {  	v49 =	vld [tilespmem:s0+$0x70D0]  }
0x23a: {  	v31 =	vld [tilespmem:s0+$0x48E0]  }
0x23b: {  	v50 =	vld [tilespmem:s0+$0x70E0]  }
0x23c: {  	v51 =	vld [tilespmem:s0+$0x48F0]  }
0x23d: {  	v52 =	vld [tilespmem:s0+$0x70F0]  }
0x23e: {  	s30 =	sor.u32 $0xD, s10;
	v53 =	vld [tilespmem:s0+$0x4900]  }
0x23f: {  	v54 =	vld [tilespmem:s0+$0x7100];
	v55 =	vmov s30  }
0x240: {  	v37 =	vshrl.u32 v55, $0x3  }
0x241: {  	v56 =	vshll.u32 v37, v27;
	v29 =	vadd.f32 v49, v29  }
0x242: {  	v30 =	vadd.s32 $0x5, v56;
	v31 =	vadd.f32 v50, v31  }
0x243: {  	v30 =	vbroadcast v30, $0x0;
	v57 =	vadd.f32 v52, v51;
	v29 =	vmul.f32 v29, v28  }
0x244: {  	v58 =	vadd.f32 v54, v53;
	v31 =	vmul.f32 v31, v28  }
0x245: {  	[tilespmem:s0+$0x98D0] =	vst v29;
	v29 =	vmul.f32 v57, v28  }
0x246: {  	[tilespmem:s0+$0x98E0] =	vst v31;
	v28 =	vmul.f32 v58, v28  }
0x247: {  	[tilespmem:s0+$0x98F0] =	vst v29  }
0x248: {  	[tilespmem:s0+$0x9900] =	vst v28  }
0x249: {  	s30 =	sshll.u32 s30, $0x6;
	v28 =	vld.idx.msk [tilespmem:v30+s29+$0x0], $0xffff  }
0x24a: {  	v29 =	vld [tilespmem:s30+$0x48D0]  }
0x24b: {  	v59 =	vld [tilespmem:s30+$0x70D0]  }
0x24c: {  	v31 =	vld [tilespmem:s30+$0x48E0]  }
0x24d: {  	v60 =	vld [tilespmem:s30+$0x70E0]  }
0x24e: {  	v61 =	vld [tilespmem:s30+$0x48F0]  }
0x24f: {  	v62 =	vld [tilespmem:s30+$0x70F0]  }
0x250: {  	s10 =	sor.u32 $0xE, s10;
	v63 =	vld [tilespmem:s30+$0x4900]  }
0x251: {  	v41 =	vmov s10;
	v40 =	vld [tilespmem:s30+$0x7100]  }
0x252: {  	v37 =	vshrl.u32 v41, $0x3  }
0x253: {  	v42 =	vshll.u32 v37, v27;
	v29 =	vadd.f32 v59, v29  }
0x254: {  	v30 =	vadd.s32 $0x6, v42;
	v31 =	vadd.f32 v60, v31  }
0x255: {  	v30 =	vbroadcast v30, $0x0;
	v43 =	vadd.f32 v62, v61;
	v29 =	vmul.f32 v29, v28  }
0x256: {  	v44 =	vadd.f32 v40, v63;
	v31 =	vmul.f32 v31, v28  }
0x257: {  	[tilespmem:s30+$0x98D0] =	vst v29;
	v29 =	vmul.f32 v43, v28  }
0x258: {  	[tilespmem:s30+$0x98E0] =	vst v31;
	v28 =	vmul.f32 v44, v28  }
0x259: {  	[tilespmem:s30+$0x98F0] =	vst v29  }
0x25a: {  	[tilespmem:s30+$0x9900] =	vst v28  }
0x25b: {  	s10 =	sshll.u32 s10, $0x6;
	v28 =	vld.idx.msk [tilespmem:v30+s29+$0x0], $0xffff  }
0x25c: {  	v29 =	vld [tilespmem:s10+$0x48D0]  }
0x25d: {  	v45 =	vld [tilespmem:s10+$0x70D0]  }
0x25e: {  	v31 =	vld [tilespmem:s10+$0x48E0]  }
0x25f: {  	v46 =	vld [tilespmem:s10+$0x70E0]  }
0x260: {  	v47 =	vld [tilespmem:s10+$0x48F0]  }
0x261: {  	v48 =	vld [tilespmem:s10+$0x70F0]  }
0x262: {  	s30 =	sshllo.u32 s15, $0x4;
	v49 =	vld [tilespmem:s10+$0x4900]  }
0x263: {  	v50 =	vld [tilespmem:s10+$0x7100];
	v51 =	vmov s30  }
0x264: {  	v37 =	vshrl.u32 v51, $0x3  }
0x265: {  	v52 =	vshll.u32 v37, v27;
	v29 =	vadd.f32 v45, v29  }
0x266: {  	v30 =	vadd.s32 $0x7, v52;
	v31 =	vadd.f32 v46, v31  }
0x267: {  	v30 =	vbroadcast v30, $0x0;
	v53 =	vadd.f32 v48, v47;
	v29 =	vmul.f32 v29, v28  }
0x268: {  	v54 =	vadd.f32 v50, v49;
	v31 =	vmul.f32 v31, v28  }
0x269: {  	[tilespmem:s10+$0x98D0] =	vst v29;
	v29 =	vmul.f32 v53, v28  }
0x26a: {  	[tilespmem:s10+$0x98E0] =	vst v31;
	v28 =	vmul.f32 v54, v28  }
0x26b: {  	[tilespmem:s10+$0x98F0] =	vst v29  }
0x26c: {  	[tilespmem:s10+$0x9900] =	vst v28  }
0x26d: {  	s30 =	sshll.u32 s30, $0x6;
	v28 =	vld.idx.msk [tilespmem:v30+s29+$0x0], $0xffff  }
0x26e: {  	v29 =	vld [tilespmem:s30+$0x48D0]  }
0x26f: {  	v55 =	vld [tilespmem:s30+$0x70D0]  }
0x270: {  	v31 =	vld [tilespmem:s30+$0x48E0]  }
0x271: {  	v56 =	vld [tilespmem:s30+$0x70E0]  }
0x272: {  	v57 =	vld [tilespmem:s30+$0x48F0]  }
0x273: {  	v58 =	vld [tilespmem:s30+$0x70F0]  }
0x274: {  	v59 =	vld [tilespmem:s30+$0x4900]  }
0x275: {  	v60 =	vld [tilespmem:s30+$0x7100];
	_ =	sdelay $0x1  }
0x276: {  	v29 =	vadd.f32 v55, v29  }
0x277: {  	v61 =	vadd.f32 v56, v31  }
0x278: {  	p2 =	sne.s32 s15, $0x4;
	v62 =	vadd.f32 v58, v57;
	v29 =	vmul.f32 v29, v28  }
.Ltmp0:
0x279: {  	v63 =	vadd.f32 v60, v59;
	v30 =	vmul.f32 v61, v28;
	(pc) =	sbr.rel @p2 .LBB2_3-.Ltmp0, $4  }
0x27a: {  	[tilespmem:s30+$0x98D0] =	vst v29;
	v29 =	vmul.f32 v62, v28  }
0x27b: {  	[tilespmem:s30+$0x98E0] =	vst v30;
	v28 =	vmul.f32 v63, v28  }
0x27c: {  	[tilespmem:s30+$0x98F0] =	vst v29  }
0x27d: {  	s15 =	sadd.s32 $0x1, s15;
	[tilespmem:s30+$0x9900] =	vst v28  }
.Ltmp1:
0x27e: {  	(pc) =	sbr.rel @p1 .LBB2_6-.Ltmp1, $3  }
0x27f: {  	_ =	sdelay $0x1  }
0x280: {  	s0 =	simm.s32 $0x2A30;
	s10 =	simm.s32 $0x98D0  }
0x281: {  	[spmem:s3] =	stream.indirect.scatter.add.f32 [tilespmem:s10], [sflag:$0x5], $0x40, s0, s2, $0xb8;
	[tilespmem:$0x19210] =	vst v63  }
0x282: {  	s0 =	simm.s32 $0x1  }
0x283: {  	_ =	swait.ge [sflag:s0], $0x140  }
0x284: {  	[sflag:s0] =	ssyncset.done $0x0  }
0x285: {  	[sflag:s0] =	ssyncadd.s32 $0xFFFFFEC0  }
0x286: {  	v28 =	vld [tilespmem:$0x2800];
	_ =	sdelay $0x5  }
0x287: {  	v29 =	vld [tilespmem:$0x2710]  }
0x288: {  	v30 =	vld [tilespmem:$0x2810]  }
0x289: {  	v28 =	vld.idx.msk [tilespmem:v28+s4+$0x0], $0xffff  }
0x28a: {  	v31 =	vld [tilespmem:$0x2760];
	_ =	sdelay $0x3  }
0x28b: {  	[tilespmem:$0x2990] =	vst v28;
	v28 =	vadd.s32 v1, v29  }
0x28c: {  	v57 =	vld [tilespmem:$0x2820];
	[tilespmem:$0x2710] =	vst v28;
	v28 =	vadd.s32 v2, v31  }
0x28d: {  	v29 =	vld [tilespmem:$0x2720];
	[tilespmem:$0x2760] =	vst v28  }
0x28e: {  	v28 =	vld.idx.msk [tilespmem:v30+s4+$0x0], $0xffff  }
0x28f: {  	v58 =	vld [tilespmem:$0x2770];
	_ =	sdelay $0x3  }
0x290: {  	[tilespmem:$0x29A0] =	vst v28;
	v28 =	vadd.s32 v1, v29  }
0x291: {  	v59 =	vld [tilespmem:$0x2830];
	[tilespmem:$0x2720] =	vst v28;
	v28 =	vadd.s32 v2, v58  }
0x292: {  	v29 =	vld [tilespmem:$0x2730];
	[tilespmem:$0x2770] =	vst v28  }
0x293: {  	v28 =	vld.idx.msk [tilespmem:v57+s4+$0x0], $0xffff  }
0x294: {  	v60 =	vld [tilespmem:$0x2780];
	_ =	sdelay $0x3  }
0x295: {  	[tilespmem:$0x29B0] =	vst v28;
	v28 =	vadd.s32 v1, v29  }
0x296: {  	v61 =	vld [tilespmem:$0x2840];
	[tilespmem:$0x2730] =	vst v28;
	v28 =	vadd.s32 v2, v60  }
0x297: {  	v29 =	vld [tilespmem:$0x2740];
	[tilespmem:$0x2780] =	vst v28  }
0x298: {  	v28 =	vld.idx.msk [tilespmem:v59+s4+$0x0], $0xffff  }
0x299: {  	v62 =	vld [tilespmem:$0x2790];
	_ =	sdelay $0x3  }
0x29a: {  	[tilespmem:$0x29C0] =	vst v28;
	v28 =	vadd.s32 v1, v29  }
0x29b: {  	[tilespmem:$0x2740] =	vst v28;
	v28 =	vadd.s32 v2, v62  }
0x29c: {  	v29 =	vld [tilespmem:$0x2750];
	[tilespmem:$0x2790] =	vst v28  }
0x29d: {  	v28 =	vld.idx.msk [tilespmem:v61+s4+$0x0], $0xffff  }
0x29e: {  	v63 =	vld [tilespmem:$0x27A0];
	_ =	sdelay $0x3  }
0x29f: {  	[tilespmem:$0x29D0] =	vst v28;
	v28 =	vadd.s32 v1, v29  }
0x2a0: {  	[tilespmem:$0x2750] =	vst v28;
	v28 =	vadd.s32 v2, v63  }
0x2a1: {  	s30 =	simm.s32 $0x5;
	[tilespmem:$0x27A0] =	vst v28  }
0x2a2: {  	_ =	swait.ge [sflag:s30], $0x1400  }
0x2a3: {  	[sflag:s30] =	ssyncset.done $0x0  }
0x2a4: {  	s10 =	simm.s32 $0x48D0;
	[sflag:s30] =	ssyncadd.s32 $0xFFFFEC00  }
0x2a5: {  	[tilespmem:s10], [sflag:$0x3] =	stream.indirect.gather [hbm4b:s5+s2], $0x40, s11, s2, $0xb8;
	[tilespmem:$0x19210] =	vst v63  }
0x2a6: {  	s15 =	simm.s32 $0x2760;
	s10 =	simm.s32 $0x70D0  }
0x2a7: {  	[tilespmem:s10], [sflag:$0x3] =	stream.indirect.gather [hbm4b:s6+s2], $0x40, s15, s2, $0xb8;
	[tilespmem:$0x19210] =	vst v63  }
0x2a8: {  	_ = 	snop  }
0x2a9: {  	[tilespmem:s12], [sflag:$0x3] =	stream.indirect.gather [hbm4b:s7+s2], $0x10, s11, s2, $0xb8;
	[tilespmem:$0x19210] =	vst v63  }
0x2aa: {  	_ = 	snop  }
0x2ab: {  	[tilespmem:s16], [sflag:$0x3] =	stream.indirect.gather [hbm4b:s8+s2], $0x10, s15, s2, $0xb8;
	[tilespmem:$0x19210] =	vst v63  }
0x2ac: {  	s30 =	simm.s32 $0x2990  }
0x2ad: {  	[tilespmem:s18], [sflag:$0x3] =	stream.indirect.gather [hbm4b:s9+s2], $0x10, s30, s2, $0xb8;
	[tilespmem:$0x19210] =	vst v63  }
.LBB2_6:
0x2ae: {  	_ =	swait.ge [sflag:s28], $0x1400  }
0x2af: {  	[sflag:s28] =	ssyncset.done $0x0  }
0x2b0: {  	[sflag:s28] =	ssyncadd.s32 $0xFFFFEC00  }
0x2b1: {  	_ =	swait.ge [sflag:s28], $0x1400  }
0x2b2: {  	[sflag:s28] =	ssyncset.done $0x0  }
0x2b3: {  	[sflag:s28] =	ssyncadd.s32 $0xFFFFEC00  }
0x2b4: {  	_ =	swait.ge [sflag:s28], $0x500  }
0x2b5: {  	[sflag:s28] =	ssyncset.done $0x0  }
0x2b6: {  	[sflag:s28] =	ssyncadd.s32 $0xFFFFFB00  }
0x2b7: {  	_ =	swait.ge [sflag:s28], $0x500  }
0x2b8: {  	[sflag:s28] =	ssyncset.done $0x0  }
0x2b9: {  	[sflag:s28] =	ssyncadd.s32 $0xFFFFFB00  }
0x2ba: {  	_ =	swait.ge [sflag:s28], $0x500  }
0x2bb: {  	[sflag:s28] =	ssyncset.done $0x0  }
0x2bc: {  	[sflag:s28] =	ssyncadd.s32 $0xFFFFFB00  }
0x2bd: {  	v28 =	vld [tilespmem:$0x28F0]  }
0x2be: {  	v29 =	vld [tilespmem:$0x2900]  }
0x2bf: {  	v30 =	vld [tilespmem:$0x2910]  }
0x2c0: {  	v31 =	vld [tilespmem:$0x2920]  }
0x2c1: {  	v32 =	vld [tilespmem:$0x2930]  }
0x2c2: {  	[tilespmem:$0x2A80] =	vst v28  }
0x2c3: {  	s0 =	sadd.s32 @!p1 s24, s22;
	[tilespmem:$0x2A90] =	vst v29  }
0x2c4: {  	s0 =	smul.u32 @!p1 $0x28, s0;
	[tilespmem:$0x2AA0] =	vst v30  }
0x2c5: {  	[tilespmem:$0x2AB0] =	vst v31  }
0x2c6: {  	s10 =	simm.s32 @!p1 $0x0;
	s15 =	simm.s32 @!p1 $0x2850;
	s0 =	sadd.s32 @!p1 s1, s0;
	[tilespmem:$0x2AC0] =	vst v32  }
0x2c7: {  	[tilespmem:s15], [sflag:$0x2] =	stream.linear.gather @!p1 [hbm4b:s0+s10], $0x140, $0x38;
	[tilespmem:$0x19210] =	vst v63  }
0x2c8: {  	v28 =	vld.idx.msk [tilespmem:v0+s13+$0x0], $0xffff  }
0x2c9: {  	v29 =	vld.idx.msk [tilespmem:v0+s14+$0x0], $0xffff  }
0x2ca: {  	v30 =	vld.idx.msk [tilespmem:v0+s26+$0x0], $0xffff  }
0x2cb: {  	v62 =	vld [tilespmem:$0xC170]  }
0x2cc: {  	v32 =	vld.idx.msk [tilespmem:v3+s13+$0x0], $0xffff  }
0x2cd: {  	v33 =	vld.idx.msk [tilespmem:v3+s14+$0x0], $0xffff  }
0x2ce: {  	v34 =	vld.idx.msk [tilespmem:v3+s26+$0x0], $0xffff  }
0x2cf: {  	v35 =	vld [tilespmem:$0xC180]  }
0x2d0: {  	v36 =	vld.idx.msk [tilespmem:v4+s13+$0x0], $0xffff  }
0x2d1: {  	v37 =	vld.idx.msk [tilespmem:v4+s14+$0x0], $0xffff  }
0x2d2: {  	v38 =	vld.idx.msk [tilespmem:v4+s26+$0x0], $0xffff  }
0x2d3: {  	v39 =	vld.idx.msk [tilespmem:v5+s13+$0x0], $0xffff  }
0x2d4: {  	v40 =	vld.idx.msk [tilespmem:v5+s14+$0x0], $0xffff  }
0x2d5: {  	v63 =	vld.idx.msk [tilespmem:v6+s13+$0x0], $0xffff  }
0x2d6: {  	v42 =	vld.idx.msk [tilespmem:v6+s14+$0x0], $0xffff;
	v28 =	vadd.f32 v29, v28;
	v32 =	vadd.f32 v33, v32  }
0x2d7: {  	v29 =	vld.idx.msk [tilespmem:v5+s26+$0x0], $0xffff;
	v43 =	vadd.f32 v37, v36  }
0x2d8: {  	v44 =	vld [tilespmem:$0xC190];
	v28 =	vadd.f32 v30, v28;
	v32 =	vadd.f32 v34, v32  }
0x2d9: {  	v45 =	vld.idx.msk [tilespmem:v6+s26+$0x0], $0xffff;
	v46 =	vadd.f32 v40, v39  }
0x2da: {  	v47 =	vld [tilespmem:$0xC1A0];
	v34 =	vadd.f32 v38, v43;
	v28 =	vmax.f32 v28, $0.0e+00;
	v32 =	vmax.f32 v32, $0.0e+00  }
0x2db: {  	v28 =	vmul.f32 v28, v62;
	v48 =	vmul.f32 v32, v35  }
0x2dc: {  	v50 =	vld [tilespmem:$0xC1B0];
	v30 =	vadd.f32 v42, v63;
	v49 =	vmax.f32 v34, $0.0e+00;
	v29 =	vadd.f32 v29, v46  }
0x2dd: {  	v51 =	vmul.f32 v49, v44;
	v28 =	vadd.f32 v48, v28  }
0x2de: {  	v30 =	vadd.f32 v45, v30;
	v29 =	vmax.f32 v29, $0.0e+00  }
0x2df: {  	v29 =	vmul.f32 v29, v47;
	v28 =	vadd.f32 v51, v28  }
0x2e0: {  	v52 =	vld [tilespmem:$0xC1C0];
	v30 =	vmax.f32 v30, $0.0e+00  }
0x2e1: {  	v28 =	vadd.f32 v29, v28;
	v29 =	vmul.f32 v30, v50;
	_ =	sdelay $0x1  }
0x2e2: {  	v28 =	vadd.f32 v29, v28;
	_ =	sdelay $0x1  }
0x2e3: {  	v28 =	vadd.f32 v28, v52;
	_ =	sdelay $0x1  }
0x2e4: {  	v28 =	vsub.f32 $0.0e+00, v28;
	_ =	sdelay $0x1  }
0x2e5: {  	v28 =	vmul.f32 $1.442695020e+00, v28;
	_ =	sdelay $0x1  }
0x2e6: {  	(erf) = vpow2.f32 v28;
	_ =	sdelay $0x8  }
0x2e7: {  	v28 =	vpop (erf)  }
0x2e8: {  	v28 =	vadd.f32 $1.000000000e+00, v28;
	_ =	sdelay $0x1  }
0x2e9: {  	(erf) = vrcp.f32 v28;
	_ =	sdelay $0x8  }
0x2ea: {  	v54 =	vld [tilespmem:$0xC170];
	v28 =	vpop (erf)  }
0x2eb: {  	v58 =	vld [tilespmem:$0xC180];
	[tilespmem:$0xC120] =	vst v28  }
0x2ec: {  	v28 =	vld.idx.msk [tilespmem:v7+s13+$0x0], $0xffff  }
0x2ed: {  	v29 =	vld.idx.msk [tilespmem:v7+s14+$0x0], $0xffff  }
0x2ee: {  	v53 =	vld.idx.msk [tilespmem:v7+s26+$0x0], $0xffff  }
0x2ef: {  	v55 =	vld.idx.msk [tilespmem:v8+s13+$0x0], $0xffff  }
0x2f0: {  	v56 =	vld.idx.msk [tilespmem:v8+s14+$0x0], $0xffff  }
0x2f1: {  	v57 =	vld.idx.msk [tilespmem:v8+s26+$0x0], $0xffff  }
0x2f2: {  	v59 =	vld.idx.msk [tilespmem:v9+s13+$0x0], $0xffff  }
0x2f3: {  	v60 =	vld.idx.msk [tilespmem:v9+s14+$0x0], $0xffff  }
0x2f4: {  	v61 =	vld.idx.msk [tilespmem:v9+s26+$0x0], $0xffff  }
0x2f5: {  	v62 =	vld.idx.msk [tilespmem:v10+s13+$0x0], $0xffff  }
0x2f6: {  	v63 =	vld.idx.msk [tilespmem:v10+s14+$0x0], $0xffff  }
0x2f7: {  	v44 =	vld.idx.msk [tilespmem:v11+s13+$0x0], $0xffff  }
0x2f8: {  	v45 =	vld.idx.msk [tilespmem:v11+s14+$0x0], $0xffff;
	v28 =	vadd.f32 v29, v28;
	v32 =	vadd.f32 v56, v55  }
0x2f9: {  	v29 =	vld.idx.msk [tilespmem:v10+s26+$0x0], $0xffff;
	v46 =	vadd.f32 v60, v59  }
0x2fa: {  	v47 =	vld [tilespmem:$0xC190];
	v28 =	vadd.f32 v53, v28;
	v32 =	vadd.f32 v57, v32  }
0x2fb: {  	v48 =	vld.idx.msk [tilespmem:v11+s26+$0x0], $0xffff;
	v49 =	vadd.f32 v63, v62  }
0x2fc: {  	v50 =	vld [tilespmem:$0xC1A0];
	v34 =	vadd.f32 v61, v46;
	v28 =	vmax.f32 v28, $0.0e+00;
	v32 =	vmax.f32 v32, $0.0e+00  }
0x2fd: {  	v28 =	vmul.f32 v28, v54;
	v51 =	vmul.f32 v32, v58  }
0x2fe: {  	v30 =	vadd.f32 v45, v44;
	v53 =	vld [tilespmem:$0xC1B0];
	v52 =	vmax.f32 v34, $0.0e+00;
	v29 =	vadd.f32 v29, v49  }
0x2ff: {  	v54 =	vmul.f32 v52, v47;
	v28 =	vadd.f32 v51, v28  }
0x300: {  	v30 =	vadd.f32 v48, v30;
	v29 =	vmax.f32 v29, $0.0e+00  }
0x301: {  	v29 =	vmul.f32 v29, v50;
	v28 =	vadd.f32 v54, v28  }
0x302: {  	v55 =	vld [tilespmem:$0xC1C0];
	v30 =	vmax.f32 v30, $0.0e+00  }
0x303: {  	v28 =	vadd.f32 v29, v28;
	v29 =	vmul.f32 v30, v53;
	_ =	sdelay $0x1  }
0x304: {  	v28 =	vadd.f32 v29, v28;
	_ =	sdelay $0x1  }
0x305: {  	v28 =	vadd.f32 v28, v55;
	_ =	sdelay $0x1  }
0x306: {  	v28 =	vsub.f32 $0.0e+00, v28;
	_ =	sdelay $0x1  }
0x307: {  	v28 =	vmul.f32 $1.442695020e+00, v28;
	_ =	sdelay $0x1  }
0x308: {  	(erf) = vpow2.f32 v28;
	_ =	sdelay $0x8  }
0x309: {  	v28 =	vpop (erf)  }
0x30a: {  	v28 =	vadd.f32 $1.000000000e+00, v28;
	_ =	sdelay $0x1  }
0x30b: {  	(erf) = vrcp.f32 v28;
	_ =	sdelay $0x8  }
0x30c: {  	v57 =	vld [tilespmem:$0xC170];
	v28 =	vpop (erf)  }
0x30d: {  	v61 =	vld [tilespmem:$0xC180];
	[tilespmem:$0xC130] =	vst v28  }
0x30e: {  	v28 =	vld.idx.msk [tilespmem:v12+s13+$0x0], $0xffff  }
0x30f: {  	v29 =	vld.idx.msk [tilespmem:v12+s14+$0x0], $0xffff  }
0x310: {  	v56 =	vld.idx.msk [tilespmem:v12+s26+$0x0], $0xffff  }
0x311: {  	v58 =	vld.idx.msk [tilespmem:v13+s13+$0x0], $0xffff  }
0x312: {  	v59 =	vld.idx.msk [tilespmem:v13+s14+$0x0], $0xffff  }
0x313: {  	v60 =	vld.idx.msk [tilespmem:v13+s26+$0x0], $0xffff  }
0x314: {  	v62 =	vld.idx.msk [tilespmem:v14+s13+$0x0], $0xffff  }
0x315: {  	v63 =	vld.idx.msk [tilespmem:v14+s14+$0x0], $0xffff  }
0x316: {  	v44 =	vld.idx.msk [tilespmem:v14+s26+$0x0], $0xffff  }
0x317: {  	v45 =	vld.idx.msk [tilespmem:v15+s13+$0x0], $0xffff  }
0x318: {  	v46 =	vld.idx.msk [tilespmem:v15+s14+$0x0], $0xffff  }
0x319: {  	v47 =	vld.idx.msk [tilespmem:v16+s13+$0x0], $0xffff  }
0x31a: {  	v48 =	vld.idx.msk [tilespmem:v16+s14+$0x0], $0xffff;
	v28 =	vadd.f32 v29, v28;
	v32 =	vadd.f32 v59, v58  }
0x31b: {  	v29 =	vld.idx.msk [tilespmem:v15+s26+$0x0], $0xffff;
	v49 =	vadd.f32 v63, v62  }
0x31c: {  	v50 =	vld [tilespmem:$0xC190];
	v28 =	vadd.f32 v56, v28;
	v32 =	vadd.f32 v60, v32  }
0x31d: {  	v51 =	vld.idx.msk [tilespmem:v16+s26+$0x0], $0xffff;
	v52 =	vadd.f32 v46, v45  }
0x31e: {  	v53 =	vld [tilespmem:$0xC1A0];
	v34 =	vadd.f32 v44, v49;
	v28 =	vmax.f32 v28, $0.0e+00;
	v32 =	vmax.f32 v32, $0.0e+00  }
0x31f: {  	v28 =	vmul.f32 v28, v57;
	v54 =	vmul.f32 v32, v61  }
0x320: {  	v30 =	vadd.f32 v48, v47;
	v56 =	vld [tilespmem:$0xC1B0];
	v55 =	vmax.f32 v34, $0.0e+00;
	v29 =	vadd.f32 v29, v52  }
0x321: {  	v57 =	vmul.f32 v55, v50;
	v28 =	vadd.f32 v54, v28  }
0x322: {  	v30 =	vadd.f32 v51, v30;
	v29 =	vmax.f32 v29, $0.0e+00  }
0x323: {  	v29 =	vmul.f32 v29, v53;
	v28 =	vadd.f32 v57, v28  }
0x324: {  	v58 =	vld [tilespmem:$0xC1C0];
	v30 =	vmax.f32 v30, $0.0e+00  }
0x325: {  	v28 =	vadd.f32 v29, v28;
	v29 =	vmul.f32 v30, v56;
	_ =	sdelay $0x1  }
0x326: {  	v28 =	vadd.f32 v29, v28;
	_ =	sdelay $0x1  }
0x327: {  	v28 =	vadd.f32 v28, v58;
	_ =	sdelay $0x1  }
0x328: {  	v28 =	vsub.f32 $0.0e+00, v28;
	_ =	sdelay $0x1  }
0x329: {  	v28 =	vmul.f32 $1.442695020e+00, v28;
	_ =	sdelay $0x1  }
0x32a: {  	(erf) = vpow2.f32 v28;
	_ =	sdelay $0x8  }
0x32b: {  	v28 =	vpop (erf)  }
0x32c: {  	v28 =	vadd.f32 $1.000000000e+00, v28;
	_ =	sdelay $0x1  }
0x32d: {  	(erf) = vrcp.f32 v28;
	_ =	sdelay $0x8  }
0x32e: {  	v60 =	vld [tilespmem:$0xC170];
	v28 =	vpop (erf)  }
0x32f: {  	v44 =	vld [tilespmem:$0xC180];
	[tilespmem:$0xC140] =	vst v28  }
0x330: {  	v28 =	vld.idx.msk [tilespmem:v17+s13+$0x0], $0xffff  }
0x331: {  	v29 =	vld.idx.msk [tilespmem:v17+s14+$0x0], $0xffff  }
0x332: {  	v59 =	vld.idx.msk [tilespmem:v17+s26+$0x0], $0xffff  }
0x333: {  	v61 =	vld.idx.msk [tilespmem:v18+s13+$0x0], $0xffff  }
0x334: {  	v62 =	vld.idx.msk [tilespmem:v18+s14+$0x0], $0xffff  }
0x335: {  	v63 =	vld.idx.msk [tilespmem:v18+s26+$0x0], $0xffff  }
0x336: {  	v45 =	vld.idx.msk [tilespmem:v19+s13+$0x0], $0xffff  }
0x337: {  	v46 =	vld.idx.msk [tilespmem:v19+s14+$0x0], $0xffff  }
0x338: {  	v47 =	vld.idx.msk [tilespmem:v19+s26+$0x0], $0xffff  }
0x339: {  	v48 =	vld.idx.msk [tilespmem:v20+s13+$0x0], $0xffff  }
0x33a: {  	v49 =	vld.idx.msk [tilespmem:v20+s14+$0x0], $0xffff  }
0x33b: {  	v50 =	vld.idx.msk [tilespmem:v21+s13+$0x0], $0xffff  }
0x33c: {  	v51 =	vld.idx.msk [tilespmem:v21+s14+$0x0], $0xffff;
	v28 =	vadd.f32 v29, v28;
	v32 =	vadd.f32 v62, v61  }
0x33d: {  	v29 =	vld.idx.msk [tilespmem:v20+s26+$0x0], $0xffff;
	v52 =	vadd.f32 v46, v45  }
0x33e: {  	v53 =	vld [tilespmem:$0xC190];
	v28 =	vadd.f32 v59, v28;
	v32 =	vadd.f32 v63, v32  }
0x33f: {  	v54 =	vld.idx.msk [tilespmem:v21+s26+$0x0], $0xffff;
	v55 =	vadd.f32 v49, v48  }
0x340: {  	v56 =	vld [tilespmem:$0xC1A0];
	v34 =	vadd.f32 v47, v52;
	v28 =	vmax.f32 v28, $0.0e+00;
	v32 =	vmax.f32 v32, $0.0e+00  }
0x341: {  	v28 =	vmul.f32 v28, v60;
	v57 =	vmul.f32 v32, v44  }
0x342: {  	v30 =	vadd.f32 v51, v50;
	v59 =	vld [tilespmem:$0xC1B0];
	v58 =	vmax.f32 v34, $0.0e+00;
	v29 =	vadd.f32 v29, v55  }
0x343: {  	v60 =	vmul.f32 v58, v53;
	v28 =	vadd.f32 v57, v28  }
0x344: {  	v30 =	vadd.f32 v54, v30;
	v29 =	vmax.f32 v29, $0.0e+00  }
0x345: {  	v29 =	vmul.f32 v29, v56;
	v28 =	vadd.f32 v60, v28  }
0x346: {  	v61 =	vld [tilespmem:$0xC1C0];
	v30 =	vmax.f32 v30, $0.0e+00  }
0x347: {  	v28 =	vadd.f32 v29, v28;
	v29 =	vmul.f32 v30, v59;
	_ =	sdelay $0x1  }
0x348: {  	v28 =	vadd.f32 v29, v28;
	_ =	sdelay $0x1  }
0x349: {  	v28 =	vadd.f32 v28, v61;
	_ =	sdelay $0x1  }
0x34a: {  	v28 =	vsub.f32 $0.0e+00, v28;
	_ =	sdelay $0x1  }
0x34b: {  	v28 =	vmul.f32 $1.442695020e+00, v28;
	_ =	sdelay $0x1  }
0x34c: {  	(erf) = vpow2.f32 v28;
	_ =	sdelay $0x8  }
0x34d: {  	v28 =	vpop (erf)  }
0x34e: {  	v28 =	vadd.f32 $1.000000000e+00, v28;
	_ =	sdelay $0x1  }
0x34f: {  	(erf) = vrcp.f32 v28;
	_ =	sdelay $0x8  }
0x350: {  	v63 =	vld [tilespmem:$0xC170];
	v28 =	vpop (erf)  }
0x351: {  	v47 =	vld [tilespmem:$0xC180];
	[tilespmem:$0xC150] =	vst v28  }
0x352: {  	v28 =	vld.idx.msk [tilespmem:v22+s13+$0x0], $0xffff  }
0x353: {  	v29 =	vld.idx.msk [tilespmem:v22+s14+$0x0], $0xffff  }
0x354: {  	v62 =	vld.idx.msk [tilespmem:v22+s26+$0x0], $0xffff  }
0x355: {  	v44 =	vld.idx.msk [tilespmem:v23+s13+$0x0], $0xffff  }
0x356: {  	v45 =	vld.idx.msk [tilespmem:v23+s14+$0x0], $0xffff  }
0x357: {  	v46 =	vld.idx.msk [tilespmem:v23+s26+$0x0], $0xffff  }
0x358: {  	v48 =	vld.idx.msk [tilespmem:v24+s13+$0x0], $0xffff  }
0x359: {  	v49 =	vld.idx.msk [tilespmem:v24+s14+$0x0], $0xffff  }
0x35a: {  	v50 =	vld.idx.msk [tilespmem:v24+s26+$0x0], $0xffff  }
0x35b: {  	v51 =	vld.idx.msk [tilespmem:v25+s13+$0x0], $0xffff  }
0x35c: {  	v52 =	vld.idx.msk [tilespmem:v25+s14+$0x0], $0xffff  }
0x35d: {  	v41 =	vld.idx.msk [tilespmem:v25+s26+$0x0], $0xffff  }
0x35e: {  	v53 =	vld.idx.msk [tilespmem:v26+s13+$0x0], $0xffff;
	v28 =	vadd.f32 v29, v28;
	v29 =	vadd.f32 v45, v44  }
0x35f: {  	v55 =	vld.idx.msk [tilespmem:v26+s14+$0x0], $0xffff;
	v54 =	vadd.f32 v49, v48  }
0x360: {  	v56 =	vld [tilespmem:$0xC190];
	v28 =	vadd.f32 v62, v28;
	v29 =	vadd.f32 v46, v29  }
0x361: {  	v57 =	vld.idx.msk [tilespmem:v26+s26+$0x0], $0xffff;
	v58 =	vadd.f32 v52, v51  }
0x362: {  	v59 =	vld [tilespmem:$0xC1A0];
	v33 =	vadd.f32 v50, v54;
	v28 =	vmax.f32 v28, $0.0e+00;
	v29 =	vmax.f32 v29, $0.0e+00  }
0x363: {  	v28 =	vmul.f32 v28, v63;
	v29 =	vmul.f32 v29, v47  }
0x364: {  	v61 =	vld [tilespmem:$0xC1B0];
	v32 =	vadd.f32 v55, v53;
	v60 =	vadd.f32 v41, v58;
	v33 =	vmax.f32 v33, $0.0e+00  }
0x365: {  	v28 =	vadd.f32 v29, v28;
	v29 =	vmul.f32 v33, v56  }
0x366: {  	v62 =	vadd.f32 v57, v32;
	v31 =	vmax.f32 v60, $0.0e+00  }
0x367: {  	v28 =	vadd.f32 v29, v28;
	v29 =	vmul.f32 v31, v59  }
0x368: {  	v30 =	vmax.f32 v62, $0.0e+00;
	v63 =	vld [tilespmem:$0xC1C0]  }
0x369: {  	v28 =	vadd.f32 v29, v28;
	v29 =	vmul.f32 v30, v61;
	_ =	sdelay $0x1  }
0x36a: {  	v28 =	vadd.f32 v29, v28;
	_ =	sdelay $0x1  }
0x36b: {  	v28 =	vadd.f32 v28, v63;
	_ =	sdelay $0x1  }
0x36c: {  	v28 =	vsub.f32 $0.0e+00, v28;
	_ =	sdelay $0x1  }
0x36d: {  	v28 =	vmul.f32 $1.442695020e+00, v28;
	_ =	sdelay $0x1  }
0x36e: {  	(erf) = vpow2.f32 v28;
	_ =	sdelay $0x8  }
0x36f: {  	v28 =	vpop (erf)  }
0x370: {  	v28 =	vadd.f32 $1.000000000e+00, v28;
	_ =	sdelay $0x1  }
0x371: {  	(erf) = vrcp.f32 v28;
	_ =	sdelay $0x8  }
0x372: {  	v28 =	vpop (erf)  }
0x373: {  	s15 =	simm.s32 $0x0;
	[tilespmem:$0xC160] =	vst v28  }
.LBB2_7:
0x374: {  	s10 =	sshll.u32 s15, $0x4  }
0x375: {  	v28 =	vmov s10  }
0x376: {  	s0 =	sshll.u32 s15, $0xA;
	v28 =	vshrl.u32 v28, $0x3  }
0x377: {  	v29 =	vld [tilespmem:s0+$0x5CD0];
	v28 =	vshll.u32 v28, v27  }
0x378: {  	v30 =	vld [tilespmem:s0+$0x84D0];
	v28 =	vbroadcast v28, $0x0  }
0x379: {  	v31 =	vld [tilespmem:s0+$0x5CE0]  }
0x37a: {  	v32 =	vld [tilespmem:s0+$0x84E0]  }
0x37b: {  	v33 =	vld [tilespmem:s0+$0x5CF0]  }
0x37c: {  	v34 =	vld [tilespmem:s0+$0x84F0]  }
0x37d: {  	v35 =	vld [tilespmem:s0+$0x5D00]  }
0x37e: {  	s24 =	sor.u32 $0x1, s10;
	v28 =	vld.idx.msk [tilespmem:v28+s20+$0x0], $0xffff  }
0x37f: {  	v36 =	vld [tilespmem:s0+$0x8500];
	v37 =	vmov s24  }
0x380: {  	v37 =	vshrl.u32 v37, $0x3  }
0x381: {  	v58 =	vshll.u32 v37, v27;
	v29 =	vadd.f32 v30, v29  }
0x382: {  	v31 =	vadd.f32 v32, v31;
	v30 =	vor.u32 $0x1, v58  }
0x383: {  	v59 =	vadd.f32 v34, v33;
	v30 =	vbroadcast v30, $0x0;
	v29 =	vmul.f32 v29, v28  }
0x384: {  	v60 =	vadd.f32 v36, v35;
	v31 =	vmul.f32 v31, v28  }
0x385: {  	[tilespmem:s0+$0xACD0] =	vst v29;
	v29 =	vmul.f32 v59, v28  }
0x386: {  	[tilespmem:s0+$0xACE0] =	vst v31;
	v28 =	vmul.f32 v60, v28  }
0x387: {  	[tilespmem:s0+$0xACF0] =	vst v29  }
0x388: {  	[tilespmem:s0+$0xAD00] =	vst v28  }
0x389: {  	s24 =	sshll.u32 s24, $0x6;
	v28 =	vld.idx.msk [tilespmem:v30+s20+$0x0], $0xffff  }
0x38a: {  	v29 =	vld [tilespmem:s24+$0x5CD0]  }
0x38b: {  	v61 =	vld [tilespmem:s24+$0x84D0]  }
0x38c: {  	v31 =	vld [tilespmem:s24+$0x5CE0]  }
0x38d: {  	v62 =	vld [tilespmem:s24+$0x84E0]  }
0x38e: {  	v63 =	vld [tilespmem:s24+$0x5CF0]  }
0x38f: {  	v40 =	vld [tilespmem:s24+$0x84F0]  }
0x390: {  	s30 =	sor.u32 $0x2, s10;
	v41 =	vld [tilespmem:s24+$0x5D00]  }
0x391: {  	v43 =	vmov s30;
	v42 =	vld [tilespmem:s24+$0x8500]  }
0x392: {  	v37 =	vshrl.u32 v43, $0x3  }
0x393: {  	v44 =	vshll.u32 v37, v27;
	v29 =	vadd.f32 v61, v29  }
0x394: {  	v30 =	vadd.s32 $0x2, v44;
	v31 =	vadd.f32 v62, v31  }
0x395: {  	v30 =	vbroadcast v30, $0x0;
	v45 =	vadd.f32 v40, v63;
	v29 =	vmul.f32 v29, v28  }
0x396: {  	v46 =	vadd.f32 v42, v41;
	v31 =	vmul.f32 v31, v28  }
0x397: {  	[tilespmem:s24+$0xACD0] =	vst v29;
	v29 =	vmul.f32 v45, v28  }
0x398: {  	[tilespmem:s24+$0xACE0] =	vst v31;
	v28 =	vmul.f32 v46, v28  }
0x399: {  	[tilespmem:s24+$0xACF0] =	vst v29  }
0x39a: {  	[tilespmem:s24+$0xAD00] =	vst v28  }
0x39b: {  	s24 =	sshll.u32 s30, $0x6;
	v28 =	vld.idx.msk [tilespmem:v30+s20+$0x0], $0xffff  }
0x39c: {  	v29 =	vld [tilespmem:s24+$0x5CD0]  }
0x39d: {  	v47 =	vld [tilespmem:s24+$0x84D0]  }
0x39e: {  	v31 =	vld [tilespmem:s24+$0x5CE0]  }
0x39f: {  	v48 =	vld [tilespmem:s24+$0x84E0]  }
0x3a0: {  	v49 =	vld [tilespmem:s24+$0x5CF0]  }
0x3a1: {  	v50 =	vld [tilespmem:s24+$0x84F0]  }
0x3a2: {  	s30 =	sor.u32 $0x3, s10;
	v51 =	vld [tilespmem:s24+$0x5D00]  }
0x3a3: {  	v52 =	vld [tilespmem:s24+$0x8500];
	v53 =	vmov s30  }
0x3a4: {  	v37 =	vshrl.u32 v53, $0x3  }
0x3a5: {  	v54 =	vshll.u32 v37, v27;
	v29 =	vadd.f32 v47, v29  }
0x3a6: {  	v30 =	vadd.s32 $0x3, v54;
	v31 =	vadd.f32 v48, v31  }
0x3a7: {  	v30 =	vbroadcast v30, $0x0;
	v55 =	vadd.f32 v50, v49;
	v29 =	vmul.f32 v29, v28  }
0x3a8: {  	v56 =	vadd.f32 v52, v51;
	v31 =	vmul.f32 v31, v28  }
0x3a9: {  	[tilespmem:s24+$0xACD0] =	vst v29;
	v29 =	vmul.f32 v55, v28  }
0x3aa: {  	[tilespmem:s24+$0xACE0] =	vst v31;
	v28 =	vmul.f32 v56, v28  }
0x3ab: {  	[tilespmem:s24+$0xACF0] =	vst v29  }
0x3ac: {  	[tilespmem:s24+$0xAD00] =	vst v28  }
0x3ad: {  	s24 =	sshll.u32 s30, $0x6;
	v28 =	vld.idx.msk [tilespmem:v30+s20+$0x0], $0xffff  }
0x3ae: {  	v29 =	vld [tilespmem:s24+$0x5CD0]  }
0x3af: {  	v57 =	vld [tilespmem:s24+$0x84D0]  }
0x3b0: {  	v31 =	vld [tilespmem:s24+$0x5CE0]  }
0x3b1: {  	v58 =	vld [tilespmem:s24+$0x84E0]  }
0x3b2: {  	v59 =	vld [tilespmem:s24+$0x5CF0]  }
0x3b3: {  	v60 =	vld [tilespmem:s24+$0x84F0]  }
0x3b4: {  	s30 =	sor.u32 $0x4, s10;
	v61 =	vld [tilespmem:s24+$0x5D00]  }
0x3b5: {  	v62 =	vld [tilespmem:s24+$0x8500];
	v63 =	vmov s30  }
0x3b6: {  	v37 =	vshrl.u32 v63, $0x3  }
0x3b7: {  	v38 =	vshll.u32 v37, v27;
	v29 =	vadd.f32 v57, v29  }
0x3b8: {  	v30 =	vadd.s32 $0x4, v38;
	v31 =	vadd.f32 v58, v31  }
0x3b9: {  	v30 =	vbroadcast v30, $0x0;
	v39 =	vadd.f32 v60, v59;
	v29 =	vmul.f32 v29, v28  }
0x3ba: {  	v40 =	vadd.f32 v62, v61;
	v31 =	vmul.f32 v31, v28  }
0x3bb: {  	[tilespmem:s24+$0xACD0] =	vst v29;
	v29 =	vmul.f32 v39, v28  }
0x3bc: {  	[tilespmem:s24+$0xACE0] =	vst v31;
	v28 =	vmul.f32 v40, v28  }
0x3bd: {  	[tilespmem:s24+$0xACF0] =	vst v29  }
0x3be: {  	[tilespmem:s24+$0xAD00] =	vst v28  }
0x3bf: {  	s24 =	sshll.u32 s30, $0x6;
	v28 =	vld.idx.msk [tilespmem:v30+s20+$0x0], $0xffff  }
0x3c0: {  	v29 =	vld [tilespmem:s24+$0x5CD0]  }
0x3c1: {  	v41 =	vld [tilespmem:s24+$0x84D0]  }
0x3c2: {  	v31 =	vld [tilespmem:s24+$0x5CE0]  }
0x3c3: {  	v42 =	vld [tilespmem:s24+$0x84E0]  }
0x3c4: {  	v43 =	vld [tilespmem:s24+$0x5CF0]  }
0x3c5: {  	v44 =	vld [tilespmem:s24+$0x84F0]  }
0x3c6: {  	s30 =	sor.u32 $0x5, s10;
	v45 =	vld [tilespmem:s24+$0x5D00]  }
0x3c7: {  	v46 =	vld [tilespmem:s24+$0x8500];
	v47 =	vmov s30  }
0x3c8: {  	v37 =	vshrl.u32 v47, $0x3  }
0x3c9: {  	v48 =	vshll.u32 v37, v27;
	v29 =	vadd.f32 v41, v29  }
0x3ca: {  	v30 =	vadd.s32 $0x5, v48;
	v31 =	vadd.f32 v42, v31  }
0x3cb: {  	v30 =	vbroadcast v30, $0x0;
	v49 =	vadd.f32 v44, v43;
	v29 =	vmul.f32 v29, v28  }
0x3cc: {  	v50 =	vadd.f32 v46, v45;
	v31 =	vmul.f32 v31, v28  }
0x3cd: {  	[tilespmem:s24+$0xACD0] =	vst v29;
	v29 =	vmul.f32 v49, v28  }
0x3ce: {  	[tilespmem:s24+$0xACE0] =	vst v31;
	v28 =	vmul.f32 v50, v28  }
0x3cf: {  	[tilespmem:s24+$0xACF0] =	vst v29  }
0x3d0: {  	[tilespmem:s24+$0xAD00] =	vst v28  }
0x3d1: {  	s24 =	sshll.u32 s30, $0x6;
	v28 =	vld.idx.msk [tilespmem:v30+s20+$0x0], $0xffff  }
0x3d2: {  	v29 =	vld [tilespmem:s24+$0x5CD0]  }
0x3d3: {  	v51 =	vld [tilespmem:s24+$0x84D0]  }
0x3d4: {  	v31 =	vld [tilespmem:s24+$0x5CE0]  }
0x3d5: {  	v52 =	vld [tilespmem:s24+$0x84E0]  }
0x3d6: {  	v53 =	vld [tilespmem:s24+$0x5CF0]  }
0x3d7: {  	v54 =	vld [tilespmem:s24+$0x84F0]  }
0x3d8: {  	s30 =	sor.u32 $0x6, s10;
	v55 =	vld [tilespmem:s24+$0x5D00]  }
0x3d9: {  	v56 =	vld [tilespmem:s24+$0x8500];
	v57 =	vmov s30  }
0x3da: {  	v37 =	vshrl.u32 v57, $0x3  }
0x3db: {  	v58 =	vshll.u32 v37, v27;
	v29 =	vadd.f32 v51, v29  }
0x3dc: {  	v30 =	vadd.s32 $0x6, v58;
	v31 =	vadd.f32 v52, v31  }
0x3dd: {  	v30 =	vbroadcast v30, $0x0;
	v59 =	vadd.f32 v54, v53;
	v29 =	vmul.f32 v29, v28  }
0x3de: {  	v60 =	vadd.f32 v56, v55;
	v31 =	vmul.f32 v31, v28  }
0x3df: {  	[tilespmem:s24+$0xACD0] =	vst v29;
	v29 =	vmul.f32 v59, v28  }
0x3e0: {  	[tilespmem:s24+$0xACE0] =	vst v31;
	v28 =	vmul.f32 v60, v28  }
0x3e1: {  	[tilespmem:s24+$0xACF0] =	vst v29  }
0x3e2: {  	[tilespmem:s24+$0xAD00] =	vst v28  }
0x3e3: {  	s24 =	sshll.u32 s30, $0x6;
	v28 =	vld.idx.msk [tilespmem:v30+s20+$0x0], $0xffff  }
0x3e4: {  	v29 =	vld [tilespmem:s24+$0x5CD0]  }
0x3e5: {  	v61 =	vld [tilespmem:s24+$0x84D0]  }
0x3e6: {  	v31 =	vld [tilespmem:s24+$0x5CE0]  }
0x3e7: {  	v62 =	vld [tilespmem:s24+$0x84E0]  }
0x3e8: {  	v63 =	vld [tilespmem:s24+$0x5CF0]  }
0x3e9: {  	v40 =	vld [tilespmem:s24+$0x84F0]  }
0x3ea: {  	s30 =	sor.u32 $0x7, s10;
	v41 =	vld [tilespmem:s24+$0x5D00]  }
0x3eb: {  	v42 =	vld [tilespmem:s24+$0x8500];
	v43 =	vmov s30  }
0x3ec: {  	v37 =	vshrl.u32 v43, $0x3  }
0x3ed: {  	v44 =	vshll.u32 v37, v27;
	v29 =	vadd.f32 v61, v29  }
0x3ee: {  	v30 =	vadd.s32 $0x7, v44;
	v31 =	vadd.f32 v62, v31  }
0x3ef: {  	v30 =	vbroadcast v30, $0x0;
	v45 =	vadd.f32 v40, v63;
	v29 =	vmul.f32 v29, v28  }
0x3f0: {  	v46 =	vadd.f32 v42, v41;
	v31 =	vmul.f32 v31, v28  }
0x3f1: {  	[tilespmem:s24+$0xACD0] =	vst v29;
	v29 =	vmul.f32 v45, v28  }
0x3f2: {  	[tilespmem:s24+$0xACE0] =	vst v31;
	v28 =	vmul.f32 v46, v28  }
0x3f3: {  	[tilespmem:s24+$0xACF0] =	vst v29  }
0x3f4: {  	[tilespmem:s24+$0xAD00] =	vst v28  }
0x3f5: {  	s24 =	sshll.u32 s30, $0x6;
	v28 =	vld.idx.msk [tilespmem:v30+s20+$0x0], $0xffff  }
0x3f6: {  	v29 =	vld [tilespmem:s24+$0x5CD0]  }
0x3f7: {  	v47 =	vld [tilespmem:s24+$0x84D0]  }
0x3f8: {  	v31 =	vld [tilespmem:s24+$0x5CE0]  }
0x3f9: {  	v48 =	vld [tilespmem:s24+$0x84E0]  }
0x3fa: {  	v49 =	vld [tilespmem:s24+$0x5CF0]  }
0x3fb: {  	v50 =	vld [tilespmem:s24+$0x84F0]  }
0x3fc: {  	v51 =	vld [tilespmem:s24+$0x5D00]  }
0x3fd: {  	s30 =	sor.u32 $0x8, s10;
	v52 =	vld [tilespmem:s24+$0x8500]  }
0x3fe: {  	v53 =	vmov s30  }
0x3ff: {  	v54 =	vshrl.u32 v53, $0x3;
	v29 =	vadd.f32 v47, v29  }
0x400: {  	v30 =	vshll.u32 v54, v27;
	v31 =	vadd.f32 v48, v31  }
0x401: {  	v30 =	vbroadcast v30, $0x0;
	v55 =	vadd.f32 v50, v49;
	v29 =	vmul.f32 v29, v28  }
0x402: {  	v56 =	vadd.f32 v52, v51;
	v31 =	vmul.f32 v31, v28  }
0x403: {  	[tilespmem:s24+$0xACD0] =	vst v29;
	v29 =	vmul.f32 v55, v28  }
0x404: {  	[tilespmem:s24+$0xACE0] =	vst v31;
	v28 =	vmul.f32 v56, v28  }
0x405: {  	[tilespmem:s24+$0xACF0] =	vst v29  }
0x406: {  	[tilespmem:s24+$0xAD00] =	vst v28  }
0x407: {  	s24 =	sshll.u32 s30, $0x6;
	v28 =	vld.idx.msk [tilespmem:v30+s20+$0x0], $0xffff  }
0x408: {  	v29 =	vld [tilespmem:s24+$0x5CD0]  }
0x409: {  	v57 =	vld [tilespmem:s24+$0x84D0]  }
0x40a: {  	v31 =	vld [tilespmem:s24+$0x5CE0]  }
0x40b: {  	v58 =	vld [tilespmem:s24+$0x84E0]  }
0x40c: {  	v59 =	vld [tilespmem:s24+$0x5CF0]  }
0x40d: {  	v60 =	vld [tilespmem:s24+$0x84F0]  }
0x40e: {  	s30 =	sor.u32 $0x9, s10;
	v61 =	vld [tilespmem:s24+$0x5D00]  }
0x40f: {  	v62 =	vld [tilespmem:s24+$0x8500];
	v63 =	vmov s30  }
0x410: {  	v37 =	vshrl.u32 v63, $0x3  }
0x411: {  	v40 =	vshll.u32 v37, v27;
	v29 =	vadd.f32 v57, v29  }
0x412: {  	v30 =	vadd.s32 $0x1, v40;
	v31 =	vadd.f32 v58, v31  }
0x413: {  	v30 =	vbroadcast v30, $0x0;
	v41 =	vadd.f32 v60, v59;
	v29 =	vmul.f32 v29, v28  }
0x414: {  	v42 =	vadd.f32 v62, v61;
	v31 =	vmul.f32 v31, v28  }
0x415: {  	[tilespmem:s24+$0xACD0] =	vst v29;
	v29 =	vmul.f32 v41, v28  }
0x416: {  	[tilespmem:s24+$0xACE0] =	vst v31;
	v28 =	vmul.f32 v42, v28  }
0x417: {  	[tilespmem:s24+$0xACF0] =	vst v29  }
0x418: {  	[tilespmem:s24+$0xAD00] =	vst v28  }
0x419: {  	s24 =	sshll.u32 s30, $0x6;
	v28 =	vld.idx.msk [tilespmem:v30+s20+$0x0], $0xffff  }
0x41a: {  	v29 =	vld [tilespmem:s24+$0x5CD0]  }
0x41b: {  	v43 =	vld [tilespmem:s24+$0x84D0]  }
0x41c: {  	v31 =	vld [tilespmem:s24+$0x5CE0]  }
0x41d: {  	v44 =	vld [tilespmem:s24+$0x84E0]  }
0x41e: {  	v45 =	vld [tilespmem:s24+$0x5CF0]  }
0x41f: {  	v46 =	vld [tilespmem:s24+$0x84F0]  }
0x420: {  	s30 =	sor.u32 $0xA, s10;
	v47 =	vld [tilespmem:s24+$0x5D00]  }
0x421: {  	v48 =	vld [tilespmem:s24+$0x8500];
	v49 =	vmov s30  }
0x422: {  	v37 =	vshrl.u32 v49, $0x3  }
0x423: {  	v50 =	vshll.u32 v37, v27;
	v29 =	vadd.f32 v43, v29  }
0x424: {  	v30 =	vadd.s32 $0x2, v50;
	v31 =	vadd.f32 v44, v31  }
0x425: {  	v30 =	vbroadcast v30, $0x0;
	v51 =	vadd.f32 v46, v45;
	v29 =	vmul.f32 v29, v28  }
0x426: {  	v52 =	vadd.f32 v48, v47;
	v31 =	vmul.f32 v31, v28  }
0x427: {  	[tilespmem:s24+$0xACD0] =	vst v29;
	v29 =	vmul.f32 v51, v28  }
0x428: {  	[tilespmem:s24+$0xACE0] =	vst v31;
	v28 =	vmul.f32 v52, v28  }
0x429: {  	[tilespmem:s24+$0xACF0] =	vst v29  }
0x42a: {  	[tilespmem:s24+$0xAD00] =	vst v28  }
0x42b: {  	s24 =	sshll.u32 s30, $0x6;
	v28 =	vld.idx.msk [tilespmem:v30+s20+$0x0], $0xffff  }
0x42c: {  	v29 =	vld [tilespmem:s24+$0x5CD0]  }
0x42d: {  	v53 =	vld [tilespmem:s24+$0x84D0]  }
0x42e: {  	v31 =	vld [tilespmem:s24+$0x5CE0]  }
0x42f: {  	v54 =	vld [tilespmem:s24+$0x84E0]  }
0x430: {  	v55 =	vld [tilespmem:s24+$0x5CF0]  }
0x431: {  	v56 =	vld [tilespmem:s24+$0x84F0]  }
0x432: {  	s30 =	sor.u32 $0xB, s10;
	v57 =	vld [tilespmem:s24+$0x5D00]  }
0x433: {  	v58 =	vld [tilespmem:s24+$0x8500];
	v59 =	vmov s30  }
0x434: {  	v37 =	vshrl.u32 v59, $0x3  }
0x435: {  	v60 =	vshll.u32 v37, v27;
	v29 =	vadd.f32 v53, v29  }
0x436: {  	v30 =	vadd.s32 $0x3, v60;
	v31 =	vadd.f32 v54, v31  }
0x437: {  	v30 =	vbroadcast v30, $0x0;
	v61 =	vadd.f32 v56, v55;
	v29 =	vmul.f32 v29, v28  }
0x438: {  	v62 =	vadd.f32 v58, v57;
	v31 =	vmul.f32 v31, v28  }
0x439: {  	[tilespmem:s24+$0xACD0] =	vst v29;
	v29 =	vmul.f32 v61, v28  }
0x43a: {  	[tilespmem:s24+$0xACE0] =	vst v31;
	v28 =	vmul.f32 v62, v28  }
0x43b: {  	[tilespmem:s24+$0xACF0] =	vst v29  }
0x43c: {  	[tilespmem:s24+$0xAD00] =	vst v28  }
0x43d: {  	s24 =	sshll.u32 s30, $0x6;
	v28 =	vld.idx.msk [tilespmem:v30+s20+$0x0], $0xffff  }
0x43e: {  	v29 =	vld [tilespmem:s24+$0x5CD0]  }
0x43f: {  	v63 =	vld [tilespmem:s24+$0x84D0]  }
0x440: {  	v31 =	vld [tilespmem:s24+$0x5CE0]  }
0x441: {  	v40 =	vld [tilespmem:s24+$0x84E0]  }
0x442: {  	v41 =	vld [tilespmem:s24+$0x5CF0]  }
0x443: {  	v42 =	vld [tilespmem:s24+$0x84F0]  }
0x444: {  	s30 =	sor.u32 $0xC, s10;
	v43 =	vld [tilespmem:s24+$0x5D00]  }
0x445: {  	v44 =	vld [tilespmem:s24+$0x8500];
	v45 =	vmov s30  }
0x446: {  	v37 =	vshrl.u32 v45, $0x3  }
0x447: {  	v46 =	vshll.u32 v37, v27;
	v29 =	vadd.f32 v63, v29  }
0x448: {  	v30 =	vadd.s32 $0x4, v46;
	v31 =	vadd.f32 v40, v31  }
0x449: {  	v30 =	vbroadcast v30, $0x0;
	v47 =	vadd.f32 v42, v41;
	v29 =	vmul.f32 v29, v28  }
0x44a: {  	v48 =	vadd.f32 v44, v43;
	v31 =	vmul.f32 v31, v28  }
0x44b: {  	[tilespmem:s24+$0xACD0] =	vst v29;
	v29 =	vmul.f32 v47, v28  }
0x44c: {  	[tilespmem:s24+$0xACE0] =	vst v31;
	v28 =	vmul.f32 v48, v28  }
0x44d: {  	[tilespmem:s24+$0xACF0] =	vst v29  }
0x44e: {  	[tilespmem:s24+$0xAD00] =	vst v28  }
0x44f: {  	s24 =	sshll.u32 s30, $0x6;
	v28 =	vld.idx.msk [tilespmem:v30+s20+$0x0], $0xffff  }
0x450: {  	v29 =	vld [tilespmem:s24+$0x5CD0]  }
0x451: {  	v49 =	vld [tilespmem:s24+$0x84D0]  }
0x452: {  	v31 =	vld [tilespmem:s24+$0x5CE0]  }
0x453: {  	v50 =	vld [tilespmem:s24+$0x84E0]  }
0x454: {  	v51 =	vld [tilespmem:s24+$0x5CF0]  }
0x455: {  	v52 =	vld [tilespmem:s24+$0x84F0]  }
0x456: {  	s30 =	sor.u32 $0xD, s10;
	v53 =	vld [tilespmem:s24+$0x5D00]  }
0x457: {  	v54 =	vld [tilespmem:s24+$0x8500];
	v55 =	vmov s30  }
0x458: {  	v37 =	vshrl.u32 v55, $0x3  }
0x459: {  	v56 =	vshll.u32 v37, v27;
	v29 =	vadd.f32 v49, v29  }
0x45a: {  	v30 =	vadd.s32 $0x5, v56;
	v31 =	vadd.f32 v50, v31  }
0x45b: {  	v30 =	vbroadcast v30, $0x0;
	v57 =	vadd.f32 v52, v51;
	v29 =	vmul.f32 v29, v28  }
0x45c: {  	v58 =	vadd.f32 v54, v53;
	v31 =	vmul.f32 v31, v28  }
0x45d: {  	[tilespmem:s24+$0xACD0] =	vst v29;
	v29 =	vmul.f32 v57, v28  }
0x45e: {  	[tilespmem:s24+$0xACE0] =	vst v31;
	v28 =	vmul.f32 v58, v28  }
0x45f: {  	[tilespmem:s24+$0xACF0] =	vst v29  }
0x460: {  	[tilespmem:s24+$0xAD00] =	vst v28  }
0x461: {  	s30 =	sshll.u32 s30, $0x6;
	v28 =	vld.idx.msk [tilespmem:v30+s20+$0x0], $0xffff  }
0x462: {  	v29 =	vld [tilespmem:s30+$0x5CD0]  }
0x463: {  	v59 =	vld [tilespmem:s30+$0x84D0]  }
0x464: {  	v31 =	vld [tilespmem:s30+$0x5CE0]  }
0x465: {  	v60 =	vld [tilespmem:s30+$0x84E0]  }
0x466: {  	v61 =	vld [tilespmem:s30+$0x5CF0]  }
0x467: {  	v62 =	vld [tilespmem:s30+$0x84F0]  }
0x468: {  	s10 =	sor.u32 $0xE, s10;
	v63 =	vld [tilespmem:s30+$0x5D00]  }
0x469: {  	v41 =	vmov s10;
	v40 =	vld [tilespmem:s30+$0x8500]  }
0x46a: {  	v37 =	vshrl.u32 v41, $0x3  }
0x46b: {  	v42 =	vshll.u32 v37, v27;
	v29 =	vadd.f32 v59, v29  }
0x46c: {  	v30 =	vadd.s32 $0x6, v42;
	v31 =	vadd.f32 v60, v31  }
0x46d: {  	v30 =	vbroadcast v30, $0x0;
	v43 =	vadd.f32 v62, v61;
	v29 =	vmul.f32 v29, v28  }
0x46e: {  	v44 =	vadd.f32 v40, v63;
	v31 =	vmul.f32 v31, v28  }
0x46f: {  	[tilespmem:s30+$0xACD0] =	vst v29;
	v29 =	vmul.f32 v43, v28  }
0x470: {  	[tilespmem:s30+$0xACE0] =	vst v31;
	v28 =	vmul.f32 v44, v28  }
0x471: {  	[tilespmem:s30+$0xACF0] =	vst v29  }
0x472: {  	[tilespmem:s30+$0xAD00] =	vst v28  }
0x473: {  	s10 =	sshll.u32 s10, $0x6;
	v28 =	vld.idx.msk [tilespmem:v30+s20+$0x0], $0xffff  }
0x474: {  	v29 =	vld [tilespmem:s10+$0x5CD0]  }
0x475: {  	v45 =	vld [tilespmem:s10+$0x84D0]  }
0x476: {  	v31 =	vld [tilespmem:s10+$0x5CE0]  }
0x477: {  	v46 =	vld [tilespmem:s10+$0x84E0]  }
0x478: {  	v47 =	vld [tilespmem:s10+$0x5CF0]  }
0x479: {  	v48 =	vld [tilespmem:s10+$0x84F0]  }
0x47a: {  	s24 =	sshllo.u32 s15, $0x4;
	v49 =	vld [tilespmem:s10+$0x5D00]  }
0x47b: {  	v51 =	vmov s24;
	v50 =	vld [tilespmem:s10+$0x8500]  }
0x47c: {  	v37 =	vshrl.u32 v51, $0x3  }
0x47d: {  	v52 =	vshll.u32 v37, v27;
	v29 =	vadd.f32 v45, v29  }
0x47e: {  	v30 =	vadd.s32 $0x7, v52;
	v31 =	vadd.f32 v46, v31  }
0x47f: {  	v30 =	vbroadcast v30, $0x0;
	v53 =	vadd.f32 v48, v47;
	v29 =	vmul.f32 v29, v28  }
0x480: {  	v54 =	vadd.f32 v50, v49;
	v31 =	vmul.f32 v31, v28  }
0x481: {  	[tilespmem:s10+$0xACD0] =	vst v29;
	v29 =	vmul.f32 v53, v28  }
0x482: {  	[tilespmem:s10+$0xACE0] =	vst v31;
	v28 =	vmul.f32 v54, v28  }
0x483: {  	[tilespmem:s10+$0xACF0] =	vst v29  }
0x484: {  	[tilespmem:s10+$0xAD00] =	vst v28  }
0x485: {  	s30 =	sshll.u32 s24, $0x6;
	v28 =	vld.idx.msk [tilespmem:v30+s20+$0x0], $0xffff  }
0x486: {  	v29 =	vld [tilespmem:s30+$0x5CD0]  }
0x487: {  	v55 =	vld [tilespmem:s30+$0x84D0]  }
0x488: {  	v31 =	vld [tilespmem:s30+$0x5CE0]  }
0x489: {  	v56 =	vld [tilespmem:s30+$0x84E0]  }
0x48a: {  	v57 =	vld [tilespmem:s30+$0x5CF0]  }
0x48b: {  	v58 =	vld [tilespmem:s30+$0x84F0]  }
0x48c: {  	v59 =	vld [tilespmem:s30+$0x5D00]  }
0x48d: {  	v60 =	vld [tilespmem:s30+$0x8500];
	_ =	sdelay $0x1  }
0x48e: {  	v29 =	vadd.f32 v55, v29  }
0x48f: {  	v61 =	vadd.f32 v56, v31  }
0x490: {  	p1 =	sne.s32 s15, $0x4;
	v62 =	vadd.f32 v58, v57;
	v29 =	vmul.f32 v29, v28  }
.Ltmp2:
0x491: {  	v63 =	vadd.f32 v60, v59;
	v30 =	vmul.f32 v61, v28;
	(pc) =	sbr.rel @p1 .LBB2_7-.Ltmp2, $4  }
0x492: {  	[tilespmem:s30+$0xACD0] =	vst v29;
	v29 =	vmul.f32 v62, v28  }
0x493: {  	[tilespmem:s30+$0xACE0] =	vst v30;
	v28 =	vmul.f32 v63, v28  }
0x494: {  	[tilespmem:s30+$0xACF0] =	vst v29  }
0x495: {  	s15 =	sadd.s32 $0x1, s15;
	[tilespmem:s30+$0xAD00] =	vst v28  }
0x496: {  	s17 =	sadd.s32 $0x1, s17  }
0x497: {  	p1 =	sne.s32 s17, $0x7D  }
.Ltmp3:
0x498: {  	_ = 	snop;
	(pc) =	sbr.rel @p1 .LBB2_2-.Ltmp3, $3  }
0x499: {  	_ =	sdelay $0x1  }
0x49a: {  	s0 =	simm.s32 $0x2A80;
	s10 =	simm.s32 $0xACD0  }
0x49b: {  	[spmem:s3] =	stream.indirect.scatter.add.f32 [tilespmem:s10], [sflag:$0x6], $0x40, s0, s2, $0xb8;
	[tilespmem:$0x19210] =	vst v63  }
0x49c: {  	s0 =	simm.s32 $0x5  }
0x49d: {  	_ =	swait.ge [sflag:s0], $0x1400  }
0x49e: {  	[sflag:s0] =	ssyncset.done $0x0  }
0x49f: {  	s1 =	simm.s32 $0x6;
	[sflag:s0] =	ssyncadd.s32 $0xFFFFEC00  }
0x4a0: {  	_ =	swait.ge [sflag:s1], $0x1400  }
0x4a1: {  	[sflag:s1] =	ssyncset.done $0x0  }
0x4a2: {  	s10 =	stileid.u32;
	[sflag:s1] =	ssyncadd.s32 $0xFFFFEC00  }
0x4a3: {  	s0 =	sshll.u32 s10, $0x6;
	[bflag:$0x0] =	sbarrier.arrive $0xFFFF  }
0x4a4: {  	s0 =	sor.u32 $0x1C07, s0;
	s24 =	rddreg [dreg:$0x7]  }
0x4a5: {  	s1 =	simm.s32 $0x7;
	s15 =	rddreg [dreg:$0xa];
	s10 =	sshrl.u32 s24, $0x3  }
0x4a6: {  	[hbm:s15], [sflag:s0] =	dma.local [spmem:s10], $0x680  }
0x4a7: {  	_ =	swait.ge [sflag:s1], $0x680  }
0x4a8: {  	[sflag:s1] =	ssyncset.done $0x0;
	s15 =	rddreg [dreg:$0x8]  }
0x4a9: {  	s17 =	rddreg [dreg:$0xb];
	[sflag:s1] =	ssyncadd.s32 $0xFFFFF980;
	s11 =	sshrl.u32 s15, $0x3  }
0x4aa: {  	[hbm:s17], [sflag:s0] =	dma.local [spmem:s11], $0x680  }
0x4ab: {  	_ =	swait.ge [sflag:s1], $0x680  }
0x4ac: {  	[sflag:s1] =	ssyncset.done $0x0;
	s17 =	rddreg [dreg:$0x9]  }
0x4ad: {  	s30 =	rddreg [dreg:$0xc];
	[sflag:s1] =	ssyncadd.s32 $0xFFFFF980;
	s11 =	sshrl.u32 s17, $0x3  }
0x4ae: {  	[hbm:s30], [sflag:s0] =	dma.local [spmem:s11], $0x680  }
0x4af: {  	_ =	swait.ge [sflag:s1], $0x680  }
0x4b0: {  	[sflag:s1] =	ssyncset.done $0x0;
	s11 =	rddreg [dreg:$0x11]  }
0x4b1: {  	s30 =	rddreg [dreg:$0xf];
	[sflag:s1] =	ssyncadd.s32 $0xFFFFF980;
	s10 =	sshrl.u32 @!p0 s11, $0x3  }
0x4b2: {  	[hbm:s30], [sflag:s0] =	dma.local @!p0 [spmem:s10], $0x80  }
0x4b3: {  	s0 =	simm.s32 @!p0 $0x7  }
0x4b4: {  	_ =	swait.ge @!p0 [sflag:s0], $0x80  }
0x4b5: {  	s10 =	rddreg [dreg:$0x12]  }
0x4b6: {  	s30 =	smov.u32 s11;
	s11 =	rddreg [dreg:$0x10];
	s1 =	sadd.s32 $0x1, s10  }
0x4b7: {  	p1 =	sne.s32 s1, s11  }
.Ltmp4:
0x4b8: {  	_ = 	snop;
	(pc) =	sbr.rel @p1 .LBB2_1-.Ltmp4, $3  }
0x4b9: {  	_ =	sdelay $0x1  }
0x4ba: {  	[sflag:s0] =	ssyncset.done @!p0 $0x0  }
0x4bb: {  	[sflag:s0] =	ssyncadd.s32 @!p0 $0xFFFFFF80  }
0x4bc: {  	_ =	sfence.sel $0x180000  }
0x4bd: {  	[bflag:$0x0] =	sbarrier.arrive $0xFFFF  }
0x4be: {  	_ =	strace $0x90000047  }
0x4bf: {  	[bflag:$0x2] =	sbarrier.arrive $0xFFFF  }
0x4c0: {  	s0 =	rddreg [dreg:$0x4]  }
0x4c1: {  	s0 =	sadd.s32 @!p0 $0x100000, s0  }
0x4c2: {  	[sflag:s0] =	ssyncadd.tile.s32 @!p0 $0x1;
	_ =	shalt  }
.Lfunc_end2:
_tile_overlayer_lowered:
.L_overlay_start_2:
0x4c3: {  	(tag) =	ssettag $0x2  }
0x4c4: {  	s0 =	rddreg [dreg:$0x0];
	s2 =	stileid.u32  }
0x4c5: {  	s1 =	rddreg [dreg:$0x1];
	p0 =	sne.s32 s2, $0x0  }
0x4c6: {  	s3 =	rddreg [dreg:$0x2];
	[bflag:$0x3] =	sbarrier.arrive $0xFFFF;
	s2 =	simm.s32 @!p0 $0x1C07  }
0x4c7: {  	[timem:s3], [sflag:s2] =	dma.local @!p0 [hbm:s0], s1  }
0x4c8: {  	s0 =	simm.s32 @!p0 $0x7  }
0x4c9: {  	_ =	swait.ge @!p0 [sflag:s0], s1  }
0x4ca: {  	s1 =	ssub.s32 @!p0 $0x0, s1;
	[sflag:s0] =	ssyncset.done @!p0 $0x0  }
0x4cb: {  	[sflag:s0] =	ssyncadd.s32 @!p0 s1  }
0x4cc: {  	[bflag:$0x3] =	sbarrier.arrive $0xFFFF  }
0x4cd: {  	_ =	shalt  }

</sc_bundles>
